<compile_context>
chip_gen: v7x
topology: tpu7x:2x2x1
jax: 0.10.2.dev20260603
libtpu: 0.0.44.dev20260713+nightly
codegen_flags: <defaults>
</compile_context>

<pallas_src>
import functools

import jax
import jax.numpy as jnp
from jax import lax
from jax.experimental import pallas as pl
from jax.experimental.pallas import tpu as pltpu
from jax.experimental.pallas import tpu_sc as plsc

NC = 2
NS = 16
L = 16
CH = 80


def _rsqrt16(d):
    i = lax.bitcast_convert_type(d, jnp.int32)
    i = jnp.int32(0x5F3759DF) - (i >> 1)
    y = lax.bitcast_convert_type(i, jnp.float32)
    for _ in range(3):
        y = y * (jnp.float32(1.5) - jnp.float32(0.5) * d * y * y)
    return y


def _zero_vec(ref, n):
    def body(j, _):
        ref[pl.ds(j * L, L)] = jnp.zeros((L,), jnp.float32)
        return 0
    lax.fori_loop(0, n // L, body, 0)


def _zero_rows(ref, rows, cols):
    def rbody(r, _):
        def cbody(j, _):
            ref[r, pl.ds(j * L, L)] = jnp.zeros((L,), jnp.float32)
            return 0
        lax.fori_loop(0, cols // L, cbody, 0)
        return 0
    lax.fori_loop(0, rows, rbody, 0)


def _make_sc_prep(n, npad, e, d):
    per_node = npad // NS
    e_per_tile = e // NS
    ECH = 128
    nch = e_per_tile // ECH
    tail = e_per_tile - nch * ECH
    rch = 80
    assert per_node % rch == 0 and n % rch == 0 and tail % 8 == 0

    mesh = plsc.VectorSubcoreMesh(
        core_axis_name="c", subcore_axis_name="s", num_cores=NC,
        num_subcores=NS)

    @functools.partial(
        pl.kernel,
        out_type=[
            jax.ShapeDtypeStruct((n, d), jnp.float32),
            jax.ShapeDtypeStruct((npad,), jnp.float32),
        ],
        mesh=mesh,
        scratch_types=[
            pltpu.VMEM_SHARED((npad,), jnp.float32),
            [pltpu.VMEM((ECH,), jnp.int32)] * 4,
            pltpu.VMEM((tail,), jnp.int32),
            pltpu.VMEM((ECH,), jnp.float32),
            pltpu.VMEM((per_node,), jnp.float32),
            pltpu.VMEM((per_node,), jnp.float32),
            pltpu.VMEM((rch, d), jnp.float32),
            pltpu.VMEM((rch, d), jnp.float32),
            [pltpu.SemaphoreType.DMA] * 4,
            [pltpu.SemaphoreType.DMA] * 4,
            pltpu.SemaphoreType.DMA,
            pltpu.SemaphoreType.DMA,
            pltpu.SemaphoreType.DMA,
            pltpu.SemaphoreType.DMA,
        ],
        compiler_params=pltpu.CompilerParams(needs_layout_passes=False),
    )
    def sc_prep(x_hbm, src_hbm, dst_hbm, h_hbm, normdst_hbm,
                deg_sh, idxb, idxt, ones_v, deg_l, norm_l,
                rows_a, rows_b,
                lsem, osem, lsa, lsb, ssa, ssb):
        c = lax.axis_index("c")
        s = lax.axis_index("s")
        ebase = s * e_per_tile

        def e_slice(lo, sz, dstref, sem):
            @pl.when(c == 0)
            def _():
                pltpu.async_copy(src_hbm.at[pl.ds(lo, sz)], dstref, sem)

            @pl.when(c == 1)
            def _():
                pltpu.async_copy(dst_hbm.at[pl.ds(lo, sz)], dstref, sem)

        def i_start(k, p):
            e_slice(ebase + k * ECH, ECH, idxb[p], lsem[p])

        def i_wait(p):
            pltpu.make_async_copy(
                src_hbm.at[pl.ds(0, ECH)], idxb[p], lsem[p]).wait()

        def a_start(k, p):
            pltpu.async_copy(ones_v, deg_sh.at[idxb[p]], osem[p], add=True)

        def a_wait(p):
            pltpu.make_async_copy(ones_v, deg_sh.at[idxb[p]], osem[p]).wait()

        for j in range(3):
            i_start(j, j)

        def ones_body(j, _):
            ones_v[pl.ds(j * L, L)] = jnp.full((L,), 1.0, jnp.float32)
            return 0
        lax.fori_loop(0, ECH // L, ones_body, 0)
        _zero_vec(deg_l, per_node)
        pltpu.sync_copy(deg_l, deg_sh.at[pl.ds(s * per_node, per_node)])
        plsc.subcore_barrier()

        def dstep(k, p):
            p3 = (p + 3) % 4

            @pl.when(k + 3 < nch)
            def _():
                @pl.when(k >= 1)
                def _():
                    a_wait(p3)
                i_start(k + 3, p3)
            i_wait(p)
            a_start(k, p)

        def dpipe(kk, _):
            for b in range(4):
                dstep(kk * 4 + b, b)
            return 0
        lax.fori_loop(0, nch // 4, dpipe, 0)
        for t in range(nch - nch % 4, nch):
            dstep(t, t % 4)
        for t in range(nch - 4, nch):
            a_wait(t % 4)
        if tail:
            e_slice(ebase + nch * ECH, tail, idxt, lsem[0])
            pltpu.make_async_copy(
                src_hbm.at[pl.ds(0, tail)], idxt, lsem[0]).wait()
            pltpu.sync_copy(ones_v.at[pl.ds(0, tail)],
                            deg_sh.at[idxt], add=True)
        plsc.subcore_barrier()

        nbase = s * per_node
        pltpu.sync_copy(deg_sh.at[pl.ds(nbase, per_node)], deg_l)

        def norm_body(j, _):
            dv = jnp.maximum(deg_l[pl.ds(j * L, L)], jnp.float32(1.0))
            norm_l[pl.ds(j * L, L)] = _rsqrt16(dv)
            return 0
        lax.fori_loop(0, per_node // L, norm_body, 0)

        @pl.when(c == 1)
        def _():
            pltpu.sync_copy(norm_l, normdst_hbm.at[pl.ds(nbase, per_node)])

        @pl.when(c == 0)
        def _():
            nrows = jnp.minimum(per_node, jnp.maximum(n - nbase, 0))
            nrch = nrows // rch

            def load(q, buf, sem):
                pltpu.async_copy(
                    x_hbm.at[pl.ds(nbase + q * rch, rch)], buf, sem)

            def wait_load(buf, sem):
                pltpu.make_async_copy(x_hbm.at[pl.ds(0, rch)], buf, sem).wait()

            def store(q, buf, sem):
                pltpu.async_copy(
                    buf, h_hbm.at[pl.ds(nbase + q * rch, rch)], sem)

            def wait_store(buf, sem):
                pltpu.make_async_copy(buf, h_hbm.at[pl.ds(0, rch)], sem).wait()

            def scale(q, buf):
                def row_body(rr, _):
                    for u in range(2):
                        r = rr * 2 + u
                        sc = plsc.load_gather(
                            norm_l, [jnp.full((L,), q * rch + r, jnp.int32)])
                        for j in range(d // L):
                            buf[r, pl.ds(j * L, L)] = (
                                buf[r, pl.ds(j * L, L)] * sc)
                    return 0
                lax.fori_loop(0, rch // 2, row_body, 0)

            load(0, rows_a, lsa)

            def hpipe(qq, _):
                q = qq * 2
                @pl.when(q + 1 < nrch)
                def _():
                    @pl.when(q >= 1)
                    def _():
                        wait_store(rows_b, ssb)
                    load(q + 1, rows_b, lsb)
                wait_load(rows_a, lsa)
                scale(q, rows_a)
                store(q, rows_a, ssa)
                @pl.when(q + 1 < nrch)
                def _():
                    @pl.when(q + 2 < nrch)
                    def _():
                        wait_store(rows_a, ssa)
                        load(q + 2, rows_a, lsa)
                    wait_load(rows_b, lsb)
                    scale(q + 1, rows_b)
                    store(q + 1, rows_b, ssb)
                return 0
            lax.fori_loop(0, (nrch + 1) // 2, hpipe, 0)
            @pl.when(nrch >= 2)
            def _():
                wait_store(rows_b, ssb)
            wait_store(rows_a, ssa)

    return sc_prep


def _make_sc_agg(n, e, d):
    nw = NC * NS
    e_per_tile = e // nw
    nch = e_per_tile // CH
    rpt = (n // NS) // 8 * 8
    rpt_last = n - rpt * (NS - 1)
    assert e_per_tile % CH == 0 and nch >= 4

    mesh = plsc.VectorSubcoreMesh(
        core_axis_name="c", subcore_axis_name="s", num_cores=NC,
        num_subcores=NS)

    @functools.partial(
        pl.kernel,
        out_type=jax.ShapeDtypeStruct((NC, n, d), jnp.float32),
        mesh=mesh,
        scratch_types=[
            pltpu.VMEM_SHARED((n, d), jnp.float32),
            [pltpu.VMEM((CH,), jnp.int32)] * 8,
            [pltpu.VMEM((CH,), jnp.int32)] * 8,
            [pltpu.VMEM((CH, d), jnp.float32)] * 4,
            [pltpu.SemaphoreType.DMA] * 8,
            [pltpu.SemaphoreType.DMA] * 8,
            [pltpu.SemaphoreType.DMA] * 4,
            [pltpu.SemaphoreType.DMA] * 4,
        ],
        compiler_params=pltpu.CompilerParams(needs_layout_passes=False),
    )
    def sc_agg(h_hbm, src_hbm, dst_hbm, agg_hbm,
               agg_sh, sidx, didx, bufs, slsem, dlsem, gsem, ssem):
        c = lax.axis_index("c")
        s = lax.axis_index("s")
        wid = c * NS + s
        ebase = wid * e_per_tile

        def i_start(k, p):
            pltpu.async_copy(
                src_hbm.at[pl.ds(ebase + k * CH, CH)], sidx[p], slsem[p])
            pltpu.async_copy(
                dst_hbm.at[pl.ds(ebase + k * CH, CH)], didx[p], dlsem[p])

        def i_wait(p):
            pltpu.make_async_copy(
                src_hbm.at[pl.ds(0, CH)], sidx[p], slsem[p]).wait()
            pltpu.make_async_copy(
                src_hbm.at[pl.ds(0, CH)], didx[p], dlsem[p]).wait()

        def g_start(ip, p):
            pltpu.async_copy(h_hbm.at[sidx[ip]], bufs[p], gsem[p])

        def g_wait(ip, p):
            pltpu.make_async_copy(h_hbm.at[sidx[ip]], bufs[p], gsem[p]).wait()

        def s_start(ip, p):
            pltpu.async_copy(bufs[p], agg_sh.at[didx[ip]], ssem[p], add=True)

        def s_wait(ip, p):
            pltpu.make_async_copy(
                bufs[p], agg_sh.at[didx[ip]], ssem[p]).wait()

        for j in range(7):
            i_start(j, j)
        for j in range(3):
            i_wait(j)
            g_start(j, j)
        ba = bufs[3]
        _zero_rows(ba, CH, d)
        rbase = s * rpt

        @pl.when(s < NS - 1)
        def _():
            def zc(k, _):
                pltpu.sync_copy(ba, agg_sh.at[pl.ds(rbase + k * CH, CH)])
                return 0
            lax.fori_loop(0, rpt // CH, zc, 0)
            rem = rpt - (rpt // CH) * CH
            if rem:
                pltpu.sync_copy(
                    ba.at[pl.ds(0, rem)],
                    agg_sh.at[pl.ds(rbase + (rpt // CH) * CH, rem)])

        @pl.when(s == NS - 1)
        def _():
            def zc(k, _):
                pltpu.sync_copy(ba, agg_sh.at[pl.ds(rbase + k * CH, CH)])
                return 0
            lax.fori_loop(0, rpt_last // CH, zc, 0)
            rem = rpt_last - (rpt_last // CH) * CH
            if rem:
                pltpu.sync_copy(
                    ba.at[pl.ds(0, rem)],
                    agg_sh.at[pl.ds(rbase + (rpt_last // CH) * CH, rem)])

        plsc.subcore_barrier()

        def step1(k, b, when):
            p = b % 4
            p3 = (p + 3) % 4
            i3 = (b + 3) % 8
            i7 = (b + 7) % 8

            def prefetch():
                def free_ring():
                    s_wait(i7, p3)
                when(k >= 1, free_ring)

                def more_idx():
                    i_start(k + 7, i7)
                when(k + 7 < nch, more_idx)
                i_wait(i3)
                g_start(i3, p3)
            when(k + 3 < nch, prefetch)
            g_wait(b, p)
            s_start(b, p)

        def twhen(cond, fn):
            pl.when(cond)(fn)

        def pipe1(kk, _):
            for b in range(8):
                step1(kk * 8 + b, b, twhen)
            return 0
        lax.fori_loop(0, nch // 8, pipe1, 0)

        def swhen(cond, fn):
            if cond:
                fn()
        base = nch - nch % 8
        for t in range(base, nch):
            step1(t, t % 8, swhen)
        for t in range(nch - 4, nch):
            s_wait(t % 8, t % 4)
        plsc.subcore_barrier()

        @pl.when(s < NS - 1)
        def _():
            pltpu.sync_copy(agg_sh.at[pl.ds(rbase, rpt)],
                            agg_hbm.at[c, pl.ds(rbase, rpt)])

        @pl.when(s == NS - 1)
        def _():
            pltpu.sync_copy(agg_sh.at[pl.ds(rbase, rpt_last)],
                            agg_hbm.at[c, pl.ds(rbase, rpt_last)])

    return sc_agg


def _tc_final_body(agg_ref, nd_ref, w_ref, b_ref, o_ref):
    a = (agg_ref[0] + agg_ref[1]) * nd_ref[...]
    w = jnp.maximum(w_ref[...], 0.0)
    r = jnp.dot(a, w, preferred_element_type=jnp.float32) + b_ref[...]
    o_ref[...] = jnp.where(r >= 0, r, jnp.float32(0.01) * r)


def _make_tc_final(n, d, blk):
    grid = n // blk
    return pl.pallas_call(
        _tc_final_body,
        grid=(grid,),
        in_specs=[
            pl.BlockSpec((NC, blk, d), lambda i: (0, i, 0)),
            pl.BlockSpec((blk, 1), lambda i: (i, 0)),
            pl.BlockSpec((d, d), lambda i: (0, 0)),
            pl.BlockSpec((1, d), lambda i: (0, 0)),
        ],
        out_specs=pl.BlockSpec((blk, d), lambda i: (i, 0)),
        out_shape=jax.ShapeDtypeStruct((n, d), jnp.float32),
    )


@jax.jit
def kernel(x, edge_index, W, b):
    n, d = x.shape
    e = edge_index.shape[1]
    npad = ((n + NC * NS * L - 1) // (NC * NS * L)) * NC * NS * L

    src = edge_index[0]
    dst = edge_index[1]

    h, norm_dst = _make_sc_prep(n, npad, e, d)(x, src, dst)
    aggp = _make_sc_agg(n, e, d)(h, src, dst)
    out = _make_tc_final(n, d, 1000)(
        aggp, norm_dst[:n, None], W, b[None, :])
    return out

# --- scband reference (transcript-rebuilt; emitter-appended) ---
"""Pipeline reference for scband-convex-graph-conv-3917010174758 (READ-ONLY COPY).

The authoritative reference and input builder live on the scoring server;
editing this copy changes nothing except your own understanding.
"""

import jax, jax.numpy as jnp
import numpy as np

N_NODES = 10000
N_EDGES = 320000
D_IN = 128
D_OUT = 128


def setup_inputs(seed: int = 0) -> dict:
    key = jax.random.key(seed)
    k1, k2, k3 = jax.random.split(key, 3)
    x = jax.random.normal(k1, (N_NODES, D_IN), dtype=jnp.float32)
    edge_index = jax.random.randint(k2, (2, N_EDGES), 0, N_NODES, dtype=jnp.int32)
    # Learned params of the single GraphConv sub-layer (in_feats=[128])
    W = jax.random.normal(k3, (D_IN, D_OUT), dtype=jnp.float32) * (1.0 / np.sqrt(D_IN))
    b = jnp.zeros((D_OUT,), dtype=jnp.float32)
    return {"x": x, "edge_index": edge_index, "W": W, "b": b}


def reference(x, edge_index, W, b):
    # ConvexGraphConv with a single input feat:
    #   res = GraphConv(graph, x)  (norm='both', weight reparam via ReLU, bias)
    #   out = LeakyReLU(res)  (convex activation)
    N = x.shape[0]
    src = edge_index[0]
    dst = edge_index[1]
    # DGL GraphConv norm='both': degrees clamped to min 1, deg^{-1/2} on both sides
    out_deg = jnp.zeros((N,), dtype=x.dtype).at[src].add(1.0)
    in_deg = jnp.zeros((N,), dtype=x.dtype).at[dst].add(1.0)
    norm_src = jnp.clip(out_deg, 1.0, None) ** -0.5
    norm_dst = jnp.clip(in_deg, 1.0, None) ** -0.5
    h = x * norm_src[:, None]
    msgs = h[src]  # gather source features per edge
    agg = jax.ops.segment_sum(msgs, dst, num_segments=N)  # scatter-add to dst
    agg = agg * norm_dst[:, None]
    # is_increasing=True, reparam_method='ReLU' -> effective weight = ReLU(W) (non-negative)
    w_eff = jax.nn.relu(W)
    res = agg @ w_eff + b
    return jax.nn.leaky_relu(res, negative_slope=0.01)

if __name__ == "__main__":
    import jax
    _d = setup_inputs()
    print(jax.jit(kernel)(*tuple(_d.values())))

</pallas_src>

<mosaic_0001>
#map = affine_map<(d0, d1) -> (0, 0)>
#map1 = affine_map<(d0, d1) -> (0)>
module attributes {stable_mosaic.version = 14 : i64} {
  func.func @sc_prep(%arg0: i32, %arg1: i32, %arg2: memref<10000x128xf32, #tpu.memory_space<hbm>>, %arg3: memref<320000xi32, #tpu.memory_space<hbm>>, %arg4: memref<320000xi32, #tpu.memory_space<hbm>>, %arg5: memref<10000x128xf32, #tpu.memory_space<hbm>>, %arg6: memref<10240xf32, #tpu.memory_space<hbm>>, %arg7: memref<10240xf32, #tpu.memory_space<vmem_shared>>, %arg8: memref<128xi32, #tpu.memory_space<vmem>>, %arg9: memref<128xi32, #tpu.memory_space<vmem>>, %arg10: memref<128xi32, #tpu.memory_space<vmem>>, %arg11: memref<128xi32, #tpu.memory_space<vmem>>, %arg12: memref<32xi32, #tpu.memory_space<vmem>>, %arg13: memref<128xf32, #tpu.memory_space<vmem>>, %arg14: memref<640xf32, #tpu.memory_space<vmem>>, %arg15: memref<640xf32, #tpu.memory_space<vmem>>, %arg16: memref<80x128xf32, #tpu.memory_space<vmem>>, %arg17: memref<80x128xf32, #tpu.memory_space<vmem>>, %arg18: memref<!tpu.dma_semaphore, #tpu.memory_space<semaphore_mem>>, %arg19: memref<!tpu.dma_semaphore, #tpu.memory_space<semaphore_mem>>, %arg20: memref<!tpu.dma_semaphore, #tpu.memory_space<semaphore_mem>>, %arg21: memref<!tpu.dma_semaphore, #tpu.memory_space<semaphore_mem>>, %arg22: memref<!tpu.dma_semaphore, #tpu.memory_space<semaphore_mem>>, %arg23: memref<!tpu.dma_semaphore, #tpu.memory_space<semaphore_mem>>, %arg24: memref<!tpu.dma_semaphore, #tpu.memory_space<semaphore_mem>>, %arg25: memref<!tpu.dma_semaphore, #tpu.memory_space<semaphore_mem>>, %arg26: memref<!tpu.dma_semaphore, #tpu.memory_space<semaphore_mem>>, %arg27: memref<!tpu.dma_semaphore, #tpu.memory_space<semaphore_mem>>, %arg28: memref<!tpu.dma_semaphore, #tpu.memory_space<semaphore_mem>>, %arg29: memref<!tpu.dma_semaphore, #tpu.memory_space<semaphore_mem>>) attributes {dimension_semantics = [#tpu.dimension_semantics<core_parallel>, #tpu.dimension_semantics<subcore_parallel>], iteration_bounds = array<i64: 2, 16>, scalar_prefetch = 0 : i64, scratch_operands = 23 : i64, tpu.core_type = #tpu.core_type<sc_vector_subcore>, window_params = [{transform_indices = #map}, {transform_indices = #map1}, {transform_indices = #map1}, {transform_indices = #map}, {transform_indices = #map1}]} {
    %mul3A = arith.constant 20000 : i32
    %mul3A_0 = arith.muli %arg1, %mul3A : i32
    %add3A = arith.constant 0 : i32
    %add3A_1 = arith.addi %mul3A_0, %add3A : i32
    %eq3A = arith.constant 0 : i32
    %eq3A_2 = arith.cmpi eq, %arg0, %eq3A : i32
    %convert_element_type3A = arith.extui %eq3A_2 : i1 to i32
    %cond3A = arith.constant 0 : i32
    %cond3A_3 = arith.cmpi ne, %convert_element_type3A, %cond3A : i32
    scf.if %cond3A_3 {
      %dma_start3A = tpu.memref_slice %arg3[%add3A_1] : memref<320000xi32, #tpu.memory_space<hbm>> -> memref<128xi32, #tpu.memory_space<hbm>>
      %dma_start3A_98 = tpu.memref_slice %arg3[%add3A_1] : memref<320000xi32, #tpu.memory_space<hbm>> -> memref<128xi32, #tpu.memory_space<hbm>>
      tpu.enqueue_dma source(%dma_start3A_98 : memref<128xi32, #tpu.memory_space<hbm>>) target(%arg8 : memref<128xi32, #tpu.memory_space<vmem>>) target_semaphore(%arg18 : memref<!tpu.dma_semaphore, #tpu.memory_space<semaphore_mem>>)
    } else {
    }
    %eq3A_4 = arith.constant 1 : i32
    %eq3A_5 = arith.cmpi eq, %arg0, %eq3A_4 : i32
    %convert_element_type3A_6 = arith.extui %eq3A_5 : i1 to i32
    %cond3A_7 = arith.constant 0 : i32
    %cond3A_8 = arith.cmpi ne, %convert_element_type3A_6, %cond3A_7 : i32
    scf.if %cond3A_8 {
      %dma_start3A = tpu.memref_slice %arg4[%add3A_1] : memref<320000xi32, #tpu.memory_space<hbm>> -> memref<128xi32, #tpu.memory_space<hbm>>
      %dma_start3A_98 = tpu.memref_slice %arg4[%add3A_1] : memref<320000xi32, #tpu.memory_space<hbm>> -> memref<128xi32, #tpu.memory_space<hbm>>
      tpu.enqueue_dma source(%dma_start3A_98 : memref<128xi32, #tpu.memory_space<hbm>>) target(%arg8 : memref<128xi32, #tpu.memory_space<vmem>>) target_semaphore(%arg18 : memref<!tpu.dma_semaphore, #tpu.memory_space<semaphore_mem>>)
    } else {
    }
    %add3A_9 = arith.constant 128 : i32
    %add3A_10 = arith.addi %mul3A_0, %add3A_9 : i32
    %eq3A_11 = arith.constant 0 : i32
    %eq3A_12 = arith.cmpi eq, %arg0, %eq3A_11 : i32
    %convert_element_type3A_13 = arith.extui %eq3A_12 : i1 to i32
    %cond3A_14 = arith.constant 0 : i32
    %cond3A_15 = arith.cmpi ne, %convert_element_type3A_13, %cond3A_14 : i32
    scf.if %cond3A_15 {
      %dma_start3A = tpu.memref_slice %arg3[%add3A_10] : memref<320000xi32, #tpu.memory_space<hbm>> -> memref<128xi32, #tpu.memory_space<hbm>>
      %dma_start3A_98 = tpu.memref_slice %arg3[%add3A_10] : memref<320000xi32, #tpu.memory_space<hbm>> -> memref<128xi32, #tpu.memory_space<hbm>>
      tpu.enqueue_dma source(%dma_start3A_98 : memref<128xi32, #tpu.memory_space<hbm>>) target(%arg9 : memref<128xi32, #tpu.memory_space<vmem>>) target_semaphore(%arg19 : memref<!tpu.dma_semaphore, #tpu.memory_space<semaphore_mem>>)
    } else {
    }
    %eq3A_16 = arith.constant 1 : i32
    %eq3A_17 = arith.cmpi eq, %arg0, %eq3A_16 : i32
    %convert_element_type3A_18 = arith.extui %eq3A_17 : i1 to i32
    %cond3A_19 = arith.constant 0 : i32
    %cond3A_20 = arith.cmpi ne, %convert_element_type3A_18, %cond3A_19 : i32
    scf.if %cond3A_20 {
      %dma_start3A = tpu.memref_slice %arg4[%add3A_10] : memref<320000xi32, #tpu.memory_space<hbm>> -> memref<128xi32, #tpu.memory_space<hbm>>
      %dma_start3A_98 = tpu.memref_slice %arg4[%add3A_10] : memref<320000xi32, #tpu.memory_space<hbm>> -> memref<128xi32, #tpu.memory_space<hbm>>
      tpu.enqueue_dma source(%dma_start3A_98 : memref<128xi32, #tpu.memory_space<hbm>>) target(%arg9 : memref<128xi32, #tpu.memory_space<vmem>>) target_semaphore(%arg19 : memref<!tpu.dma_semaphore, #tpu.memory_space<semaphore_mem>>)
    } else {
    }
    %add3A_21 = arith.constant 256 : i32
    %add3A_22 = arith.addi %mul3A_0, %add3A_21 : i32
    %eq3A_23 = arith.constant 0 : i32
    %eq3A_24 = arith.cmpi eq, %arg0, %eq3A_23 : i32
    %convert_element_type3A_25 = arith.extui %eq3A_24 : i1 to i32
    %cond3A_26 = arith.constant 0 : i32
    %cond3A_27 = arith.cmpi ne, %convert_element_type3A_25, %cond3A_26 : i32
    scf.if %cond3A_27 {
      %dma_start3A = tpu.memref_slice %arg3[%add3A_22] : memref<320000xi32, #tpu.memory_space<hbm>> -> memref<128xi32, #tpu.memory_space<hbm>>
      %dma_start3A_98 = tpu.memref_slice %arg3[%add3A_22] : memref<320000xi32, #tpu.memory_space<hbm>> -> memref<128xi32, #tpu.memory_space<hbm>>
      tpu.enqueue_dma source(%dma_start3A_98 : memref<128xi32, #tpu.memory_space<hbm>>) target(%arg10 : memref<128xi32, #tpu.memory_space<vmem>>) target_semaphore(%arg20 : memref<!tpu.dma_semaphore, #tpu.memory_space<semaphore_mem>>)
    } else {
    }
    %eq3A_28 = arith.constant 1 : i32
    %eq3A_29 = arith.cmpi eq, %arg0, %eq3A_28 : i32
    %convert_element_type3A_30 = arith.extui %eq3A_29 : i1 to i32
    %cond3A_31 = arith.constant 0 : i32
    %cond3A_32 = arith.cmpi ne, %convert_element_type3A_30, %cond3A_31 : i32
    scf.if %cond3A_32 {
      %dma_start3A = tpu.memref_slice %arg4[%add3A_22] : memref<320000xi32, #tpu.memory_space<hbm>> -> memref<128xi32, #tpu.memory_space<hbm>>
      %dma_start3A_98 = tpu.memref_slice %arg4[%add3A_22] : memref<320000xi32, #tpu.memory_space<hbm>> -> memref<128xi32, #tpu.memory_space<hbm>>
      tpu.enqueue_dma source(%dma_start3A_98 : memref<128xi32, #tpu.memory_space<hbm>>) target(%arg10 : memref<128xi32, #tpu.memory_space<vmem>>) target_semaphore(%arg20 : memref<!tpu.dma_semaphore, #tpu.memory_space<semaphore_mem>>)
    } else {
    }
    %scan3A = arith.constant 0 : i32
    %scan3A_33 = arith.constant 0 : i32
    %scan3A_34 = arith.constant 8 : i32
    %scan3A_35 = arith.addi %scan3A_33, %scan3A_34 : i32
    %scan3A_36 = arith.constant 1 : i32
    %scan3A_37 = scf.for %scan3A_98 = %scan3A_33 to %scan3A_35 step %scan3A_36 iter_args(%scan3A_99 = %scan3A) -> (i32)  : i32 {
      %broadcast_in_dim3A = arith.constant 1.000000e+00 : f32
      %broadcast_in_dim3A_100 = vector.broadcast %broadcast_in_dim3A : f32 to vector<16xf32>
      %mul3A_101 = arith.constant 16 : i32
      %mul3A_102 = arith.muli %scan3A_98, %mul3A_101 : i32
      %swap3A = arith.index_cast %mul3A_102 : i32 to index
      %swap3A_103 = tpu.vector_load %arg13[%swap3A] {strides = array<i32>} : memref<128xf32, #tpu.memory_space<vmem>>, vector<16xf32>,
      tpu.vector_store %arg13[%swap3A], %broadcast_in_dim3A_100 {strides = array<i32>} : memref<128xf32, #tpu.memory_space<vmem>>, vector<16xf32>,
      %scan3A_104 = arith.constant 0 : i32
      scf.yield %scan3A_104 : i32
    }
    %scan3A_38 = arith.constant 8 : i32
    %scan3A_39 = arith.constant 0 : i32
    %scan3A_40 = arith.constant 0 : i32
    %scan3A_41 = arith.constant 40 : i32
    %scan3A_42 = arith.addi %scan3A_40, %scan3A_41 : i32
    %scan3A_43 = arith.constant 1 : i32
    %scan3A_44 = scf.for %scan3A_98 = %scan3A_40 to %scan3A_42 step %scan3A_43 iter_args(%scan3A_99 = %scan3A_39) -> (i32)  : i32 {
      %broadcast_in_dim3A = arith.constant 0.000000e+00 : f32
      %broadcast_in_dim3A_100 = vector.broadcast %broadcast_in_dim3A : f32 to vector<16xf32>
      %mul3A_101 = arith.constant 16 : i32
      %mul3A_102 = arith.muli %scan3A_98, %mul3A_101 : i32
      %swap3A = arith.index_cast %mul3A_102 : i32 to index
      %swap3A_103 = tpu.vector_load %arg14[%swap3A] {strides = array<i32>} : memref<640xf32, #tpu.memory_space<vmem>>, vector<16xf32>,
      tpu.vector_store %arg14[%swap3A], %broadcast_in_dim3A_100 {strides = array<i32>} : memref<640xf32, #tpu.memory_space<vmem>>, vector<16xf32>,
      %scan3A_104 = arith.constant 0 : i32
      scf.yield %scan3A_104 : i32
    }
    %scan3A_45 = arith.constant 40 : i32
    %mul3A_46 = arith.constant 640 : i32
    %mul3A_47 = arith.muli %arg1, %mul3A_46 : i32
    "tpu.region"() ({
      %run_scoped3A = tpu.sem_alloc : memref<!tpu.dma_semaphore, #tpu.memory_space<semaphore_mem>>
      %dma_start3A = tpu.memref_slice %arg7[%mul3A_47] : memref<10240xf32, #tpu.memory_space<vmem_shared>> -> memref<640xf32, #tpu.memory_space<vmem_shared>>
      %dma_start3A_98 = tpu.memref_slice %arg7[%mul3A_47] : memref<10240xf32, #tpu.memory_space<vmem_shared>> -> memref<640xf32, #tpu.memory_space<vmem_shared>>
      tpu.enqueue_dma source(%arg14 : memref<640xf32, #tpu.memory_space<vmem>>) target(%dma_start3A_98 : memref<640xf32, #tpu.memory_space<vmem_shared>>) target_semaphore(%run_scoped3A : memref<!tpu.dma_semaphore, #tpu.memory_space<semaphore_mem>>)
      %dma_wait3A_99 = tpu.memref_slice %arg7[%mul3A_47] : memref<10240xf32, #tpu.memory_space<vmem_shared>> -> memref<640xf32, #tpu.memory_space<vmem_shared>>
      %dma_wait3A_100 = tpu.memref_slice %arg7[%mul3A_47] : memref<10240xf32, #tpu.memory_space<vmem_shared>> -> memref<640xf32, #tpu.memory_space<vmem_shared>>
      tpu.wait_dma2 semaphore(%run_scoped3A : memref<!tpu.dma_semaphore, #tpu.memory_space<semaphore_mem>>) src(%arg14 : memref<640xf32, #tpu.memory_space<vmem>>) dst(%dma_wait3A_100 : memref<640xf32, #tpu.memory_space<vmem_shared>>)
      tpu.yield
    }) : () -> ()
    %barrier3A = arith.constant 0 : index
    tpu.barrier barrier_id(%barrier3A)
    %scan3A_48 = arith.constant 0 : i32
    %scan3A_49 = arith.constant 0 : i32
    %scan3A_50 = arith.constant 39 : i32
    %scan3A_51 = arith.addi %scan3A_49, %scan3A_50 : i32
    %scan3A_52 = arith.constant 1 : i32
    %scan3A_53 = scf.for %scan3A_98 = %scan3A_49 to %scan3A_51 step %scan3A_52 iter_args(%scan3A_99 = %scan3A_48) -> (i32)  : i32 {
      %mul3A_100 = arith.constant 4 : i32
      %mul3A_101 = arith.muli %scan3A_98, %mul3A_100 : i32
      %add3A_102 = arith.constant 0 : i32
      %add3A_103 = arith.addi %mul3A_101, %add3A_102 : i32
      %add3A_104 = arith.constant 3 : i32
      %add3A_105 = arith.addi %add3A_103, %add3A_104 : i32
      %lt3A = arith.constant 156 : i32
      %lt3A_106 = arith.cmpi slt, %add3A_105, %lt3A : i32
      %convert_element_type3A_107 = arith.extui %lt3A_106 : i1 to i32
      %cond3A_108 = arith.constant 0 : i32
      %cond3A_109 = arith.cmpi ne, %convert_element_type3A_107, %cond3A_108 : i32
      scf.if %cond3A_109 {
        %ge3A = arith.constant 1 : i32
        %ge3A_167 = arith.cmpi sge, %add3A_103, %ge3A : i32
        %convert_element_type3A_168 = arith.extui %ge3A_167 : i1 to i32
        %cond3A_169 = arith.constant 0 : i32
        %cond3A_170 = arith.cmpi ne, %convert_element_type3A_168, %cond3A_169 : i32
        scf.if %cond3A_170 {
          %dma_wait3A_186 = arith.constant 0 : i32
          %dma_wait3A_187 = tpu.memref_slice %arg7[%dma_wait3A_186] : memref<10240xf32, #tpu.memory_space<vmem_shared>> -> memref<10240xf32, #tpu.memory_space<vmem_shared>>
          tpu.wait_indirect_dma semaphore(%arg25 : memref<!tpu.dma_semaphore, #tpu.memory_space<semaphore_mem>>) src(%arg13 : memref<128xf32, #tpu.memory_space<vmem>>) dst(%dma_wait3A_187 : memref<10240xf32, #tpu.memory_space<vmem_shared>>)
        } else {
        }
        %add3A_171 = arith.constant 3 : i32
        %add3A_172 = arith.addi %add3A_103, %add3A_171 : i32
        %mul3A_173 = arith.constant 128 : i32
        %mul3A_174 = arith.muli %add3A_172, %mul3A_173 : i32
        %add3A_175 = arith.addi %mul3A_0, %mul3A_174 : i32
        %eq3A_176 = arith.constant 0 : i32
        %eq3A_177 = arith.cmpi eq, %arg0, %eq3A_176 : i32
        %convert_element_type3A_178 = arith.extui %eq3A_177 : i1 to i32
        %cond3A_179 = arith.constant 0 : i32
        %cond3A_180 = arith.cmpi ne, %convert_element_type3A_178, %cond3A_179 : i32
        scf.if %cond3A_180 {
          %dma_start3A_186 = tpu.memref_slice %arg3[%add3A_175] : memref<320000xi32, #tpu.memory_space<hbm>> -> memref<128xi32, #tpu.memory_space<hbm>>
          %dma_start3A_187 = tpu.memref_slice %arg3[%add3A_175] : memref<320000xi32, #tpu.memory_space<hbm>> -> memref<128xi32, #tpu.memory_space<hbm>>
          tpu.enqueue_dma source(%dma_start3A_187 : memref<128xi32, #tpu.memory_space<hbm>>) target(%arg11 : memref<128xi32, #tpu.memory_space<vmem>>) target_semaphore(%arg21 : memref<!tpu.dma_semaphore, #tpu.memory_space<semaphore_mem>>)
        } else {
        }
        %eq3A_181 = arith.constant 1 : i32
        %eq3A_182 = arith.cmpi eq, %arg0, %eq3A_181 : i32
        %convert_element_type3A_183 = arith.extui %eq3A_182 : i1 to i32
        %cond3A_184 = arith.constant 0 : i32
        %cond3A_185 = arith.cmpi ne, %convert_element_type3A_183, %cond3A_184 : i32
        scf.if %cond3A_185 {
          %dma_start3A_186 = tpu.memref_slice %arg4[%add3A_175] : memref<320000xi32, #tpu.memory_space<hbm>> -> memref<128xi32, #tpu.memory_space<hbm>>
          %dma_start3A_187 = tpu.memref_slice %arg4[%add3A_175] : memref<320000xi32, #tpu.memory_space<hbm>> -> memref<128xi32, #tpu.memory_space<hbm>>
          tpu.enqueue_dma source(%dma_start3A_187 : memref<128xi32, #tpu.memory_space<hbm>>) target(%arg11 : memref<128xi32, #tpu.memory_space<vmem>>) target_semaphore(%arg21 : memref<!tpu.dma_semaphore, #tpu.memory_space<semaphore_mem>>)
        } else {
        }
      } else {
      }
      %dma_wait3A_110 = arith.constant 0 : i32
      %dma_wait3A_111 = tpu.memref_slice %arg3[%dma_wait3A_110] : memref<320000xi32, #tpu.memory_space<hbm>> -> memref<128xi32, #tpu.memory_space<hbm>>
      %dma_wait3A_112 = arith.constant 0 : i32
      %dma_wait3A_113 = tpu.memref_slice %arg3[%dma_wait3A_112] : memref<320000xi32, #tpu.memory_space<hbm>> -> memref<128xi32, #tpu.memory_space<hbm>>
      tpu.wait_dma2 semaphore(%arg18 : memref<!tpu.dma_semaphore, #tpu.memory_space<semaphore_mem>>) src(%dma_wait3A_113 : memref<128xi32, #tpu.memory_space<hbm>>) dst(%arg8 : memref<128xi32, #tpu.memory_space<vmem>>)
      %dma_start3A = arith.constant 0 : i32
      %dma_start3A_114 = tpu.memref_slice %arg7[%dma_start3A] : memref<10240xf32, #tpu.memory_space<vmem_shared>> -> memref<10240xf32, #tpu.memory_space<vmem_shared>>
      tpu.enqueue_indirect_dma source(%arg13 : memref<128xf32, #tpu.memory_space<vmem>>) target(%dma_start3A_114 : memref<10240xf32, #tpu.memory_space<vmem_shared>>) offsets(%arg8 : memref<128xi32, #tpu.memory_space<vmem>>) semaphore(%arg22 : memref<!tpu.dma_semaphore, #tpu.memory_space<semaphore_mem>>) {add = true}
      %mul3A_115 = arith.constant 4 : i32
      %mul3A_116 = arith.muli %scan3A_98, %mul3A_115 : i32
      %add3A_117 = arith.constant 1 : i32
      %add3A_118 = arith.addi %mul3A_116, %add3A_117 : i32
      %add3A_119 = arith.constant 3 : i32
      %add3A_120 = arith.addi %add3A_118, %add3A_119 : i32
      %lt3A_121 = arith.constant 156 : i32
      %lt3A_122 = arith.cmpi slt, %add3A_120, %lt3A_121 : i32
      %convert_element_type3A_123 = arith.extui %lt3A_122 : i1 to i32
      %cond3A_124 = arith.constant 0 : i32
      %cond3A_125 = arith.cmpi ne, %convert_element_type3A_123, %cond3A_124 : i32
      scf.if %cond3A_125 {
        %ge3A = arith.constant 1 : i32
        %ge3A_167 = arith.cmpi sge, %add3A_118, %ge3A : i32
        %convert_element_type3A_168 = arith.extui %ge3A_167 : i1 to i32
        %cond3A_169 = arith.constant 0 : i32
        %cond3A_170 = arith.cmpi ne, %convert_element_type3A_168, %cond3A_169 : i32
        scf.if %cond3A_170 {
          %dma_wait3A_186 = arith.constant 0 : i32
          %dma_wait3A_187 = tpu.memref_slice %arg7[%dma_wait3A_186] : memref<10240xf32, #tpu.memory_space<vmem_shared>> -> memref<10240xf32, #tpu.memory_space<vmem_shared>>
          tpu.wait_indirect_dma semaphore(%arg22 : memref<!tpu.dma_semaphore, #tpu.memory_space<semaphore_mem>>) src(%arg13 : memref<128xf32, #tpu.memory_space<vmem>>) dst(%dma_wait3A_187 : memref<10240xf32, #tpu.memory_space<vmem_shared>>)
        } else {
        }
        %add3A_171 = arith.constant 3 : i32
        %add3A_172 = arith.addi %add3A_118, %add3A_171 : i32
        %mul3A_173 = arith.constant 128 : i32
        %mul3A_174 = arith.muli %add3A_172, %mul3A_173 : i32
        %add3A_175 = arith.addi %mul3A_0, %mul3A_174 : i32
        %eq3A_176 = arith.constant 0 : i32
        %eq3A_177 = arith.cmpi eq, %arg0, %eq3A_176 : i32
        %convert_element_type3A_178 = arith.extui %eq3A_177 : i1 to i32
        %cond3A_179 = arith.constant 0 : i32
        %cond3A_180 = arith.cmpi ne, %convert_element_type3A_178, %cond3A_179 : i32
        scf.if %cond3A_180 {
          %dma_start3A_186 = tpu.memref_slice %arg3[%add3A_175] : memref<320000xi32, #tpu.memory_space<hbm>> -> memref<128xi32, #tpu.memory_space<hbm>>
          %dma_start3A_187 = tpu.memref_slice %arg3[%add3A_175] : memref<320000xi32, #tpu.memory_space<hbm>> -> memref<128xi32, #tpu.memory_space<hbm>>
          tpu.enqueue_dma source(%dma_start3A_187 : memref<128xi32, #tpu.memory_space<hbm>>) target(%arg8 : memref<128xi32, #tpu.memory_space<vmem>>) target_semaphore(%arg18 : memref<!tpu.dma_semaphore, #tpu.memory_space<semaphore_mem>>)
        } else {
        }
        %eq3A_181 = arith.constant 1 : i32
        %eq3A_182 = arith.cmpi eq, %arg0, %eq3A_181 : i32
        %convert_element_type3A_183 = arith.extui %eq3A_182 : i1 to i32
        %cond3A_184 = arith.constant 0 : i32
        %cond3A_185 = arith.cmpi ne, %convert_element_type3A_183, %cond3A_184 : i32
        scf.if %cond3A_185 {
          %dma_start3A_186 = tpu.memref_slice %arg4[%add3A_175] : memref<320000xi32, #tpu.memory_space<hbm>> -> memref<128xi32, #tpu.memory_space<hbm>>
          %dma_start3A_187 = tpu.memref_slice %arg4[%add3A_175] : memref<320000xi32, #tpu.memory_space<hbm>> -> memref<128xi32, #tpu.memory_space<hbm>>
          tpu.enqueue_dma source(%dma_start3A_187 : memref<128xi32, #tpu.memory_space<hbm>>) target(%arg8 : memref<128xi32, #tpu.memory_space<vmem>>) target_semaphore(%arg18 : memref<!tpu.dma_semaphore, #tpu.memory_space<semaphore_mem>>)
        } else {
        }
      } else {
      }
      %dma_wait3A_126 = arith.constant 0 : i32
      %dma_wait3A_127 = tpu.memref_slice %arg3[%dma_wait3A_126] : memref<320000xi32, #tpu.memory_space<hbm>> -> memref<128xi32, #tpu.memory_space<hbm>>
      %dma_wait3A_128 = arith.constant 0 : i32
      %dma_wait3A_129 = tpu.memref_slice %arg3[%dma_wait3A_128] : memref<320000xi32, #tpu.memory_space<hbm>> -> memref<128xi32, #tpu.memory_space<hbm>>
      tpu.wait_dma2 semaphore(%arg19 : memref<!tpu.dma_semaphore, #tpu.memory_space<semaphore_mem>>) src(%dma_wait3A_129 : memref<128xi32, #tpu.memory_space<hbm>>) dst(%arg9 : memref<128xi32, #tpu.memory_space<vmem>>)
      %dma_start3A_130 = arith.constant 0 : i32
      %dma_start3A_131 = tpu.memref_slice %arg7[%dma_start3A_130] : memref<10240xf32, #tpu.memory_space<vmem_shared>> -> memref<10240xf32, #tpu.memory_space<vmem_shared>>
      tpu.enqueue_indirect_dma source(%arg13 : memref<128xf32, #tpu.memory_space<vmem>>) target(%dma_start3A_131 : memref<10240xf32, #tpu.memory_space<vmem_shared>>) offsets(%arg9 : memref<128xi32, #tpu.memory_space<vmem>>) semaphore(%arg23 : memref<!tpu.dma_semaphore, #tpu.memory_space<semaphore_mem>>) {add = true}
      %mul3A_132 = arith.constant 4 : i32
      %mul3A_133 = arith.muli %scan3A_98, %mul3A_132 : i32
      %add3A_134 = arith.constant 2 : i32
      %add3A_135 = arith.addi %mul3A_133, %add3A_134 : i32
      %add3A_136 = arith.constant 3 : i32
      %add3A_137 = arith.addi %add3A_135, %add3A_136 : i32
      %lt3A_138 = arith.constant 156 : i32
      %lt3A_139 = arith.cmpi slt, %add3A_137, %lt3A_138 : i32
      %convert_element_type3A_140 = arith.extui %lt3A_139 : i1 to i32
      %cond3A_141 = arith.constant 0 : i32
      %cond3A_142 = arith.cmpi ne, %convert_element_type3A_140, %cond3A_141 : i32
      scf.if %cond3A_142 {
        %ge3A = arith.constant 1 : i32
        %ge3A_167 = arith.cmpi sge, %add3A_135, %ge3A : i32
        %convert_element_type3A_168 = arith.extui %ge3A_167 : i1 to i32
        %cond3A_169 = arith.constant 0 : i32
        %cond3A_170 = arith.cmpi ne, %convert_element_type3A_168, %cond3A_169 : i32
        scf.if %cond3A_170 {
          %dma_wait3A_186 = arith.constant 0 : i32
          %dma_wait3A_187 = tpu.memref_slice %arg7[%dma_wait3A_186] : memref<10240xf32, #tpu.memory_space<vmem_shared>> -> memref<10240xf32, #tpu.memory_space<vmem_shared>>
          tpu.wait_indirect_dma semaphore(%arg23 : memref<!tpu.dma_semaphore, #tpu.memory_space<semaphore_mem>>) src(%arg13 : memref<128xf32, #tpu.memory_space<vmem>>) dst(%dma_wait3A_187 : memref<10240xf32, #tpu.memory_space<vmem_shared>>)
        } else {
        }
        %add3A_171 = arith.constant 3 : i32
        %add3A_172 = arith.addi %add3A_135, %add3A_171 : i32
        %mul3A_173 = arith.constant 128 : i32
        %mul3A_174 = arith.muli %add3A_172, %mul3A_173 : i32
        %add3A_175 = arith.addi %mul3A_0, %mul3A_174 : i32
        %eq3A_176 = arith.constant 0 : i32
        %eq3A_177 = arith.cmpi eq, %arg0, %eq3A_176 : i32
        %convert_element_type3A_178 = arith.extui %eq3A_177 : i1 to i32
        %cond3A_179 = arith.constant 0 : i32
        %cond3A_180 = arith.cmpi ne, %convert_element_type3A_178, %cond3A_179 : i32
        scf.if %cond3A_180 {
          %dma_start3A_186 = tpu.memref_slice %arg3[%add3A_175] : memref<320000xi32, #tpu.memory_space<hbm>> -> memref<128xi32, #tpu.memory_space<hbm>>
          %dma_start3A_187 = tpu.memref_slice %arg3[%add3A_175] : memref<320000xi32, #tpu.memory_space<hbm>> -> memref<128xi32, #tpu.memory_space<hbm>>
          tpu.enqueue_dma source(%dma_start3A_187 : memref<128xi32, #tpu.memory_space<hbm>>) target(%arg9 : memref<128xi32, #tpu.memory_space<vmem>>) target_semaphore(%arg19 : memref<!tpu.dma_semaphore, #tpu.memory_space<semaphore_mem>>)
        } else {
        }
        %eq3A_181 = arith.constant 1 : i32
        %eq3A_182 = arith.cmpi eq, %arg0, %eq3A_181 : i32
        %convert_element_type3A_183 = arith.extui %eq3A_182 : i1 to i32
        %cond3A_184 = arith.constant 0 : i32
        %cond3A_185 = arith.cmpi ne, %convert_element_type3A_183, %cond3A_184 : i32
        scf.if %cond3A_185 {
          %dma_start3A_186 = tpu.memref_slice %arg4[%add3A_175] : memref<320000xi32, #tpu.memory_space<hbm>> -> memref<128xi32, #tpu.memory_space<hbm>>
          %dma_start3A_187 = tpu.memref_slice %arg4[%add3A_175] : memref<320000xi32, #tpu.memory_space<hbm>> -> memref<128xi32, #tpu.memory_space<hbm>>
          tpu.enqueue_dma source(%dma_start3A_187 : memref<128xi32, #tpu.memory_space<hbm>>) target(%arg9 : memref<128xi32, #tpu.memory_space<vmem>>) target_semaphore(%arg19 : memref<!tpu.dma_semaphore, #tpu.memory_space<semaphore_mem>>)
        } else {
        }
      } else {
      }
      %dma_wait3A_143 = arith.constant 0 : i32
      %dma_wait3A_144 = tpu.memref_slice %arg3[%dma_wait3A_143] : memref<320000xi32, #tpu.memory_space<hbm>> -> memref<128xi32, #tpu.memory_space<hbm>>
      %dma_wait3A_145 = arith.constant 0 : i32
      %dma_wait3A_146 = tpu.memref_slice %arg3[%dma_wait3A_145] : memref<320000xi32, #tpu.memory_space<hbm>> -> memref<128xi32, #tpu.memory_space<hbm>>
      tpu.wait_dma2 semaphore(%arg20 : memref<!tpu.dma_semaphore, #tpu.memory_space<semaphore_mem>>) src(%dma_wait3A_146 : memref<128xi32, #tpu.memory_space<hbm>>) dst(%arg10 : memref<128xi32, #tpu.memory_space<vmem>>)
      %dma_start3A_147 = arith.constant 0 : i32
      %dma_start3A_148 = tpu.memref_slice %arg7[%dma_start3A_147] : memref<10240xf32, #tpu.memory_space<vmem_shared>> -> memref<10240xf32, #tpu.memory_space<vmem_shared>>
      tpu.enqueue_indirect_dma source(%arg13 : memref<128xf32, #tpu.memory_space<vmem>>) target(%dma_start3A_148 : memref<10240xf32, #tpu.memory_space<vmem_shared>>) offsets(%arg10 : memref<128xi32, #tpu.memory_space<vmem>>) semaphore(%arg24 : memref<!tpu.dma_semaphore, #tpu.memory_space<semaphore_mem>>) {add = true}
      %mul3A_149 = arith.constant 4 : i32
      %mul3A_150 = arith.muli %scan3A_98, %mul3A_149 : i32
      %add3A_151 = arith.constant 3 : i32
      %add3A_152 = arith.addi %mul3A_150, %add3A_151 : i32
      %add3A_153 = arith.constant 3 : i32
      %add3A_154 = arith.addi %add3A_152, %add3A_153 : i32
      %lt3A_155 = arith.constant 156 : i32
      %lt3A_156 = arith.cmpi slt, %add3A_154, %lt3A_155 : i32
      %convert_element_type3A_157 = arith.extui %lt3A_156 : i1 to i32
      %cond3A_158 = arith.constant 0 : i32
      %cond3A_159 = arith.cmpi ne, %convert_element_type3A_157, %cond3A_158 : i32
      scf.if %cond3A_159 {
        %ge3A = arith.constant 1 : i32
        %ge3A_167 = arith.cmpi sge, %add3A_152, %ge3A : i32
        %convert_element_type3A_168 = arith.extui %ge3A_167 : i1 to i32
        %cond3A_169 = arith.constant 0 : i32
        %cond3A_170 = arith.cmpi ne, %convert_element_type3A_168, %cond3A_169 : i32
        scf.if %cond3A_170 {
          %dma_wait3A_186 = arith.constant 0 : i32
          %dma_wait3A_187 = tpu.memref_slice %arg7[%dma_wait3A_186] : memref<10240xf32, #tpu.memory_space<vmem_shared>> -> memref<10240xf32, #tpu.memory_space<vmem_shared>>
          tpu.wait_indirect_dma semaphore(%arg24 : memref<!tpu.dma_semaphore, #tpu.memory_space<semaphore_mem>>) src(%arg13 : memref<128xf32, #tpu.memory_space<vmem>>) dst(%dma_wait3A_187 : memref<10240xf32, #tpu.memory_space<vmem_shared>>)
        } else {
        }
        %add3A_171 = arith.constant 3 : i32
        %add3A_172 = arith.addi %add3A_152, %add3A_171 : i32
        %mul3A_173 = arith.constant 128 : i32
        %mul3A_174 = arith.muli %add3A_172, %mul3A_173 : i32
        %add3A_175 = arith.addi %mul3A_0, %mul3A_174 : i32
        %eq3A_176 = arith.constant 0 : i32
        %eq3A_177 = arith.cmpi eq, %arg0, %eq3A_176 : i32
        %convert_element_type3A_178 = arith.extui %eq3A_177 : i1 to i32
        %cond3A_179 = arith.constant 0 : i32
        %cond3A_180 = arith.cmpi ne, %convert_element_type3A_178, %cond3A_179 : i32
        scf.if %cond3A_180 {
          %dma_start3A_186 = tpu.memref_slice %arg3[%add3A_175] : memref<320000xi32, #tpu.memory_space<hbm>> -> memref<128xi32, #tpu.memory_space<hbm>>
          %dma_start3A_187 = tpu.memref_slice %arg3[%add3A_175] : memref<320000xi32, #tpu.memory_space<hbm>> -> memref<128xi32, #tpu.memory_space<hbm>>
          tpu.enqueue_dma source(%dma_start3A_187 : memref<128xi32, #tpu.memory_space<hbm>>) target(%arg10 : memref<128xi32, #tpu.memory_space<vmem>>) target_semaphore(%arg20 : memref<!tpu.dma_semaphore, #tpu.memory_space<semaphore_mem>>)
        } else {
        }
        %eq3A_181 = arith.constant 1 : i32
        %eq3A_182 = arith.cmpi eq, %arg0, %eq3A_181 : i32
        %convert_element_type3A_183 = arith.extui %eq3A_182 : i1 to i32
        %cond3A_184 = arith.constant 0 : i32
        %cond3A_185 = arith.cmpi ne, %convert_element_type3A_183, %cond3A_184 : i32
        scf.if %cond3A_185 {
          %dma_start3A_186 = tpu.memref_slice %arg4[%add3A_175] : memref<320000xi32, #tpu.memory_space<hbm>> -> memref<128xi32, #tpu.memory_space<hbm>>
          %dma_start3A_187 = tpu.memref_slice %arg4[%add3A_175] : memref<320000xi32, #tpu.memory_space<hbm>> -> memref<128xi32, #tpu.memory_space<hbm>>
          tpu.enqueue_dma source(%dma_start3A_187 : memref<128xi32, #tpu.memory_space<hbm>>) target(%arg10 : memref<128xi32, #tpu.memory_space<vmem>>) target_semaphore(%arg20 : memref<!tpu.dma_semaphore, #tpu.memory_space<semaphore_mem>>)
        } else {
        }
      } else {
      }
      %dma_wait3A_160 = arith.constant 0 : i32
      %dma_wait3A_161 = tpu.memref_slice %arg3[%dma_wait3A_160] : memref<320000xi32, #tpu.memory_space<hbm>> -> memref<128xi32, #tpu.memory_space<hbm>>
      %dma_wait3A_162 = arith.constant 0 : i32
      %dma_wait3A_163 = tpu.memref_slice %arg3[%dma_wait3A_162] : memref<320000xi32, #tpu.memory_space<hbm>> -> memref<128xi32, #tpu.memory_space<hbm>>
      tpu.wait_dma2 semaphore(%arg21 : memref<!tpu.dma_semaphore, #tpu.memory_space<semaphore_mem>>) src(%dma_wait3A_163 : memref<128xi32, #tpu.memory_space<hbm>>) dst(%arg11 : memref<128xi32, #tpu.memory_space<vmem>>)
      %dma_start3A_164 = arith.constant 0 : i32
      %dma_start3A_165 = tpu.memref_slice %arg7[%dma_start3A_164] : memref<10240xf32, #tpu.memory_space<vmem_shared>> -> memref<10240xf32, #tpu.memory_space<vmem_shared>>
      tpu.enqueue_indirect_dma source(%arg13 : memref<128xf32, #tpu.memory_space<vmem>>) target(%dma_start3A_165 : memref<10240xf32, #tpu.memory_space<vmem_shared>>) offsets(%arg11 : memref<128xi32, #tpu.memory_space<vmem>>) semaphore(%arg25 : memref<!tpu.dma_semaphore, #tpu.memory_space<semaphore_mem>>) {add = true}
      %scan3A_166 = arith.constant 0 : i32
      scf.yield %scan3A_166 : i32
    }
    %scan3A_54 = arith.constant 39 : i32
    %dma_wait3A = arith.constant 0 : i32
    %dma_wait3A_55 = tpu.memref_slice %arg7[%dma_wait3A] : memref<10240xf32, #tpu.memory_space<vmem_shared>> -> memref<10240xf32, #tpu.memory_space<vmem_shared>>
    tpu.wait_indirect_dma semaphore(%arg22 : memref<!tpu.dma_semaphore, #tpu.memory_space<semaphore_mem>>) src(%arg13 : memref<128xf32, #tpu.memory_space<vmem>>) dst(%dma_wait3A_55 : memref<10240xf32, #tpu.memory_space<vmem_shared>>)
    %dma_wait3A_56 = arith.constant 0 : i32
    %dma_wait3A_57 = tpu.memref_slice %arg7[%dma_wait3A_56] : memref<10240xf32, #tpu.memory_space<vmem_shared>> -> memref<10240xf32, #tpu.memory_space<vmem_shared>>
    tpu.wait_indirect_dma semaphore(%arg23 : memref<!tpu.dma_semaphore, #tpu.memory_space<semaphore_mem>>) src(%arg13 : memref<128xf32, #tpu.memory_space<vmem>>) dst(%dma_wait3A_57 : memref<10240xf32, #tpu.memory_space<vmem_shared>>)
    %dma_wait3A_58 = arith.constant 0 : i32
    %dma_wait3A_59 = tpu.memref_slice %arg7[%dma_wait3A_58] : memref<10240xf32, #tpu.memory_space<vmem_shared>> -> memref<10240xf32, #tpu.memory_space<vmem_shared>>
    tpu.wait_indirect_dma semaphore(%arg24 : memref<!tpu.dma_semaphore, #tpu.memory_space<semaphore_mem>>) src(%arg13 : memref<128xf32, #tpu.memory_space<vmem>>) dst(%dma_wait3A_59 : memref<10240xf32, #tpu.memory_space<vmem_shared>>)
    %dma_wait3A_60 = arith.constant 0 : i32
    %dma_wait3A_61 = tpu.memref_slice %arg7[%dma_wait3A_60] : memref<10240xf32, #tpu.memory_space<vmem_shared>> -> memref<10240xf32, #tpu.memory_space<vmem_shared>>
    tpu.wait_indirect_dma semaphore(%arg25 : memref<!tpu.dma_semaphore, #tpu.memory_space<semaphore_mem>>) src(%arg13 : memref<128xf32, #tpu.memory_space<vmem>>) dst(%dma_wait3A_61 : memref<10240xf32, #tpu.memory_space<vmem_shared>>)
    %add3A_62 = arith.constant 19968 : i32
    %add3A_63 = arith.addi %mul3A_0, %add3A_62 : i32
    %eq3A_64 = arith.constant 0 : i32
    %eq3A_65 = arith.cmpi eq, %arg0, %eq3A_64 : i32
    %convert_element_type3A_66 = arith.extui %eq3A_65 : i1 to i32
    %cond3A_67 = arith.constant 0 : i32
    %cond3A_68 = arith.cmpi ne, %convert_element_type3A_66, %cond3A_67 : i32
    scf.if %cond3A_68 {
      %dma_start3A = tpu.memref_slice %arg3[%add3A_63] : memref<320000xi32, #tpu.memory_space<hbm>> -> memref<32xi32, #tpu.memory_space<hbm>>
      %dma_start3A_98 = tpu.memref_slice %arg3[%add3A_63] : memref<320000xi32, #tpu.memory_space<hbm>> -> memref<32xi32, #tpu.memory_space<hbm>>
      tpu.enqueue_dma source(%dma_start3A_98 : memref<32xi32, #tpu.memory_space<hbm>>) target(%arg12 : memref<32xi32, #tpu.memory_space<vmem>>) target_semaphore(%arg18 : memref<!tpu.dma_semaphore, #tpu.memory_space<semaphore_mem>>)
    } else {
    }
    %eq3A_69 = arith.constant 1 : i32
    %eq3A_70 = arith.cmpi eq, %arg0, %eq3A_69 : i32
    %convert_element_type3A_71 = arith.extui %eq3A_70 : i1 to i32
    %cond3A_72 = arith.constant 0 : i32
    %cond3A_73 = arith.cmpi ne, %convert_element_type3A_71, %cond3A_72 : i32
    scf.if %cond3A_73 {
      %dma_start3A = tpu.memref_slice %arg4[%add3A_63] : memref<320000xi32, #tpu.memory_space<hbm>> -> memref<32xi32, #tpu.memory_space<hbm>>
      %dma_start3A_98 = tpu.memref_slice %arg4[%add3A_63] : memref<320000xi32, #tpu.memory_space<hbm>> -> memref<32xi32, #tpu.memory_space<hbm>>
      tpu.enqueue_dma source(%dma_start3A_98 : memref<32xi32, #tpu.memory_space<hbm>>) target(%arg12 : memref<32xi32, #tpu.memory_space<vmem>>) target_semaphore(%arg18 : memref<!tpu.dma_semaphore, #tpu.memory_space<semaphore_mem>>)
    } else {
    }
    %dma_wait3A_74 = arith.constant 0 : i32
    %dma_wait3A_75 = tpu.memref_slice %arg3[%dma_wait3A_74] : memref<320000xi32, #tpu.memory_space<hbm>> -> memref<32xi32, #tpu.memory_space<hbm>>
    %dma_wait3A_76 = arith.constant 0 : i32
    %dma_wait3A_77 = tpu.memref_slice %arg3[%dma_wait3A_76] : memref<320000xi32, #tpu.memory_space<hbm>> -> memref<32xi32, #tpu.memory_space<hbm>>
    tpu.wait_dma2 semaphore(%arg18 : memref<!tpu.dma_semaphore, #tpu.memory_space<semaphore_mem>>) src(%dma_wait3A_77 : memref<32xi32, #tpu.memory_space<hbm>>) dst(%arg12 : memref<32xi32, #tpu.memory_space<vmem>>)
    "tpu.region"() ({
      %run_scoped3A = tpu.sem_alloc : memref<!tpu.dma_semaphore, #tpu.memory_space<semaphore_mem>>
      %dma_start3A = arith.constant 0 : i32
      %dma_start3A_98 = tpu.memref_slice %arg13[%dma_start3A] : memref<128xf32, #tpu.memory_space<vmem>> -> memref<32xf32, #tpu.memory_space<vmem>>
      %dma_start3A_99 = arith.constant 0 : i32
      %dma_start3A_100 = tpu.memref_slice %arg7[%dma_start3A_99] : memref<10240xf32, #tpu.memory_space<vmem_shared>> -> memref<10240xf32, #tpu.memory_space<vmem_shared>>
      tpu.enqueue_indirect_dma source(%dma_start3A_98 : memref<32xf32, #tpu.memory_space<vmem>>) target(%dma_start3A_100 : memref<10240xf32, #tpu.memory_space<vmem_shared>>) offsets(%arg12 : memref<32xi32, #tpu.memory_space<vmem>>) semaphore(%run_scoped3A : memref<!tpu.dma_semaphore, #tpu.memory_space<semaphore_mem>>) {add = true}
      %dma_wait3A_101 = arith.constant 0 : i32
      %dma_wait3A_102 = tpu.memref_slice %arg13[%dma_wait3A_101] : memref<128xf32, #tpu.memory_space<vmem>> -> memref<32xf32, #tpu.memory_space<vmem>>
      %dma_wait3A_103 = arith.constant 0 : i32
      %dma_wait3A_104 = tpu.memref_slice %arg7[%dma_wait3A_103] : memref<10240xf32, #tpu.memory_space<vmem_shared>> -> memref<10240xf32, #tpu.memory_space<vmem_shared>>
      tpu.wait_indirect_dma semaphore(%run_scoped3A : memref<!tpu.dma_semaphore, #tpu.memory_space<semaphore_mem>>) src(%dma_wait3A_102 : memref<32xf32, #tpu.memory_space<vmem>>) dst(%dma_wait3A_104 : memref<10240xf32, #tpu.memory_space<vmem_shared>>)
      tpu.yield
    }) : () -> ()
    %barrier3A_78 = arith.constant 0 : index
    tpu.barrier barrier_id(%barrier3A_78)
    %mul3A_79 = arith.constant 640 : i32
    %mul3A_80 = arith.muli %arg1, %mul3A_79 : i32
    "tpu.region"() ({
      %run_scoped3A = tpu.sem_alloc : memref<!tpu.dma_semaphore, #tpu.memory_space<semaphore_mem>>
      %dma_start3A = tpu.memref_slice %arg7[%mul3A_80] : memref<10240xf32, #tpu.memory_space<vmem_shared>> -> memref<640xf32, #tpu.memory_space<vmem_shared>>
      %dma_start3A_98 = tpu.memref_slice %arg7[%mul3A_80] : memref<10240xf32, #tpu.memory_space<vmem_shared>> -> memref<640xf32, #tpu.memory_space<vmem_shared>>
      tpu.enqueue_dma source(%dma_start3A_98 : memref<640xf32, #tpu.memory_space<vmem_shared>>) target(%arg14 : memref<640xf32, #tpu.memory_space<vmem>>) target_semaphore(%run_scoped3A : memref<!tpu.dma_semaphore, #tpu.memory_space<semaphore_mem>>)
      %dma_wait3A_99 = tpu.memref_slice %arg7[%mul3A_80] : memref<10240xf32, #tpu.memory_space<vmem_shared>> -> memref<640xf32, #tpu.memory_space<vmem_shared>>
      %dma_wait3A_100 = tpu.memref_slice %arg7[%mul3A_80] : memref<10240xf32, #tpu.memory_space<vmem_shared>> -> memref<640xf32, #tpu.memory_space<vmem_shared>>
      tpu.wait_dma2 semaphore(%run_scoped3A : memref<!tpu.dma_semaphore, #tpu.memory_space<semaphore_mem>>) src(%dma_wait3A_100 : memref<640xf32, #tpu.memory_space<vmem_shared>>) dst(%arg14 : memref<640xf32, #tpu.memory_space<vmem>>)
      tpu.yield
    }) : () -> ()
    %scan3A_81 = arith.constant 0 : i32
    %scan3A_82 = arith.constant 0 : i32
    %scan3A_83 = arith.constant 40 : i32
    %scan3A_84 = arith.addi %scan3A_82, %scan3A_83 : i32
    %scan3A_85 = arith.constant 1 : i32
    %scan3A_86 = scf.for %scan3A_98 = %scan3A_82 to %scan3A_84 step %scan3A_85 iter_args(%scan3A_99 = %scan3A_81) -> (i32)  : i32 {
      %mul3A_100 = arith.constant 16 : i32
      %mul3A_101 = arith.muli %scan3A_98, %mul3A_100 : i32
      %get3A = arith.index_cast %mul3A_101 : i32 to index
      %get3A_102 = tpu.vector_load %arg14[%get3A] {strides = array<i32>} : memref<640xf32, #tpu.memory_space<vmem>>, vector<16xf32>,
      %max3A = arith.constant 1.000000e+00 : f32
      %max3A_103 = vector.broadcast %max3A : f32 to vector<16xf32>
      %max3A_104 = arith.maximumf %get3A_102, %max3A_103 : vector<16xf32>
      %bitcast_convert_type3A = tpu.bitcast %max3A_104 : vector<16xf32> -> vector<16xi32>
      %shift_right_arithmetic3A = arith.constant 1 : i32
      %shift_right_arithmetic3A_105 = vector.broadcast %shift_right_arithmetic3A : i32 to vector<16xi32>
      %shift_right_arithmetic3A_106 = arith.shrsi %bitcast_convert_type3A, %shift_right_arithmetic3A_105 : vector<16xi32>
      %sub3A = arith.constant 1597463007 : i32
      %sub3A_107 = vector.broadcast %sub3A : i32 to vector<16xi32>
      %sub3A_108 = arith.subi %sub3A_107, %shift_right_arithmetic3A_106 : vector<16xi32>
      %bitcast_convert_type3A_109 = tpu.bitcast %sub3A_108 : vector<16xi32> -> vector<16xf32>
      %mul3A_110 = arith.constant 5.000000e-01 : f32
      %mul3A_111 = vector.broadcast %mul3A_110 : f32 to vector<16xf32>
      %mul3A_112 = arith.mulf %mul3A_111, %max3A_104 : vector<16xf32>
      %mul3A_113 = arith.mulf %mul3A_112, %bitcast_convert_type3A_109 : vector<16xf32>
      %mul3A_114 = arith.mulf %mul3A_113, %bitcast_convert_type3A_109 : vector<16xf32>
      %sub3A_115 = arith.constant 1.500000e+00 : f32
      %sub3A_116 = vector.broadcast %sub3A_115 : f32 to vector<16xf32>
      %sub3A_117 = arith.subf %sub3A_116, %mul3A_114 : vector<16xf32>
      %mul3A_118 = arith.mulf %bitcast_convert_type3A_109, %sub3A_117 : vector<16xf32>
      %mul3A_119 = arith.constant 5.000000e-01 : f32
      %mul3A_120 = vector.broadcast %mul3A_119 : f32 to vector<16xf32>
      %mul3A_121 = arith.mulf %mul3A_120, %max3A_104 : vector<16xf32>
      %mul3A_122 = arith.mulf %mul3A_121, %mul3A_118 : vector<16xf32>
      %mul3A_123 = arith.mulf %mul3A_122, %mul3A_118 : vector<16xf32>
      %sub3A_124 = arith.constant 1.500000e+00 : f32
      %sub3A_125 = vector.broadcast %sub3A_124 : f32 to vector<16xf32>
      %sub3A_126 = arith.subf %sub3A_125, %mul3A_123 : vector<16xf32>
      %mul3A_127 = arith.mulf %mul3A_118, %sub3A_126 : vector<16xf32>
      %mul3A_128 = arith.constant 5.000000e-01 : f32
      %mul3A_129 = vector.broadcast %mul3A_128 : f32 to vector<16xf32>
      %mul3A_130 = arith.mulf %mul3A_129, %max3A_104 : vector<16xf32>
      %mul3A_131 = arith.mulf %mul3A_130, %mul3A_127 : vector<16xf32>
      %mul3A_132 = arith.mulf %mul3A_131, %mul3A_127 : vector<16xf32>
      %sub3A_133 = arith.constant 1.500000e+00 : f32
      %sub3A_134 = vector.broadcast %sub3A_133 : f32 to vector<16xf32>
      %sub3A_135 = arith.subf %sub3A_134, %mul3A_132 : vector<16xf32>
      %mul3A_136 = arith.mulf %mul3A_127, %sub3A_135 : vector<16xf32>
      %mul3A_137 = arith.constant 16 : i32
      %mul3A_138 = arith.muli %scan3A_98, %mul3A_137 : i32
      %swap3A = arith.index_cast %mul3A_138 : i32 to index
      %swap3A_139 = tpu.vector_load %arg15[%swap3A] {strides = array<i32>} : memref<640xf32, #tpu.memory_space<vmem>>, vector<16xf32>,
      tpu.vector_store %arg15[%swap3A], %mul3A_136 {strides = array<i32>} : memref<640xf32, #tpu.memory_space<vmem>>, vector<16xf32>,
      %scan3A_140 = arith.constant 0 : i32
      scf.yield %scan3A_140 : i32
    }
    %scan3A_87 = arith.constant 40 : i32
    %eq3A_88 = arith.constant 1 : i32
    %eq3A_89 = arith.cmpi eq, %arg0, %eq3A_88 : i32
    %convert_element_type3A_90 = arith.extui %eq3A_89 : i1 to i32
    %cond3A_91 = arith.constant 0 : i32
    %cond3A_92 = arith.cmpi ne, %convert_element_type3A_90, %cond3A_91 : i32
    scf.if %cond3A_92 {
      "tpu.region"() ({
        %run_scoped3A = tpu.sem_alloc : memref<!tpu.dma_semaphore, #tpu.memory_space<semaphore_mem>>
        %dma_start3A = tpu.memref_slice %arg6[%mul3A_80] : memref<10240xf32, #tpu.memory_space<hbm>> -> memref<640xf32, #tpu.memory_space<hbm>>
        %dma_start3A_98 = tpu.memref_slice %arg6[%mul3A_80] : memref<10240xf32, #tpu.memory_space<hbm>> -> memref<640xf32, #tpu.memory_space<hbm>>
        tpu.enqueue_dma source(%arg15 : memref<640xf32, #tpu.memory_space<vmem>>) target(%dma_start3A_98 : memref<640xf32, #tpu.memory_space<hbm>>) target_semaphore(%run_scoped3A : memref<!tpu.dma_semaphore, #tpu.memory_space<semaphore_mem>>)
        %dma_wait3A_99 = tpu.memref_slice %arg6[%mul3A_80] : memref<10240xf32, #tpu.memory_space<hbm>> -> memref<640xf32, #tpu.memory_space<hbm>>
        %dma_wait3A_100 = tpu.memref_slice %arg6[%mul3A_80] : memref<10240xf32, #tpu.memory_space<hbm>> -> memref<640xf32, #tpu.memory_space<hbm>>
        tpu.wait_dma2 semaphore(%run_scoped3A : memref<!tpu.dma_semaphore, #tpu.memory_space<semaphore_mem>>) src(%arg15 : memref<640xf32, #tpu.memory_space<vmem>>) dst(%dma_wait3A_100 : memref<640xf32, #tpu.memory_space<hbm>>)
        tpu.yield
      }) : () -> ()
    } else {
    }
    %eq3A_93 = arith.constant 0 : i32
    %eq3A_94 = arith.cmpi eq, %arg0, %eq3A_93 : i32
    %convert_element_type3A_95 = arith.extui %eq3A_94 : i1 to i32
    %cond3A_96 = arith.constant 0 : i32
    %cond3A_97 = arith.cmpi ne, %convert_element_type3A_95, %cond3A_96 : i32
    scf.if %cond3A_97 {
      %sub3A = arith.constant 10000 : i32
      %sub3A_98 = arith.subi %sub3A, %mul3A_80 : i32
      %max3A = arith.constant 0 : i32
      %max3A_99 = arith.maxsi %sub3A_98, %max3A : i32
      %min3A = arith.constant 640 : i32
      %min3A_100 = arith.minsi %min3A, %max3A_99 : i32
      %jit3A = arith.constant 80 : i32
      %div3A = arith.divsi %min3A_100, %jit3A : i32
      %sign3A = arith.constant 0 : i32
      %sign3A_101 = arith.cmpi sgt, %min3A_100, %sign3A : i32
      %sign3A_102 = arith.extui %sign3A_101 : i1 to i32
      %sign3A_103 = arith.constant 0 : i32
      %sign3A_104 = arith.cmpi slt, %min3A_100, %sign3A_103 : i32
      %sign3A_105 = arith.extui %sign3A_104 : i1 to i32
      %sign3A_106 = arith.subi %sign3A_102, %sign3A_105 : i32
      %sign3A_107 = arith.constant 0 : i32
      %sign3A_108 = arith.cmpi sgt, %jit3A, %sign3A_107 : i32
      %sign3A_109 = arith.extui %sign3A_108 : i1 to i32
      %sign3A_110 = arith.constant 0 : i32
      %sign3A_111 = arith.cmpi slt, %jit3A, %sign3A_110 : i32
      %sign3A_112 = arith.extui %sign3A_111 : i1 to i32
      %sign3A_113 = arith.subi %sign3A_109, %sign3A_112 : i32
      %ne3A = arith.cmpi ne, %sign3A_106, %sign3A_113 : i32
      %rem3A = arith.remsi %min3A_100, %jit3A : i32
      %ne3A_114 = arith.constant 0 : i32
      %ne3A_115 = arith.cmpi ne, %rem3A, %ne3A_114 : i32
      %and3A = arith.andi %ne3A, %ne3A_115 : i1
      %sub3A_116 = arith.constant 1 : i32
      %sub3A_117 = arith.subi %div3A, %sub3A_116 : i32
      %select_n3A = arith.select %and3A, %sub3A_117, %div3A : i32
      %add3A_118 = arith.constant 0 : i32
      %add3A_119 = arith.addi %mul3A_80, %add3A_118 : i32
      %dma_start3A = arith.constant 0 : i32
      %dma_start3A_120 = tpu.memref_slice %arg2[%add3A_119, %dma_start3A] : memref<10000x128xf32, #tpu.memory_space<hbm>> -> memref<80x128xf32, #tpu.memory_space<hbm>>
      %dma_start3A_121 = arith.constant 0 : i32
      %dma_start3A_122 = tpu.memref_slice %arg2[%add3A_119, %dma_start3A_121] : memref<10000x128xf32, #tpu.memory_space<hbm>> -> memref<80x128xf32, #tpu.memory_space<hbm>>
      tpu.enqueue_dma source(%dma_start3A_122 : memref<80x128xf32, #tpu.memory_space<hbm>>) target(%arg16 : memref<80x128xf32, #tpu.memory_space<vmem>>) target_semaphore(%arg26 : memref<!tpu.dma_semaphore, #tpu.memory_space<semaphore_mem>>)
      %add3A_123 = arith.constant 1 : i32
      %add3A_124 = arith.addi %select_n3A, %add3A_123 : i32
      %jit3A_125 = arith.constant 2 : i32
      %div3A_126 = arith.divsi %add3A_124, %jit3A_125 : i32
      %sign3A_127 = arith.constant 0 : i32
      %sign3A_128 = arith.cmpi sgt, %add3A_124, %sign3A_127 : i32
      %sign3A_129 = arith.extui %sign3A_128 : i1 to i32
      %sign3A_130 = arith.constant 0 : i32
      %sign3A_131 = arith.cmpi slt, %add3A_124, %sign3A_130 : i32
      %sign3A_132 = arith.extui %sign3A_131 : i1 to i32
      %sign3A_133 = arith.subi %sign3A_129, %sign3A_132 : i32
      %sign3A_134 = arith.constant 0 : i32
      %sign3A_135 = arith.cmpi sgt, %jit3A_125, %sign3A_134 : i32
      %sign3A_136 = arith.extui %sign3A_135 : i1 to i32
      %sign3A_137 = arith.constant 0 : i32
      %sign3A_138 = arith.cmpi slt, %jit3A_125, %sign3A_137 : i32
      %sign3A_139 = arith.extui %sign3A_138 : i1 to i32
      %sign3A_140 = arith.subi %sign3A_136, %sign3A_139 : i32
      %ne3A_141 = arith.cmpi ne, %sign3A_133, %sign3A_140 : i32
      %rem3A_142 = arith.remsi %add3A_124, %jit3A_125 : i32
      %ne3A_143 = arith.constant 0 : i32
      %ne3A_144 = arith.cmpi ne, %rem3A_142, %ne3A_143 : i32
      %and3A_145 = arith.andi %ne3A_141, %ne3A_144 : i1
      %sub3A_146 = arith.constant 1 : i32
      %sub3A_147 = arith.subi %div3A_126, %sub3A_146 : i32
      %select_n3A_148 = arith.select %and3A_145, %sub3A_147, %div3A_126 : i32
      %while3A = arith.constant 0 : i32
      %while3A_149 = arith.constant 0 : i32
      %while3A_150 = arith.subi %select_n3A_148, %while3A : i32
      %while3A_151 = arith.addi %while3A, %while3A_150 : i32
      %while3A_152 = arith.constant 1 : i32
      %while3A_153 = arith.divsi %while3A_150, %while3A_152 : i32
      %while3A_154 = arith.muli %while3A_153, %while3A_152 : i32
      %while3A_155 = arith.addi %while3A, %while3A_154 : i32
      %while3A_156 = arith.constant 1 : i32
      %while3A_157 = scf.for %while3A_170 = %while3A to %while3A_155 step %while3A_156 iter_args(%while3A_171 = %while3A_149) -> (i32)  : i32 {
        %mul3A_172 = arith.constant 2 : i32
        %mul3A_173 = arith.muli %while3A_170, %mul3A_172 : i32
        %add3A_174 = arith.constant 1 : i32
        %add3A_175 = arith.addi %mul3A_173, %add3A_174 : i32
        %lt3A = arith.cmpi slt, %add3A_175, %select_n3A : i32
        %convert_element_type3A_176 = arith.extui %lt3A : i1 to i32
        %cond3A_177 = arith.constant 0 : i32
        %cond3A_178 = arith.cmpi ne, %convert_element_type3A_176, %cond3A_177 : i32
        scf.if %cond3A_178 {
          %ge3A_206 = arith.constant 1 : i32
          %ge3A_207 = arith.cmpi sge, %mul3A_173, %ge3A_206 : i32
          %convert_element_type3A_208 = arith.extui %ge3A_207 : i1 to i32
          %cond3A_209 = arith.constant 0 : i32
          %cond3A_210 = arith.cmpi ne, %convert_element_type3A_208, %cond3A_209 : i32
          scf.if %cond3A_210 {
            %dma_wait3A_220 = arith.constant 0 : i32
            %dma_wait3A_221 = arith.constant 0 : i32
            %dma_wait3A_222 = tpu.memref_slice %arg5[%dma_wait3A_220, %dma_wait3A_221] : memref<10000x128xf32, #tpu.memory_space<hbm>> -> memref<80x128xf32, #tpu.memory_space<hbm>>
            %dma_wait3A_223 = arith.constant 0 : i32
            %dma_wait3A_224 = arith.constant 0 : i32
            %dma_wait3A_225 = tpu.memref_slice %arg5[%dma_wait3A_223, %dma_wait3A_224] : memref<10000x128xf32, #tpu.memory_space<hbm>> -> memref<80x128xf32, #tpu.memory_space<hbm>>
            tpu.wait_dma2 semaphore(%arg29 : memref<!tpu.dma_semaphore, #tpu.memory_space<semaphore_mem>>) src(%arg17 : memref<80x128xf32, #tpu.memory_space<vmem>>) dst(%dma_wait3A_225 : memref<80x128xf32, #tpu.memory_space<hbm>>)
          } else {
          }
          %add3A_211 = arith.constant 1 : i32
          %add3A_212 = arith.addi %mul3A_173, %add3A_211 : i32
          %mul3A_213 = arith.constant 80 : i32
          %mul3A_214 = arith.muli %add3A_212, %mul3A_213 : i32
          %add3A_215 = arith.addi %mul3A_80, %mul3A_214 : i32
          %dma_start3A_216 = arith.constant 0 : i32
          %dma_start3A_217 = tpu.memref_slice %arg2[%add3A_215, %dma_start3A_216] : memref<10000x128xf32, #tpu.memory_space<hbm>> -> memref<80x128xf32, #tpu.memory_space<hbm>>
          %dma_start3A_218 = arith.constant 0 : i32
          %dma_start3A_219 = tpu.memref_slice %arg2[%add3A_215, %dma_start3A_218] : memref<10000x128xf32, #tpu.memory_space<hbm>> -> memref<80x128xf32, #tpu.memory_space<hbm>>
          tpu.enqueue_dma source(%dma_start3A_219 : memref<80x128xf32, #tpu.memory_space<hbm>>) target(%arg17 : memref<80x128xf32, #tpu.memory_space<vmem>>) target_semaphore(%arg27 : memref<!tpu.dma_semaphore, #tpu.memory_space<semaphore_mem>>)
        } else {
        }
        %dma_wait3A_179 = arith.constant 0 : i32
        %dma_wait3A_180 = arith.constant 0 : i32
        %dma_wait3A_181 = tpu.memref_slice %arg2[%dma_wait3A_179, %dma_wait3A_180] : memref<10000x128xf32, #tpu.memory_space<hbm>> -> memref<80x128xf32, #tpu.memory_space<hbm>>
        %dma_wait3A_182 = arith.constant 0 : i32
        %dma_wait3A_183 = arith.constant 0 : i32
        %dma_wait3A_184 = tpu.memref_slice %arg2[%dma_wait3A_182, %dma_wait3A_183] : memref<10000x128xf32, #tpu.memory_space<hbm>> -> memref<80x128xf32, #tpu.memory_space<hbm>>
        tpu.wait_dma2 semaphore(%arg26 : memref<!tpu.dma_semaphore, #tpu.memory_space<semaphore_mem>>) src(%dma_wait3A_184 : memref<80x128xf32, #tpu.memory_space<hbm>>) dst(%arg16 : memref<80x128xf32, #tpu.memory_space<vmem>>)
        %scan3A_185 = arith.constant 0 : i32
        %scan3A_186 = arith.constant 0 : i32
        %scan3A_187 = arith.constant 40 : i32
        %scan3A_188 = arith.addi %scan3A_186, %scan3A_187 : i32
        %scan3A_189 = arith.constant 1 : i32
        %scan3A_190 = scf.for %scan3A_206 = %scan3A_186 to %scan3A_188 step %scan3A_189 iter_args(%scan3A_207 = %scan3A_185) -> (i32)  : i32 {
          %mul3A_208 = arith.constant 2 : i32
          %mul3A_209 = arith.muli %scan3A_206, %mul3A_208 : i32
          %add3A_210 = arith.constant 0 : i32
          %add3A_211 = arith.addi %mul3A_209, %add3A_210 : i32
          %mul3A_212 = arith.constant 80 : i32
          %mul3A_213 = arith.muli %mul3A_173, %mul3A_212 : i32
          %add3A_214 = arith.addi %mul3A_213, %add3A_211 : i32
          %broadcast_in_dim3A = vector.broadcast %add3A_214 : i32 to vector<16xi32>
          %gather3A = tpu.vector_load_idx %arg15[%broadcast_in_dim3A] : memref<640xf32, #tpu.memory_space<vmem>>[vector<16xi32>], vector<16xf32>,
          %get3A = arith.index_cast %add3A_211 : i32 to index
          %get3A_215 = arith.constant 0 : index
          %get3A_216 = tpu.vector_load %arg16[%get3A, %get3A_215] {strides = array<i32>} : memref<80x128xf32, #tpu.memory_space<vmem>>, vector<16xf32>,
          %mul3A_217 = arith.mulf %get3A_216, %gather3A : vector<16xf32>
          %swap3A = arith.index_cast %add3A_211 : i32 to index
          %swap3A_218 = arith.constant 0 : index
          %swap3A_219 = tpu.vector_load %arg16[%swap3A, %swap3A_218] {strides = array<i32>} : memref<80x128xf32, #tpu.memory_space<vmem>>, vector<16xf32>,
          tpu.vector_store %arg16[%swap3A, %swap3A_218], %mul3A_217 {strides = array<i32>} : memref<80x128xf32, #tpu.memory_space<vmem>>, vector<16xf32>,
          %get3A_220 = arith.index_cast %add3A_211 : i32 to index
          %get3A_221 = arith.constant 16 : index
          %get3A_222 = tpu.vector_load %arg16[%get3A_220, %get3A_221] {strides = array<i32>} : memref<80x128xf32, #tpu.memory_space<vmem>>, vector<16xf32>,
          %mul3A_223 = arith.mulf %get3A_222, %gather3A : vector<16xf32>
          %swap3A_224 = arith.index_cast %add3A_211 : i32 to index
          %swap3A_225 = arith.constant 16 : index
          %swap3A_226 = tpu.vector_load %arg16[%swap3A_224, %swap3A_225] {strides = array<i32>} : memref<80x128xf32, #tpu.memory_space<vmem>>, vector<16xf32>,
          tpu.vector_store %arg16[%swap3A_224, %swap3A_225], %mul3A_223 {strides = array<i32>} : memref<80x128xf32, #tpu.memory_space<vmem>>, vector<16xf32>,
          %get3A_227 = arith.index_cast %add3A_211 : i32 to index
          %get3A_228 = arith.constant 32 : index
          %get3A_229 = tpu.vector_load %arg16[%get3A_227, %get3A_228] {strides = array<i32>} : memref<80x128xf32, #tpu.memory_space<vmem>>, vector<16xf32>,
          %mul3A_230 = arith.mulf %get3A_229, %gather3A : vector<16xf32>
          %swap3A_231 = arith.index_cast %add3A_211 : i32 to index
          %swap3A_232 = arith.constant 32 : index
          %swap3A_233 = tpu.vector_load %arg16[%swap3A_231, %swap3A_232] {strides = array<i32>} : memref<80x128xf32, #tpu.memory_space<vmem>>, vector<16xf32>,
          tpu.vector_store %arg16[%swap3A_231, %swap3A_232], %mul3A_230 {strides = array<i32>} : memref<80x128xf32, #tpu.memory_space<vmem>>, vector<16xf32>,
          %get3A_234 = arith.index_cast %add3A_211 : i32 to index
          %get3A_235 = arith.constant 48 : index
          %get3A_236 = tpu.vector_load %arg16[%get3A_234, %get3A_235] {strides = array<i32>} : memref<80x128xf32, #tpu.memory_space<vmem>>, vector<16xf32>,
          %mul3A_237 = arith.mulf %get3A_236, %gather3A : vector<16xf32>
          %swap3A_238 = arith.index_cast %add3A_211 : i32 to index
          %swap3A_239 = arith.constant 48 : index
          %swap3A_240 = tpu.vector_load %arg16[%swap3A_238, %swap3A_239] {strides = array<i32>} : memref<80x128xf32, #tpu.memory_space<vmem>>, vector<16xf32>,
          tpu.vector_store %arg16[%swap3A_238, %swap3A_239], %mul3A_237 {strides = array<i32>} : memref<80x128xf32, #tpu.memory_space<vmem>>, vector<16xf32>,
          %get3A_241 = arith.index_cast %add3A_211 : i32 to index
          %get3A_242 = arith.constant 64 : index
          %get3A_243 = tpu.vector_load %arg16[%get3A_241, %get3A_242] {strides = array<i32>} : memref<80x128xf32, #tpu.memory_space<vmem>>, vector<16xf32>,
          %mul3A_244 = arith.mulf %get3A_243, %gather3A : vector<16xf32>
          %swap3A_245 = arith.index_cast %add3A_211 : i32 to index
          %swap3A_246 = arith.constant 64 : index
          %swap3A_247 = tpu.vector_load %arg16[%swap3A_245, %swap3A_246] {strides = array<i32>} : memref<80x128xf32, #tpu.memory_space<vmem>>, vector<16xf32>,
          tpu.vector_store %arg16[%swap3A_245, %swap3A_246], %mul3A_244 {strides = array<i32>} : memref<80x128xf32, #tpu.memory_space<vmem>>, vector<16xf32>,
          %get3A_248 = arith.index_cast %add3A_211 : i32 to index
          %get3A_249 = arith.constant 80 : index
          %get3A_250 = tpu.vector_load %arg16[%get3A_248, %get3A_249] {strides = array<i32>} : memref<80x128xf32, #tpu.memory_space<vmem>>, vector<16xf32>,
          %mul3A_251 = arith.mulf %get3A_250, %gather3A : vector<16xf32>
          %swap3A_252 = arith.index_cast %add3A_211 : i32 to index
          %swap3A_253 = arith.constant 80 : index
          %swap3A_254 = tpu.vector_load %arg16[%swap3A_252, %swap3A_253] {strides = array<i32>} : memref<80x128xf32, #tpu.memory_space<vmem>>, vector<16xf32>,
          tpu.vector_store %arg16[%swap3A_252, %swap3A_253], %mul3A_251 {strides = array<i32>} : memref<80x128xf32, #tpu.memory_space<vmem>>, vector<16xf32>,
          %get3A_255 = arith.index_cast %add3A_211 : i32 to index
          %get3A_256 = arith.constant 96 : index
          %get3A_257 = tpu.vector_load %arg16[%get3A_255, %get3A_256] {strides = array<i32>} : memref<80x128xf32, #tpu.memory_space<vmem>>, vector<16xf32>,
          %mul3A_258 = arith.mulf %get3A_257, %gather3A : vector<16xf32>
          %swap3A_259 = arith.index_cast %add3A_211 : i32 to index
          %swap3A_260 = arith.constant 96 : index
          %swap3A_261 = tpu.vector_load %arg16[%swap3A_259, %swap3A_260] {strides = array<i32>} : memref<80x128xf32, #tpu.memory_space<vmem>>, vector<16xf32>,
          tpu.vector_store %arg16[%swap3A_259, %swap3A_260], %mul3A_258 {strides = array<i32>} : memref<80x128xf32, #tpu.memory_space<vmem>>, vector<16xf32>,
          %get3A_262 = arith.index_cast %add3A_211 : i32 to index
          %get3A_263 = arith.constant 112 : index
          %get3A_264 = tpu.vector_load %arg16[%get3A_262, %get3A_263] {strides = array<i32>} : memref<80x128xf32, #tpu.memory_space<vmem>>, vector<16xf32>,
          %mul3A_265 = arith.mulf %get3A_264, %gather3A : vector<16xf32>
          %swap3A_266 = arith.index_cast %add3A_211 : i32 to index
          %swap3A_267 = arith.constant 112 : index
          %swap3A_268 = tpu.vector_load %arg16[%swap3A_266, %swap3A_267] {strides = array<i32>} : memref<80x128xf32, #tpu.memory_space<vmem>>, vector<16xf32>,
          tpu.vector_store %arg16[%swap3A_266, %swap3A_267], %mul3A_265 {strides = array<i32>} : memref<80x128xf32, #tpu.memory_space<vmem>>, vector<16xf32>,
          %mul3A_269 = arith.constant 2 : i32
          %mul3A_270 = arith.muli %scan3A_206, %mul3A_269 : i32
          %add3A_271 = arith.constant 1 : i32
          %add3A_272 = arith.addi %mul3A_270, %add3A_271 : i32
          %mul3A_273 = arith.constant 80 : i32
          %mul3A_274 = arith.muli %mul3A_173, %mul3A_273 : i32
          %add3A_275 = arith.addi %mul3A_274, %add3A_272 : i32
          %broadcast_in_dim3A_276 = vector.broadcast %add3A_275 : i32 to vector<16xi32>
          %gather3A_277 = tpu.vector_load_idx %arg15[%broadcast_in_dim3A_276] : memref<640xf32, #tpu.memory_space<vmem>>[vector<16xi32>], vector<16xf32>,
          %get3A_278 = arith.index_cast %add3A_272 : i32 to index
          %get3A_279 = arith.constant 0 : index
          %get3A_280 = tpu.vector_load %arg16[%get3A_278, %get3A_279] {strides = array<i32>} : memref<80x128xf32, #tpu.memory_space<vmem>>, vector<16xf32>,
          %mul3A_281 = arith.mulf %get3A_280, %gather3A_277 : vector<16xf32>
          %swap3A_282 = arith.index_cast %add3A_272 : i32 to index
          %swap3A_283 = arith.constant 0 : index
          %swap3A_284 = tpu.vector_load %arg16[%swap3A_282, %swap3A_283] {strides = array<i32>} : memref<80x128xf32, #tpu.memory_space<vmem>>, vector<16xf32>,
          tpu.vector_store %arg16[%swap3A_282, %swap3A_283], %mul3A_281 {strides = array<i32>} : memref<80x128xf32, #tpu.memory_space<vmem>>, vector<16xf32>,
          %get3A_285 = arith.index_cast %add3A_272 : i32 to index
          %get3A_286 = arith.constant 16 : index
          %get3A_287 = tpu.vector_load %arg16[%get3A_285, %get3A_286] {strides = array<i32>} : memref<80x128xf32, #tpu.memory_space<vmem>>, vector<16xf32>,
          %mul3A_288 = arith.mulf %get3A_287, %gather3A_277 : vector<16xf32>
          %swap3A_289 = arith.index_cast %add3A_272 : i32 to index
          %swap3A_290 = arith.constant 16 : index
          %swap3A_291 = tpu.vector_load %arg16[%swap3A_289, %swap3A_290] {strides = array<i32>} : memref<80x128xf32, #tpu.memory_space<vmem>>, vector<16xf32>,
          tpu.vector_store %arg16[%swap3A_289, %swap3A_290], %mul3A_288 {strides = array<i32>} : memref<80x128xf32, #tpu.memory_space<vmem>>, vector<16xf32>,
          %get3A_292 = arith.index_cast %add3A_272 : i32 to index
          %get3A_293 = arith.constant 32 : index
          %get3A_294 = tpu.vector_load %arg16[%get3A_292, %get3A_293] {strides = array<i32>} : memref<80x128xf32, #tpu.memory_space<vmem>>, vector<16xf32>,
          %mul3A_295 = arith.mulf %get3A_294, %gather3A_277 : vector<16xf32>
          %swap3A_296 = arith.index_cast %add3A_272 : i32 to index
          %swap3A_297 = arith.constant 32 : index
          %swap3A_298 = tpu.vector_load %arg16[%swap3A_296, %swap3A_297] {strides = array<i32>} : memref<80x128xf32, #tpu.memory_space<vmem>>, vector<16xf32>,
          tpu.vector_store %arg16[%swap3A_296, %swap3A_297], %mul3A_295 {strides = array<i32>} : memref<80x128xf32, #tpu.memory_space<vmem>>, vector<16xf32>,
          %get3A_299 = arith.index_cast %add3A_272 : i32 to index
          %get3A_300 = arith.constant 48 : index
          %get3A_301 = tpu.vector_load %arg16[%get3A_299, %get3A_300] {strides = array<i32>} : memref<80x128xf32, #tpu.memory_space<vmem>>, vector<16xf32>,
          %mul3A_302 = arith.mulf %get3A_301, %gather3A_277 : vector<16xf32>
          %swap3A_303 = arith.index_cast %add3A_272 : i32 to index
          %swap3A_304 = arith.constant 48 : index
          %swap3A_305 = tpu.vector_load %arg16[%swap3A_303, %swap3A_304] {strides = array<i32>} : memref<80x128xf32, #tpu.memory_space<vmem>>, vector<16xf32>,
          tpu.vector_store %arg16[%swap3A_303, %swap3A_304], %mul3A_302 {strides = array<i32>} : memref<80x128xf32, #tpu.memory_space<vmem>>, vector<16xf32>,
          %get3A_306 = arith.index_cast %add3A_272 : i32 to index
          %get3A_307 = arith.constant 64 : index
          %get3A_308 = tpu.vector_load %arg16[%get3A_306, %get3A_307] {strides = array<i32>} : memref<80x128xf32, #tpu.memory_space<vmem>>, vector<16xf32>,
          %mul3A_309 = arith.mulf %get3A_308, %gather3A_277 : vector<16xf32>
          %swap3A_310 = arith.index_cast %add3A_272 : i32 to index
          %swap3A_311 = arith.constant 64 : index
          %swap3A_312 = tpu.vector_load %arg16[%swap3A_310, %swap3A_311] {strides = array<i32>} : memref<80x128xf32, #tpu.memory_space<vmem>>, vector<16xf32>,
          tpu.vector_store %arg16[%swap3A_310, %swap3A_311], %mul3A_309 {strides = array<i32>} : memref<80x128xf32, #tpu.memory_space<vmem>>, vector<16xf32>,
          %get3A_313 = arith.index_cast %add3A_272 : i32 to index
          %get3A_314 = arith.constant 80 : index
          %get3A_315 = tpu.vector_load %arg16[%get3A_313, %get3A_314] {strides = array<i32>} : memref<80x128xf32, #tpu.memory_space<vmem>>, vector<16xf32>,
          %mul3A_316 = arith.mulf %get3A_315, %gather3A_277 : vector<16xf32>
          %swap3A_317 = arith.index_cast %add3A_272 : i32 to index
          %swap3A_318 = arith.constant 80 : index
          %swap3A_319 = tpu.vector_load %arg16[%swap3A_317, %swap3A_318] {strides = array<i32>} : memref<80x128xf32, #tpu.memory_space<vmem>>, vector<16xf32>,
          tpu.vector_store %arg16[%swap3A_317, %swap3A_318], %mul3A_316 {strides = array<i32>} : memref<80x128xf32, #tpu.memory_space<vmem>>, vector<16xf32>,
          %get3A_320 = arith.index_cast %add3A_272 : i32 to index
          %get3A_321 = arith.constant 96 : index
          %get3A_322 = tpu.vector_load %arg16[%get3A_320, %get3A_321] {strides = array<i32>} : memref<80x128xf32, #tpu.memory_space<vmem>>, vector<16xf32>,
          %mul3A_323 = arith.mulf %get3A_322, %gather3A_277 : vector<16xf32>
          %swap3A_324 = arith.index_cast %add3A_272 : i32 to index
          %swap3A_325 = arith.constant 96 : index
          %swap3A_326 = tpu.vector_load %arg16[%swap3A_324, %swap3A_325] {strides = array<i32>} : memref<80x128xf32, #tpu.memory_space<vmem>>, vector<16xf32>,
          tpu.vector_store %arg16[%swap3A_324, %swap3A_325], %mul3A_323 {strides = array<i32>} : memref<80x128xf32, #tpu.memory_space<vmem>>, vector<16xf32>,
          %get3A_327 = arith.index_cast %add3A_272 : i32 to index
          %get3A_328 = arith.constant 112 : index
          %get3A_329 = tpu.vector_load %arg16[%get3A_327, %get3A_328] {strides = array<i32>} : memref<80x128xf32, #tpu.memory_space<vmem>>, vector<16xf32>,
          %mul3A_330 = arith.mulf %get3A_329, %gather3A_277 : vector<16xf32>
          %swap3A_331 = arith.index_cast %add3A_272 : i32 to index
          %swap3A_332 = arith.constant 112 : index
          %swap3A_333 = tpu.vector_load %arg16[%swap3A_331, %swap3A_332] {strides = array<i32>} : memref<80x128xf32, #tpu.memory_space<vmem>>, vector<16xf32>,
          tpu.vector_store %arg16[%swap3A_331, %swap3A_332], %mul3A_330 {strides = array<i32>} : memref<80x128xf32, #tpu.memory_space<vmem>>, vector<16xf32>,
          %scan3A_334 = arith.constant 0 : i32
          scf.yield %scan3A_334 : i32
        }
        %scan3A_191 = arith.constant 40 : i32
        %mul3A_192 = arith.constant 80 : i32
        %mul3A_193 = arith.muli %mul3A_173, %mul3A_192 : i32
        %add3A_194 = arith.addi %mul3A_80, %mul3A_193 : i32
        %dma_start3A_195 = arith.constant 0 : i32
        %dma_start3A_196 = tpu.memref_slice %arg5[%add3A_194, %dma_start3A_195] : memref<10000x128xf32, #tpu.memory_space<hbm>> -> memref<80x128xf32, #tpu.memory_space<hbm>>
        %dma_start3A_197 = arith.constant 0 : i32
        %dma_start3A_198 = tpu.memref_slice %arg5[%add3A_194, %dma_start3A_197] : memref<10000x128xf32, #tpu.memory_space<hbm>> -> memref<80x128xf32, #tpu.memory_space<hbm>>
        tpu.enqueue_dma source(%arg16 : memref<80x128xf32, #tpu.memory_space<vmem>>) target(%dma_start3A_198 : memref<80x128xf32, #tpu.memory_space<hbm>>) target_semaphore(%arg28 : memref<!tpu.dma_semaphore, #tpu.memory_space<semaphore_mem>>)
        %add3A_199 = arith.constant 1 : i32
        %add3A_200 = arith.addi %mul3A_173, %add3A_199 : i32
        %lt3A_201 = arith.cmpi slt, %add3A_200, %select_n3A : i32
        %convert_element_type3A_202 = arith.extui %lt3A_201 : i1 to i32
        %cond3A_203 = arith.constant 0 : i32
        %cond3A_204 = arith.cmpi ne, %convert_element_type3A_202, %cond3A_203 : i32
        scf.if %cond3A_204 {
          %add3A_206 = arith.constant 2 : i32
          %add3A_207 = arith.addi %mul3A_173, %add3A_206 : i32
          %lt3A_208 = arith.cmpi slt, %add3A_207, %select_n3A : i32
          %convert_element_type3A_209 = arith.extui %lt3A_208 : i1 to i32
          %cond3A_210 = arith.constant 0 : i32
          %cond3A_211 = arith.cmpi ne, %convert_element_type3A_209, %cond3A_210 : i32
          scf.if %cond3A_211 {
            %dma_wait3A_236 = arith.constant 0 : i32
            %dma_wait3A_237 = arith.constant 0 : i32
            %dma_wait3A_238 = tpu.memref_slice %arg5[%dma_wait3A_236, %dma_wait3A_237] : memref<10000x128xf32, #tpu.memory_space<hbm>> -> memref<80x128xf32, #tpu.memory_space<hbm>>
            %dma_wait3A_239 = arith.constant 0 : i32
            %dma_wait3A_240 = arith.constant 0 : i32
            %dma_wait3A_241 = tpu.memref_slice %arg5[%dma_wait3A_239, %dma_wait3A_240] : memref<10000x128xf32, #tpu.memory_space<hbm>> -> memref<80x128xf32, #tpu.memory_space<hbm>>
            tpu.wait_dma2 semaphore(%arg28 : memref<!tpu.dma_semaphore, #tpu.memory_space<semaphore_mem>>) src(%arg16 : memref<80x128xf32, #tpu.memory_space<vmem>>) dst(%dma_wait3A_241 : memref<80x128xf32, #tpu.memory_space<hbm>>)
            %add3A_242 = arith.constant 2 : i32
            %add3A_243 = arith.addi %mul3A_173, %add3A_242 : i32
            %mul3A_244 = arith.constant 80 : i32
            %mul3A_245 = arith.muli %add3A_243, %mul3A_244 : i32
            %add3A_246 = arith.addi %mul3A_80, %mul3A_245 : i32
            %dma_start3A_247 = arith.constant 0 : i32
            %dma_start3A_248 = tpu.memref_slice %arg2[%add3A_246, %dma_start3A_247] : memref<10000x128xf32, #tpu.memory_space<hbm>> -> memref<80x128xf32, #tpu.memory_space<hbm>>
            %dma_start3A_249 = arith.constant 0 : i32
            %dma_start3A_250 = tpu.memref_slice %arg2[%add3A_246, %dma_start3A_249] : memref<10000x128xf32, #tpu.memory_space<hbm>> -> memref<80x128xf32, #tpu.memory_space<hbm>>
            tpu.enqueue_dma source(%dma_start3A_250 : memref<80x128xf32, #tpu.memory_space<hbm>>) target(%arg16 : memref<80x128xf32, #tpu.memory_space<vmem>>) target_semaphore(%arg26 : memref<!tpu.dma_semaphore, #tpu.memory_space<semaphore_mem>>)
          } else {
          }
          %dma_wait3A_212 = arith.constant 0 : i32
          %dma_wait3A_213 = arith.constant 0 : i32
          %dma_wait3A_214 = tpu.memref_slice %arg2[%dma_wait3A_212, %dma_wait3A_213] : memref<10000x128xf32, #tpu.memory_space<hbm>> -> memref<80x128xf32, #tpu.memory_space<hbm>>
          %dma_wait3A_215 = arith.constant 0 : i32
          %dma_wait3A_216 = arith.constant 0 : i32
          %dma_wait3A_217 = tpu.memref_slice %arg2[%dma_wait3A_215, %dma_wait3A_216] : memref<10000x128xf32, #tpu.memory_space<hbm>> -> memref<80x128xf32, #tpu.memory_space<hbm>>
          tpu.wait_dma2 semaphore(%arg27 : memref<!tpu.dma_semaphore, #tpu.memory_space<semaphore_mem>>) src(%dma_wait3A_217 : memref<80x128xf32, #tpu.memory_space<hbm>>) dst(%arg17 : memref<80x128xf32, #tpu.memory_space<vmem>>)
          %add3A_218 = arith.constant 1 : i32
          %add3A_219 = arith.addi %mul3A_173, %add3A_218 : i32
          %scan3A_220 = arith.constant 0 : i32
          %scan3A_221 = arith.constant 0 : i32
          %scan3A_222 = arith.constant 40 : i32
          %scan3A_223 = arith.addi %scan3A_221, %scan3A_222 : i32
          %scan3A_224 = arith.constant 1 : i32
          %scan3A_225 = scf.for %scan3A_236 = %scan3A_221 to %scan3A_223 step %scan3A_224 iter_args(%scan3A_237 = %scan3A_220) -> (i32)  : i32 {
            %mul3A_238 = arith.constant 2 : i32
            %mul3A_239 = arith.muli %scan3A_236, %mul3A_238 : i32
            %add3A_240 = arith.constant 0 : i32
            %add3A_241 = arith.addi %mul3A_239, %add3A_240 : i32
            %mul3A_242 = arith.constant 80 : i32
            %mul3A_243 = arith.muli %add3A_219, %mul3A_242 : i32
            %add3A_244 = arith.addi %mul3A_243, %add3A_241 : i32
            %broadcast_in_dim3A = vector.broadcast %add3A_244 : i32 to vector<16xi32>
            %gather3A = tpu.vector_load_idx %arg15[%broadcast_in_dim3A] : memref<640xf32, #tpu.memory_space<vmem>>[vector<16xi32>], vector<16xf32>,
            %get3A = arith.index_cast %add3A_241 : i32 to index
            %get3A_245 = arith.constant 0 : index
            %get3A_246 = tpu.vector_load %arg17[%get3A, %get3A_245] {strides = array<i32>} : memref<80x128xf32, #tpu.memory_space<vmem>>, vector<16xf32>,
            %mul3A_247 = arith.mulf %get3A_246, %gather3A : vector<16xf32>
            %swap3A = arith.index_cast %add3A_241 : i32 to index
            %swap3A_248 = arith.constant 0 : index
            %swap3A_249 = tpu.vector_load %arg17[%swap3A, %swap3A_248] {strides = array<i32>} : memref<80x128xf32, #tpu.memory_space<vmem>>, vector<16xf32>,
            tpu.vector_store %arg17[%swap3A, %swap3A_248], %mul3A_247 {strides = array<i32>} : memref<80x128xf32, #tpu.memory_space<vmem>>, vector<16xf32>,
            %get3A_250 = arith.index_cast %add3A_241 : i32 to index
            %get3A_251 = arith.constant 16 : index
            %get3A_252 = tpu.vector_load %arg17[%get3A_250, %get3A_251] {strides = array<i32>} : memref<80x128xf32, #tpu.memory_space<vmem>>, vector<16xf32>,
            %mul3A_253 = arith.mulf %get3A_252, %gather3A : vector<16xf32>
            %swap3A_254 = arith.index_cast %add3A_241 : i32 to index
            %swap3A_255 = arith.constant 16 : index
            %swap3A_256 = tpu.vector_load %arg17[%swap3A_254, %swap3A_255] {strides = array<i32>} : memref<80x128xf32, #tpu.memory_space<vmem>>, vector<16xf32>,
            tpu.vector_store %arg17[%swap3A_254, %swap3A_255], %mul3A_253 {strides = array<i32>} : memref<80x128xf32, #tpu.memory_space<vmem>>, vector<16xf32>,
            %get3A_257 = arith.index_cast %add3A_241 : i32 to index
            %get3A_258 = arith.constant 32 : index
            %get3A_259 = tpu.vector_load %arg17[%get3A_257, %get3A_258] {strides = array<i32>} : memref<80x128xf32, #tpu.memory_space<vmem>>, vector<16xf32>,
            %mul3A_260 = arith.mulf %get3A_259, %gather3A : vector<16xf32>
            %swap3A_261 = arith.index_cast %add3A_241 : i32 to index
            %swap3A_262 = arith.constant 32 : index
            %swap3A_263 = tpu.vector_load %arg17[%swap3A_261, %swap3A_262] {strides = array<i32>} : memref<80x128xf32, #tpu.memory_space<vmem>>, vector<16xf32>,
            tpu.vector_store %arg17[%swap3A_261, %swap3A_262], %mul3A_260 {strides = array<i32>} : memref<80x128xf32, #tpu.memory_space<vmem>>, vector<16xf32>,
            %get3A_264 = arith.index_cast %add3A_241 : i32 to index
            %get3A_265 = arith.constant 48 : index
            %get3A_266 = tpu.vector_load %arg17[%get3A_264, %get3A_265] {strides = array<i32>} : memref<80x128xf32, #tpu.memory_space<vmem>>, vector<16xf32>,
            %mul3A_267 = arith.mulf %get3A_266, %gather3A : vector<16xf32>
            %swap3A_268 = arith.index_cast %add3A_241 : i32 to index
            %swap3A_269 = arith.constant 48 : index
            %swap3A_270 = tpu.vector_load %arg17[%swap3A_268, %swap3A_269] {strides = array<i32>} : memref<80x128xf32, #tpu.memory_space<vmem>>, vector<16xf32>,
            tpu.vector_store %arg17[%swap3A_268, %swap3A_269], %mul3A_267 {strides = array<i32>} : memref<80x128xf32, #tpu.memory_space<vmem>>, vector<16xf32>,
            %get3A_271 = arith.index_cast %add3A_241 : i32 to index
            %get3A_272 = arith.constant 64 : index
            %get3A_273 = tpu.vector_load %arg17[%get3A_271, %get3A_272] {strides = array<i32>} : memref<80x128xf32, #tpu.memory_space<vmem>>, vector<16xf32>,
            %mul3A_274 = arith.mulf %get3A_273, %gather3A : vector<16xf32>
            %swap3A_275 = arith.index_cast %add3A_241 : i32 to index
            %swap3A_276 = arith.constant 64 : index
            %swap3A_277 = tpu.vector_load %arg17[%swap3A_275, %swap3A_276] {strides = array<i32>} : memref<80x128xf32, #tpu.memory_space<vmem>>, vector<16xf32>,
            tpu.vector_store %arg17[%swap3A_275, %swap3A_276], %mul3A_274 {strides = array<i32>} : memref<80x128xf32, #tpu.memory_space<vmem>>, vector<16xf32>,
            %get3A_278 = arith.index_cast %add3A_241 : i32 to index
            %get3A_279 = arith.constant 80 : index
            %get3A_280 = tpu.vector_load %arg17[%get3A_278, %get3A_279] {strides = array<i32>} : memref<80x128xf32, #tpu.memory_space<vmem>>, vector<16xf32>,
            %mul3A_281 = arith.mulf %get3A_280, %gather3A : vector<16xf32>
            %swap3A_282 = arith.index_cast %add3A_241 : i32 to index
            %swap3A_283 = arith.constant 80 : index
            %swap3A_284 = tpu.vector_load %arg17[%swap3A_282, %swap3A_283] {strides = array<i32>} : memref<80x128xf32, #tpu.memory_space<vmem>>, vector<16xf32>,
            tpu.vector_store %arg17[%swap3A_282, %swap3A_283], %mul3A_281 {strides = array<i32>} : memref<80x128xf32, #tpu.memory_space<vmem>>, vector<16xf32>,
            %get3A_285 = arith.index_cast %add3A_241 : i32 to index
            %get3A_286 = arith.constant 96 : index
            %get3A_287 = tpu.vector_load %arg17[%get3A_285, %get3A_286] {strides = array<i32>} : memref<80x128xf32, #tpu.memory_space<vmem>>, vector<16xf32>,
            %mul3A_288 = arith.mulf %get3A_287, %gather3A : vector<16xf32>
            %swap3A_289 = arith.index_cast %add3A_241 : i32 to index
            %swap3A_290 = arith.constant 96 : index
            %swap3A_291 = tpu.vector_load %arg17[%swap3A_289, %swap3A_290] {strides = array<i32>} : memref<80x128xf32, #tpu.memory_space<vmem>>, vector<16xf32>,
            tpu.vector_store %arg17[%swap3A_289, %swap3A_290], %mul3A_288 {strides = array<i32>} : memref<80x128xf32, #tpu.memory_space<vmem>>, vector<16xf32>,
            %get3A_292 = arith.index_cast %add3A_241 : i32 to index
            %get3A_293 = arith.constant 112 : index
            %get3A_294 = tpu.vector_load %arg17[%get3A_292, %get3A_293] {strides = array<i32>} : memref<80x128xf32, #tpu.memory_space<vmem>>, vector<16xf32>,
            %mul3A_295 = arith.mulf %get3A_294, %gather3A : vector<16xf32>
            %swap3A_296 = arith.index_cast %add3A_241 : i32 to index
            %swap3A_297 = arith.constant 112 : index
            %swap3A_298 = tpu.vector_load %arg17[%swap3A_296, %swap3A_297] {strides = array<i32>} : memref<80x128xf32, #tpu.memory_space<vmem>>, vector<16xf32>,
            tpu.vector_store %arg17[%swap3A_296, %swap3A_297], %mul3A_295 {strides = array<i32>} : memref<80x128xf32, #tpu.memory_space<vmem>>, vector<16xf32>,
            %mul3A_299 = arith.constant 2 : i32
            %mul3A_300 = arith.muli %scan3A_236, %mul3A_299 : i32
            %add3A_301 = arith.constant 1 : i32
            %add3A_302 = arith.addi %mul3A_300, %add3A_301 : i32
            %mul3A_303 = arith.constant 80 : i32
            %mul3A_304 = arith.muli %add3A_219, %mul3A_303 : i32
            %add3A_305 = arith.addi %mul3A_304, %add3A_302 : i32
            %broadcast_in_dim3A_306 = vector.broadcast %add3A_305 : i32 to vector<16xi32>
            %gather3A_307 = tpu.vector_load_idx %arg15[%broadcast_in_dim3A_306] : memref<640xf32, #tpu.memory_space<vmem>>[vector<16xi32>], vector<16xf32>,
            %get3A_308 = arith.index_cast %add3A_302 : i32 to index
            %get3A_309 = arith.constant 0 : index
            %get3A_310 = tpu.vector_load %arg17[%get3A_308, %get3A_309] {strides = array<i32>} : memref<80x128xf32, #tpu.memory_space<vmem>>, vector<16xf32>,
            %mul3A_311 = arith.mulf %get3A_310, %gather3A_307 : vector<16xf32>
            %swap3A_312 = arith.index_cast %add3A_302 : i32 to index
            %swap3A_313 = arith.constant 0 : index
            %swap3A_314 = tpu.vector_load %arg17[%swap3A_312, %swap3A_313] {strides = array<i32>} : memref<80x128xf32, #tpu.memory_space<vmem>>, vector<16xf32>,
            tpu.vector_store %arg17[%swap3A_312, %swap3A_313], %mul3A_311 {strides = array<i32>} : memref<80x128xf32, #tpu.memory_space<vmem>>, vector<16xf32>,
            %get3A_315 = arith.index_cast %add3A_302 : i32 to index
            %get3A_316 = arith.constant 16 : index
            %get3A_317 = tpu.vector_load %arg17[%get3A_315, %get3A_316] {strides = array<i32>} : memref<80x128xf32, #tpu.memory_space<vmem>>, vector<16xf32>,
            %mul3A_318 = arith.mulf %get3A_317, %gather3A_307 : vector<16xf32>
            %swap3A_319 = arith.index_cast %add3A_302 : i32 to index
            %swap3A_320 = arith.constant 16 : index
            %swap3A_321 = tpu.vector_load %arg17[%swap3A_319, %swap3A_320] {strides = array<i32>} : memref<80x128xf32, #tpu.memory_space<vmem>>, vector<16xf32>,
            tpu.vector_store %arg17[%swap3A_319, %swap3A_320], %mul3A_318 {strides = array<i32>} : memref<80x128xf32, #tpu.memory_space<vmem>>, vector<16xf32>,
            %get3A_322 = arith.index_cast %add3A_302 : i32 to index
            %get3A_323 = arith.constant 32 : index
            %get3A_324 = tpu.vector_load %arg17[%get3A_322, %get3A_323] {strides = array<i32>} : memref<80x128xf32, #tpu.memory_space<vmem>>, vector<16xf32>,
            %mul3A_325 = arith.mulf %get3A_324, %gather3A_307 : vector<16xf32>
            %swap3A_326 = arith.index_cast %add3A_302 : i32 to index
            %swap3A_327 = arith.constant 32 : index
            %swap3A_328 = tpu.vector_load %arg17[%swap3A_326, %swap3A_327] {strides = array<i32>} : memref<80x128xf32, #tpu.memory_space<vmem>>, vector<16xf32>,
            tpu.vector_store %arg17[%swap3A_326, %swap3A_327], %mul3A_325 {strides = array<i32>} : memref<80x128xf32, #tpu.memory_space<vmem>>, vector<16xf32>,
            %get3A_329 = arith.index_cast %add3A_302 : i32 to index
            %get3A_330 = arith.constant 48 : index
            %get3A_331 = tpu.vector_load %arg17[%get3A_329, %get3A_330] {strides = array<i32>} : memref<80x128xf32, #tpu.memory_space<vmem>>, vector<16xf32>,
            %mul3A_332 = arith.mulf %get3A_331, %gather3A_307 : vector<16xf32>
            %swap3A_333 = arith.index_cast %add3A_302 : i32 to index
            %swap3A_334 = arith.constant 48 : index
            %swap3A_335 = tpu.vector_load %arg17[%swap3A_333, %swap3A_334] {strides = array<i32>} : memref<80x128xf32, #tpu.memory_space<vmem>>, vector<16xf32>,
            tpu.vector_store %arg17[%swap3A_333, %swap3A_334], %mul3A_332 {strides = array<i32>} : memref<80x128xf32, #tpu.memory_space<vmem>>, vector<16xf32>,
            %get3A_336 = arith.index_cast %add3A_302 : i32 to index
            %get3A_337 = arith.constant 64 : index
            %get3A_338 = tpu.vector_load %arg17[%get3A_336, %get3A_337] {strides = array<i32>} : memref<80x128xf32, #tpu.memory_space<vmem>>, vector<16xf32>,
            %mul3A_339 = arith.mulf %get3A_338, %gather3A_307 : vector<16xf32>
            %swap3A_340 = arith.index_cast %add3A_302 : i32 to index
            %swap3A_341 = arith.constant 64 : index
            %swap3A_342 = tpu.vector_load %arg17[%swap3A_340, %swap3A_341] {strides = array<i32>} : memref<80x128xf32, #tpu.memory_space<vmem>>, vector<16xf32>,
            tpu.vector_store %arg17[%swap3A_340, %swap3A_341], %mul3A_339 {strides = array<i32>} : memref<80x128xf32, #tpu.memory_space<vmem>>, vector<16xf32>,
            %get3A_343 = arith.index_cast %add3A_302 : i32 to index
            %get3A_344 = arith.constant 80 : index
            %get3A_345 = tpu.vector_load %arg17[%get3A_343, %get3A_344] {strides = array<i32>} : memref<80x128xf32, #tpu.memory_space<vmem>>, vector<16xf32>,
            %mul3A_346 = arith.mulf %get3A_345, %gather3A_307 : vector<16xf32>
            %swap3A_347 = arith.index_cast %add3A_302 : i32 to index
            %swap3A_348 = arith.constant 80 : index
            %swap3A_349 = tpu.vector_load %arg17[%swap3A_347, %swap3A_348] {strides = array<i32>} : memref<80x128xf32, #tpu.memory_space<vmem>>, vector<16xf32>,
            tpu.vector_store %arg17[%swap3A_347, %swap3A_348], %mul3A_346 {strides = array<i32>} : memref<80x128xf32, #tpu.memory_space<vmem>>, vector<16xf32>,
            %get3A_350 = arith.index_cast %add3A_302 : i32 to index
            %get3A_351 = arith.constant 96 : index
            %get3A_352 = tpu.vector_load %arg17[%get3A_350, %get3A_351] {strides = array<i32>} : memref<80x128xf32, #tpu.memory_space<vmem>>, vector<16xf32>,
            %mul3A_353 = arith.mulf %get3A_352, %gather3A_307 : vector<16xf32>
            %swap3A_354 = arith.index_cast %add3A_302 : i32 to index
            %swap3A_355 = arith.constant 96 : index
            %swap3A_356 = tpu.vector_load %arg17[%swap3A_354, %swap3A_355] {strides = array<i32>} : memref<80x128xf32, #tpu.memory_space<vmem>>, vector<16xf32>,
            tpu.vector_store %arg17[%swap3A_354, %swap3A_355], %mul3A_353 {strides = array<i32>} : memref<80x128xf32, #tpu.memory_space<vmem>>, vector<16xf32>,
            %get3A_357 = arith.index_cast %add3A_302 : i32 to index
            %get3A_358 = arith.constant 112 : index
            %get3A_359 = tpu.vector_load %arg17[%get3A_357, %get3A_358] {strides = array<i32>} : memref<80x128xf32, #tpu.memory_space<vmem>>, vector<16xf32>,
            %mul3A_360 = arith.mulf %get3A_359, %gather3A_307 : vector<16xf32>
            %swap3A_361 = arith.index_cast %add3A_302 : i32 to index
            %swap3A_362 = arith.constant 112 : index
            %swap3A_363 = tpu.vector_load %arg17[%swap3A_361, %swap3A_362] {strides = array<i32>} : memref<80x128xf32, #tpu.memory_space<vmem>>, vector<16xf32>,
            tpu.vector_store %arg17[%swap3A_361, %swap3A_362], %mul3A_360 {strides = array<i32>} : memref<80x128xf32, #tpu.memory_space<vmem>>, vector<16xf32>,
            %scan3A_364 = arith.constant 0 : i32
            scf.yield %scan3A_364 : i32
          }
          %scan3A_226 = arith.constant 40 : i32
          %add3A_227 = arith.constant 1 : i32
          %add3A_228 = arith.addi %mul3A_173, %add3A_227 : i32
          %mul3A_229 = arith.constant 80 : i32
          %mul3A_230 = arith.muli %add3A_228, %mul3A_229 : i32
          %add3A_231 = arith.addi %mul3A_80, %mul3A_230 : i32
          %dma_start3A_232 = arith.constant 0 : i32
          %dma_start3A_233 = tpu.memref_slice %arg5[%add3A_231, %dma_start3A_232] : memref<10000x128xf32, #tpu.memory_space<hbm>> -> memref<80x128xf32, #tpu.memory_space<hbm>>
          %dma_start3A_234 = arith.constant 0 : i32
          %dma_start3A_235 = tpu.memref_slice %arg5[%add3A_231, %dma_start3A_234] : memref<10000x128xf32, #tpu.memory_space<hbm>> -> memref<80x128xf32, #tpu.memory_space<hbm>>
          tpu.enqueue_dma source(%arg17 : memref<80x128xf32, #tpu.memory_space<vmem>>) target(%dma_start3A_235 : memref<80x128xf32, #tpu.memory_space<hbm>>) target_semaphore(%arg29 : memref<!tpu.dma_semaphore, #tpu.memory_space<semaphore_mem>>)
        } else {
        }
        %while3A_205 = arith.constant 0 : i32
        scf.yield %while3A_205 : i32
      }
      %while3A_158 = arith.constant 1 : i32
      %while3A_159 = scf.for %while3A_170 = %while3A_155 to %while3A_151 step %while3A_158 iter_args(%while3A_171 = %while3A_157) -> (i32)  : i32 {
        %mul3A_172 = arith.constant 2 : i32
        %mul3A_173 = arith.muli %while3A_170, %mul3A_172 : i32
        %add3A_174 = arith.constant 1 : i32
        %add3A_175 = arith.addi %mul3A_173, %add3A_174 : i32
        %lt3A = arith.cmpi slt, %add3A_175, %select_n3A : i32
        %convert_element_type3A_176 = arith.extui %lt3A : i1 to i32
        %cond3A_177 = arith.constant 0 : i32
        %cond3A_178 = arith.cmpi ne, %convert_element_type3A_176, %cond3A_177 : i32
        scf.if %cond3A_178 {
          %ge3A_206 = arith.constant 1 : i32
          %ge3A_207 = arith.cmpi sge, %mul3A_173, %ge3A_206 : i32
          %convert_element_type3A_208 = arith.extui %ge3A_207 : i1 to i32
          %cond3A_209 = arith.constant 0 : i32
          %cond3A_210 = arith.cmpi ne, %convert_element_type3A_208, %cond3A_209 : i32
          scf.if %cond3A_210 {
            %dma_wait3A_220 = arith.constant 0 : i32
            %dma_wait3A_221 = arith.constant 0 : i32
            %dma_wait3A_222 = tpu.memref_slice %arg5[%dma_wait3A_220, %dma_wait3A_221] : memref<10000x128xf32, #tpu.memory_space<hbm>> -> memref<80x128xf32, #tpu.memory_space<hbm>>
            %dma_wait3A_223 = arith.constant 0 : i32
            %dma_wait3A_224 = arith.constant 0 : i32
            %dma_wait3A_225 = tpu.memref_slice %arg5[%dma_wait3A_223, %dma_wait3A_224] : memref<10000x128xf32, #tpu.memory_space<hbm>> -> memref<80x128xf32, #tpu.memory_space<hbm>>
            tpu.wait_dma2 semaphore(%arg29 : memref<!tpu.dma_semaphore, #tpu.memory_space<semaphore_mem>>) src(%arg17 : memref<80x128xf32, #tpu.memory_space<vmem>>) dst(%dma_wait3A_225 : memref<80x128xf32, #tpu.memory_space<hbm>>)
          } else {
          }
          %add3A_211 = arith.constant 1 : i32
          %add3A_212 = arith.addi %mul3A_173, %add3A_211 : i32
          %mul3A_213 = arith.constant 80 : i32
          %mul3A_214 = arith.muli %add3A_212, %mul3A_213 : i32
          %add3A_215 = arith.addi %mul3A_80, %mul3A_214 : i32
          %dma_start3A_216 = arith.constant 0 : i32
          %dma_start3A_217 = tpu.memref_slice %arg2[%add3A_215, %dma_start3A_216] : memref<10000x128xf32, #tpu.memory_space<hbm>> -> memref<80x128xf32, #tpu.memory_space<hbm>>
          %dma_start3A_218 = arith.constant 0 : i32
          %dma_start3A_219 = tpu.memref_slice %arg2[%add3A_215, %dma_start3A_218] : memref<10000x128xf32, #tpu.memory_space<hbm>> -> memref<80x128xf32, #tpu.memory_space<hbm>>
          tpu.enqueue_dma source(%dma_start3A_219 : memref<80x128xf32, #tpu.memory_space<hbm>>) target(%arg17 : memref<80x128xf32, #tpu.memory_space<vmem>>) target_semaphore(%arg27 : memref<!tpu.dma_semaphore, #tpu.memory_space<semaphore_mem>>)
        } else {
        }
        %dma_wait3A_179 = arith.constant 0 : i32
        %dma_wait3A_180 = arith.constant 0 : i32
        %dma_wait3A_181 = tpu.memref_slice %arg2[%dma_wait3A_179, %dma_wait3A_180] : memref<10000x128xf32, #tpu.memory_space<hbm>> -> memref<80x128xf32, #tpu.memory_space<hbm>>
        %dma_wait3A_182 = arith.constant 0 : i32
        %dma_wait3A_183 = arith.constant 0 : i32
        %dma_wait3A_184 = tpu.memref_slice %arg2[%dma_wait3A_182, %dma_wait3A_183] : memref<10000x128xf32, #tpu.memory_space<hbm>> -> memref<80x128xf32, #tpu.memory_space<hbm>>
        tpu.wait_dma2 semaphore(%arg26 : memref<!tpu.dma_semaphore, #tpu.memory_space<semaphore_mem>>) src(%dma_wait3A_184 : memref<80x128xf32, #tpu.memory_space<hbm>>) dst(%arg16 : memref<80x128xf32, #tpu.memory_space<vmem>>)
        %scan3A_185 = arith.constant 0 : i32
        %scan3A_186 = arith.constant 0 : i32
        %scan3A_187 = arith.constant 40 : i32
        %scan3A_188 = arith.addi %scan3A_186, %scan3A_187 : i32
        %scan3A_189 = arith.constant 1 : i32
        %scan3A_190 = scf.for %scan3A_206 = %scan3A_186 to %scan3A_188 step %scan3A_189 iter_args(%scan3A_207 = %scan3A_185) -> (i32)  : i32 {
          %mul3A_208 = arith.constant 2 : i32
          %mul3A_209 = arith.muli %scan3A_206, %mul3A_208 : i32
          %add3A_210 = arith.constant 0 : i32
          %add3A_211 = arith.addi %mul3A_209, %add3A_210 : i32
          %mul3A_212 = arith.constant 80 : i32
          %mul3A_213 = arith.muli %mul3A_173, %mul3A_212 : i32
          %add3A_214 = arith.addi %mul3A_213, %add3A_211 : i32
          %broadcast_in_dim3A = vector.broadcast %add3A_214 : i32 to vector<16xi32>
          %gather3A = tpu.vector_load_idx %arg15[%broadcast_in_dim3A] : memref<640xf32, #tpu.memory_space<vmem>>[vector<16xi32>], vector<16xf32>,
          %get3A = arith.index_cast %add3A_211 : i32 to index
          %get3A_215 = arith.constant 0 : index
          %get3A_216 = tpu.vector_load %arg16[%get3A, %get3A_215] {strides = array<i32>} : memref<80x128xf32, #tpu.memory_space<vmem>>, vector<16xf32>,
          %mul3A_217 = arith.mulf %get3A_216, %gather3A : vector<16xf32>
          %swap3A = arith.index_cast %add3A_211 : i32 to index
          %swap3A_218 = arith.constant 0 : index
          %swap3A_219 = tpu.vector_load %arg16[%swap3A, %swap3A_218] {strides = array<i32>} : memref<80x128xf32, #tpu.memory_space<vmem>>, vector<16xf32>,
          tpu.vector_store %arg16[%swap3A, %swap3A_218], %mul3A_217 {strides = array<i32>} : memref<80x128xf32, #tpu.memory_space<vmem>>, vector<16xf32>,
          %get3A_220 = arith.index_cast %add3A_211 : i32 to index
          %get3A_221 = arith.constant 16 : index
          %get3A_222 = tpu.vector_load %arg16[%get3A_220, %get3A_221] {strides = array<i32>} : memref<80x128xf32, #tpu.memory_space<vmem>>, vector<16xf32>,
          %mul3A_223 = arith.mulf %get3A_222, %gather3A : vector<16xf32>
          %swap3A_224 = arith.index_cast %add3A_211 : i32 to index
          %swap3A_225 = arith.constant 16 : index
          %swap3A_226 = tpu.vector_load %arg16[%swap3A_224, %swap3A_225] {strides = array<i32>} : memref<80x128xf32, #tpu.memory_space<vmem>>, vector<16xf32>,
          tpu.vector_store %arg16[%swap3A_224, %swap3A_225], %mul3A_223 {strides = array<i32>} : memref<80x128xf32, #tpu.memory_space<vmem>>, vector<16xf32>,
          %get3A_227 = arith.index_cast %add3A_211 : i32 to index
          %get3A_228 = arith.constant 32 : index
          %get3A_229 = tpu.vector_load %arg16[%get3A_227, %get3A_228] {strides = array<i32>} : memref<80x128xf32, #tpu.memory_space<vmem>>, vector<16xf32>,
          %mul3A_230 = arith.mulf %get3A_229, %gather3A : vector<16xf32>
          %swap3A_231 = arith.index_cast %add3A_211 : i32 to index
          %swap3A_232 = arith.constant 32 : index
          %swap3A_233 = tpu.vector_load %arg16[%swap3A_231, %swap3A_232] {strides = array<i32>} : memref<80x128xf32, #tpu.memory_space<vmem>>, vector<16xf32>,
          tpu.vector_store %arg16[%swap3A_231, %swap3A_232], %mul3A_230 {strides = array<i32>} : memref<80x128xf32, #tpu.memory_space<vmem>>, vector<16xf32>,
          %get3A_234 = arith.index_cast %add3A_211 : i32 to index
          %get3A_235 = arith.constant 48 : index
          %get3A_236 = tpu.vector_load %arg16[%get3A_234, %get3A_235] {strides = array<i32>} : memref<80x128xf32, #tpu.memory_space<vmem>>, vector<16xf32>,
          %mul3A_237 = arith.mulf %get3A_236, %gather3A : vector<16xf32>
          %swap3A_238 = arith.index_cast %add3A_211 : i32 to index
          %swap3A_239 = arith.constant 48 : index
          %swap3A_240 = tpu.vector_load %arg16[%swap3A_238, %swap3A_239] {strides = array<i32>} : memref<80x128xf32, #tpu.memory_space<vmem>>, vector<16xf32>,
          tpu.vector_store %arg16[%swap3A_238, %swap3A_239], %mul3A_237 {strides = array<i32>} : memref<80x128xf32, #tpu.memory_space<vmem>>, vector<16xf32>,
          %get3A_241 = arith.index_cast %add3A_211 : i32 to index
          %get3A_242 = arith.constant 64 : index
          %get3A_243 = tpu.vector_load %arg16[%get3A_241, %get3A_242] {strides = array<i32>} : memref<80x128xf32, #tpu.memory_space<vmem>>, vector<16xf32>,
          %mul3A_244 = arith.mulf %get3A_243, %gather3A : vector<16xf32>
          %swap3A_245 = arith.index_cast %add3A_211 : i32 to index
          %swap3A_246 = arith.constant 64 : index
          %swap3A_247 = tpu.vector_load %arg16[%swap3A_245, %swap3A_246] {strides = array<i32>} : memref<80x128xf32, #tpu.memory_space<vmem>>, vector<16xf32>,
          tpu.vector_store %arg16[%swap3A_245, %swap3A_246], %mul3A_244 {strides = array<i32>} : memref<80x128xf32, #tpu.memory_space<vmem>>, vector<16xf32>,
          %get3A_248 = arith.index_cast %add3A_211 : i32 to index
          %get3A_249 = arith.constant 80 : index
          %get3A_250 = tpu.vector_load %arg16[%get3A_248, %get3A_249] {strides = array<i32>} : memref<80x128xf32, #tpu.memory_space<vmem>>, vector<16xf32>,
          %mul3A_251 = arith.mulf %get3A_250, %gather3A : vector<16xf32>
          %swap3A_252 = arith.index_cast %add3A_211 : i32 to index
          %swap3A_253 = arith.constant 80 : index
          %swap3A_254 = tpu.vector_load %arg16[%swap3A_252, %swap3A_253] {strides = array<i32>} : memref<80x128xf32, #tpu.memory_space<vmem>>, vector<16xf32>,
          tpu.vector_store %arg16[%swap3A_252, %swap3A_253], %mul3A_251 {strides = array<i32>} : memref<80x128xf32, #tpu.memory_space<vmem>>, vector<16xf32>,
          %get3A_255 = arith.index_cast %add3A_211 : i32 to index
          %get3A_256 = arith.constant 96 : index
          %get3A_257 = tpu.vector_load %arg16[%get3A_255, %get3A_256] {strides = array<i32>} : memref<80x128xf32, #tpu.memory_space<vmem>>, vector<16xf32>,
          %mul3A_258 = arith.mulf %get3A_257, %gather3A : vector<16xf32>
          %swap3A_259 = arith.index_cast %add3A_211 : i32 to index
          %swap3A_260 = arith.constant 96 : index
          %swap3A_261 = tpu.vector_load %arg16[%swap3A_259, %swap3A_260] {strides = array<i32>} : memref<80x128xf32, #tpu.memory_space<vmem>>, vector<16xf32>,
          tpu.vector_store %arg16[%swap3A_259, %swap3A_260], %mul3A_258 {strides = array<i32>} : memref<80x128xf32, #tpu.memory_space<vmem>>, vector<16xf32>,
          %get3A_262 = arith.index_cast %add3A_211 : i32 to index
          %get3A_263 = arith.constant 112 : index
          %get3A_264 = tpu.vector_load %arg16[%get3A_262, %get3A_263] {strides = array<i32>} : memref<80x128xf32, #tpu.memory_space<vmem>>, vector<16xf32>,
          %mul3A_265 = arith.mulf %get3A_264, %gather3A : vector<16xf32>
          %swap3A_266 = arith.index_cast %add3A_211 : i32 to index
          %swap3A_267 = arith.constant 112 : index
          %swap3A_268 = tpu.vector_load %arg16[%swap3A_266, %swap3A_267] {strides = array<i32>} : memref<80x128xf32, #tpu.memory_space<vmem>>, vector<16xf32>,
          tpu.vector_store %arg16[%swap3A_266, %swap3A_267], %mul3A_265 {strides = array<i32>} : memref<80x128xf32, #tpu.memory_space<vmem>>, vector<16xf32>,
          %mul3A_269 = arith.constant 2 : i32
          %mul3A_270 = arith.muli %scan3A_206, %mul3A_269 : i32
          %add3A_271 = arith.constant 1 : i32
          %add3A_272 = arith.addi %mul3A_270, %add3A_271 : i32
          %mul3A_273 = arith.constant 80 : i32
          %mul3A_274 = arith.muli %mul3A_173, %mul3A_273 : i32
          %add3A_275 = arith.addi %mul3A_274, %add3A_272 : i32
          %broadcast_in_dim3A_276 = vector.broadcast %add3A_275 : i32 to vector<16xi32>
          %gather3A_277 = tpu.vector_load_idx %arg15[%broadcast_in_dim3A_276] : memref<640xf32, #tpu.memory_space<vmem>>[vector<16xi32>], vector<16xf32>,
          %get3A_278 = arith.index_cast %add3A_272 : i32 to index
          %get3A_279 = arith.constant 0 : index
          %get3A_280 = tpu.vector_load %arg16[%get3A_278, %get3A_279] {strides = array<i32>} : memref<80x128xf32, #tpu.memory_space<vmem>>, vector<16xf32>,
          %mul3A_281 = arith.mulf %get3A_280, %gather3A_277 : vector<16xf32>
          %swap3A_282 = arith.index_cast %add3A_272 : i32 to index
          %swap3A_283 = arith.constant 0 : index
          %swap3A_284 = tpu.vector_load %arg16[%swap3A_282, %swap3A_283] {strides = array<i32>} : memref<80x128xf32, #tpu.memory_space<vmem>>, vector<16xf32>,
          tpu.vector_store %arg16[%swap3A_282, %swap3A_283], %mul3A_281 {strides = array<i32>} : memref<80x128xf32, #tpu.memory_space<vmem>>, vector<16xf32>,
          %get3A_285 = arith.index_cast %add3A_272 : i32 to index
          %get3A_286 = arith.constant 16 : index
          %get3A_287 = tpu.vector_load %arg16[%get3A_285, %get3A_286] {strides = array<i32>} : memref<80x128xf32, #tpu.memory_space<vmem>>, vector<16xf32>,
          %mul3A_288 = arith.mulf %get3A_287, %gather3A_277 : vector<16xf32>
          %swap3A_289 = arith.index_cast %add3A_272 : i32 to index
          %swap3A_290 = arith.constant 16 : index
          %swap3A_291 = tpu.vector_load %arg16[%swap3A_289, %swap3A_290] {strides = array<i32>} : memref<80x128xf32, #tpu.memory_space<vmem>>, vector<16xf32>,
          tpu.vector_store %arg16[%swap3A_289, %swap3A_290], %mul3A_288 {strides = array<i32>} : memref<80x128xf32, #tpu.memory_space<vmem>>, vector<16xf32>,
          %get3A_292 = arith.index_cast %add3A_272 : i32 to index
          %get3A_293 = arith.constant 32 : index
          %get3A_294 = tpu.vector_load %arg16[%get3A_292, %get3A_293] {strides = array<i32>} : memref<80x128xf32, #tpu.memory_space<vmem>>, vector<16xf32>,
          %mul3A_295 = arith.mulf %get3A_294, %gather3A_277 : vector<16xf32>
          %swap3A_296 = arith.index_cast %add3A_272 : i32 to index
          %swap3A_297 = arith.constant 32 : index
          %swap3A_298 = tpu.vector_load %arg16[%swap3A_296, %swap3A_297] {strides = array<i32>} : memref<80x128xf32, #tpu.memory_space<vmem>>, vector<16xf32>,
          tpu.vector_store %arg16[%swap3A_296, %swap3A_297], %mul3A_295 {strides = array<i32>} : memref<80x128xf32, #tpu.memory_space<vmem>>, vector<16xf32>,
          %get3A_299 = arith.index_cast %add3A_272 : i32 to index
          %get3A_300 = arith.constant 48 : index
          %get3A_301 = tpu.vector_load %arg16[%get3A_299, %get3A_300] {strides = array<i32>} : memref<80x128xf32, #tpu.memory_space<vmem>>, vector<16xf32>,
          %mul3A_302 = arith.mulf %get3A_301, %gather3A_277 : vector<16xf32>
          %swap3A_303 = arith.index_cast %add3A_272 : i32 to index
          %swap3A_304 = arith.constant 48 : index
          %swap3A_305 = tpu.vector_load %arg16[%swap3A_303, %swap3A_304] {strides = array<i32>} : memref<80x128xf32, #tpu.memory_space<vmem>>, vector<16xf32>,
          tpu.vector_store %arg16[%swap3A_303, %swap3A_304], %mul3A_302 {strides = array<i32>} : memref<80x128xf32, #tpu.memory_space<vmem>>, vector<16xf32>,
          %get3A_306 = arith.index_cast %add3A_272 : i32 to index
          %get3A_307 = arith.constant 64 : index
          %get3A_308 = tpu.vector_load %arg16[%get3A_306, %get3A_307] {strides = array<i32>} : memref<80x128xf32, #tpu.memory_space<vmem>>, vector<16xf32>,
          %mul3A_309 = arith.mulf %get3A_308, %gather3A_277 : vector<16xf32>
          %swap3A_310 = arith.index_cast %add3A_272 : i32 to index
          %swap3A_311 = arith.constant 64 : index
          %swap3A_312 = tpu.vector_load %arg16[%swap3A_310, %swap3A_311] {strides = array<i32>} : memref<80x128xf32, #tpu.memory_space<vmem>>, vector<16xf32>,
          tpu.vector_store %arg16[%swap3A_310, %swap3A_311], %mul3A_309 {strides = array<i32>} : memref<80x128xf32, #tpu.memory_space<vmem>>, vector<16xf32>,
          %get3A_313 = arith.index_cast %add3A_272 : i32 to index
          %get3A_314 = arith.constant 80 : index
          %get3A_315 = tpu.vector_load %arg16[%get3A_313, %get3A_314] {strides = array<i32>} : memref<80x128xf32, #tpu.memory_space<vmem>>, vector<16xf32>,
          %mul3A_316 = arith.mulf %get3A_315, %gather3A_277 : vector<16xf32>
          %swap3A_317 = arith.index_cast %add3A_272 : i32 to index
          %swap3A_318 = arith.constant 80 : index
          %swap3A_319 = tpu.vector_load %arg16[%swap3A_317, %swap3A_318] {strides = array<i32>} : memref<80x128xf32, #tpu.memory_space<vmem>>, vector<16xf32>,
          tpu.vector_store %arg16[%swap3A_317, %swap3A_318], %mul3A_316 {strides = array<i32>} : memref<80x128xf32, #tpu.memory_space<vmem>>, vector<16xf32>,
          %get3A_320 = arith.index_cast %add3A_272 : i32 to index
          %get3A_321 = arith.constant 96 : index
          %get3A_322 = tpu.vector_load %arg16[%get3A_320, %get3A_321] {strides = array<i32>} : memref<80x128xf32, #tpu.memory_space<vmem>>, vector<16xf32>,
          %mul3A_323 = arith.mulf %get3A_322, %gather3A_277 : vector<16xf32>
          %swap3A_324 = arith.index_cast %add3A_272 : i32 to index
          %swap3A_325 = arith.constant 96 : index
          %swap3A_326 = tpu.vector_load %arg16[%swap3A_324, %swap3A_325] {strides = array<i32>} : memref<80x128xf32, #tpu.memory_space<vmem>>, vector<16xf32>,
          tpu.vector_store %arg16[%swap3A_324, %swap3A_325], %mul3A_323 {strides = array<i32>} : memref<80x128xf32, #tpu.memory_space<vmem>>, vector<16xf32>,
          %get3A_327 = arith.index_cast %add3A_272 : i32 to index
          %get3A_328 = arith.constant 112 : index
          %get3A_329 = tpu.vector_load %arg16[%get3A_327, %get3A_328] {strides = array<i32>} : memref<80x128xf32, #tpu.memory_space<vmem>>, vector<16xf32>,
          %mul3A_330 = arith.mulf %get3A_329, %gather3A_277 : vector<16xf32>
          %swap3A_331 = arith.index_cast %add3A_272 : i32 to index
          %swap3A_332 = arith.constant 112 : index
          %swap3A_333 = tpu.vector_load %arg16[%swap3A_331, %swap3A_332] {strides = array<i32>} : memref<80x128xf32, #tpu.memory_space<vmem>>, vector<16xf32>,
          tpu.vector_store %arg16[%swap3A_331, %swap3A_332], %mul3A_330 {strides = array<i32>} : memref<80x128xf32, #tpu.memory_space<vmem>>, vector<16xf32>,
          %scan3A_334 = arith.constant 0 : i32
          scf.yield %scan3A_334 : i32
        }
        %scan3A_191 = arith.constant 40 : i32
        %mul3A_192 = arith.constant 80 : i32
        %mul3A_193 = arith.muli %mul3A_173, %mul3A_192 : i32
        %add3A_194 = arith.addi %mul3A_80, %mul3A_193 : i32
        %dma_start3A_195 = arith.constant 0 : i32
        %dma_start3A_196 = tpu.memref_slice %arg5[%add3A_194, %dma_start3A_195] : memref<10000x128xf32, #tpu.memory_space<hbm>> -> memref<80x128xf32, #tpu.memory_space<hbm>>
        %dma_start3A_197 = arith.constant 0 : i32
        %dma_start3A_198 = tpu.memref_slice %arg5[%add3A_194, %dma_start3A_197] : memref<10000x128xf32, #tpu.memory_space<hbm>> -> memref<80x128xf32, #tpu.memory_space<hbm>>
        tpu.enqueue_dma source(%arg16 : memref<80x128xf32, #tpu.memory_space<vmem>>) target(%dma_start3A_198 : memref<80x128xf32, #tpu.memory_space<hbm>>) target_semaphore(%arg28 : memref<!tpu.dma_semaphore, #tpu.memory_space<semaphore_mem>>)
        %add3A_199 = arith.constant 1 : i32
        %add3A_200 = arith.addi %mul3A_173, %add3A_199 : i32
        %lt3A_201 = arith.cmpi slt, %add3A_200, %select_n3A : i32
        %convert_element_type3A_202 = arith.extui %lt3A_201 : i1 to i32
        %cond3A_203 = arith.constant 0 : i32
        %cond3A_204 = arith.cmpi ne, %convert_element_type3A_202, %cond3A_203 : i32
        scf.if %cond3A_204 {
          %add3A_206 = arith.constant 2 : i32
          %add3A_207 = arith.addi %mul3A_173, %add3A_206 : i32
          %lt3A_208 = arith.cmpi slt, %add3A_207, %select_n3A : i32
          %convert_element_type3A_209 = arith.extui %lt3A_208 : i1 to i32
          %cond3A_210 = arith.constant 0 : i32
          %cond3A_211 = arith.cmpi ne, %convert_element_type3A_209, %cond3A_210 : i32
          scf.if %cond3A_211 {
            %dma_wait3A_236 = arith.constant 0 : i32
            %dma_wait3A_237 = arith.constant 0 : i32
            %dma_wait3A_238 = tpu.memref_slice %arg5[%dma_wait3A_236, %dma_wait3A_237] : memref<10000x128xf32, #tpu.memory_space<hbm>> -> memref<80x128xf32, #tpu.memory_space<hbm>>
            %dma_wait3A_239 = arith.constant 0 : i32
            %dma_wait3A_240 = arith.constant 0 : i32
            %dma_wait3A_241 = tpu.memref_slice %arg5[%dma_wait3A_239, %dma_wait3A_240] : memref<10000x128xf32, #tpu.memory_space<hbm>> -> memref<80x128xf32, #tpu.memory_space<hbm>>
            tpu.wait_dma2 semaphore(%arg28 : memref<!tpu.dma_semaphore, #tpu.memory_space<semaphore_mem>>) src(%arg16 : memref<80x128xf32, #tpu.memory_space<vmem>>) dst(%dma_wait3A_241 : memref<80x128xf32, #tpu.memory_space<hbm>>)
            %add3A_242 = arith.constant 2 : i32
            %add3A_243 = arith.addi %mul3A_173, %add3A_242 : i32
            %mul3A_244 = arith.constant 80 : i32
            %mul3A_245 = arith.muli %add3A_243, %mul3A_244 : i32
            %add3A_246 = arith.addi %mul3A_80, %mul3A_245 : i32
            %dma_start3A_247 = arith.constant 0 : i32
            %dma_start3A_248 = tpu.memref_slice %arg2[%add3A_246, %dma_start3A_247] : memref<10000x128xf32, #tpu.memory_space<hbm>> -> memref<80x128xf32, #tpu.memory_space<hbm>>
            %dma_start3A_249 = arith.constant 0 : i32
            %dma_start3A_250 = tpu.memref_slice %arg2[%add3A_246, %dma_start3A_249] : memref<10000x128xf32, #tpu.memory_space<hbm>> -> memref<80x128xf32, #tpu.memory_space<hbm>>
            tpu.enqueue_dma source(%dma_start3A_250 : memref<80x128xf32, #tpu.memory_space<hbm>>) target(%arg16 : memref<80x128xf32, #tpu.memory_space<vmem>>) target_semaphore(%arg26 : memref<!tpu.dma_semaphore, #tpu.memory_space<semaphore_mem>>)
          } else {
          }
          %dma_wait3A_212 = arith.constant 0 : i32
          %dma_wait3A_213 = arith.constant 0 : i32
          %dma_wait3A_214 = tpu.memref_slice %arg2[%dma_wait3A_212, %dma_wait3A_213] : memref<10000x128xf32, #tpu.memory_space<hbm>> -> memref<80x128xf32, #tpu.memory_space<hbm>>
          %dma_wait3A_215 = arith.constant 0 : i32
          %dma_wait3A_216 = arith.constant 0 : i32
          %dma_wait3A_217 = tpu.memref_slice %arg2[%dma_wait3A_215, %dma_wait3A_216] : memref<10000x128xf32, #tpu.memory_space<hbm>> -> memref<80x128xf32, #tpu.memory_space<hbm>>
          tpu.wait_dma2 semaphore(%arg27 : memref<!tpu.dma_semaphore, #tpu.memory_space<semaphore_mem>>) src(%dma_wait3A_217 : memref<80x128xf32, #tpu.memory_space<hbm>>) dst(%arg17 : memref<80x128xf32, #tpu.memory_space<vmem>>)
          %add3A_218 = arith.constant 1 : i32
          %add3A_219 = arith.addi %mul3A_173, %add3A_218 : i32
          %scan3A_220 = arith.constant 0 : i32
          %scan3A_221 = arith.constant 0 : i32
          %scan3A_222 = arith.constant 40 : i32
          %scan3A_223 = arith.addi %scan3A_221, %scan3A_222 : i32
          %scan3A_224 = arith.constant 1 : i32
          %scan3A_225 = scf.for %scan3A_236 = %scan3A_221 to %scan3A_223 step %scan3A_224 iter_args(%scan3A_237 = %scan3A_220) -> (i32)  : i32 {
            %mul3A_238 = arith.constant 2 : i32
            %mul3A_239 = arith.muli %scan3A_236, %mul3A_238 : i32
            %add3A_240 = arith.constant 0 : i32
            %add3A_241 = arith.addi %mul3A_239, %add3A_240 : i32
            %mul3A_242 = arith.constant 80 : i32
            %mul3A_243 = arith.muli %add3A_219, %mul3A_242 : i32
            %add3A_244 = arith.addi %mul3A_243, %add3A_241 : i32
            %broadcast_in_dim3A = vector.broadcast %add3A_244 : i32 to vector<16xi32>
            %gather3A = tpu.vector_load_idx %arg15[%broadcast_in_dim3A] : memref<640xf32, #tpu.memory_space<vmem>>[vector<16xi32>], vector<16xf32>,
            %get3A = arith.index_cast %add3A_241 : i32 to index
            %get3A_245 = arith.constant 0 : index
            %get3A_246 = tpu.vector_load %arg17[%get3A, %get3A_245] {strides = array<i32>} : memref<80x128xf32, #tpu.memory_space<vmem>>, vector<16xf32>,
            %mul3A_247 = arith.mulf %get3A_246, %gather3A : vector<16xf32>
            %swap3A = arith.index_cast %add3A_241 : i32 to index
            %swap3A_248 = arith.constant 0 : index
            %swap3A_249 = tpu.vector_load %arg17[%swap3A, %swap3A_248] {strides = array<i32>} : memref<80x128xf32, #tpu.memory_space<vmem>>, vector<16xf32>,
            tpu.vector_store %arg17[%swap3A, %swap3A_248], %mul3A_247 {strides = array<i32>} : memref<80x128xf32, #tpu.memory_space<vmem>>, vector<16xf32>,
            %get3A_250 = arith.index_cast %add3A_241 : i32 to index
            %get3A_251 = arith.constant 16 : index
            %get3A_252 = tpu.vector_load %arg17[%get3A_250, %get3A_251] {strides = array<i32>} : memref<80x128xf32, #tpu.memory_space<vmem>>, vector<16xf32>,
            %mul3A_253 = arith.mulf %get3A_252, %gather3A : vector<16xf32>
            %swap3A_254 = arith.index_cast %add3A_241 : i32 to index
            %swap3A_255 = arith.constant 16 : index
            %swap3A_256 = tpu.vector_load %arg17[%swap3A_254, %swap3A_255] {strides = array<i32>} : memref<80x128xf32, #tpu.memory_space<vmem>>, vector<16xf32>,
            tpu.vector_store %arg17[%swap3A_254, %swap3A_255], %mul3A_253 {strides = array<i32>} : memref<80x128xf32, #tpu.memory_space<vmem>>, vector<16xf32>,
            %get3A_257 = arith.index_cast %add3A_241 : i32 to index
            %get3A_258 = arith.constant 32 : index
            %get3A_259 = tpu.vector_load %arg17[%get3A_257, %get3A_258] {strides = array<i32>} : memref<80x128xf32, #tpu.memory_space<vmem>>, vector<16xf32>,
            %mul3A_260 = arith.mulf %get3A_259, %gather3A : vector<16xf32>
            %swap3A_261 = arith.index_cast %add3A_241 : i32 to index
            %swap3A_262 = arith.constant 32 : index
            %swap3A_263 = tpu.vector_load %arg17[%swap3A_261, %swap3A_262] {strides = array<i32>} : memref<80x128xf32, #tpu.memory_space<vmem>>, vector<16xf32>,
            tpu.vector_store %arg17[%swap3A_261, %swap3A_262], %mul3A_260 {strides = array<i32>} : memref<80x128xf32, #tpu.memory_space<vmem>>, vector<16xf32>,
            %get3A_264 = arith.index_cast %add3A_241 : i32 to index
            %get3A_265 = arith.constant 48 : index
            %get3A_266 = tpu.vector_load %arg17[%get3A_264, %get3A_265] {strides = array<i32>} : memref<80x128xf32, #tpu.memory_space<vmem>>, vector<16xf32>,
            %mul3A_267 = arith.mulf %get3A_266, %gather3A : vector<16xf32>
            %swap3A_268 = arith.index_cast %add3A_241 : i32 to index
            %swap3A_269 = arith.constant 48 : index
            %swap3A_270 = tpu.vector_load %arg17[%swap3A_268, %swap3A_269] {strides = array<i32>} : memref<80x128xf32, #tpu.memory_space<vmem>>, vector<16xf32>,
            tpu.vector_store %arg17[%swap3A_268, %swap3A_269], %mul3A_267 {strides = array<i32>} : memref<80x128xf32, #tpu.memory_space<vmem>>, vector<16xf32>,
            %get3A_271 = arith.index_cast %add3A_241 : i32 to index
            %get3A_272 = arith.constant 64 : index
            %get3A_273 = tpu.vector_load %arg17[%get3A_271, %get3A_272] {strides = array<i32>} : memref<80x128xf32, #tpu.memory_space<vmem>>, vector<16xf32>,
            %mul3A_274 = arith.mulf %get3A_273, %gather3A : vector<16xf32>
            %swap3A_275 = arith.index_cast %add3A_241 : i32 to index
            %swap3A_276 = arith.constant 64 : index
            %swap3A_277 = tpu.vector_load %arg17[%swap3A_275, %swap3A_276] {strides = array<i32>} : memref<80x128xf32, #tpu.memory_space<vmem>>, vector<16xf32>,
            tpu.vector_store %arg17[%swap3A_275, %swap3A_276], %mul3A_274 {strides = array<i32>} : memref<80x128xf32, #tpu.memory_space<vmem>>, vector<16xf32>,
            %get3A_278 = arith.index_cast %add3A_241 : i32 to index
            %get3A_279 = arith.constant 80 : index
            %get3A_280 = tpu.vector_load %arg17[%get3A_278, %get3A_279] {strides = array<i32>} : memref<80x128xf32, #tpu.memory_space<vmem>>, vector<16xf32>,
            %mul3A_281 = arith.mulf %get3A_280, %gather3A : vector<16xf32>
            %swap3A_282 = arith.index_cast %add3A_241 : i32 to index
            %swap3A_283 = arith.constant 80 : index
            %swap3A_284 = tpu.vector_load %arg17[%swap3A_282, %swap3A_283] {strides = array<i32>} : memref<80x128xf32, #tpu.memory_space<vmem>>, vector<16xf32>,
            tpu.vector_store %arg17[%swap3A_282, %swap3A_283], %mul3A_281 {strides = array<i32>} : memref<80x128xf32, #tpu.memory_space<vmem>>, vector<16xf32>,
            %get3A_285 = arith.index_cast %add3A_241 : i32 to index
            %get3A_286 = arith.constant 96 : index
            %get3A_287 = tpu.vector_load %arg17[%get3A_285, %get3A_286] {strides = array<i32>} : memref<80x128xf32, #tpu.memory_space<vmem>>, vector<16xf32>,
            %mul3A_288 = arith.mulf %get3A_287, %gather3A : vector<16xf32>
            %swap3A_289 = arith.index_cast %add3A_241 : i32 to index
            %swap3A_290 = arith.constant 96 : index
            %swap3A_291 = tpu.vector_load %arg17[%swap3A_289, %swap3A_290] {strides = array<i32>} : memref<80x128xf32, #tpu.memory_space<vmem>>, vector<16xf32>,
            tpu.vector_store %arg17[%swap3A_289, %swap3A_290], %mul3A_288 {strides = array<i32>} : memref<80x128xf32, #tpu.memory_space<vmem>>, vector<16xf32>,
            %get3A_292 = arith.index_cast %add3A_241 : i32 to index
            %get3A_293 = arith.constant 112 : index
            %get3A_294 = tpu.vector_load %arg17[%get3A_292, %get3A_293] {strides = array<i32>} : memref<80x128xf32, #tpu.memory_space<vmem>>, vector<16xf32>,
            %mul3A_295 = arith.mulf %get3A_294, %gather3A : vector<16xf32>
            %swap3A_296 = arith.index_cast %add3A_241 : i32 to index
            %swap3A_297 = arith.constant 112 : index
            %swap3A_298 = tpu.vector_load %arg17[%swap3A_296, %swap3A_297] {strides = array<i32>} : memref<80x128xf32, #tpu.memory_space<vmem>>, vector<16xf32>,
            tpu.vector_store %arg17[%swap3A_296, %swap3A_297], %mul3A_295 {strides = array<i32>} : memref<80x128xf32, #tpu.memory_space<vmem>>, vector<16xf32>,
            %mul3A_299 = arith.constant 2 : i32
            %mul3A_300 = arith.muli %scan3A_236, %mul3A_299 : i32
            %add3A_301 = arith.constant 1 : i32
            %add3A_302 = arith.addi %mul3A_300, %add3A_301 : i32
            %mul3A_303 = arith.constant 80 : i32
            %mul3A_304 = arith.muli %add3A_219, %mul3A_303 : i32
            %add3A_305 = arith.addi %mul3A_304, %add3A_302 : i32
            %broadcast_in_dim3A_306 = vector.broadcast %add3A_305 : i32 to vector<16xi32>
            %gather3A_307 = tpu.vector_load_idx %arg15[%broadcast_in_dim3A_306] : memref<640xf32, #tpu.memory_space<vmem>>[vector<16xi32>], vector<16xf32>,
            %get3A_308 = arith.index_cast %add3A_302 : i32 to index
            %get3A_309 = arith.constant 0 : index
            %get3A_310 = tpu.vector_load %arg17[%get3A_308, %get3A_309] {strides = array<i32>} : memref<80x128xf32, #tpu.memory_space<vmem>>, vector<16xf32>,
            %mul3A_311 = arith.mulf %get3A_310, %gather3A_307 : vector<16xf32>
            %swap3A_312 = arith.index_cast %add3A_302 : i32 to index
            %swap3A_313 = arith.constant 0 : index
            %swap3A_314 = tpu.vector_load %arg17[%swap3A_312, %swap3A_313] {strides = array<i32>} : memref<80x128xf32, #tpu.memory_space<vmem>>, vector<16xf32>,
            tpu.vector_store %arg17[%swap3A_312, %swap3A_313], %mul3A_311 {strides = array<i32>} : memref<80x128xf32, #tpu.memory_space<vmem>>, vector<16xf32>,
            %get3A_315 = arith.index_cast %add3A_302 : i32 to index
            %get3A_316 = arith.constant 16 : index
            %get3A_317 = tpu.vector_load %arg17[%get3A_315, %get3A_316] {strides = array<i32>} : memref<80x128xf32, #tpu.memory_space<vmem>>, vector<16xf32>,
            %mul3A_318 = arith.mulf %get3A_317, %gather3A_307 : vector<16xf32>
            %swap3A_319 = arith.index_cast %add3A_302 : i32 to index
            %swap3A_320 = arith.constant 16 : index
            %swap3A_321 = tpu.vector_load %arg17[%swap3A_319, %swap3A_320] {strides = array<i32>} : memref<80x128xf32, #tpu.memory_space<vmem>>, vector<16xf32>,
            tpu.vector_store %arg17[%swap3A_319, %swap3A_320], %mul3A_318 {strides = array<i32>} : memref<80x128xf32, #tpu.memory_space<vmem>>, vector<16xf32>,
            %get3A_322 = arith.index_cast %add3A_302 : i32 to index
            %get3A_323 = arith.constant 32 : index
            %get3A_324 = tpu.vector_load %arg17[%get3A_322, %get3A_323] {strides = array<i32>} : memref<80x128xf32, #tpu.memory_space<vmem>>, vector<16xf32>,
            %mul3A_325 = arith.mulf %get3A_324, %gather3A_307 : vector<16xf32>
            %swap3A_326 = arith.index_cast %add3A_302 : i32 to index
            %swap3A_327 = arith.constant 32 : index
            %swap3A_328 = tpu.vector_load %arg17[%swap3A_326, %swap3A_327] {strides = array<i32>} : memref<80x128xf32, #tpu.memory_space<vmem>>, vector<16xf32>,
            tpu.vector_store %arg17[%swap3A_326, %swap3A_327], %mul3A_325 {strides = array<i32>} : memref<80x128xf32, #tpu.memory_space<vmem>>, vector<16xf32>,
            %get3A_329 = arith.index_cast %add3A_302 : i32 to index
            %get3A_330 = arith.constant 48 : index
            %get3A_331 = tpu.vector_load %arg17[%get3A_329, %get3A_330] {strides = array<i32>} : memref<80x128xf32, #tpu.memory_space<vmem>>, vector<16xf32>,
            %mul3A_332 = arith.mulf %get3A_331, %gather3A_307 : vector<16xf32>
            %swap3A_333 = arith.index_cast %add3A_302 : i32 to index
            %swap3A_334 = arith.constant 48 : index
            %swap3A_335 = tpu.vector_load %arg17[%swap3A_333, %swap3A_334] {strides = array<i32>} : memref<80x128xf32, #tpu.memory_space<vmem>>, vector<16xf32>,
            tpu.vector_store %arg17[%swap3A_333, %swap3A_334], %mul3A_332 {strides = array<i32>} : memref<80x128xf32, #tpu.memory_space<vmem>>, vector<16xf32>,
            %get3A_336 = arith.index_cast %add3A_302 : i32 to index
            %get3A_337 = arith.constant 64 : index
            %get3A_338 = tpu.vector_load %arg17[%get3A_336, %get3A_337] {strides = array<i32>} : memref<80x128xf32, #tpu.memory_space<vmem>>, vector<16xf32>,
            %mul3A_339 = arith.mulf %get3A_338, %gather3A_307 : vector<16xf32>
            %swap3A_340 = arith.index_cast %add3A_302 : i32 to index
            %swap3A_341 = arith.constant 64 : index
            %swap3A_342 = tpu.vector_load %arg17[%swap3A_340, %swap3A_341] {strides = array<i32>} : memref<80x128xf32, #tpu.memory_space<vmem>>, vector<16xf32>,
            tpu.vector_store %arg17[%swap3A_340, %swap3A_341], %mul3A_339 {strides = array<i32>} : memref<80x128xf32, #tpu.memory_space<vmem>>, vector<16xf32>,
            %get3A_343 = arith.index_cast %add3A_302 : i32 to index
            %get3A_344 = arith.constant 80 : index
            %get3A_345 = tpu.vector_load %arg17[%get3A_343, %get3A_344] {strides = array<i32>} : memref<80x128xf32, #tpu.memory_space<vmem>>, vector<16xf32>,
            %mul3A_346 = arith.mulf %get3A_345, %gather3A_307 : vector<16xf32>
            %swap3A_347 = arith.index_cast %add3A_302 : i32 to index
            %swap3A_348 = arith.constant 80 : index
            %swap3A_349 = tpu.vector_load %arg17[%swap3A_347, %swap3A_348] {strides = array<i32>} : memref<80x128xf32, #tpu.memory_space<vmem>>, vector<16xf32>,
            tpu.vector_store %arg17[%swap3A_347, %swap3A_348], %mul3A_346 {strides = array<i32>} : memref<80x128xf32, #tpu.memory_space<vmem>>, vector<16xf32>,
            %get3A_350 = arith.index_cast %add3A_302 : i32 to index
            %get3A_351 = arith.constant 96 : index
            %get3A_352 = tpu.vector_load %arg17[%get3A_350, %get3A_351] {strides = array<i32>} : memref<80x128xf32, #tpu.memory_space<vmem>>, vector<16xf32>,
            %mul3A_353 = arith.mulf %get3A_352, %gather3A_307 : vector<16xf32>
            %swap3A_354 = arith.index_cast %add3A_302 : i32 to index
            %swap3A_355 = arith.constant 96 : index
            %swap3A_356 = tpu.vector_load %arg17[%swap3A_354, %swap3A_355] {strides = array<i32>} : memref<80x128xf32, #tpu.memory_space<vmem>>, vector<16xf32>,
            tpu.vector_store %arg17[%swap3A_354, %swap3A_355], %mul3A_353 {strides = array<i32>} : memref<80x128xf32, #tpu.memory_space<vmem>>, vector<16xf32>,
            %get3A_357 = arith.index_cast %add3A_302 : i32 to index
            %get3A_358 = arith.constant 112 : index
            %get3A_359 = tpu.vector_load %arg17[%get3A_357, %get3A_358] {strides = array<i32>} : memref<80x128xf32, #tpu.memory_space<vmem>>, vector<16xf32>,
            %mul3A_360 = arith.mulf %get3A_359, %gather3A_307 : vector<16xf32>
            %swap3A_361 = arith.index_cast %add3A_302 : i32 to index
            %swap3A_362 = arith.constant 112 : index
            %swap3A_363 = tpu.vector_load %arg17[%swap3A_361, %swap3A_362] {strides = array<i32>} : memref<80x128xf32, #tpu.memory_space<vmem>>, vector<16xf32>,
            tpu.vector_store %arg17[%swap3A_361, %swap3A_362], %mul3A_360 {strides = array<i32>} : memref<80x128xf32, #tpu.memory_space<vmem>>, vector<16xf32>,
            %scan3A_364 = arith.constant 0 : i32
            scf.yield %scan3A_364 : i32
          }
          %scan3A_226 = arith.constant 40 : i32
          %add3A_227 = arith.constant 1 : i32
          %add3A_228 = arith.addi %mul3A_173, %add3A_227 : i32
          %mul3A_229 = arith.constant 80 : i32
          %mul3A_230 = arith.muli %add3A_228, %mul3A_229 : i32
          %add3A_231 = arith.addi %mul3A_80, %mul3A_230 : i32
          %dma_start3A_232 = arith.constant 0 : i32
          %dma_start3A_233 = tpu.memref_slice %arg5[%add3A_231, %dma_start3A_232] : memref<10000x128xf32, #tpu.memory_space<hbm>> -> memref<80x128xf32, #tpu.memory_space<hbm>>
          %dma_start3A_234 = arith.constant 0 : i32
          %dma_start3A_235 = tpu.memref_slice %arg5[%add3A_231, %dma_start3A_234] : memref<10000x128xf32, #tpu.memory_space<hbm>> -> memref<80x128xf32, #tpu.memory_space<hbm>>
          tpu.enqueue_dma source(%arg17 : memref<80x128xf32, #tpu.memory_space<vmem>>) target(%dma_start3A_235 : memref<80x128xf32, #tpu.memory_space<hbm>>) target_semaphore(%arg29 : memref<!tpu.dma_semaphore, #tpu.memory_space<semaphore_mem>>)
        } else {
        }
        %while3A_205 = arith.constant 0 : i32
        scf.yield %while3A_205 : i32
      }
      %ge3A = arith.constant 2 : i32
      %ge3A_160 = arith.cmpi sge, %select_n3A, %ge3A : i32
      %convert_element_type3A_161 = arith.extui %ge3A_160 : i1 to i32
      %cond3A_162 = arith.constant 0 : i32
      %cond3A_163 = arith.cmpi ne, %convert_element_type3A_161, %cond3A_162 : i32
      scf.if %cond3A_163 {
        %dma_wait3A_170 = arith.constant 0 : i32
        %dma_wait3A_171 = arith.constant 0 : i32
        %dma_wait3A_172 = tpu.memref_slice %arg5[%dma_wait3A_170, %dma_wait3A_171] : memref<10000x128xf32, #tpu.memory_space<hbm>> -> memref<80x128xf32, #tpu.memory_space<hbm>>
        %dma_wait3A_173 = arith.constant 0 : i32
        %dma_wait3A_174 = arith.constant 0 : i32
        %dma_wait3A_175 = tpu.memref_slice %arg5[%dma_wait3A_173, %dma_wait3A_174] : memref<10000x128xf32, #tpu.memory_space<hbm>> -> memref<80x128xf32, #tpu.memory_space<hbm>>
        tpu.wait_dma2 semaphore(%arg29 : memref<!tpu.dma_semaphore, #tpu.memory_space<semaphore_mem>>) src(%arg17 : memref<80x128xf32, #tpu.memory_space<vmem>>) dst(%dma_wait3A_175 : memref<80x128xf32, #tpu.memory_space<hbm>>)
      } else {
      }
      %dma_wait3A_164 = arith.constant 0 : i32
      %dma_wait3A_165 = arith.constant 0 : i32
      %dma_wait3A_166 = tpu.memref_slice %arg5[%dma_wait3A_164, %dma_wait3A_165] : memref<10000x128xf32, #tpu.memory_space<hbm>> -> memref<80x128xf32, #tpu.memory_space<hbm>>
      %dma_wait3A_167 = arith.constant 0 : i32
      %dma_wait3A_168 = arith.constant 0 : i32
      %dma_wait3A_169 = tpu.memref_slice %arg5[%dma_wait3A_167, %dma_wait3A_168] : memref<10000x128xf32, #tpu.memory_space<hbm>> -> memref<80x128xf32, #tpu.memory_space<hbm>>
      tpu.wait_dma2 semaphore(%arg28 : memref<!tpu.dma_semaphore, #tpu.memory_space<semaphore_mem>>) src(%arg16 : memref<80x128xf32, #tpu.memory_space<vmem>>) dst(%dma_wait3A_169 : memref<80x128xf32, #tpu.memory_space<hbm>>)
    } else {
    }
    return
  }
}

#map = affine_map<(d0, d1) -> (0, 0)>
#map1 = affine_map<(d0, d1) -> (0)>
#map2 = affine_map<(d0, d1) -> (0, 0, 0)>
module attributes {stable_mosaic.version = 14 : i64} {
  func.func @sc_agg(%arg0: i32, %arg1: i32, %arg2: memref<10000x128xf32, #tpu.memory_space<hbm>>, %arg3: memref<320000xi32, #tpu.memory_space<hbm>>, %arg4: memref<320000xi32, #tpu.memory_space<hbm>>, %arg5: memref<2x10000x128xf32, #tpu.memory_space<hbm>>, %arg6: memref<10000x128xf32, #tpu.memory_space<vmem_shared>>, %arg7: memref<80xi32, #tpu.memory_space<vmem>>, %arg8: memref<80xi32, #tpu.memory_space<vmem>>, %arg9: memref<80xi32, #tpu.memory_space<vmem>>, %arg10: memref<80xi32, #tpu.memory_space<vmem>>, %arg11: memref<80xi32, #tpu.memory_space<vmem>>, %arg12: memref<80xi32, #tpu.memory_space<vmem>>, %arg13: memref<80xi32, #tpu.memory_space<vmem>>, %arg14: memref<80xi32, #tpu.memory_space<vmem>>, %arg15: memref<80xi32, #tpu.memory_space<vmem>>, %arg16: memref<80xi32, #tpu.memory_space<vmem>>, %arg17: memref<80xi32, #tpu.memory_space<vmem>>, %arg18: memref<80xi32, #tpu.memory_space<vmem>>, %arg19: memref<80xi32, #tpu.memory_space<vmem>>, %arg20: memref<80xi32, #tpu.memory_space<vmem>>, %arg21: memref<80xi32, #tpu.memory_space<vmem>>, %arg22: memref<80xi32, #tpu.memory_space<vmem>>, %arg23: memref<80x128xf32, #tpu.memory_space<vmem>>, %arg24: memref<80x128xf32, #tpu.memory_space<vmem>>, %arg25: memref<80x128xf32, #tpu.memory_space<vmem>>, %arg26: memref<80x128xf32, #tpu.memory_space<vmem>>, %arg27: memref<!tpu.dma_semaphore, #tpu.memory_space<semaphore_mem>>, %arg28: memref<!tpu.dma_semaphore, #tpu.memory_space<semaphore_mem>>, %arg29: memref<!tpu.dma_semaphore, #tpu.memory_space<semaphore_mem>>, %arg30: memref<!tpu.dma_semaphore, #tpu.memory_space<semaphore_mem>>, %arg31: memref<!tpu.dma_semaphore, #tpu.memory_space<semaphore_mem>>, %arg32: memref<!tpu.dma_semaphore, #tpu.memory_space<semaphore_mem>>, %arg33: memref<!tpu.dma_semaphore, #tpu.memory_space<semaphore_mem>>, %arg34: memref<!tpu.dma_semaphore, #tpu.memory_space<semaphore_mem>>, %arg35: memref<!tpu.dma_semaphore, #tpu.memory_space<semaphore_mem>>, %arg36: memref<!tpu.dma_semaphore, #tpu.memory_space<semaphore_mem>>, %arg37: memref<!tpu.dma_semaphore, #tpu.memory_space<semaphore_mem>>, %arg38: memref<!tpu.dma_semaphore, #tpu.memory_space<semaphore_mem>>, %arg39: memref<!tpu.dma_semaphore, #tpu.memory_space<semaphore_mem>>, %arg40: memref<!tpu.dma_semaphore, #tpu.memory_space<semaphore_mem>>, %arg41: memref<!tpu.dma_semaphore, #tpu.memory_space<semaphore_mem>>, %arg42: memref<!tpu.dma_semaphore, #tpu.memory_space<semaphore_mem>>, %arg43: memref<!tpu.dma_semaphore, #tpu.memory_space<semaphore_mem>>, %arg44: memref<!tpu.dma_semaphore, #tpu.memory_space<semaphore_mem>>, %arg45: memref<!tpu.dma_semaphore, #tpu.memory_space<semaphore_mem>>, %arg46: memref<!tpu.dma_semaphore, #tpu.memory_space<semaphore_mem>>, %arg47: memref<!tpu.dma_semaphore, #tpu.memory_space<semaphore_mem>>, %arg48: memref<!tpu.dma_semaphore, #tpu.memory_space<semaphore_mem>>, %arg49: memref<!tpu.dma_semaphore, #tpu.memory_space<semaphore_mem>>, %arg50: memref<!tpu.dma_semaphore, #tpu.memory_space<semaphore_mem>>) attributes {dimension_semantics = [#tpu.dimension_semantics<core_parallel>, #tpu.dimension_semantics<subcore_parallel>], iteration_bounds = array<i64: 2, 16>, scalar_prefetch = 0 : i64, scratch_operands = 45 : i64, tpu.core_type = #tpu.core_type<sc_vector_subcore>, window_params = [{transform_indices = #map}, {transform_indices = #map1}, {transform_indices = #map1}, {transform_indices = #map2}]} {
    %mul3A = arith.constant 16 : i32
    %mul3A_0 = arith.muli %arg0, %mul3A : i32
    %add3A = arith.addi %mul3A_0, %arg1 : i32
    %mul3A_1 = arith.constant 10000 : i32
    %mul3A_2 = arith.muli %add3A, %mul3A_1 : i32
    %add3A_3 = arith.constant 0 : i32
    %add3A_4 = arith.addi %mul3A_2, %add3A_3 : i32
    %dma_start3A = tpu.memref_slice %arg3[%add3A_4] : memref<320000xi32, #tpu.memory_space<hbm>> -> memref<80xi32, #tpu.memory_space<hbm>>
    %dma_start3A_5 = tpu.memref_slice %arg3[%add3A_4] : memref<320000xi32, #tpu.memory_space<hbm>> -> memref<80xi32, #tpu.memory_space<hbm>>
    tpu.enqueue_dma source(%dma_start3A_5 : memref<80xi32, #tpu.memory_space<hbm>>) target(%arg7 : memref<80xi32, #tpu.memory_space<vmem>>) target_semaphore(%arg27 : memref<!tpu.dma_semaphore, #tpu.memory_space<semaphore_mem>>)
    %add3A_6 = arith.constant 0 : i32
    %add3A_7 = arith.addi %mul3A_2, %add3A_6 : i32
    %dma_start3A_8 = tpu.memref_slice %arg4[%add3A_7] : memref<320000xi32, #tpu.memory_space<hbm>> -> memref<80xi32, #tpu.memory_space<hbm>>
    %dma_start3A_9 = tpu.memref_slice %arg4[%add3A_7] : memref<320000xi32, #tpu.memory_space<hbm>> -> memref<80xi32, #tpu.memory_space<hbm>>
    tpu.enqueue_dma source(%dma_start3A_9 : memref<80xi32, #tpu.memory_space<hbm>>) target(%arg15 : memref<80xi32, #tpu.memory_space<vmem>>) target_semaphore(%arg35 : memref<!tpu.dma_semaphore, #tpu.memory_space<semaphore_mem>>)
    %add3A_10 = arith.constant 80 : i32
    %add3A_11 = arith.addi %mul3A_2, %add3A_10 : i32
    %dma_start3A_12 = tpu.memref_slice %arg3[%add3A_11] : memref<320000xi32, #tpu.memory_space<hbm>> -> memref<80xi32, #tpu.memory_space<hbm>>
    %dma_start3A_13 = tpu.memref_slice %arg3[%add3A_11] : memref<320000xi32, #tpu.memory_space<hbm>> -> memref<80xi32, #tpu.memory_space<hbm>>
    tpu.enqueue_dma source(%dma_start3A_13 : memref<80xi32, #tpu.memory_space<hbm>>) target(%arg8 : memref<80xi32, #tpu.memory_space<vmem>>) target_semaphore(%arg28 : memref<!tpu.dma_semaphore, #tpu.memory_space<semaphore_mem>>)
    %add3A_14 = arith.constant 80 : i32
    %add3A_15 = arith.addi %mul3A_2, %add3A_14 : i32
    %dma_start3A_16 = tpu.memref_slice %arg4[%add3A_15] : memref<320000xi32, #tpu.memory_space<hbm>> -> memref<80xi32, #tpu.memory_space<hbm>>
    %dma_start3A_17 = tpu.memref_slice %arg4[%add3A_15] : memref<320000xi32, #tpu.memory_space<hbm>> -> memref<80xi32, #tpu.memory_space<hbm>>
    tpu.enqueue_dma source(%dma_start3A_17 : memref<80xi32, #tpu.memory_space<hbm>>) target(%arg16 : memref<80xi32, #tpu.memory_space<vmem>>) target_semaphore(%arg36 : memref<!tpu.dma_semaphore, #tpu.memory_space<semaphore_mem>>)
    %add3A_18 = arith.constant 160 : i32
    %add3A_19 = arith.addi %mul3A_2, %add3A_18 : i32
    %dma_start3A_20 = tpu.memref_slice %arg3[%add3A_19] : memref<320000xi32, #tpu.memory_space<hbm>> -> memref<80xi32, #tpu.memory_space<hbm>>
    %dma_start3A_21 = tpu.memref_slice %arg3[%add3A_19] : memref<320000xi32, #tpu.memory_space<hbm>> -> memref<80xi32, #tpu.memory_space<hbm>>
    tpu.enqueue_dma source(%dma_start3A_21 : memref<80xi32, #tpu.memory_space<hbm>>) target(%arg9 : memref<80xi32, #tpu.memory_space<vmem>>) target_semaphore(%arg29 : memref<!tpu.dma_semaphore, #tpu.memory_space<semaphore_mem>>)
    %add3A_22 = arith.constant 160 : i32
    %add3A_23 = arith.addi %mul3A_2, %add3A_22 : i32
    %dma_start3A_24 = tpu.memref_slice %arg4[%add3A_23] : memref<320000xi32, #tpu.memory_space<hbm>> -> memref<80xi32, #tpu.memory_space<hbm>>
    %dma_start3A_25 = tpu.memref_slice %arg4[%add3A_23] : memref<320000xi32, #tpu.memory_space<hbm>> -> memref<80xi32, #tpu.memory_space<hbm>>
    tpu.enqueue_dma source(%dma_start3A_25 : memref<80xi32, #tpu.memory_space<hbm>>) target(%arg17 : memref<80xi32, #tpu.memory_space<vmem>>) target_semaphore(%arg37 : memref<!tpu.dma_semaphore, #tpu.memory_space<semaphore_mem>>)
    %add3A_26 = arith.constant 240 : i32
    %add3A_27 = arith.addi %mul3A_2, %add3A_26 : i32
    %dma_start3A_28 = tpu.memref_slice %arg3[%add3A_27] : memref<320000xi32, #tpu.memory_space<hbm>> -> memref<80xi32, #tpu.memory_space<hbm>>
    %dma_start3A_29 = tpu.memref_slice %arg3[%add3A_27] : memref<320000xi32, #tpu.memory_space<hbm>> -> memref<80xi32, #tpu.memory_space<hbm>>
    tpu.enqueue_dma source(%dma_start3A_29 : memref<80xi32, #tpu.memory_space<hbm>>) target(%arg10 : memref<80xi32, #tpu.memory_space<vmem>>) target_semaphore(%arg30 : memref<!tpu.dma_semaphore, #tpu.memory_space<semaphore_mem>>)
    %add3A_30 = arith.constant 240 : i32
    %add3A_31 = arith.addi %mul3A_2, %add3A_30 : i32
    %dma_start3A_32 = tpu.memref_slice %arg4[%add3A_31] : memref<320000xi32, #tpu.memory_space<hbm>> -> memref<80xi32, #tpu.memory_space<hbm>>
    %dma_start3A_33 = tpu.memref_slice %arg4[%add3A_31] : memref<320000xi32, #tpu.memory_space<hbm>> -> memref<80xi32, #tpu.memory_space<hbm>>
    tpu.enqueue_dma source(%dma_start3A_33 : memref<80xi32, #tpu.memory_space<hbm>>) target(%arg18 : memref<80xi32, #tpu.memory_space<vmem>>) target_semaphore(%arg38 : memref<!tpu.dma_semaphore, #tpu.memory_space<semaphore_mem>>)
    %add3A_34 = arith.constant 320 : i32
    %add3A_35 = arith.addi %mul3A_2, %add3A_34 : i32
    %dma_start3A_36 = tpu.memref_slice %arg3[%add3A_35] : memref<320000xi32, #tpu.memory_space<hbm>> -> memref<80xi32, #tpu.memory_space<hbm>>
    %dma_start3A_37 = tpu.memref_slice %arg3[%add3A_35] : memref<320000xi32, #tpu.memory_space<hbm>> -> memref<80xi32, #tpu.memory_space<hbm>>
    tpu.enqueue_dma source(%dma_start3A_37 : memref<80xi32, #tpu.memory_space<hbm>>) target(%arg11 : memref<80xi32, #tpu.memory_space<vmem>>) target_semaphore(%arg31 : memref<!tpu.dma_semaphore, #tpu.memory_space<semaphore_mem>>)
    %add3A_38 = arith.constant 320 : i32
    %add3A_39 = arith.addi %mul3A_2, %add3A_38 : i32
    %dma_start3A_40 = tpu.memref_slice %arg4[%add3A_39] : memref<320000xi32, #tpu.memory_space<hbm>> -> memref<80xi32, #tpu.memory_space<hbm>>
    %dma_start3A_41 = tpu.memref_slice %arg4[%add3A_39] : memref<320000xi32, #tpu.memory_space<hbm>> -> memref<80xi32, #tpu.memory_space<hbm>>
    tpu.enqueue_dma source(%dma_start3A_41 : memref<80xi32, #tpu.memory_space<hbm>>) target(%arg19 : memref<80xi32, #tpu.memory_space<vmem>>) target_semaphore(%arg39 : memref<!tpu.dma_semaphore, #tpu.memory_space<semaphore_mem>>)
    %add3A_42 = arith.constant 400 : i32
    %add3A_43 = arith.addi %mul3A_2, %add3A_42 : i32
    %dma_start3A_44 = tpu.memref_slice %arg3[%add3A_43] : memref<320000xi32, #tpu.memory_space<hbm>> -> memref<80xi32, #tpu.memory_space<hbm>>
    %dma_start3A_45 = tpu.memref_slice %arg3[%add3A_43] : memref<320000xi32, #tpu.memory_space<hbm>> -> memref<80xi32, #tpu.memory_space<hbm>>
    tpu.enqueue_dma source(%dma_start3A_45 : memref<80xi32, #tpu.memory_space<hbm>>) target(%arg12 : memref<80xi32, #tpu.memory_space<vmem>>) target_semaphore(%arg32 : memref<!tpu.dma_semaphore, #tpu.memory_space<semaphore_mem>>)
    %add3A_46 = arith.constant 400 : i32
    %add3A_47 = arith.addi %mul3A_2, %add3A_46 : i32
    %dma_start3A_48 = tpu.memref_slice %arg4[%add3A_47] : memref<320000xi32, #tpu.memory_space<hbm>> -> memref<80xi32, #tpu.memory_space<hbm>>
    %dma_start3A_49 = tpu.memref_slice %arg4[%add3A_47] : memref<320000xi32, #tpu.memory_space<hbm>> -> memref<80xi32, #tpu.memory_space<hbm>>
    tpu.enqueue_dma source(%dma_start3A_49 : memref<80xi32, #tpu.memory_space<hbm>>) target(%arg20 : memref<80xi32, #tpu.memory_space<vmem>>) target_semaphore(%arg40 : memref<!tpu.dma_semaphore, #tpu.memory_space<semaphore_mem>>)
    %add3A_50 = arith.constant 480 : i32
    %add3A_51 = arith.addi %mul3A_2, %add3A_50 : i32
    %dma_start3A_52 = tpu.memref_slice %arg3[%add3A_51] : memref<320000xi32, #tpu.memory_space<hbm>> -> memref<80xi32, #tpu.memory_space<hbm>>
    %dma_start3A_53 = tpu.memref_slice %arg3[%add3A_51] : memref<320000xi32, #tpu.memory_space<hbm>> -> memref<80xi32, #tpu.memory_space<hbm>>
    tpu.enqueue_dma source(%dma_start3A_53 : memref<80xi32, #tpu.memory_space<hbm>>) target(%arg13 : memref<80xi32, #tpu.memory_space<vmem>>) target_semaphore(%arg33 : memref<!tpu.dma_semaphore, #tpu.memory_space<semaphore_mem>>)
    %add3A_54 = arith.constant 480 : i32
    %add3A_55 = arith.addi %mul3A_2, %add3A_54 : i32
    %dma_start3A_56 = tpu.memref_slice %arg4[%add3A_55] : memref<320000xi32, #tpu.memory_space<hbm>> -> memref<80xi32, #tpu.memory_space<hbm>>
    %dma_start3A_57 = tpu.memref_slice %arg4[%add3A_55] : memref<320000xi32, #tpu.memory_space<hbm>> -> memref<80xi32, #tpu.memory_space<hbm>>
    tpu.enqueue_dma source(%dma_start3A_57 : memref<80xi32, #tpu.memory_space<hbm>>) target(%arg21 : memref<80xi32, #tpu.memory_space<vmem>>) target_semaphore(%arg41 : memref<!tpu.dma_semaphore, #tpu.memory_space<semaphore_mem>>)
    %dma_wait3A = arith.constant 0 : i32
    %dma_wait3A_58 = tpu.memref_slice %arg3[%dma_wait3A] : memref<320000xi32, #tpu.memory_space<hbm>> -> memref<80xi32, #tpu.memory_space<hbm>>
    %dma_wait3A_59 = arith.constant 0 : i32
    %dma_wait3A_60 = tpu.memref_slice %arg3[%dma_wait3A_59] : memref<320000xi32, #tpu.memory_space<hbm>> -> memref<80xi32, #tpu.memory_space<hbm>>
    tpu.wait_dma2 semaphore(%arg27 : memref<!tpu.dma_semaphore, #tpu.memory_space<semaphore_mem>>) src(%dma_wait3A_60 : memref<80xi32, #tpu.memory_space<hbm>>) dst(%arg7 : memref<80xi32, #tpu.memory_space<vmem>>)
    %dma_wait3A_61 = arith.constant 0 : i32
    %dma_wait3A_62 = tpu.memref_slice %arg3[%dma_wait3A_61] : memref<320000xi32, #tpu.memory_space<hbm>> -> memref<80xi32, #tpu.memory_space<hbm>>
    %dma_wait3A_63 = arith.constant 0 : i32
    %dma_wait3A_64 = tpu.memref_slice %arg3[%dma_wait3A_63] : memref<320000xi32, #tpu.memory_space<hbm>> -> memref<80xi32, #tpu.memory_space<hbm>>
    tpu.wait_dma2 semaphore(%arg35 : memref<!tpu.dma_semaphore, #tpu.memory_space<semaphore_mem>>) src(%dma_wait3A_64 : memref<80xi32, #tpu.memory_space<hbm>>) dst(%arg15 : memref<80xi32, #tpu.memory_space<vmem>>)
    %dma_start3A_65 = arith.constant 0 : i32
    %dma_start3A_66 = arith.constant 0 : i32
    %dma_start3A_67 = tpu.memref_slice %arg2[%dma_start3A_65, %dma_start3A_66] : memref<10000x128xf32, #tpu.memory_space<hbm>> -> memref<10000x128xf32, #tpu.memory_space<hbm>>
    tpu.enqueue_indirect_dma source(%dma_start3A_67 : memref<10000x128xf32, #tpu.memory_space<hbm>>) target(%arg23 : memref<80x128xf32, #tpu.memory_space<vmem>>) offsets(%arg7 : memref<80xi32, #tpu.memory_space<vmem>>) semaphore(%arg43 : memref<!tpu.dma_semaphore, #tpu.memory_space<semaphore_mem>>)
    %dma_wait3A_68 = arith.constant 0 : i32
    %dma_wait3A_69 = tpu.memref_slice %arg3[%dma_wait3A_68] : memref<320000xi32, #tpu.memory_space<hbm>> -> memref<80xi32, #tpu.memory_space<hbm>>
    %dma_wait3A_70 = arith.constant 0 : i32
    %dma_wait3A_71 = tpu.memref_slice %arg3[%dma_wait3A_70] : memref<320000xi32, #tpu.memory_space<hbm>> -> memref<80xi32, #tpu.memory_space<hbm>>
    tpu.wait_dma2 semaphore(%arg28 : memref<!tpu.dma_semaphore, #tpu.memory_space<semaphore_mem>>) src(%dma_wait3A_71 : memref<80xi32, #tpu.memory_space<hbm>>) dst(%arg8 : memref<80xi32, #tpu.memory_space<vmem>>)
    %dma_wait3A_72 = arith.constant 0 : i32
    %dma_wait3A_73 = tpu.memref_slice %arg3[%dma_wait3A_72] : memref<320000xi32, #tpu.memory_space<hbm>> -> memref<80xi32, #tpu.memory_space<hbm>>
    %dma_wait3A_74 = arith.constant 0 : i32
    %dma_wait3A_75 = tpu.memref_slice %arg3[%dma_wait3A_74] : memref<320000xi32, #tpu.memory_space<hbm>> -> memref<80xi32, #tpu.memory_space<hbm>>
    tpu.wait_dma2 semaphore(%arg36 : memref<!tpu.dma_semaphore, #tpu.memory_space<semaphore_mem>>) src(%dma_wait3A_75 : memref<80xi32, #tpu.memory_space<hbm>>) dst(%arg16 : memref<80xi32, #tpu.memory_space<vmem>>)
    %dma_start3A_76 = arith.constant 0 : i32
    %dma_start3A_77 = arith.constant 0 : i32
    %dma_start3A_78 = tpu.memref_slice %arg2[%dma_start3A_76, %dma_start3A_77] : memref<10000x128xf32, #tpu.memory_space<hbm>> -> memref<10000x128xf32, #tpu.memory_space<hbm>>
    tpu.enqueue_indirect_dma source(%dma_start3A_78 : memref<10000x128xf32, #tpu.memory_space<hbm>>) target(%arg24 : memref<80x128xf32, #tpu.memory_space<vmem>>) offsets(%arg8 : memref<80xi32, #tpu.memory_space<vmem>>) semaphore(%arg44 : memref<!tpu.dma_semaphore, #tpu.memory_space<semaphore_mem>>)
    %dma_wait3A_79 = arith.constant 0 : i32
    %dma_wait3A_80 = tpu.memref_slice %arg3[%dma_wait3A_79] : memref<320000xi32, #tpu.memory_space<hbm>> -> memref<80xi32, #tpu.memory_space<hbm>>
    %dma_wait3A_81 = arith.constant 0 : i32
    %dma_wait3A_82 = tpu.memref_slice %arg3[%dma_wait3A_81] : memref<320000xi32, #tpu.memory_space<hbm>> -> memref<80xi32, #tpu.memory_space<hbm>>
    tpu.wait_dma2 semaphore(%arg29 : memref<!tpu.dma_semaphore, #tpu.memory_space<semaphore_mem>>) src(%dma_wait3A_82 : memref<80xi32, #tpu.memory_space<hbm>>) dst(%arg9 : memref<80xi32, #tpu.memory_space<vmem>>)
    %dma_wait3A_83 = arith.constant 0 : i32
    %dma_wait3A_84 = tpu.memref_slice %arg3[%dma_wait3A_83] : memref<320000xi32, #tpu.memory_space<hbm>> -> memref<80xi32, #tpu.memory_space<hbm>>
    %dma_wait3A_85 = arith.constant 0 : i32
    %dma_wait3A_86 = tpu.memref_slice %arg3[%dma_wait3A_85] : memref<320000xi32, #tpu.memory_space<hbm>> -> memref<80xi32, #tpu.memory_space<hbm>>
    tpu.wait_dma2 semaphore(%arg37 : memref<!tpu.dma_semaphore, #tpu.memory_space<semaphore_mem>>) src(%dma_wait3A_86 : memref<80xi32, #tpu.memory_space<hbm>>) dst(%arg17 : memref<80xi32, #tpu.memory_space<vmem>>)
    %dma_start3A_87 = arith.constant 0 : i32
    %dma_start3A_88 = arith.constant 0 : i32
    %dma_start3A_89 = tpu.memref_slice %arg2[%dma_start3A_87, %dma_start3A_88] : memref<10000x128xf32, #tpu.memory_space<hbm>> -> memref<10000x128xf32, #tpu.memory_space<hbm>>
    tpu.enqueue_indirect_dma source(%dma_start3A_89 : memref<10000x128xf32, #tpu.memory_space<hbm>>) target(%arg25 : memref<80x128xf32, #tpu.memory_space<vmem>>) offsets(%arg9 : memref<80xi32, #tpu.memory_space<vmem>>) semaphore(%arg45 : memref<!tpu.dma_semaphore, #tpu.memory_space<semaphore_mem>>)
    %scan3A = arith.constant 0 : i32
    %scan3A_90 = arith.constant 0 : i32
    %scan3A_91 = arith.constant 80 : i32
    %scan3A_92 = arith.addi %scan3A_90, %scan3A_91 : i32
    %scan3A_93 = arith.constant 1 : i32
    %scan3A_94 = scf.for %scan3A_192 = %scan3A_90 to %scan3A_92 step %scan3A_93 iter_args(%scan3A_193 = %scan3A) -> (i32)  : i32 {
      %scan3A_194 = arith.constant 0 : i32
      %scan3A_195 = arith.constant 0 : i32
      %scan3A_196 = arith.constant 8 : i32
      %scan3A_197 = arith.addi %scan3A_195, %scan3A_196 : i32
      %scan3A_198 = arith.constant 1 : i32
      %scan3A_199 = scf.for %scan3A_202 = %scan3A_195 to %scan3A_197 step %scan3A_198 iter_args(%scan3A_203 = %scan3A_194) -> (i32)  : i32 {
        %broadcast_in_dim3A = arith.constant 0.000000e+00 : f32
        %broadcast_in_dim3A_204 = vector.broadcast %broadcast_in_dim3A : f32 to vector<16xf32>
        %mul3A_205 = arith.constant 16 : i32
        %mul3A_206 = arith.muli %scan3A_202, %mul3A_205 : i32
        %swap3A = arith.index_cast %scan3A_192 : i32 to index
        %swap3A_207 = arith.index_cast %mul3A_206 : i32 to index
        %swap3A_208 = tpu.vector_load %arg26[%swap3A, %swap3A_207] {strides = array<i32>} : memref<80x128xf32, #tpu.memory_space<vmem>>, vector<16xf32>,
        tpu.vector_store %arg26[%swap3A, %swap3A_207], %broadcast_in_dim3A_204 {strides = array<i32>} : memref<80x128xf32, #tpu.memory_space<vmem>>, vector<16xf32>,
        %scan3A_209 = arith.constant 0 : i32
        scf.yield %scan3A_209 : i32
      }
      %scan3A_200 = arith.constant 8 : i32
      %scan3A_201 = arith.constant 0 : i32
      scf.yield %scan3A_201 : i32
    }
    %scan3A_95 = arith.constant 80 : i32
    %mul3A_96 = arith.constant 624 : i32
    %mul3A_97 = arith.muli %arg1, %mul3A_96 : i32
    %lt3A = arith.constant 15 : i32
    %lt3A_98 = arith.cmpi slt, %arg1, %lt3A : i32
    %convert_element_type3A = arith.extui %lt3A_98 : i1 to i32
    %cond3A = arith.constant 0 : i32
    %cond3A_99 = arith.cmpi ne, %convert_element_type3A, %cond3A : i32
    scf.if %cond3A_99 {
      %scan3A_192 = arith.constant 0 : i32
      %scan3A_193 = arith.constant 0 : i32
      %scan3A_194 = arith.constant 7 : i32
      %scan3A_195 = arith.addi %scan3A_193, %scan3A_194 : i32
      %scan3A_196 = arith.constant 1 : i32
      %scan3A_197 = scf.for %scan3A_201 = %scan3A_193 to %scan3A_195 step %scan3A_196 iter_args(%scan3A_202 = %scan3A_192) -> (i32)  : i32 {
        %mul3A_203 = arith.constant 80 : i32
        %mul3A_204 = arith.muli %scan3A_201, %mul3A_203 : i32
        %add3A_205 = arith.addi %mul3A_97, %mul3A_204 : i32
        "tpu.region"() ({
          %run_scoped3A = tpu.sem_alloc : memref<!tpu.dma_semaphore, #tpu.memory_space<semaphore_mem>>
          %dma_start3A_207 = arith.constant 0 : i32
          %dma_start3A_208 = tpu.memref_slice %arg6[%add3A_205, %dma_start3A_207] : memref<10000x128xf32, #tpu.memory_space<vmem_shared>> -> memref<80x128xf32, #tpu.memory_space<vmem_shared>>
          %dma_start3A_209 = arith.constant 0 : i32
          %dma_start3A_210 = tpu.memref_slice %arg6[%add3A_205, %dma_start3A_209] : memref<10000x128xf32, #tpu.memory_space<vmem_shared>> -> memref<80x128xf32, #tpu.memory_space<vmem_shared>>
          tpu.enqueue_dma source(%arg26 : memref<80x128xf32, #tpu.memory_space<vmem>>) target(%dma_start3A_210 : memref<80x128xf32, #tpu.memory_space<vmem_shared>>) target_semaphore(%run_scoped3A : memref<!tpu.dma_semaphore, #tpu.memory_space<semaphore_mem>>)
          %dma_wait3A_211 = arith.constant 0 : i32
          %dma_wait3A_212 = tpu.memref_slice %arg6[%add3A_205, %dma_wait3A_211] : memref<10000x128xf32, #tpu.memory_space<vmem_shared>> -> memref<80x128xf32, #tpu.memory_space<vmem_shared>>
          %dma_wait3A_213 = arith.constant 0 : i32
          %dma_wait3A_214 = tpu.memref_slice %arg6[%add3A_205, %dma_wait3A_213] : memref<10000x128xf32, #tpu.memory_space<vmem_shared>> -> memref<80x128xf32, #tpu.memory_space<vmem_shared>>
          tpu.wait_dma2 semaphore(%run_scoped3A : memref<!tpu.dma_semaphore, #tpu.memory_space<semaphore_mem>>) src(%arg26 : memref<80x128xf32, #tpu.memory_space<vmem>>) dst(%dma_wait3A_214 : memref<80x128xf32, #tpu.memory_space<vmem_shared>>)
          tpu.yield
        }) : () -> ()
        %scan3A_206 = arith.constant 0 : i32
        scf.yield %scan3A_206 : i32
      }
      %scan3A_198 = arith.constant 7 : i32
      %add3A_199 = arith.constant 560 : i32
      %add3A_200 = arith.addi %mul3A_97, %add3A_199 : i32
      "tpu.region"() ({
        %run_scoped3A = tpu.sem_alloc : memref<!tpu.dma_semaphore, #tpu.memory_space<semaphore_mem>>
        %dma_start3A_201 = arith.constant 0 : i32
        %dma_start3A_202 = arith.constant 0 : i32
        %dma_start3A_203 = tpu.memref_slice %arg26[%dma_start3A_201, %dma_start3A_202] : memref<80x128xf32, #tpu.memory_space<vmem>> -> memref<64x128xf32, #tpu.memory_space<vmem>>
        %dma_start3A_204 = arith.constant 0 : i32
        %dma_start3A_205 = tpu.memref_slice %arg6[%add3A_200, %dma_start3A_204] : memref<10000x128xf32, #tpu.memory_space<vmem_shared>> -> memref<64x128xf32, #tpu.memory_space<vmem_shared>>
        %dma_start3A_206 = arith.constant 0 : i32
        %dma_start3A_207 = tpu.memref_slice %arg6[%add3A_200, %dma_start3A_206] : memref<10000x128xf32, #tpu.memory_space<vmem_shared>> -> memref<64x128xf32, #tpu.memory_space<vmem_shared>>
        %dma_start3A_208 = arith.constant 0 : i32
        %dma_start3A_209 = arith.constant 0 : i32
        %dma_start3A_210 = tpu.memref_slice %arg26[%dma_start3A_208, %dma_start3A_209] : memref<80x128xf32, #tpu.memory_space<vmem>> -> memref<64x128xf32, #tpu.memory_space<vmem>>
        tpu.enqueue_dma source(%dma_start3A_210 : memref<64x128xf32, #tpu.memory_space<vmem>>) target(%dma_start3A_207 : memref<64x128xf32, #tpu.memory_space<vmem_shared>>) target_semaphore(%run_scoped3A : memref<!tpu.dma_semaphore, #tpu.memory_space<semaphore_mem>>)
        %dma_wait3A_211 = arith.constant 0 : i32
        %dma_wait3A_212 = arith.constant 0 : i32
        %dma_wait3A_213 = tpu.memref_slice %arg26[%dma_wait3A_211, %dma_wait3A_212] : memref<80x128xf32, #tpu.memory_space<vmem>> -> memref<64x128xf32, #tpu.memory_space<vmem>>
        %dma_wait3A_214 = arith.constant 0 : i32
        %dma_wait3A_215 = tpu.memref_slice %arg6[%add3A_200, %dma_wait3A_214] : memref<10000x128xf32, #tpu.memory_space<vmem_shared>> -> memref<64x128xf32, #tpu.memory_space<vmem_shared>>
        %dma_wait3A_216 = arith.constant 0 : i32
        %dma_wait3A_217 = tpu.memref_slice %arg6[%add3A_200, %dma_wait3A_216] : memref<10000x128xf32, #tpu.memory_space<vmem_shared>> -> memref<64x128xf32, #tpu.memory_space<vmem_shared>>
        %dma_wait3A_218 = arith.constant 0 : i32
        %dma_wait3A_219 = arith.constant 0 : i32
        %dma_wait3A_220 = tpu.memref_slice %arg26[%dma_wait3A_218, %dma_wait3A_219] : memref<80x128xf32, #tpu.memory_space<vmem>> -> memref<64x128xf32, #tpu.memory_space<vmem>>
        tpu.wait_dma2 semaphore(%run_scoped3A : memref<!tpu.dma_semaphore, #tpu.memory_space<semaphore_mem>>) src(%dma_wait3A_220 : memref<64x128xf32, #tpu.memory_space<vmem>>) dst(%dma_wait3A_217 : memref<64x128xf32, #tpu.memory_space<vmem_shared>>)
        tpu.yield
      }) : () -> ()
    } else {
    }
    %eq3A = arith.constant 15 : i32
    %eq3A_100 = arith.cmpi eq, %arg1, %eq3A : i32
    %convert_element_type3A_101 = arith.extui %eq3A_100 : i1 to i32
    %cond3A_102 = arith.constant 0 : i32
    %cond3A_103 = arith.cmpi ne, %convert_element_type3A_101, %cond3A_102 : i32
    scf.if %cond3A_103 {
      %scan3A_192 = arith.constant 0 : i32
      %scan3A_193 = arith.constant 0 : i32
      %scan3A_194 = arith.constant 8 : i32
      %scan3A_195 = arith.addi %scan3A_193, %scan3A_194 : i32
      %scan3A_196 = arith.constant 1 : i32
      %scan3A_197 = scf.for %scan3A_199 = %scan3A_193 to %scan3A_195 step %scan3A_196 iter_args(%scan3A_200 = %scan3A_192) -> (i32)  : i32 {
        %mul3A_201 = arith.constant 80 : i32
        %mul3A_202 = arith.muli %scan3A_199, %mul3A_201 : i32
        %add3A_203 = arith.addi %mul3A_97, %mul3A_202 : i32
        "tpu.region"() ({
          %run_scoped3A = tpu.sem_alloc : memref<!tpu.dma_semaphore, #tpu.memory_space<semaphore_mem>>
          %dma_start3A_205 = arith.constant 0 : i32
          %dma_start3A_206 = tpu.memref_slice %arg6[%add3A_203, %dma_start3A_205] : memref<10000x128xf32, #tpu.memory_space<vmem_shared>> -> memref<80x128xf32, #tpu.memory_space<vmem_shared>>
          %dma_start3A_207 = arith.constant 0 : i32
          %dma_start3A_208 = tpu.memref_slice %arg6[%add3A_203, %dma_start3A_207] : memref<10000x128xf32, #tpu.memory_space<vmem_shared>> -> memref<80x128xf32, #tpu.memory_space<vmem_shared>>
          tpu.enqueue_dma source(%arg26 : memref<80x128xf32, #tpu.memory_space<vmem>>) target(%dma_start3A_208 : memref<80x128xf32, #tpu.memory_space<vmem_shared>>) target_semaphore(%run_scoped3A : memref<!tpu.dma_semaphore, #tpu.memory_space<semaphore_mem>>)
          %dma_wait3A_209 = arith.constant 0 : i32
          %dma_wait3A_210 = tpu.memref_slice %arg6[%add3A_203, %dma_wait3A_209] : memref<10000x128xf32, #tpu.memory_space<vmem_shared>> -> memref<80x128xf32, #tpu.memory_space<vmem_shared>>
          %dma_wait3A_211 = arith.constant 0 : i32
          %dma_wait3A_212 = tpu.memref_slice %arg6[%add3A_203, %dma_wait3A_211] : memref<10000x128xf32, #tpu.memory_space<vmem_shared>> -> memref<80x128xf32, #tpu.memory_space<vmem_shared>>
          tpu.wait_dma2 semaphore(%run_scoped3A : memref<!tpu.dma_semaphore, #tpu.memory_space<semaphore_mem>>) src(%arg26 : memref<80x128xf32, #tpu.memory_space<vmem>>) dst(%dma_wait3A_212 : memref<80x128xf32, #tpu.memory_space<vmem_shared>>)
          tpu.yield
        }) : () -> ()
        %scan3A_204 = arith.constant 0 : i32
        scf.yield %scan3A_204 : i32
      }
      %scan3A_198 = arith.constant 8 : i32
    } else {
    }
    %barrier3A = arith.constant 0 : index
    tpu.barrier barrier_id(%barrier3A)
    %scan3A_104 = arith.constant 0 : i32
    %scan3A_105 = arith.constant 0 : i32
    %scan3A_106 = arith.constant 15 : i32
    %scan3A_107 = arith.addi %scan3A_105, %scan3A_106 : i32
    %scan3A_108 = arith.constant 1 : i32
    %scan3A_109 = scf.for %scan3A_192 = %scan3A_105 to %scan3A_107 step %scan3A_108 iter_args(%scan3A_193 = %scan3A_104) -> (i32)  : i32 {
      %mul3A_194 = arith.constant 8 : i32
      %mul3A_195 = arith.muli %scan3A_192, %mul3A_194 : i32
      %add3A_196 = arith.constant 0 : i32
      %add3A_197 = arith.addi %mul3A_195, %add3A_196 : i32
      %add3A_198 = arith.constant 3 : i32
      %add3A_199 = arith.addi %add3A_197, %add3A_198 : i32
      %lt3A_200 = arith.constant 125 : i32
      %lt3A_201 = arith.cmpi slt, %add3A_199, %lt3A_200 : i32
      %convert_element_type3A_202 = arith.extui %lt3A_201 : i1 to i32
      %cond3A_203 = arith.constant 0 : i32
      %cond3A_204 = arith.cmpi ne, %convert_element_type3A_202, %cond3A_203 : i32
      scf.if %cond3A_204 {
        %ge3A = arith.constant 1 : i32
        %ge3A_331 = arith.cmpi sge, %add3A_197, %ge3A : i32
        %convert_element_type3A_332 = arith.extui %ge3A_331 : i1 to i32
        %cond3A_333 = arith.constant 0 : i32
        %cond3A_334 = arith.cmpi ne, %convert_element_type3A_332, %cond3A_333 : i32
        scf.if %cond3A_334 {
          %dma_wait3A_353 = arith.constant 0 : i32
          %dma_wait3A_354 = arith.constant 0 : i32
          %dma_wait3A_355 = tpu.memref_slice %arg6[%dma_wait3A_353, %dma_wait3A_354] : memref<10000x128xf32, #tpu.memory_space<vmem_shared>> -> memref<10000x128xf32, #tpu.memory_space<vmem_shared>>
          tpu.wait_indirect_dma semaphore(%arg50 : memref<!tpu.dma_semaphore, #tpu.memory_space<semaphore_mem>>) src(%arg26 : memref<80x128xf32, #tpu.memory_space<vmem>>) dst(%dma_wait3A_355 : memref<10000x128xf32, #tpu.memory_space<vmem_shared>>)
        } else {
        }
        %add3A_335 = arith.constant 7 : i32
        %add3A_336 = arith.addi %add3A_197, %add3A_335 : i32
        %lt3A_337 = arith.constant 125 : i32
        %lt3A_338 = arith.cmpi slt, %add3A_336, %lt3A_337 : i32
        %convert_element_type3A_339 = arith.extui %lt3A_338 : i1 to i32
        %cond3A_340 = arith.constant 0 : i32
        %cond3A_341 = arith.cmpi ne, %convert_element_type3A_339, %cond3A_340 : i32
        scf.if %cond3A_341 {
          %add3A_353 = arith.constant 7 : i32
          %add3A_354 = arith.addi %add3A_197, %add3A_353 : i32
          %mul3A_355 = arith.constant 80 : i32
          %mul3A_356 = arith.muli %add3A_354, %mul3A_355 : i32
          %add3A_357 = arith.addi %mul3A_2, %mul3A_356 : i32
          %dma_start3A_358 = tpu.memref_slice %arg3[%add3A_357] : memref<320000xi32, #tpu.memory_space<hbm>> -> memref<80xi32, #tpu.memory_space<hbm>>
          %dma_start3A_359 = tpu.memref_slice %arg3[%add3A_357] : memref<320000xi32, #tpu.memory_space<hbm>> -> memref<80xi32, #tpu.memory_space<hbm>>
          tpu.enqueue_dma source(%dma_start3A_359 : memref<80xi32, #tpu.memory_space<hbm>>) target(%arg14 : memref<80xi32, #tpu.memory_space<vmem>>) target_semaphore(%arg34 : memref<!tpu.dma_semaphore, #tpu.memory_space<semaphore_mem>>)
          %mul3A_360 = arith.constant 80 : i32
          %mul3A_361 = arith.muli %add3A_354, %mul3A_360 : i32
          %add3A_362 = arith.addi %mul3A_2, %mul3A_361 : i32
          %dma_start3A_363 = tpu.memref_slice %arg4[%add3A_362] : memref<320000xi32, #tpu.memory_space<hbm>> -> memref<80xi32, #tpu.memory_space<hbm>>
          %dma_start3A_364 = tpu.memref_slice %arg4[%add3A_362] : memref<320000xi32, #tpu.memory_space<hbm>> -> memref<80xi32, #tpu.memory_space<hbm>>
          tpu.enqueue_dma source(%dma_start3A_364 : memref<80xi32, #tpu.memory_space<hbm>>) target(%arg22 : memref<80xi32, #tpu.memory_space<vmem>>) target_semaphore(%arg42 : memref<!tpu.dma_semaphore, #tpu.memory_space<semaphore_mem>>)
        } else {
        }
        %dma_wait3A_342 = arith.constant 0 : i32
        %dma_wait3A_343 = tpu.memref_slice %arg3[%dma_wait3A_342] : memref<320000xi32, #tpu.memory_space<hbm>> -> memref<80xi32, #tpu.memory_space<hbm>>
        %dma_wait3A_344 = arith.constant 0 : i32
        %dma_wait3A_345 = tpu.memref_slice %arg3[%dma_wait3A_344] : memref<320000xi32, #tpu.memory_space<hbm>> -> memref<80xi32, #tpu.memory_space<hbm>>
        tpu.wait_dma2 semaphore(%arg30 : memref<!tpu.dma_semaphore, #tpu.memory_space<semaphore_mem>>) src(%dma_wait3A_345 : memref<80xi32, #tpu.memory_space<hbm>>) dst(%arg10 : memref<80xi32, #tpu.memory_space<vmem>>)
        %dma_wait3A_346 = arith.constant 0 : i32
        %dma_wait3A_347 = tpu.memref_slice %arg3[%dma_wait3A_346] : memref<320000xi32, #tpu.memory_space<hbm>> -> memref<80xi32, #tpu.memory_space<hbm>>
        %dma_wait3A_348 = arith.constant 0 : i32
        %dma_wait3A_349 = tpu.memref_slice %arg3[%dma_wait3A_348] : memref<320000xi32, #tpu.memory_space<hbm>> -> memref<80xi32, #tpu.memory_space<hbm>>
        tpu.wait_dma2 semaphore(%arg38 : memref<!tpu.dma_semaphore, #tpu.memory_space<semaphore_mem>>) src(%dma_wait3A_349 : memref<80xi32, #tpu.memory_space<hbm>>) dst(%arg18 : memref<80xi32, #tpu.memory_space<vmem>>)
        %dma_start3A_350 = arith.constant 0 : i32
        %dma_start3A_351 = arith.constant 0 : i32
        %dma_start3A_352 = tpu.memref_slice %arg2[%dma_start3A_350, %dma_start3A_351] : memref<10000x128xf32, #tpu.memory_space<hbm>> -> memref<10000x128xf32, #tpu.memory_space<hbm>>
        tpu.enqueue_indirect_dma source(%dma_start3A_352 : memref<10000x128xf32, #tpu.memory_space<hbm>>) target(%arg26 : memref<80x128xf32, #tpu.memory_space<vmem>>) offsets(%arg10 : memref<80xi32, #tpu.memory_space<vmem>>) semaphore(%arg46 : memref<!tpu.dma_semaphore, #tpu.memory_space<semaphore_mem>>)
      } else {
      }
      %dma_wait3A_205 = arith.constant 0 : i32
      %dma_wait3A_206 = arith.constant 0 : i32
      %dma_wait3A_207 = tpu.memref_slice %arg2[%dma_wait3A_205, %dma_wait3A_206] : memref<10000x128xf32, #tpu.memory_space<hbm>> -> memref<10000x128xf32, #tpu.memory_space<hbm>>
      tpu.wait_indirect_dma semaphore(%arg43 : memref<!tpu.dma_semaphore, #tpu.memory_space<semaphore_mem>>) src(%dma_wait3A_207 : memref<10000x128xf32, #tpu.memory_space<hbm>>) dst(%arg23 : memref<80x128xf32, #tpu.memory_space<vmem>>)
      %dma_start3A_208 = arith.constant 0 : i32
      %dma_start3A_209 = arith.constant 0 : i32
      %dma_start3A_210 = tpu.memref_slice %arg6[%dma_start3A_208, %dma_start3A_209] : memref<10000x128xf32, #tpu.memory_space<vmem_shared>> -> memref<10000x128xf32, #tpu.memory_space<vmem_shared>>
      tpu.enqueue_indirect_dma source(%arg23 : memref<80x128xf32, #tpu.memory_space<vmem>>) target(%dma_start3A_210 : memref<10000x128xf32, #tpu.memory_space<vmem_shared>>) offsets(%arg15 : memref<80xi32, #tpu.memory_space<vmem>>) semaphore(%arg47 : memref<!tpu.dma_semaphore, #tpu.memory_space<semaphore_mem>>) {add = true}
      %mul3A_211 = arith.constant 8 : i32
      %mul3A_212 = arith.muli %scan3A_192, %mul3A_211 : i32
      %add3A_213 = arith.constant 1 : i32
      %add3A_214 = arith.addi %mul3A_212, %add3A_213 : i32
      %add3A_215 = arith.constant 3 : i32
      %add3A_216 = arith.addi %add3A_214, %add3A_215 : i32
      %lt3A_217 = arith.constant 125 : i32
      %lt3A_218 = arith.cmpi slt, %add3A_216, %lt3A_217 : i32
      %convert_element_type3A_219 = arith.extui %lt3A_218 : i1 to i32
      %cond3A_220 = arith.constant 0 : i32
      %cond3A_221 = arith.cmpi ne, %convert_element_type3A_219, %cond3A_220 : i32
      scf.if %cond3A_221 {
        %ge3A = arith.constant 1 : i32
        %ge3A_331 = arith.cmpi sge, %add3A_214, %ge3A : i32
        %convert_element_type3A_332 = arith.extui %ge3A_331 : i1 to i32
        %cond3A_333 = arith.constant 0 : i32
        %cond3A_334 = arith.cmpi ne, %convert_element_type3A_332, %cond3A_333 : i32
        scf.if %cond3A_334 {
          %dma_wait3A_353 = arith.constant 0 : i32
          %dma_wait3A_354 = arith.constant 0 : i32
          %dma_wait3A_355 = tpu.memref_slice %arg6[%dma_wait3A_353, %dma_wait3A_354] : memref<10000x128xf32, #tpu.memory_space<vmem_shared>> -> memref<10000x128xf32, #tpu.memory_space<vmem_shared>>
          tpu.wait_indirect_dma semaphore(%arg47 : memref<!tpu.dma_semaphore, #tpu.memory_space<semaphore_mem>>) src(%arg23 : memref<80x128xf32, #tpu.memory_space<vmem>>) dst(%dma_wait3A_355 : memref<10000x128xf32, #tpu.memory_space<vmem_shared>>)
        } else {
        }
        %add3A_335 = arith.constant 7 : i32
        %add3A_336 = arith.addi %add3A_214, %add3A_335 : i32
        %lt3A_337 = arith.constant 125 : i32
        %lt3A_338 = arith.cmpi slt, %add3A_336, %lt3A_337 : i32
        %convert_element_type3A_339 = arith.extui %lt3A_338 : i1 to i32
        %cond3A_340 = arith.constant 0 : i32
        %cond3A_341 = arith.cmpi ne, %convert_element_type3A_339, %cond3A_340 : i32
        scf.if %cond3A_341 {
          %add3A_353 = arith.constant 7 : i32
          %add3A_354 = arith.addi %add3A_214, %add3A_353 : i32
          %mul3A_355 = arith.constant 80 : i32
          %mul3A_356 = arith.muli %add3A_354, %mul3A_355 : i32
          %add3A_357 = arith.addi %mul3A_2, %mul3A_356 : i32
          %dma_start3A_358 = tpu.memref_slice %arg3[%add3A_357] : memref<320000xi32, #tpu.memory_space<hbm>> -> memref<80xi32, #tpu.memory_space<hbm>>
          %dma_start3A_359 = tpu.memref_slice %arg3[%add3A_357] : memref<320000xi32, #tpu.memory_space<hbm>> -> memref<80xi32, #tpu.memory_space<hbm>>
          tpu.enqueue_dma source(%dma_start3A_359 : memref<80xi32, #tpu.memory_space<hbm>>) target(%arg7 : memref<80xi32, #tpu.memory_space<vmem>>) target_semaphore(%arg27 : memref<!tpu.dma_semaphore, #tpu.memory_space<semaphore_mem>>)
          %mul3A_360 = arith.constant 80 : i32
          %mul3A_361 = arith.muli %add3A_354, %mul3A_360 : i32
          %add3A_362 = arith.addi %mul3A_2, %mul3A_361 : i32
          %dma_start3A_363 = tpu.memref_slice %arg4[%add3A_362] : memref<320000xi32, #tpu.memory_space<hbm>> -> memref<80xi32, #tpu.memory_space<hbm>>
          %dma_start3A_364 = tpu.memref_slice %arg4[%add3A_362] : memref<320000xi32, #tpu.memory_space<hbm>> -> memref<80xi32, #tpu.memory_space<hbm>>
          tpu.enqueue_dma source(%dma_start3A_364 : memref<80xi32, #tpu.memory_space<hbm>>) target(%arg15 : memref<80xi32, #tpu.memory_space<vmem>>) target_semaphore(%arg35 : memref<!tpu.dma_semaphore, #tpu.memory_space<semaphore_mem>>)
        } else {
        }
        %dma_wait3A_342 = arith.constant 0 : i32
        %dma_wait3A_343 = tpu.memref_slice %arg3[%dma_wait3A_342] : memref<320000xi32, #tpu.memory_space<hbm>> -> memref<80xi32, #tpu.memory_space<hbm>>
        %dma_wait3A_344 = arith.constant 0 : i32
        %dma_wait3A_345 = tpu.memref_slice %arg3[%dma_wait3A_344] : memref<320000xi32, #tpu.memory_space<hbm>> -> memref<80xi32, #tpu.memory_space<hbm>>
        tpu.wait_dma2 semaphore(%arg31 : memref<!tpu.dma_semaphore, #tpu.memory_space<semaphore_mem>>) src(%dma_wait3A_345 : memref<80xi32, #tpu.memory_space<hbm>>) dst(%arg11 : memref<80xi32, #tpu.memory_space<vmem>>)
        %dma_wait3A_346 = arith.constant 0 : i32
        %dma_wait3A_347 = tpu.memref_slice %arg3[%dma_wait3A_346] : memref<320000xi32, #tpu.memory_space<hbm>> -> memref<80xi32, #tpu.memory_space<hbm>>
        %dma_wait3A_348 = arith.constant 0 : i32
        %dma_wait3A_349 = tpu.memref_slice %arg3[%dma_wait3A_348] : memref<320000xi32, #tpu.memory_space<hbm>> -> memref<80xi32, #tpu.memory_space<hbm>>
        tpu.wait_dma2 semaphore(%arg39 : memref<!tpu.dma_semaphore, #tpu.memory_space<semaphore_mem>>) src(%dma_wait3A_349 : memref<80xi32, #tpu.memory_space<hbm>>) dst(%arg19 : memref<80xi32, #tpu.memory_space<vmem>>)
        %dma_start3A_350 = arith.constant 0 : i32
        %dma_start3A_351 = arith.constant 0 : i32
        %dma_start3A_352 = tpu.memref_slice %arg2[%dma_start3A_350, %dma_start3A_351] : memref<10000x128xf32, #tpu.memory_space<hbm>> -> memref<10000x128xf32, #tpu.memory_space<hbm>>
        tpu.enqueue_indirect_dma source(%dma_start3A_352 : memref<10000x128xf32, #tpu.memory_space<hbm>>) target(%arg23 : memref<80x128xf32, #tpu.memory_space<vmem>>) offsets(%arg11 : memref<80xi32, #tpu.memory_space<vmem>>) semaphore(%arg43 : memref<!tpu.dma_semaphore, #tpu.memory_space<semaphore_mem>>)
      } else {
      }
      %dma_wait3A_222 = arith.constant 0 : i32
      %dma_wait3A_223 = arith.constant 0 : i32
      %dma_wait3A_224 = tpu.memref_slice %arg2[%dma_wait3A_222, %dma_wait3A_223] : memref<10000x128xf32, #tpu.memory_space<hbm>> -> memref<10000x128xf32, #tpu.memory_space<hbm>>
      tpu.wait_indirect_dma semaphore(%arg44 : memref<!tpu.dma_semaphore, #tpu.memory_space<semaphore_mem>>) src(%dma_wait3A_224 : memref<10000x128xf32, #tpu.memory_space<hbm>>) dst(%arg24 : memref<80x128xf32, #tpu.memory_space<vmem>>)
      %dma_start3A_225 = arith.constant 0 : i32
      %dma_start3A_226 = arith.constant 0 : i32
      %dma_start3A_227 = tpu.memref_slice %arg6[%dma_start3A_225, %dma_start3A_226] : memref<10000x128xf32, #tpu.memory_space<vmem_shared>> -> memref<10000x128xf32, #tpu.memory_space<vmem_shared>>
      tpu.enqueue_indirect_dma source(%arg24 : memref<80x128xf32, #tpu.memory_space<vmem>>) target(%dma_start3A_227 : memref<10000x128xf32, #tpu.memory_space<vmem_shared>>) offsets(%arg16 : memref<80xi32, #tpu.memory_space<vmem>>) semaphore(%arg48 : memref<!tpu.dma_semaphore, #tpu.memory_space<semaphore_mem>>) {add = true}
      %mul3A_228 = arith.constant 8 : i32
      %mul3A_229 = arith.muli %scan3A_192, %mul3A_228 : i32
      %add3A_230 = arith.constant 2 : i32
      %add3A_231 = arith.addi %mul3A_229, %add3A_230 : i32
      %add3A_232 = arith.constant 3 : i32
      %add3A_233 = arith.addi %add3A_231, %add3A_232 : i32
      %lt3A_234 = arith.constant 125 : i32
      %lt3A_235 = arith.cmpi slt, %add3A_233, %lt3A_234 : i32
      %convert_element_type3A_236 = arith.extui %lt3A_235 : i1 to i32
      %cond3A_237 = arith.constant 0 : i32
      %cond3A_238 = arith.cmpi ne, %convert_element_type3A_236, %cond3A_237 : i32
      scf.if %cond3A_238 {
        %ge3A = arith.constant 1 : i32
        %ge3A_331 = arith.cmpi sge, %add3A_231, %ge3A : i32
        %convert_element_type3A_332 = arith.extui %ge3A_331 : i1 to i32
        %cond3A_333 = arith.constant 0 : i32
        %cond3A_334 = arith.cmpi ne, %convert_element_type3A_332, %cond3A_333 : i32
        scf.if %cond3A_334 {
          %dma_wait3A_353 = arith.constant 0 : i32
          %dma_wait3A_354 = arith.constant 0 : i32
          %dma_wait3A_355 = tpu.memref_slice %arg6[%dma_wait3A_353, %dma_wait3A_354] : memref<10000x128xf32, #tpu.memory_space<vmem_shared>> -> memref<10000x128xf32, #tpu.memory_space<vmem_shared>>
          tpu.wait_indirect_dma semaphore(%arg48 : memref<!tpu.dma_semaphore, #tpu.memory_space<semaphore_mem>>) src(%arg24 : memref<80x128xf32, #tpu.memory_space<vmem>>) dst(%dma_wait3A_355 : memref<10000x128xf32, #tpu.memory_space<vmem_shared>>)
        } else {
        }
        %add3A_335 = arith.constant 7 : i32
        %add3A_336 = arith.addi %add3A_231, %add3A_335 : i32
        %lt3A_337 = arith.constant 125 : i32
        %lt3A_338 = arith.cmpi slt, %add3A_336, %lt3A_337 : i32
        %convert_element_type3A_339 = arith.extui %lt3A_338 : i1 to i32
        %cond3A_340 = arith.constant 0 : i32
        %cond3A_341 = arith.cmpi ne, %convert_element_type3A_339, %cond3A_340 : i32
        scf.if %cond3A_341 {
          %add3A_353 = arith.constant 7 : i32
          %add3A_354 = arith.addi %add3A_231, %add3A_353 : i32
          %mul3A_355 = arith.constant 80 : i32
          %mul3A_356 = arith.muli %add3A_354, %mul3A_355 : i32
          %add3A_357 = arith.addi %mul3A_2, %mul3A_356 : i32
          %dma_start3A_358 = tpu.memref_slice %arg3[%add3A_357] : memref<320000xi32, #tpu.memory_space<hbm>> -> memref<80xi32, #tpu.memory_space<hbm>>
          %dma_start3A_359 = tpu.memref_slice %arg3[%add3A_357] : memref<320000xi32, #tpu.memory_space<hbm>> -> memref<80xi32, #tpu.memory_space<hbm>>
          tpu.enqueue_dma source(%dma_start3A_359 : memref<80xi32, #tpu.memory_space<hbm>>) target(%arg8 : memref<80xi32, #tpu.memory_space<vmem>>) target_semaphore(%arg28 : memref<!tpu.dma_semaphore, #tpu.memory_space<semaphore_mem>>)
          %mul3A_360 = arith.constant 80 : i32
          %mul3A_361 = arith.muli %add3A_354, %mul3A_360 : i32
          %add3A_362 = arith.addi %mul3A_2, %mul3A_361 : i32
          %dma_start3A_363 = tpu.memref_slice %arg4[%add3A_362] : memref<320000xi32, #tpu.memory_space<hbm>> -> memref<80xi32, #tpu.memory_space<hbm>>
          %dma_start3A_364 = tpu.memref_slice %arg4[%add3A_362] : memref<320000xi32, #tpu.memory_space<hbm>> -> memref<80xi32, #tpu.memory_space<hbm>>
          tpu.enqueue_dma source(%dma_start3A_364 : memref<80xi32, #tpu.memory_space<hbm>>) target(%arg16 : memref<80xi32, #tpu.memory_space<vmem>>) target_semaphore(%arg36 : memref<!tpu.dma_semaphore, #tpu.memory_space<semaphore_mem>>)
        } else {
        }
        %dma_wait3A_342 = arith.constant 0 : i32
        %dma_wait3A_343 = tpu.memref_slice %arg3[%dma_wait3A_342] : memref<320000xi32, #tpu.memory_space<hbm>> -> memref<80xi32, #tpu.memory_space<hbm>>
        %dma_wait3A_344 = arith.constant 0 : i32
        %dma_wait3A_345 = tpu.memref_slice %arg3[%dma_wait3A_344] : memref<320000xi32, #tpu.memory_space<hbm>> -> memref<80xi32, #tpu.memory_space<hbm>>
        tpu.wait_dma2 semaphore(%arg32 : memref<!tpu.dma_semaphore, #tpu.memory_space<semaphore_mem>>) src(%dma_wait3A_345 : memref<80xi32, #tpu.memory_space<hbm>>) dst(%arg12 : memref<80xi32, #tpu.memory_space<vmem>>)
        %dma_wait3A_346 = arith.constant 0 : i32
        %dma_wait3A_347 = tpu.memref_slice %arg3[%dma_wait3A_346] : memref<320000xi32, #tpu.memory_space<hbm>> -> memref<80xi32, #tpu.memory_space<hbm>>
        %dma_wait3A_348 = arith.constant 0 : i32
        %dma_wait3A_349 = tpu.memref_slice %arg3[%dma_wait3A_348] : memref<320000xi32, #tpu.memory_space<hbm>> -> memref<80xi32, #tpu.memory_space<hbm>>
        tpu.wait_dma2 semaphore(%arg40 : memref<!tpu.dma_semaphore, #tpu.memory_space<semaphore_mem>>) src(%dma_wait3A_349 : memref<80xi32, #tpu.memory_space<hbm>>) dst(%arg20 : memref<80xi32, #tpu.memory_space<vmem>>)
        %dma_start3A_350 = arith.constant 0 : i32
        %dma_start3A_351 = arith.constant 0 : i32
        %dma_start3A_352 = tpu.memref_slice %arg2[%dma_start3A_350, %dma_start3A_351] : memref<10000x128xf32, #tpu.memory_space<hbm>> -> memref<10000x128xf32, #tpu.memory_space<hbm>>
        tpu.enqueue_indirect_dma source(%dma_start3A_352 : memref<10000x128xf32, #tpu.memory_space<hbm>>) target(%arg24 : memref<80x128xf32, #tpu.memory_space<vmem>>) offsets(%arg12 : memref<80xi32, #tpu.memory_space<vmem>>) semaphore(%arg44 : memref<!tpu.dma_semaphore, #tpu.memory_space<semaphore_mem>>)
      } else {
      }
      %dma_wait3A_239 = arith.constant 0 : i32
      %dma_wait3A_240 = arith.constant 0 : i32
      %dma_wait3A_241 = tpu.memref_slice %arg2[%dma_wait3A_239, %dma_wait3A_240] : memref<10000x128xf32, #tpu.memory_space<hbm>> -> memref<10000x128xf32, #tpu.memory_space<hbm>>
      tpu.wait_indirect_dma semaphore(%arg45 : memref<!tpu.dma_semaphore, #tpu.memory_space<semaphore_mem>>) src(%dma_wait3A_241 : memref<10000x128xf32, #tpu.memory_space<hbm>>) dst(%arg25 : memref<80x128xf32, #tpu.memory_space<vmem>>)
      %dma_start3A_242 = arith.constant 0 : i32
      %dma_start3A_243 = arith.constant 0 : i32
      %dma_start3A_244 = tpu.memref_slice %arg6[%dma_start3A_242, %dma_start3A_243] : memref<10000x128xf32, #tpu.memory_space<vmem_shared>> -> memref<10000x128xf32, #tpu.memory_space<vmem_shared>>
      tpu.enqueue_indirect_dma source(%arg25 : memref<80x128xf32, #tpu.memory_space<vmem>>) target(%dma_start3A_244 : memref<10000x128xf32, #tpu.memory_space<vmem_shared>>) offsets(%arg17 : memref<80xi32, #tpu.memory_space<vmem>>) semaphore(%arg49 : memref<!tpu.dma_semaphore, #tpu.memory_space<semaphore_mem>>) {add = true}
      %mul3A_245 = arith.constant 8 : i32
      %mul3A_246 = arith.muli %scan3A_192, %mul3A_245 : i32
      %add3A_247 = arith.constant 3 : i32
      %add3A_248 = arith.addi %mul3A_246, %add3A_247 : i32
      %add3A_249 = arith.constant 3 : i32
      %add3A_250 = arith.addi %add3A_248, %add3A_249 : i32
      %lt3A_251 = arith.constant 125 : i32
      %lt3A_252 = arith.cmpi slt, %add3A_250, %lt3A_251 : i32
      %convert_element_type3A_253 = arith.extui %lt3A_252 : i1 to i32
      %cond3A_254 = arith.constant 0 : i32
      %cond3A_255 = arith.cmpi ne, %convert_element_type3A_253, %cond3A_254 : i32
      scf.if %cond3A_255 {
        %ge3A = arith.constant 1 : i32
        %ge3A_331 = arith.cmpi sge, %add3A_248, %ge3A : i32
        %convert_element_type3A_332 = arith.extui %ge3A_331 : i1 to i32
        %cond3A_333 = arith.constant 0 : i32
        %cond3A_334 = arith.cmpi ne, %convert_element_type3A_332, %cond3A_333 : i32
        scf.if %cond3A_334 {
          %dma_wait3A_353 = arith.constant 0 : i32
          %dma_wait3A_354 = arith.constant 0 : i32
          %dma_wait3A_355 = tpu.memref_slice %arg6[%dma_wait3A_353, %dma_wait3A_354] : memref<10000x128xf32, #tpu.memory_space<vmem_shared>> -> memref<10000x128xf32, #tpu.memory_space<vmem_shared>>
          tpu.wait_indirect_dma semaphore(%arg49 : memref<!tpu.dma_semaphore, #tpu.memory_space<semaphore_mem>>) src(%arg25 : memref<80x128xf32, #tpu.memory_space<vmem>>) dst(%dma_wait3A_355 : memref<10000x128xf32, #tpu.memory_space<vmem_shared>>)
        } else {
        }
        %add3A_335 = arith.constant 7 : i32
        %add3A_336 = arith.addi %add3A_248, %add3A_335 : i32
        %lt3A_337 = arith.constant 125 : i32
        %lt3A_338 = arith.cmpi slt, %add3A_336, %lt3A_337 : i32
        %convert_element_type3A_339 = arith.extui %lt3A_338 : i1 to i32
        %cond3A_340 = arith.constant 0 : i32
        %cond3A_341 = arith.cmpi ne, %convert_element_type3A_339, %cond3A_340 : i32
        scf.if %cond3A_341 {
          %add3A_353 = arith.constant 7 : i32
          %add3A_354 = arith.addi %add3A_248, %add3A_353 : i32
          %mul3A_355 = arith.constant 80 : i32
          %mul3A_356 = arith.muli %add3A_354, %mul3A_355 : i32
          %add3A_357 = arith.addi %mul3A_2, %mul3A_356 : i32
          %dma_start3A_358 = tpu.memref_slice %arg3[%add3A_357] : memref<320000xi32, #tpu.memory_space<hbm>> -> memref<80xi32, #tpu.memory_space<hbm>>
          %dma_start3A_359 = tpu.memref_slice %arg3[%add3A_357] : memref<320000xi32, #tpu.memory_space<hbm>> -> memref<80xi32, #tpu.memory_space<hbm>>
          tpu.enqueue_dma source(%dma_start3A_359 : memref<80xi32, #tpu.memory_space<hbm>>) target(%arg9 : memref<80xi32, #tpu.memory_space<vmem>>) target_semaphore(%arg29 : memref<!tpu.dma_semaphore, #tpu.memory_space<semaphore_mem>>)
          %mul3A_360 = arith.constant 80 : i32
          %mul3A_361 = arith.muli %add3A_354, %mul3A_360 : i32
          %add3A_362 = arith.addi %mul3A_2, %mul3A_361 : i32
          %dma_start3A_363 = tpu.memref_slice %arg4[%add3A_362] : memref<320000xi32, #tpu.memory_space<hbm>> -> memref<80xi32, #tpu.memory_space<hbm>>
          %dma_start3A_364 = tpu.memref_slice %arg4[%add3A_362] : memref<320000xi32, #tpu.memory_space<hbm>> -> memref<80xi32, #tpu.memory_space<hbm>>
          tpu.enqueue_dma source(%dma_start3A_364 : memref<80xi32, #tpu.memory_space<hbm>>) target(%arg17 : memref<80xi32, #tpu.memory_space<vmem>>) target_semaphore(%arg37 : memref<!tpu.dma_semaphore, #tpu.memory_space<semaphore_mem>>)
        } else {
        }
        %dma_wait3A_342 = arith.constant 0 : i32
        %dma_wait3A_343 = tpu.memref_slice %arg3[%dma_wait3A_342] : memref<320000xi32, #tpu.memory_space<hbm>> -> memref<80xi32, #tpu.memory_space<hbm>>
        %dma_wait3A_344 = arith.constant 0 : i32
        %dma_wait3A_345 = tpu.memref_slice %arg3[%dma_wait3A_344] : memref<320000xi32, #tpu.memory_space<hbm>> -> memref<80xi32, #tpu.memory_space<hbm>>
        tpu.wait_dma2 semaphore(%arg33 : memref<!tpu.dma_semaphore, #tpu.memory_space<semaphore_mem>>) src(%dma_wait3A_345 : memref<80xi32, #tpu.memory_space<hbm>>) dst(%arg13 : memref<80xi32, #tpu.memory_space<vmem>>)
        %dma_wait3A_346 = arith.constant 0 : i32
        %dma_wait3A_347 = tpu.memref_slice %arg3[%dma_wait3A_346] : memref<320000xi32, #tpu.memory_space<hbm>> -> memref<80xi32, #tpu.memory_space<hbm>>
        %dma_wait3A_348 = arith.constant 0 : i32
        %dma_wait3A_349 = tpu.memref_slice %arg3[%dma_wait3A_348] : memref<320000xi32, #tpu.memory_space<hbm>> -> memref<80xi32, #tpu.memory_space<hbm>>
        tpu.wait_dma2 semaphore(%arg41 : memref<!tpu.dma_semaphore, #tpu.memory_space<semaphore_mem>>) src(%dma_wait3A_349 : memref<80xi32, #tpu.memory_space<hbm>>) dst(%arg21 : memref<80xi32, #tpu.memory_space<vmem>>)
        %dma_start3A_350 = arith.constant 0 : i32
        %dma_start3A_351 = arith.constant 0 : i32
        %dma_start3A_352 = tpu.memref_slice %arg2[%dma_start3A_350, %dma_start3A_351] : memref<10000x128xf32, #tpu.memory_space<hbm>> -> memref<10000x128xf32, #tpu.memory_space<hbm>>
        tpu.enqueue_indirect_dma source(%dma_start3A_352 : memref<10000x128xf32, #tpu.memory_space<hbm>>) target(%arg25 : memref<80x128xf32, #tpu.memory_space<vmem>>) offsets(%arg13 : memref<80xi32, #tpu.memory_space<vmem>>) semaphore(%arg45 : memref<!tpu.dma_semaphore, #tpu.memory_space<semaphore_mem>>)
      } else {
      }
      %dma_wait3A_256 = arith.constant 0 : i32
      %dma_wait3A_257 = arith.constant 0 : i32
      %dma_wait3A_258 = tpu.memref_slice %arg2[%dma_wait3A_256, %dma_wait3A_257] : memref<10000x128xf32, #tpu.memory_space<hbm>> -> memref<10000x128xf32, #tpu.memory_space<hbm>>
      tpu.wait_indirect_dma semaphore(%arg46 : memref<!tpu.dma_semaphore, #tpu.memory_space<semaphore_mem>>) src(%dma_wait3A_258 : memref<10000x128xf32, #tpu.memory_space<hbm>>) dst(%arg26 : memref<80x128xf32, #tpu.memory_space<vmem>>)
      %dma_start3A_259 = arith.constant 0 : i32
      %dma_start3A_260 = arith.constant 0 : i32
      %dma_start3A_261 = tpu.memref_slice %arg6[%dma_start3A_259, %dma_start3A_260] : memref<10000x128xf32, #tpu.memory_space<vmem_shared>> -> memref<10000x128xf32, #tpu.memory_space<vmem_shared>>
      tpu.enqueue_indirect_dma source(%arg26 : memref<80x128xf32, #tpu.memory_space<vmem>>) target(%dma_start3A_261 : memref<10000x128xf32, #tpu.memory_space<vmem_shared>>) offsets(%arg18 : memref<80xi32, #tpu.memory_space<vmem>>) semaphore(%arg50 : memref<!tpu.dma_semaphore, #tpu.memory_space<semaphore_mem>>) {add = true}
      %mul3A_262 = arith.constant 8 : i32
      %mul3A_263 = arith.muli %scan3A_192, %mul3A_262 : i32
      %add3A_264 = arith.constant 4 : i32
      %add3A_265 = arith.addi %mul3A_263, %add3A_264 : i32
      %add3A_266 = arith.constant 3 : i32
      %add3A_267 = arith.addi %add3A_265, %add3A_266 : i32
      %lt3A_268 = arith.constant 125 : i32
      %lt3A_269 = arith.cmpi slt, %add3A_267, %lt3A_268 : i32
      %convert_element_type3A_270 = arith.extui %lt3A_269 : i1 to i32
      %cond3A_271 = arith.constant 0 : i32
      %cond3A_272 = arith.cmpi ne, %convert_element_type3A_270, %cond3A_271 : i32
      scf.if %cond3A_272 {
        %ge3A = arith.constant 1 : i32
        %ge3A_331 = arith.cmpi sge, %add3A_265, %ge3A : i32
        %convert_element_type3A_332 = arith.extui %ge3A_331 : i1 to i32
        %cond3A_333 = arith.constant 0 : i32
        %cond3A_334 = arith.cmpi ne, %convert_element_type3A_332, %cond3A_333 : i32
        scf.if %cond3A_334 {
          %dma_wait3A_353 = arith.constant 0 : i32
          %dma_wait3A_354 = arith.constant 0 : i32
          %dma_wait3A_355 = tpu.memref_slice %arg6[%dma_wait3A_353, %dma_wait3A_354] : memref<10000x128xf32, #tpu.memory_space<vmem_shared>> -> memref<10000x128xf32, #tpu.memory_space<vmem_shared>>
          tpu.wait_indirect_dma semaphore(%arg50 : memref<!tpu.dma_semaphore, #tpu.memory_space<semaphore_mem>>) src(%arg26 : memref<80x128xf32, #tpu.memory_space<vmem>>) dst(%dma_wait3A_355 : memref<10000x128xf32, #tpu.memory_space<vmem_shared>>)
        } else {
        }
        %add3A_335 = arith.constant 7 : i32
        %add3A_336 = arith.addi %add3A_265, %add3A_335 : i32
        %lt3A_337 = arith.constant 125 : i32
        %lt3A_338 = arith.cmpi slt, %add3A_336, %lt3A_337 : i32
        %convert_element_type3A_339 = arith.extui %lt3A_338 : i1 to i32
        %cond3A_340 = arith.constant 0 : i32
        %cond3A_341 = arith.cmpi ne, %convert_element_type3A_339, %cond3A_340 : i32
        scf.if %cond3A_341 {
          %add3A_353 = arith.constant 7 : i32
          %add3A_354 = arith.addi %add3A_265, %add3A_353 : i32
          %mul3A_355 = arith.constant 80 : i32
          %mul3A_356 = arith.muli %add3A_354, %mul3A_355 : i32
          %add3A_357 = arith.addi %mul3A_2, %mul3A_356 : i32
          %dma_start3A_358 = tpu.memref_slice %arg3[%add3A_357] : memref<320000xi32, #tpu.memory_space<hbm>> -> memref<80xi32, #tpu.memory_space<hbm>>
          %dma_start3A_359 = tpu.memref_slice %arg3[%add3A_357] : memref<320000xi32, #tpu.memory_space<hbm>> -> memref<80xi32, #tpu.memory_space<hbm>>
          tpu.enqueue_dma source(%dma_start3A_359 : memref<80xi32, #tpu.memory_space<hbm>>) target(%arg10 : memref<80xi32, #tpu.memory_space<vmem>>) target_semaphore(%arg30 : memref<!tpu.dma_semaphore, #tpu.memory_space<semaphore_mem>>)
          %mul3A_360 = arith.constant 80 : i32
          %mul3A_361 = arith.muli %add3A_354, %mul3A_360 : i32
          %add3A_362 = arith.addi %mul3A_2, %mul3A_361 : i32
          %dma_start3A_363 = tpu.memref_slice %arg4[%add3A_362] : memref<320000xi32, #tpu.memory_space<hbm>> -> memref<80xi32, #tpu.memory_space<hbm>>
          %dma_start3A_364 = tpu.memref_slice %arg4[%add3A_362] : memref<320000xi32, #tpu.memory_space<hbm>> -> memref<80xi32, #tpu.memory_space<hbm>>
          tpu.enqueue_dma source(%dma_start3A_364 : memref<80xi32, #tpu.memory_space<hbm>>) target(%arg18 : memref<80xi32, #tpu.memory_space<vmem>>) target_semaphore(%arg38 : memref<!tpu.dma_semaphore, #tpu.memory_space<semaphore_mem>>)
        } else {
        }
        %dma_wait3A_342 = arith.constant 0 : i32
        %dma_wait3A_343 = tpu.memref_slice %arg3[%dma_wait3A_342] : memref<320000xi32, #tpu.memory_space<hbm>> -> memref<80xi32, #tpu.memory_space<hbm>>
        %dma_wait3A_344 = arith.constant 0 : i32
        %dma_wait3A_345 = tpu.memref_slice %arg3[%dma_wait3A_344] : memref<320000xi32, #tpu.memory_space<hbm>> -> memref<80xi32, #tpu.memory_space<hbm>>
        tpu.wait_dma2 semaphore(%arg34 : memref<!tpu.dma_semaphore, #tpu.memory_space<semaphore_mem>>) src(%dma_wait3A_345 : memref<80xi32, #tpu.memory_space<hbm>>) dst(%arg14 : memref<80xi32, #tpu.memory_space<vmem>>)
        %dma_wait3A_346 = arith.constant 0 : i32
        %dma_wait3A_347 = tpu.memref_slice %arg3[%dma_wait3A_346] : memref<320000xi32, #tpu.memory_space<hbm>> -> memref<80xi32, #tpu.memory_space<hbm>>
        %dma_wait3A_348 = arith.constant 0 : i32
        %dma_wait3A_349 = tpu.memref_slice %arg3[%dma_wait3A_348] : memref<320000xi32, #tpu.memory_space<hbm>> -> memref<80xi32, #tpu.memory_space<hbm>>
        tpu.wait_dma2 semaphore(%arg42 : memref<!tpu.dma_semaphore, #tpu.memory_space<semaphore_mem>>) src(%dma_wait3A_349 : memref<80xi32, #tpu.memory_space<hbm>>) dst(%arg22 : memref<80xi32, #tpu.memory_space<vmem>>)
        %dma_start3A_350 = arith.constant 0 : i32
        %dma_start3A_351 = arith.constant 0 : i32
        %dma_start3A_352 = tpu.memref_slice %arg2[%dma_start3A_350, %dma_start3A_351] : memref<10000x128xf32, #tpu.memory_space<hbm>> -> memref<10000x128xf32, #tpu.memory_space<hbm>>
        tpu.enqueue_indirect_dma source(%dma_start3A_352 : memref<10000x128xf32, #tpu.memory_space<hbm>>) target(%arg26 : memref<80x128xf32, #tpu.memory_space<vmem>>) offsets(%arg14 : memref<80xi32, #tpu.memory_space<vmem>>) semaphore(%arg46 : memref<!tpu.dma_semaphore, #tpu.memory_space<semaphore_mem>>)
      } else {
      }
      %dma_wait3A_273 = arith.constant 0 : i32
      %dma_wait3A_274 = arith.constant 0 : i32
      %dma_wait3A_275 = tpu.memref_slice %arg2[%dma_wait3A_273, %dma_wait3A_274] : memref<10000x128xf32, #tpu.memory_space<hbm>> -> memref<10000x128xf32, #tpu.memory_space<hbm>>
      tpu.wait_indirect_dma semaphore(%arg43 : memref<!tpu.dma_semaphore, #tpu.memory_space<semaphore_mem>>) src(%dma_wait3A_275 : memref<10000x128xf32, #tpu.memory_space<hbm>>) dst(%arg23 : memref<80x128xf32, #tpu.memory_space<vmem>>)
      %dma_start3A_276 = arith.constant 0 : i32
      %dma_start3A_277 = arith.constant 0 : i32
      %dma_start3A_278 = tpu.memref_slice %arg6[%dma_start3A_276, %dma_start3A_277] : memref<10000x128xf32, #tpu.memory_space<vmem_shared>> -> memref<10000x128xf32, #tpu.memory_space<vmem_shared>>
      tpu.enqueue_indirect_dma source(%arg23 : memref<80x128xf32, #tpu.memory_space<vmem>>) target(%dma_start3A_278 : memref<10000x128xf32, #tpu.memory_space<vmem_shared>>) offsets(%arg19 : memref<80xi32, #tpu.memory_space<vmem>>) semaphore(%arg47 : memref<!tpu.dma_semaphore, #tpu.memory_space<semaphore_mem>>) {add = true}
      %mul3A_279 = arith.constant 8 : i32
      %mul3A_280 = arith.muli %scan3A_192, %mul3A_279 : i32
      %add3A_281 = arith.constant 5 : i32
      %add3A_282 = arith.addi %mul3A_280, %add3A_281 : i32
      %add3A_283 = arith.constant 3 : i32
      %add3A_284 = arith.addi %add3A_282, %add3A_283 : i32
      %lt3A_285 = arith.constant 125 : i32
      %lt3A_286 = arith.cmpi slt, %add3A_284, %lt3A_285 : i32
      %convert_element_type3A_287 = arith.extui %lt3A_286 : i1 to i32
      %cond3A_288 = arith.constant 0 : i32
      %cond3A_289 = arith.cmpi ne, %convert_element_type3A_287, %cond3A_288 : i32
      scf.if %cond3A_289 {
        %ge3A = arith.constant 1 : i32
        %ge3A_331 = arith.cmpi sge, %add3A_282, %ge3A : i32
        %convert_element_type3A_332 = arith.extui %ge3A_331 : i1 to i32
        %cond3A_333 = arith.constant 0 : i32
        %cond3A_334 = arith.cmpi ne, %convert_element_type3A_332, %cond3A_333 : i32
        scf.if %cond3A_334 {
          %dma_wait3A_353 = arith.constant 0 : i32
          %dma_wait3A_354 = arith.constant 0 : i32
          %dma_wait3A_355 = tpu.memref_slice %arg6[%dma_wait3A_353, %dma_wait3A_354] : memref<10000x128xf32, #tpu.memory_space<vmem_shared>> -> memref<10000x128xf32, #tpu.memory_space<vmem_shared>>
          tpu.wait_indirect_dma semaphore(%arg47 : memref<!tpu.dma_semaphore, #tpu.memory_space<semaphore_mem>>) src(%arg23 : memref<80x128xf32, #tpu.memory_space<vmem>>) dst(%dma_wait3A_355 : memref<10000x128xf32, #tpu.memory_space<vmem_shared>>)
        } else {
        }
        %add3A_335 = arith.constant 7 : i32
        %add3A_336 = arith.addi %add3A_282, %add3A_335 : i32
        %lt3A_337 = arith.constant 125 : i32
        %lt3A_338 = arith.cmpi slt, %add3A_336, %lt3A_337 : i32
        %convert_element_type3A_339 = arith.extui %lt3A_338 : i1 to i32
        %cond3A_340 = arith.constant 0 : i32
        %cond3A_341 = arith.cmpi ne, %convert_element_type3A_339, %cond3A_340 : i32
        scf.if %cond3A_341 {
          %add3A_353 = arith.constant 7 : i32
          %add3A_354 = arith.addi %add3A_282, %add3A_353 : i32
          %mul3A_355 = arith.constant 80 : i32
          %mul3A_356 = arith.muli %add3A_354, %mul3A_355 : i32
          %add3A_357 = arith.addi %mul3A_2, %mul3A_356 : i32
          %dma_start3A_358 = tpu.memref_slice %arg3[%add3A_357] : memref<320000xi32, #tpu.memory_space<hbm>> -> memref<80xi32, #tpu.memory_space<hbm>>
          %dma_start3A_359 = tpu.memref_slice %arg3[%add3A_357] : memref<320000xi32, #tpu.memory_space<hbm>> -> memref<80xi32, #tpu.memory_space<hbm>>
          tpu.enqueue_dma source(%dma_start3A_359 : memref<80xi32, #tpu.memory_space<hbm>>) target(%arg11 : memref<80xi32, #tpu.memory_space<vmem>>) target_semaphore(%arg31 : memref<!tpu.dma_semaphore, #tpu.memory_space<semaphore_mem>>)
          %mul3A_360 = arith.constant 80 : i32
          %mul3A_361 = arith.muli %add3A_354, %mul3A_360 : i32
          %add3A_362 = arith.addi %mul3A_2, %mul3A_361 : i32
          %dma_start3A_363 = tpu.memref_slice %arg4[%add3A_362] : memref<320000xi32, #tpu.memory_space<hbm>> -> memref<80xi32, #tpu.memory_space<hbm>>
          %dma_start3A_364 = tpu.memref_slice %arg4[%add3A_362] : memref<320000xi32, #tpu.memory_space<hbm>> -> memref<80xi32, #tpu.memory_space<hbm>>
          tpu.enqueue_dma source(%dma_start3A_364 : memref<80xi32, #tpu.memory_space<hbm>>) target(%arg19 : memref<80xi32, #tpu.memory_space<vmem>>) target_semaphore(%arg39 : memref<!tpu.dma_semaphore, #tpu.memory_space<semaphore_mem>>)
        } else {
        }
        %dma_wait3A_342 = arith.constant 0 : i32
        %dma_wait3A_343 = tpu.memref_slice %arg3[%dma_wait3A_342] : memref<320000xi32, #tpu.memory_space<hbm>> -> memref<80xi32, #tpu.memory_space<hbm>>
        %dma_wait3A_344 = arith.constant 0 : i32
        %dma_wait3A_345 = tpu.memref_slice %arg3[%dma_wait3A_344] : memref<320000xi32, #tpu.memory_space<hbm>> -> memref<80xi32, #tpu.memory_space<hbm>>
        tpu.wait_dma2 semaphore(%arg27 : memref<!tpu.dma_semaphore, #tpu.memory_space<semaphore_mem>>) src(%dma_wait3A_345 : memref<80xi32, #tpu.memory_space<hbm>>) dst(%arg7 : memref<80xi32, #tpu.memory_space<vmem>>)
        %dma_wait3A_346 = arith.constant 0 : i32
        %dma_wait3A_347 = tpu.memref_slice %arg3[%dma_wait3A_346] : memref<320000xi32, #tpu.memory_space<hbm>> -> memref<80xi32, #tpu.memory_space<hbm>>
        %dma_wait3A_348 = arith.constant 0 : i32
        %dma_wait3A_349 = tpu.memref_slice %arg3[%dma_wait3A_348] : memref<320000xi32, #tpu.memory_space<hbm>> -> memref<80xi32, #tpu.memory_space<hbm>>
        tpu.wait_dma2 semaphore(%arg35 : memref<!tpu.dma_semaphore, #tpu.memory_space<semaphore_mem>>) src(%dma_wait3A_349 : memref<80xi32, #tpu.memory_space<hbm>>) dst(%arg15 : memref<80xi32, #tpu.memory_space<vmem>>)
        %dma_start3A_350 = arith.constant 0 : i32
        %dma_start3A_351 = arith.constant 0 : i32
        %dma_start3A_352 = tpu.memref_slice %arg2[%dma_start3A_350, %dma_start3A_351] : memref<10000x128xf32, #tpu.memory_space<hbm>> -> memref<10000x128xf32, #tpu.memory_space<hbm>>
        tpu.enqueue_indirect_dma source(%dma_start3A_352 : memref<10000x128xf32, #tpu.memory_space<hbm>>) target(%arg23 : memref<80x128xf32, #tpu.memory_space<vmem>>) offsets(%arg7 : memref<80xi32, #tpu.memory_space<vmem>>) semaphore(%arg43 : memref<!tpu.dma_semaphore, #tpu.memory_space<semaphore_mem>>)
      } else {
      }
      %dma_wait3A_290 = arith.constant 0 : i32
      %dma_wait3A_291 = arith.constant 0 : i32
      %dma_wait3A_292 = tpu.memref_slice %arg2[%dma_wait3A_290, %dma_wait3A_291] : memref<10000x128xf32, #tpu.memory_space<hbm>> -> memref<10000x128xf32, #tpu.memory_space<hbm>>
      tpu.wait_indirect_dma semaphore(%arg44 : memref<!tpu.dma_semaphore, #tpu.memory_space<semaphore_mem>>) src(%dma_wait3A_292 : memref<10000x128xf32, #tpu.memory_space<hbm>>) dst(%arg24 : memref<80x128xf32, #tpu.memory_space<vmem>>)
      %dma_start3A_293 = arith.constant 0 : i32
      %dma_start3A_294 = arith.constant 0 : i32
      %dma_start3A_295 = tpu.memref_slice %arg6[%dma_start3A_293, %dma_start3A_294] : memref<10000x128xf32, #tpu.memory_space<vmem_shared>> -> memref<10000x128xf32, #tpu.memory_space<vmem_shared>>
      tpu.enqueue_indirect_dma source(%arg24 : memref<80x128xf32, #tpu.memory_space<vmem>>) target(%dma_start3A_295 : memref<10000x128xf32, #tpu.memory_space<vmem_shared>>) offsets(%arg20 : memref<80xi32, #tpu.memory_space<vmem>>) semaphore(%arg48 : memref<!tpu.dma_semaphore, #tpu.memory_space<semaphore_mem>>) {add = true}
      %mul3A_296 = arith.constant 8 : i32
      %mul3A_297 = arith.muli %scan3A_192, %mul3A_296 : i32
      %add3A_298 = arith.constant 6 : i32
      %add3A_299 = arith.addi %mul3A_297, %add3A_298 : i32
      %add3A_300 = arith.constant 3 : i32
      %add3A_301 = arith.addi %add3A_299, %add3A_300 : i32
      %lt3A_302 = arith.constant 125 : i32
      %lt3A_303 = arith.cmpi slt, %add3A_301, %lt3A_302 : i32
      %convert_element_type3A_304 = arith.extui %lt3A_303 : i1 to i32
      %cond3A_305 = arith.constant 0 : i32
      %cond3A_306 = arith.cmpi ne, %convert_element_type3A_304, %cond3A_305 : i32
      scf.if %cond3A_306 {
        %ge3A = arith.constant 1 : i32
        %ge3A_331 = arith.cmpi sge, %add3A_299, %ge3A : i32
        %convert_element_type3A_332 = arith.extui %ge3A_331 : i1 to i32
        %cond3A_333 = arith.constant 0 : i32
        %cond3A_334 = arith.cmpi ne, %convert_element_type3A_332, %cond3A_333 : i32
        scf.if %cond3A_334 {
          %dma_wait3A_353 = arith.constant 0 : i32
          %dma_wait3A_354 = arith.constant 0 : i32
          %dma_wait3A_355 = tpu.memref_slice %arg6[%dma_wait3A_353, %dma_wait3A_354] : memref<10000x128xf32, #tpu.memory_space<vmem_shared>> -> memref<10000x128xf32, #tpu.memory_space<vmem_shared>>
          tpu.wait_indirect_dma semaphore(%arg48 : memref<!tpu.dma_semaphore, #tpu.memory_space<semaphore_mem>>) src(%arg24 : memref<80x128xf32, #tpu.memory_space<vmem>>) dst(%dma_wait3A_355 : memref<10000x128xf32, #tpu.memory_space<vmem_shared>>)
        } else {
        }
        %add3A_335 = arith.constant 7 : i32
        %add3A_336 = arith.addi %add3A_299, %add3A_335 : i32
        %lt3A_337 = arith.constant 125 : i32
        %lt3A_338 = arith.cmpi slt, %add3A_336, %lt3A_337 : i32
        %convert_element_type3A_339 = arith.extui %lt3A_338 : i1 to i32
        %cond3A_340 = arith.constant 0 : i32
        %cond3A_341 = arith.cmpi ne, %convert_element_type3A_339, %cond3A_340 : i32
        scf.if %cond3A_341 {
          %add3A_353 = arith.constant 7 : i32
          %add3A_354 = arith.addi %add3A_299, %add3A_353 : i32
          %mul3A_355 = arith.constant 80 : i32
          %mul3A_356 = arith.muli %add3A_354, %mul3A_355 : i32
          %add3A_357 = arith.addi %mul3A_2, %mul3A_356 : i32
          %dma_start3A_358 = tpu.memref_slice %arg3[%add3A_357] : memref<320000xi32, #tpu.memory_space<hbm>> -> memref<80xi32, #tpu.memory_space<hbm>>
          %dma_start3A_359 = tpu.memref_slice %arg3[%add3A_357] : memref<320000xi32, #tpu.memory_space<hbm>> -> memref<80xi32, #tpu.memory_space<hbm>>
          tpu.enqueue_dma source(%dma_start3A_359 : memref<80xi32, #tpu.memory_space<hbm>>) target(%arg12 : memref<80xi32, #tpu.memory_space<vmem>>) target_semaphore(%arg32 : memref<!tpu.dma_semaphore, #tpu.memory_space<semaphore_mem>>)
          %mul3A_360 = arith.constant 80 : i32
          %mul3A_361 = arith.muli %add3A_354, %mul3A_360 : i32
          %add3A_362 = arith.addi %mul3A_2, %mul3A_361 : i32
          %dma_start3A_363 = tpu.memref_slice %arg4[%add3A_362] : memref<320000xi32, #tpu.memory_space<hbm>> -> memref<80xi32, #tpu.memory_space<hbm>>
          %dma_start3A_364 = tpu.memref_slice %arg4[%add3A_362] : memref<320000xi32, #tpu.memory_space<hbm>> -> memref<80xi32, #tpu.memory_space<hbm>>
          tpu.enqueue_dma source(%dma_start3A_364 : memref<80xi32, #tpu.memory_space<hbm>>) target(%arg20 : memref<80xi32, #tpu.memory_space<vmem>>) target_semaphore(%arg40 : memref<!tpu.dma_semaphore, #tpu.memory_space<semaphore_mem>>)
        } else {
        }
        %dma_wait3A_342 = arith.constant 0 : i32
        %dma_wait3A_343 = tpu.memref_slice %arg3[%dma_wait3A_342] : memref<320000xi32, #tpu.memory_space<hbm>> -> memref<80xi32, #tpu.memory_space<hbm>>
        %dma_wait3A_344 = arith.constant 0 : i32
        %dma_wait3A_345 = tpu.memref_slice %arg3[%dma_wait3A_344] : memref<320000xi32, #tpu.memory_space<hbm>> -> memref<80xi32, #tpu.memory_space<hbm>>
        tpu.wait_dma2 semaphore(%arg28 : memref<!tpu.dma_semaphore, #tpu.memory_space<semaphore_mem>>) src(%dma_wait3A_345 : memref<80xi32, #tpu.memory_space<hbm>>) dst(%arg8 : memref<80xi32, #tpu.memory_space<vmem>>)
        %dma_wait3A_346 = arith.constant 0 : i32
        %dma_wait3A_347 = tpu.memref_slice %arg3[%dma_wait3A_346] : memref<320000xi32, #tpu.memory_space<hbm>> -> memref<80xi32, #tpu.memory_space<hbm>>
        %dma_wait3A_348 = arith.constant 0 : i32
        %dma_wait3A_349 = tpu.memref_slice %arg3[%dma_wait3A_348] : memref<320000xi32, #tpu.memory_space<hbm>> -> memref<80xi32, #tpu.memory_space<hbm>>
        tpu.wait_dma2 semaphore(%arg36 : memref<!tpu.dma_semaphore, #tpu.memory_space<semaphore_mem>>) src(%dma_wait3A_349 : memref<80xi32, #tpu.memory_space<hbm>>) dst(%arg16 : memref<80xi32, #tpu.memory_space<vmem>>)
        %dma_start3A_350 = arith.constant 0 : i32
        %dma_start3A_351 = arith.constant 0 : i32
        %dma_start3A_352 = tpu.memref_slice %arg2[%dma_start3A_350, %dma_start3A_351] : memref<10000x128xf32, #tpu.memory_space<hbm>> -> memref<10000x128xf32, #tpu.memory_space<hbm>>
        tpu.enqueue_indirect_dma source(%dma_start3A_352 : memref<10000x128xf32, #tpu.memory_space<hbm>>) target(%arg24 : memref<80x128xf32, #tpu.memory_space<vmem>>) offsets(%arg8 : memref<80xi32, #tpu.memory_space<vmem>>) semaphore(%arg44 : memref<!tpu.dma_semaphore, #tpu.memory_space<semaphore_mem>>)
      } else {
      }
      %dma_wait3A_307 = arith.constant 0 : i32
      %dma_wait3A_308 = arith.constant 0 : i32
      %dma_wait3A_309 = tpu.memref_slice %arg2[%dma_wait3A_307, %dma_wait3A_308] : memref<10000x128xf32, #tpu.memory_space<hbm>> -> memref<10000x128xf32, #tpu.memory_space<hbm>>
      tpu.wait_indirect_dma semaphore(%arg45 : memref<!tpu.dma_semaphore, #tpu.memory_space<semaphore_mem>>) src(%dma_wait3A_309 : memref<10000x128xf32, #tpu.memory_space<hbm>>) dst(%arg25 : memref<80x128xf32, #tpu.memory_space<vmem>>)
      %dma_start3A_310 = arith.constant 0 : i32
      %dma_start3A_311 = arith.constant 0 : i32
      %dma_start3A_312 = tpu.memref_slice %arg6[%dma_start3A_310, %dma_start3A_311] : memref<10000x128xf32, #tpu.memory_space<vmem_shared>> -> memref<10000x128xf32, #tpu.memory_space<vmem_shared>>
      tpu.enqueue_indirect_dma source(%arg25 : memref<80x128xf32, #tpu.memory_space<vmem>>) target(%dma_start3A_312 : memref<10000x128xf32, #tpu.memory_space<vmem_shared>>) offsets(%arg21 : memref<80xi32, #tpu.memory_space<vmem>>) semaphore(%arg49 : memref<!tpu.dma_semaphore, #tpu.memory_space<semaphore_mem>>) {add = true}
      %mul3A_313 = arith.constant 8 : i32
      %mul3A_314 = arith.muli %scan3A_192, %mul3A_313 : i32
      %add3A_315 = arith.constant 7 : i32
      %add3A_316 = arith.addi %mul3A_314, %add3A_315 : i32
      %add3A_317 = arith.constant 3 : i32
      %add3A_318 = arith.addi %add3A_316, %add3A_317 : i32
      %lt3A_319 = arith.constant 125 : i32
      %lt3A_320 = arith.cmpi slt, %add3A_318, %lt3A_319 : i32
      %convert_element_type3A_321 = arith.extui %lt3A_320 : i1 to i32
      %cond3A_322 = arith.constant 0 : i32
      %cond3A_323 = arith.cmpi ne, %convert_element_type3A_321, %cond3A_322 : i32
      scf.if %cond3A_323 {
        %ge3A = arith.constant 1 : i32
        %ge3A_331 = arith.cmpi sge, %add3A_316, %ge3A : i32
        %convert_element_type3A_332 = arith.extui %ge3A_331 : i1 to i32
        %cond3A_333 = arith.constant 0 : i32
        %cond3A_334 = arith.cmpi ne, %convert_element_type3A_332, %cond3A_333 : i32
        scf.if %cond3A_334 {
          %dma_wait3A_353 = arith.constant 0 : i32
          %dma_wait3A_354 = arith.constant 0 : i32
          %dma_wait3A_355 = tpu.memref_slice %arg6[%dma_wait3A_353, %dma_wait3A_354] : memref<10000x128xf32, #tpu.memory_space<vmem_shared>> -> memref<10000x128xf32, #tpu.memory_space<vmem_shared>>
          tpu.wait_indirect_dma semaphore(%arg49 : memref<!tpu.dma_semaphore, #tpu.memory_space<semaphore_mem>>) src(%arg25 : memref<80x128xf32, #tpu.memory_space<vmem>>) dst(%dma_wait3A_355 : memref<10000x128xf32, #tpu.memory_space<vmem_shared>>)
        } else {
        }
        %add3A_335 = arith.constant 7 : i32
        %add3A_336 = arith.addi %add3A_316, %add3A_335 : i32
        %lt3A_337 = arith.constant 125 : i32
        %lt3A_338 = arith.cmpi slt, %add3A_336, %lt3A_337 : i32
        %convert_element_type3A_339 = arith.extui %lt3A_338 : i1 to i32
        %cond3A_340 = arith.constant 0 : i32
        %cond3A_341 = arith.cmpi ne, %convert_element_type3A_339, %cond3A_340 : i32
        scf.if %cond3A_341 {
          %add3A_353 = arith.constant 7 : i32
          %add3A_354 = arith.addi %add3A_316, %add3A_353 : i32
          %mul3A_355 = arith.constant 80 : i32
          %mul3A_356 = arith.muli %add3A_354, %mul3A_355 : i32
          %add3A_357 = arith.addi %mul3A_2, %mul3A_356 : i32
          %dma_start3A_358 = tpu.memref_slice %arg3[%add3A_357] : memref<320000xi32, #tpu.memory_space<hbm>> -> memref<80xi32, #tpu.memory_space<hbm>>
          %dma_start3A_359 = tpu.memref_slice %arg3[%add3A_357] : memref<320000xi32, #tpu.memory_space<hbm>> -> memref<80xi32, #tpu.memory_space<hbm>>
          tpu.enqueue_dma source(%dma_start3A_359 : memref<80xi32, #tpu.memory_space<hbm>>) target(%arg13 : memref<80xi32, #tpu.memory_space<vmem>>) target_semaphore(%arg33 : memref<!tpu.dma_semaphore, #tpu.memory_space<semaphore_mem>>)
          %mul3A_360 = arith.constant 80 : i32
          %mul3A_361 = arith.muli %add3A_354, %mul3A_360 : i32
          %add3A_362 = arith.addi %mul3A_2, %mul3A_361 : i32
          %dma_start3A_363 = tpu.memref_slice %arg4[%add3A_362] : memref<320000xi32, #tpu.memory_space<hbm>> -> memref<80xi32, #tpu.memory_space<hbm>>
          %dma_start3A_364 = tpu.memref_slice %arg4[%add3A_362] : memref<320000xi32, #tpu.memory_space<hbm>> -> memref<80xi32, #tpu.memory_space<hbm>>
          tpu.enqueue_dma source(%dma_start3A_364 : memref<80xi32, #tpu.memory_space<hbm>>) target(%arg21 : memref<80xi32, #tpu.memory_space<vmem>>) target_semaphore(%arg41 : memref<!tpu.dma_semaphore, #tpu.memory_space<semaphore_mem>>)
        } else {
        }
        %dma_wait3A_342 = arith.constant 0 : i32
        %dma_wait3A_343 = tpu.memref_slice %arg3[%dma_wait3A_342] : memref<320000xi32, #tpu.memory_space<hbm>> -> memref<80xi32, #tpu.memory_space<hbm>>
        %dma_wait3A_344 = arith.constant 0 : i32
        %dma_wait3A_345 = tpu.memref_slice %arg3[%dma_wait3A_344] : memref<320000xi32, #tpu.memory_space<hbm>> -> memref<80xi32, #tpu.memory_space<hbm>>
        tpu.wait_dma2 semaphore(%arg29 : memref<!tpu.dma_semaphore, #tpu.memory_space<semaphore_mem>>) src(%dma_wait3A_345 : memref<80xi32, #tpu.memory_space<hbm>>) dst(%arg9 : memref<80xi32, #tpu.memory_space<vmem>>)
        %dma_wait3A_346 = arith.constant 0 : i32
        %dma_wait3A_347 = tpu.memref_slice %arg3[%dma_wait3A_346] : memref<320000xi32, #tpu.memory_space<hbm>> -> memref<80xi32, #tpu.memory_space<hbm>>
        %dma_wait3A_348 = arith.constant 0 : i32
        %dma_wait3A_349 = tpu.memref_slice %arg3[%dma_wait3A_348] : memref<320000xi32, #tpu.memory_space<hbm>> -> memref<80xi32, #tpu.memory_space<hbm>>
        tpu.wait_dma2 semaphore(%arg37 : memref<!tpu.dma_semaphore, #tpu.memory_space<semaphore_mem>>) src(%dma_wait3A_349 : memref<80xi32, #tpu.memory_space<hbm>>) dst(%arg17 : memref<80xi32, #tpu.memory_space<vmem>>)
        %dma_start3A_350 = arith.constant 0 : i32
        %dma_start3A_351 = arith.constant 0 : i32
        %dma_start3A_352 = tpu.memref_slice %arg2[%dma_start3A_350, %dma_start3A_351] : memref<10000x128xf32, #tpu.memory_space<hbm>> -> memref<10000x128xf32, #tpu.memory_space<hbm>>
        tpu.enqueue_indirect_dma source(%dma_start3A_352 : memref<10000x128xf32, #tpu.memory_space<hbm>>) target(%arg25 : memref<80x128xf32, #tpu.memory_space<vmem>>) offsets(%arg9 : memref<80xi32, #tpu.memory_space<vmem>>) semaphore(%arg45 : memref<!tpu.dma_semaphore, #tpu.memory_space<semaphore_mem>>)
      } else {
      }
      %dma_wait3A_324 = arith.constant 0 : i32
      %dma_wait3A_325 = arith.constant 0 : i32
      %dma_wait3A_326 = tpu.memref_slice %arg2[%dma_wait3A_324, %dma_wait3A_325] : memref<10000x128xf32, #tpu.memory_space<hbm>> -> memref<10000x128xf32, #tpu.memory_space<hbm>>
      tpu.wait_indirect_dma semaphore(%arg46 : memref<!tpu.dma_semaphore, #tpu.memory_space<semaphore_mem>>) src(%dma_wait3A_326 : memref<10000x128xf32, #tpu.memory_space<hbm>>) dst(%arg26 : memref<80x128xf32, #tpu.memory_space<vmem>>)
      %dma_start3A_327 = arith.constant 0 : i32
      %dma_start3A_328 = arith.constant 0 : i32
      %dma_start3A_329 = tpu.memref_slice %arg6[%dma_start3A_327, %dma_start3A_328] : memref<10000x128xf32, #tpu.memory_space<vmem_shared>> -> memref<10000x128xf32, #tpu.memory_space<vmem_shared>>
      tpu.enqueue_indirect_dma source(%arg26 : memref<80x128xf32, #tpu.memory_space<vmem>>) target(%dma_start3A_329 : memref<10000x128xf32, #tpu.memory_space<vmem_shared>>) offsets(%arg22 : memref<80xi32, #tpu.memory_space<vmem>>) semaphore(%arg50 : memref<!tpu.dma_semaphore, #tpu.memory_space<semaphore_mem>>) {add = true}
      %scan3A_330 = arith.constant 0 : i32
      scf.yield %scan3A_330 : i32
    }
    %scan3A_110 = arith.constant 15 : i32
    %dma_wait3A_111 = arith.constant 0 : i32
    %dma_wait3A_112 = arith.constant 0 : i32
    %dma_wait3A_113 = tpu.memref_slice %arg6[%dma_wait3A_111, %dma_wait3A_112] : memref<10000x128xf32, #tpu.memory_space<vmem_shared>> -> memref<10000x128xf32, #tpu.memory_space<vmem_shared>>
    tpu.wait_indirect_dma semaphore(%arg50 : memref<!tpu.dma_semaphore, #tpu.memory_space<semaphore_mem>>) src(%arg26 : memref<80x128xf32, #tpu.memory_space<vmem>>) dst(%dma_wait3A_113 : memref<10000x128xf32, #tpu.memory_space<vmem_shared>>)
    %dma_wait3A_114 = arith.constant 0 : i32
    %dma_wait3A_115 = tpu.memref_slice %arg3[%dma_wait3A_114] : memref<320000xi32, #tpu.memory_space<hbm>> -> memref<80xi32, #tpu.memory_space<hbm>>
    %dma_wait3A_116 = arith.constant 0 : i32
    %dma_wait3A_117 = tpu.memref_slice %arg3[%dma_wait3A_116] : memref<320000xi32, #tpu.memory_space<hbm>> -> memref<80xi32, #tpu.memory_space<hbm>>
    tpu.wait_dma2 semaphore(%arg30 : memref<!tpu.dma_semaphore, #tpu.memory_space<semaphore_mem>>) src(%dma_wait3A_117 : memref<80xi32, #tpu.memory_space<hbm>>) dst(%arg10 : memref<80xi32, #tpu.memory_space<vmem>>)
    %dma_wait3A_118 = arith.constant 0 : i32
    %dma_wait3A_119 = tpu.memref_slice %arg3[%dma_wait3A_118] : memref<320000xi32, #tpu.memory_space<hbm>> -> memref<80xi32, #tpu.memory_space<hbm>>
    %dma_wait3A_120 = arith.constant 0 : i32
    %dma_wait3A_121 = tpu.memref_slice %arg3[%dma_wait3A_120] : memref<320000xi32, #tpu.memory_space<hbm>> -> memref<80xi32, #tpu.memory_space<hbm>>
    tpu.wait_dma2 semaphore(%arg38 : memref<!tpu.dma_semaphore, #tpu.memory_space<semaphore_mem>>) src(%dma_wait3A_121 : memref<80xi32, #tpu.memory_space<hbm>>) dst(%arg18 : memref<80xi32, #tpu.memory_space<vmem>>)
    %dma_start3A_122 = arith.constant 0 : i32
    %dma_start3A_123 = arith.constant 0 : i32
    %dma_start3A_124 = tpu.memref_slice %arg2[%dma_start3A_122, %dma_start3A_123] : memref<10000x128xf32, #tpu.memory_space<hbm>> -> memref<10000x128xf32, #tpu.memory_space<hbm>>
    tpu.enqueue_indirect_dma source(%dma_start3A_124 : memref<10000x128xf32, #tpu.memory_space<hbm>>) target(%arg26 : memref<80x128xf32, #tpu.memory_space<vmem>>) offsets(%arg10 : memref<80xi32, #tpu.memory_space<vmem>>) semaphore(%arg46 : memref<!tpu.dma_semaphore, #tpu.memory_space<semaphore_mem>>)
    %dma_wait3A_125 = arith.constant 0 : i32
    %dma_wait3A_126 = arith.constant 0 : i32
    %dma_wait3A_127 = tpu.memref_slice %arg2[%dma_wait3A_125, %dma_wait3A_126] : memref<10000x128xf32, #tpu.memory_space<hbm>> -> memref<10000x128xf32, #tpu.memory_space<hbm>>
    tpu.wait_indirect_dma semaphore(%arg43 : memref<!tpu.dma_semaphore, #tpu.memory_space<semaphore_mem>>) src(%dma_wait3A_127 : memref<10000x128xf32, #tpu.memory_space<hbm>>) dst(%arg23 : memref<80x128xf32, #tpu.memory_space<vmem>>)
    %dma_start3A_128 = arith.constant 0 : i32
    %dma_start3A_129 = arith.constant 0 : i32
    %dma_start3A_130 = tpu.memref_slice %arg6[%dma_start3A_128, %dma_start3A_129] : memref<10000x128xf32, #tpu.memory_space<vmem_shared>> -> memref<10000x128xf32, #tpu.memory_space<vmem_shared>>
    tpu.enqueue_indirect_dma source(%arg23 : memref<80x128xf32, #tpu.memory_space<vmem>>) target(%dma_start3A_130 : memref<10000x128xf32, #tpu.memory_space<vmem_shared>>) offsets(%arg15 : memref<80xi32, #tpu.memory_space<vmem>>) semaphore(%arg47 : memref<!tpu.dma_semaphore, #tpu.memory_space<semaphore_mem>>) {add = true}
    %dma_wait3A_131 = arith.constant 0 : i32
    %dma_wait3A_132 = arith.constant 0 : i32
    %dma_wait3A_133 = tpu.memref_slice %arg6[%dma_wait3A_131, %dma_wait3A_132] : memref<10000x128xf32, #tpu.memory_space<vmem_shared>> -> memref<10000x128xf32, #tpu.memory_space<vmem_shared>>
    tpu.wait_indirect_dma semaphore(%arg47 : memref<!tpu.dma_semaphore, #tpu.memory_space<semaphore_mem>>) src(%arg23 : memref<80x128xf32, #tpu.memory_space<vmem>>) dst(%dma_wait3A_133 : memref<10000x128xf32, #tpu.memory_space<vmem_shared>>)
    %dma_wait3A_134 = arith.constant 0 : i32
    %dma_wait3A_135 = tpu.memref_slice %arg3[%dma_wait3A_134] : memref<320000xi32, #tpu.memory_space<hbm>> -> memref<80xi32, #tpu.memory_space<hbm>>
    %dma_wait3A_136 = arith.constant 0 : i32
    %dma_wait3A_137 = tpu.memref_slice %arg3[%dma_wait3A_136] : memref<320000xi32, #tpu.memory_space<hbm>> -> memref<80xi32, #tpu.memory_space<hbm>>
    tpu.wait_dma2 semaphore(%arg31 : memref<!tpu.dma_semaphore, #tpu.memory_space<semaphore_mem>>) src(%dma_wait3A_137 : memref<80xi32, #tpu.memory_space<hbm>>) dst(%arg11 : memref<80xi32, #tpu.memory_space<vmem>>)
    %dma_wait3A_138 = arith.constant 0 : i32
    %dma_wait3A_139 = tpu.memref_slice %arg3[%dma_wait3A_138] : memref<320000xi32, #tpu.memory_space<hbm>> -> memref<80xi32, #tpu.memory_space<hbm>>
    %dma_wait3A_140 = arith.constant 0 : i32
    %dma_wait3A_141 = tpu.memref_slice %arg3[%dma_wait3A_140] : memref<320000xi32, #tpu.memory_space<hbm>> -> memref<80xi32, #tpu.memory_space<hbm>>
    tpu.wait_dma2 semaphore(%arg39 : memref<!tpu.dma_semaphore, #tpu.memory_space<semaphore_mem>>) src(%dma_wait3A_141 : memref<80xi32, #tpu.memory_space<hbm>>) dst(%arg19 : memref<80xi32, #tpu.memory_space<vmem>>)
    %dma_start3A_142 = arith.constant 0 : i32
    %dma_start3A_143 = arith.constant 0 : i32
    %dma_start3A_144 = tpu.memref_slice %arg2[%dma_start3A_142, %dma_start3A_143] : memref<10000x128xf32, #tpu.memory_space<hbm>> -> memref<10000x128xf32, #tpu.memory_space<hbm>>
    tpu.enqueue_indirect_dma source(%dma_start3A_144 : memref<10000x128xf32, #tpu.memory_space<hbm>>) target(%arg23 : memref<80x128xf32, #tpu.memory_space<vmem>>) offsets(%arg11 : memref<80xi32, #tpu.memory_space<vmem>>) semaphore(%arg43 : memref<!tpu.dma_semaphore, #tpu.memory_space<semaphore_mem>>)
    %dma_wait3A_145 = arith.constant 0 : i32
    %dma_wait3A_146 = arith.constant 0 : i32
    %dma_wait3A_147 = tpu.memref_slice %arg2[%dma_wait3A_145, %dma_wait3A_146] : memref<10000x128xf32, #tpu.memory_space<hbm>> -> memref<10000x128xf32, #tpu.memory_space<hbm>>
    tpu.wait_indirect_dma semaphore(%arg44 : memref<!tpu.dma_semaphore, #tpu.memory_space<semaphore_mem>>) src(%dma_wait3A_147 : memref<10000x128xf32, #tpu.memory_space<hbm>>) dst(%arg24 : memref<80x128xf32, #tpu.memory_space<vmem>>)
    %dma_start3A_148 = arith.constant 0 : i32
    %dma_start3A_149 = arith.constant 0 : i32
    %dma_start3A_150 = tpu.memref_slice %arg6[%dma_start3A_148, %dma_start3A_149] : memref<10000x128xf32, #tpu.memory_space<vmem_shared>> -> memref<10000x128xf32, #tpu.memory_space<vmem_shared>>
    tpu.enqueue_indirect_dma source(%arg24 : memref<80x128xf32, #tpu.memory_space<vmem>>) target(%dma_start3A_150 : memref<10000x128xf32, #tpu.memory_space<vmem_shared>>) offsets(%arg16 : memref<80xi32, #tpu.memory_space<vmem>>) semaphore(%arg48 : memref<!tpu.dma_semaphore, #tpu.memory_space<semaphore_mem>>) {add = true}
    %dma_wait3A_151 = arith.constant 0 : i32
    %dma_wait3A_152 = arith.constant 0 : i32
    %dma_wait3A_153 = tpu.memref_slice %arg2[%dma_wait3A_151, %dma_wait3A_152] : memref<10000x128xf32, #tpu.memory_space<hbm>> -> memref<10000x128xf32, #tpu.memory_space<hbm>>
    tpu.wait_indirect_dma semaphore(%arg45 : memref<!tpu.dma_semaphore, #tpu.memory_space<semaphore_mem>>) src(%dma_wait3A_153 : memref<10000x128xf32, #tpu.memory_space<hbm>>) dst(%arg25 : memref<80x128xf32, #tpu.memory_space<vmem>>)
    %dma_start3A_154 = arith.constant 0 : i32
    %dma_start3A_155 = arith.constant 0 : i32
    %dma_start3A_156 = tpu.memref_slice %arg6[%dma_start3A_154, %dma_start3A_155] : memref<10000x128xf32, #tpu.memory_space<vmem_shared>> -> memref<10000x128xf32, #tpu.memory_space<vmem_shared>>
    tpu.enqueue_indirect_dma source(%arg25 : memref<80x128xf32, #tpu.memory_space<vmem>>) target(%dma_start3A_156 : memref<10000x128xf32, #tpu.memory_space<vmem_shared>>) offsets(%arg17 : memref<80xi32, #tpu.memory_space<vmem>>) semaphore(%arg49 : memref<!tpu.dma_semaphore, #tpu.memory_space<semaphore_mem>>) {add = true}
    %dma_wait3A_157 = arith.constant 0 : i32
    %dma_wait3A_158 = arith.constant 0 : i32
    %dma_wait3A_159 = tpu.memref_slice %arg2[%dma_wait3A_157, %dma_wait3A_158] : memref<10000x128xf32, #tpu.memory_space<hbm>> -> memref<10000x128xf32, #tpu.memory_space<hbm>>
    tpu.wait_indirect_dma semaphore(%arg46 : memref<!tpu.dma_semaphore, #tpu.memory_space<semaphore_mem>>) src(%dma_wait3A_159 : memref<10000x128xf32, #tpu.memory_space<hbm>>) dst(%arg26 : memref<80x128xf32, #tpu.memory_space<vmem>>)
    %dma_start3A_160 = arith.constant 0 : i32
    %dma_start3A_161 = arith.constant 0 : i32
    %dma_start3A_162 = tpu.memref_slice %arg6[%dma_start3A_160, %dma_start3A_161] : memref<10000x128xf32, #tpu.memory_space<vmem_shared>> -> memref<10000x128xf32, #tpu.memory_space<vmem_shared>>
    tpu.enqueue_indirect_dma source(%arg26 : memref<80x128xf32, #tpu.memory_space<vmem>>) target(%dma_start3A_162 : memref<10000x128xf32, #tpu.memory_space<vmem_shared>>) offsets(%arg18 : memref<80xi32, #tpu.memory_space<vmem>>) semaphore(%arg50 : memref<!tpu.dma_semaphore, #tpu.memory_space<semaphore_mem>>) {add = true}
    %dma_wait3A_163 = arith.constant 0 : i32
    %dma_wait3A_164 = arith.constant 0 : i32
    %dma_wait3A_165 = tpu.memref_slice %arg2[%dma_wait3A_163, %dma_wait3A_164] : memref<10000x128xf32, #tpu.memory_space<hbm>> -> memref<10000x128xf32, #tpu.memory_space<hbm>>
    tpu.wait_indirect_dma semaphore(%arg43 : memref<!tpu.dma_semaphore, #tpu.memory_space<semaphore_mem>>) src(%dma_wait3A_165 : memref<10000x128xf32, #tpu.memory_space<hbm>>) dst(%arg23 : memref<80x128xf32, #tpu.memory_space<vmem>>)
    %dma_start3A_166 = arith.constant 0 : i32
    %dma_start3A_167 = arith.constant 0 : i32
    %dma_start3A_168 = tpu.memref_slice %arg6[%dma_start3A_166, %dma_start3A_167] : memref<10000x128xf32, #tpu.memory_space<vmem_shared>> -> memref<10000x128xf32, #tpu.memory_space<vmem_shared>>
    tpu.enqueue_indirect_dma source(%arg23 : memref<80x128xf32, #tpu.memory_space<vmem>>) target(%dma_start3A_168 : memref<10000x128xf32, #tpu.memory_space<vmem_shared>>) offsets(%arg19 : memref<80xi32, #tpu.memory_space<vmem>>) semaphore(%arg47 : memref<!tpu.dma_semaphore, #tpu.memory_space<semaphore_mem>>) {add = true}
    %dma_wait3A_169 = arith.constant 0 : i32
    %dma_wait3A_170 = arith.constant 0 : i32
    %dma_wait3A_171 = tpu.memref_slice %arg6[%dma_wait3A_169, %dma_wait3A_170] : memref<10000x128xf32, #tpu.memory_space<vmem_shared>> -> memref<10000x128xf32, #tpu.memory_space<vmem_shared>>
    tpu.wait_indirect_dma semaphore(%arg48 : memref<!tpu.dma_semaphore, #tpu.memory_space<semaphore_mem>>) src(%arg24 : memref<80x128xf32, #tpu.memory_space<vmem>>) dst(%dma_wait3A_171 : memref<10000x128xf32, #tpu.memory_space<vmem_shared>>)
    %dma_wait3A_172 = arith.constant 0 : i32
    %dma_wait3A_173 = arith.constant 0 : i32
    %dma_wait3A_174 = tpu.memref_slice %arg6[%dma_wait3A_172, %dma_wait3A_173] : memref<10000x128xf32, #tpu.memory_space<vmem_shared>> -> memref<10000x128xf32, #tpu.memory_space<vmem_shared>>
    tpu.wait_indirect_dma semaphore(%arg49 : memref<!tpu.dma_semaphore, #tpu.memory_space<semaphore_mem>>) src(%arg25 : memref<80x128xf32, #tpu.memory_space<vmem>>) dst(%dma_wait3A_174 : memref<10000x128xf32, #tpu.memory_space<vmem_shared>>)
    %dma_wait3A_175 = arith.constant 0 : i32
    %dma_wait3A_176 = arith.constant 0 : i32
    %dma_wait3A_177 = tpu.memref_slice %arg6[%dma_wait3A_175, %dma_wait3A_176] : memref<10000x128xf32, #tpu.memory_space<vmem_shared>> -> memref<10000x128xf32, #tpu.memory_space<vmem_shared>>
    tpu.wait_indirect_dma semaphore(%arg50 : memref<!tpu.dma_semaphore, #tpu.memory_space<semaphore_mem>>) src(%arg26 : memref<80x128xf32, #tpu.memory_space<vmem>>) dst(%dma_wait3A_177 : memref<10000x128xf32, #tpu.memory_space<vmem_shared>>)
    %dma_wait3A_178 = arith.constant 0 : i32
    %dma_wait3A_179 = arith.constant 0 : i32
    %dma_wait3A_180 = tpu.memref_slice %arg6[%dma_wait3A_178, %dma_wait3A_179] : memref<10000x128xf32, #tpu.memory_space<vmem_shared>> -> memref<10000x128xf32, #tpu.memory_space<vmem_shared>>
    tpu.wait_indirect_dma semaphore(%arg47 : memref<!tpu.dma_semaphore, #tpu.memory_space<semaphore_mem>>) src(%arg23 : memref<80x128xf32, #tpu.memory_space<vmem>>) dst(%dma_wait3A_180 : memref<10000x128xf32, #tpu.memory_space<vmem_shared>>)
    %barrier3A_181 = arith.constant 0 : index
    tpu.barrier barrier_id(%barrier3A_181)
    %lt3A_182 = arith.constant 15 : i32
    %lt3A_183 = arith.cmpi slt, %arg1, %lt3A_182 : i32
    %convert_element_type3A_184 = arith.extui %lt3A_183 : i1 to i32
    %cond3A_185 = arith.constant 0 : i32
    %cond3A_186 = arith.cmpi ne, %convert_element_type3A_184, %cond3A_185 : i32
    scf.if %cond3A_186 {
      "tpu.region"() ({
        %run_scoped3A = tpu.sem_alloc : memref<!tpu.dma_semaphore, #tpu.memory_space<semaphore_mem>>
        %dma_start3A_192 = arith.constant 0 : i32
        %dma_start3A_193 = tpu.memref_slice %arg5[%arg0, %mul3A_97, %dma_start3A_192] : memref<2x10000x128xf32, #tpu.memory_space<hbm>> -> memref<1x624x128xf32, #tpu.memory_space<hbm>>
        %dma_start3A_194 = tpu.memref_squeeze %dma_start3A_193 : memref<1x624x128xf32, #tpu.memory_space<hbm>> -> memref<624x128xf32, #tpu.memory_space<hbm>>
        %dma_start3A_195 = arith.constant 0 : i32
        %dma_start3A_196 = tpu.memref_slice %arg6[%mul3A_97, %dma_start3A_195] : memref<10000x128xf32, #tpu.memory_space<vmem_shared>> -> memref<624x128xf32, #tpu.memory_space<vmem_shared>>
        tpu.enqueue_dma source(%dma_start3A_196 : memref<624x128xf32, #tpu.memory_space<vmem_shared>>) target(%dma_start3A_194 : memref<624x128xf32, #tpu.memory_space<hbm>>) target_semaphore(%run_scoped3A : memref<!tpu.dma_semaphore, #tpu.memory_space<semaphore_mem>>)
        %dma_wait3A_197 = arith.constant 0 : i32
        %dma_wait3A_198 = tpu.memref_slice %arg5[%arg0, %mul3A_97, %dma_wait3A_197] : memref<2x10000x128xf32, #tpu.memory_space<hbm>> -> memref<1x624x128xf32, #tpu.memory_space<hbm>>
        %dma_wait3A_199 = tpu.memref_squeeze %dma_wait3A_198 : memref<1x624x128xf32, #tpu.memory_space<hbm>> -> memref<624x128xf32, #tpu.memory_space<hbm>>
        %dma_wait3A_200 = arith.constant 0 : i32
        %dma_wait3A_201 = tpu.memref_slice %arg6[%mul3A_97, %dma_wait3A_200] : memref<10000x128xf32, #tpu.memory_space<vmem_shared>> -> memref<624x128xf32, #tpu.memory_space<vmem_shared>>
        tpu.wait_dma2 semaphore(%run_scoped3A : memref<!tpu.dma_semaphore, #tpu.memory_space<semaphore_mem>>) src(%dma_wait3A_201 : memref<624x128xf32, #tpu.memory_space<vmem_shared>>) dst(%dma_wait3A_199 : memref<624x128xf32, #tpu.memory_space<hbm>>)
        tpu.yield
      }) : () -> ()
    } else {
    }
    %eq3A_187 = arith.constant 15 : i32
    %eq3A_188 = arith.cmpi eq, %arg1, %eq3A_187 : i32
    %convert_element_type3A_189 = arith.extui %eq3A_188 : i1 to i32
    %cond3A_190 = arith.constant 0 : i32
    %cond3A_191 = arith.cmpi ne, %convert_element_type3A_189, %cond3A_190 : i32
    scf.if %cond3A_191 {
      "tpu.region"() ({
        %run_scoped3A = tpu.sem_alloc : memref<!tpu.dma_semaphore, #tpu.memory_space<semaphore_mem>>
        %dma_start3A_192 = arith.constant 0 : i32
        %dma_start3A_193 = tpu.memref_slice %arg5[%arg0, %mul3A_97, %dma_start3A_192] : memref<2x10000x128xf32, #tpu.memory_space<hbm>> -> memref<1x640x128xf32, #tpu.memory_space<hbm>>
        %dma_start3A_194 = tpu.memref_squeeze %dma_start3A_193 : memref<1x640x128xf32, #tpu.memory_space<hbm>> -> memref<640x128xf32, #tpu.memory_space<hbm>>
        %dma_start3A_195 = arith.constant 0 : i32
        %dma_start3A_196 = tpu.memref_slice %arg6[%mul3A_97, %dma_start3A_195] : memref<10000x128xf32, #tpu.memory_space<vmem_shared>> -> memref<640x128xf32, #tpu.memory_space<vmem_shared>>
        tpu.enqueue_dma source(%dma_start3A_196 : memref<640x128xf32, #tpu.memory_space<vmem_shared>>) target(%dma_start3A_194 : memref<640x128xf32, #tpu.memory_space<hbm>>) target_semaphore(%run_scoped3A : memref<!tpu.dma_semaphore, #tpu.memory_space<semaphore_mem>>)
        %dma_wait3A_197 = arith.constant 0 : i32
        %dma_wait3A_198 = tpu.memref_slice %arg5[%arg0, %mul3A_97, %dma_wait3A_197] : memref<2x10000x128xf32, #tpu.memory_space<hbm>> -> memref<1x640x128xf32, #tpu.memory_space<hbm>>
        %dma_wait3A_199 = tpu.memref_squeeze %dma_wait3A_198 : memref<1x640x128xf32, #tpu.memory_space<hbm>> -> memref<640x128xf32, #tpu.memory_space<hbm>>
        %dma_wait3A_200 = arith.constant 0 : i32
        %dma_wait3A_201 = tpu.memref_slice %arg6[%mul3A_97, %dma_wait3A_200] : memref<10000x128xf32, #tpu.memory_space<vmem_shared>> -> memref<640x128xf32, #tpu.memory_space<vmem_shared>>
        tpu.wait_dma2 semaphore(%run_scoped3A : memref<!tpu.dma_semaphore, #tpu.memory_space<semaphore_mem>>) src(%dma_wait3A_201 : memref<640x128xf32, #tpu.memory_space<vmem_shared>>) dst(%dma_wait3A_199 : memref<640x128xf32, #tpu.memory_space<hbm>>)
        tpu.yield
      }) : () -> ()
    } else {
    }
    return
  }
}

module attributes {stable_mosaic.version = 14 : i64} {
  func.func @_tc_final_body(%arg0: i32, %arg1: memref<2x1000x128xf32, #tpu.memory_space<vmem>>, %arg2: memref<1000x1xf32, #tpu.memory_space<vmem>>, %arg3: memref<128x128xf32, #tpu.memory_space<vmem>>, %arg4: memref<1x128xf32, #tpu.memory_space<vmem>>, %arg5: memref<1000x128xf32, #tpu.memory_space<vmem>>) attributes {dimension_semantics = [#tpu.dimension_semantics<arbitrary>], iteration_bounds = array<i64: 10>, scalar_prefetch = 0 : i64, scratch_operands = 0 : i64, tpu.core_type = #tpu.core_type<tc>, window_params = [{transform_indices = @transform_0, window_bounds = array<i64: 2, 1000, 128>}, {transform_indices = @transform_1, window_bounds = array<i64: 1000, 1>}, {pipeline_mode = #tpu.pipeline_mode<synchronous>, transform_indices = @transform_2, window_bounds = array<i64: 128, 128>}, {pipeline_mode = #tpu.pipeline_mode<synchronous>, transform_indices = @transform_3, window_bounds = array<i64: 1, 128>}, {transform_indices = @transform_4, window_bounds = array<i64: 1000, 128>}]} {
    %get3A = arith.constant 0 : index
    %get3A_0 = arith.constant 0 : index
    %get3A_1 = arith.constant 0 : index
    %get3A_2 = vector.load %arg1[%get3A, %get3A_0, %get3A_1] : memref<2x1000x128xf32, #tpu.memory_space<vmem>>, vector<1x1000x128xf32>
    %get3A_3 = vector.shape_cast %get3A_2 : vector<1x1000x128xf32> to vector<1000x128xf32>
    %get3A_4 = arith.constant 1 : index
    %get3A_5 = arith.constant 0 : index
    %get3A_6 = arith.constant 0 : index
    %get3A_7 = vector.load %arg1[%get3A_4, %get3A_5, %get3A_6] : memref<2x1000x128xf32, #tpu.memory_space<vmem>>, vector<1x1000x128xf32>
    %get3A_8 = vector.shape_cast %get3A_7 : vector<1x1000x128xf32> to vector<1000x128xf32>
    %add3A = arith.addf %get3A_3, %get3A_8 : vector<1000x128xf32>
    %get3A_9 = arith.constant 0 : index
    %get3A_10 = arith.constant 0 : index
    %get3A_11 = vector.load %arg2[%get3A_9, %get3A_10] : memref<1000x1xf32, #tpu.memory_space<vmem>>, vector<1000x1xf32>
    %mul3A = vector.broadcast %get3A_11 : vector<1000x1xf32> to vector<1000x128xf32>
    %mul3A_12 = arith.mulf %add3A, %mul3A : vector<1000x128xf32>
    %get3A_13 = arith.constant 0 : index
    %get3A_14 = arith.constant 0 : index
    %get3A_15 = vector.load %arg3[%get3A_13, %get3A_14] : memref<128x128xf32, #tpu.memory_space<vmem>>, vector<128x128xf32>
    %max3A = arith.constant 0.000000e+00 : f32
    %max3A_16 = vector.broadcast %max3A : f32 to vector<128x128xf32>
    %max3A_17 = arith.maximumf %get3A_15, %max3A_16 : vector<128x128xf32>
    %dot_general3A = arith.constant dense<0.000000e+00> : vector<1000x128xf32>
    %dot_general3A_18 = tpu.matmul %mul3A_12, %max3A_17, %dot_general3A {dimension_numbers = #tpu.dot_dimension_numbers<[1], [0], [0], [1], [0, 0, 1, 1], [], []>, transpose_lhs_hint = false} : vector<1000x128xf32>, vector<128x128xf32>, vector<1000x128xf32> -> vector<1000x128xf32>
    %get3A_19 = arith.constant 0 : index
    %get3A_20 = arith.constant 0 : index
    %get3A_21 = vector.load %arg4[%get3A_19, %get3A_20] : memref<1x128xf32, #tpu.memory_space<vmem>>, vector<1x128xf32>
    %add3A_22 = vector.broadcast %get3A_21 : vector<1x128xf32> to vector<1000x128xf32>
    %add3A_23 = arith.addf %dot_general3A_18, %add3A_22 : vector<1000x128xf32>
    %ge3A = arith.constant 0.000000e+00 : f32
    %ge3A_24 = vector.broadcast %ge3A : f32 to vector<1000x128xf32>
    %ge3A_25 = arith.cmpf oge, %add3A_23, %ge3A_24 : vector<1000x128xf32>
    %mul3A_26 = arith.constant 0.00999999977 : f32
    %mul3A_27 = vector.broadcast %mul3A_26 : f32 to vector<1000x128xf32>
    %mul3A_28 = arith.mulf %mul3A_27, %add3A_23 : vector<1000x128xf32>
    %select_n3A = arith.select %ge3A_25, %add3A_23, %mul3A_28 : vector<1000x128xi1>, vector<1000x128xf32>
    %swap3A = arith.constant 0 : index
    %swap3A_29 = arith.constant 0 : index
    %swap3A_30 = vector.load %arg5[%swap3A, %swap3A_29] : memref<1000x128xf32, #tpu.memory_space<vmem>>, vector<1000x128xf32>
    tpu.vector_store %arg5[%swap3A, %swap3A_29], %select_n3A {strides = array<i32>} : memref<1000x128xf32, #tpu.memory_space<vmem>>, vector<1000x128xf32>,
    return
  }
  func.func @transform_0(%arg0: i32) -> (i32, i32, i32) {
    %c0_i32 = arith.constant 0 : i32
    %c0_i32_0 = arith.constant 0 : i32
    %c0_i32_1 = arith.constant 0 : i32
    return %c0_i32, %arg0, %c0_i32_0 : i32, i32, i32
  }
  func.func @transform_1(%arg0: i32) -> (i32, i32) {
    %c0_i32 = arith.constant 0 : i32
    %c0_i32_0 = arith.constant 0 : i32
    return %arg0, %c0_i32 : i32, i32
  }
  func.func @transform_2(%arg0: i32) -> (i32, i32) {
    %c0_i32 = arith.constant 0 : i32
    %c0_i32_0 = arith.constant 0 : i32
    %c0_i32_1 = arith.constant 0 : i32
    return %c0_i32, %c0_i32_0 : i32, i32
  }
  func.func @transform_3(%arg0: i32) -> (i32, i32) {
    %c0_i32 = arith.constant 0 : i32
    %c0_i32_0 = arith.constant 0 : i32
    %c0_i32_1 = arith.constant 0 : i32
    return %c0_i32, %c0_i32_0 : i32, i32
  }
  func.func @transform_4(%arg0: i32) -> (i32, i32) {
    %c0_i32 = arith.constant 0 : i32
    %c0_i32_0 = arith.constant 0 : i32
    return %arg0, %c0_i32 : i32, i32
  }
}

</mosaic_0001>

<sc_bundles>
// kernel: kernel.5.cloned.1.call-start
scs
__scs_entry_jumppad:
0x0: {  	(pc) =	sbr.rel $0x88, $3  }
0x1: {  	(tag) =	ssettag $0x0;
	lr =	simm.s32 $0x1  }
0x2: {  	[smem:$0x3F9D] =	sst lr;
	_ =	strace $0xD0000000  }
0x3: {  	_ = 	snop  }
0x4: {  	_ = 	snop  }
0x5: {  	_ = 	snop  }
0x6: {  	_ = 	snop  }
0x7: {  	_ = 	snop  }
__scs_overlays_trampoline_lowered:
0x8: {  	[smem:$0x3FAC] =	sst s0  }
0x9: {  	[smem:$0x3FAD] =	sst s1  }
0xa: {  	[smem:$0x3FAE] =	sst s2  }
0xb: {  	[smem:$0x3FAF] =	sst s3  }
0xc: {  	[smem:$0x3FB0] =	sst s4  }
0xd: {  	[smem:$0x3FB1] =	sst s5  }
0xe: {  	[smem:$0x3FB2] =	sst s6  }
0xf: {  	[smem:$0x3FB3] =	sst s7  }
0x10: {  	[smem:$0x3FB4] =	sst s8  }
0x11: {  	[smem:$0x3FB5] =	sst s9;
	s0 =	simm.s32 @!p0 $0x0  }
0x12: {  	s1 =	sld [smem:$0x3F9B];
	s0 =	simm.s32 @p0 $0x1  }
0x13: {  	[smem:$0x3FB6] =	sst s0;
	s0 =	simm.s32 @!p1 $0x0  }
0x14: {  	s2 =	sld [smem:$0x3F9A];
	s0 =	simm.s32 @p1 $0x1  }
0x15: {  	[smem:$0x3FB7] =	sst s0;
	s0 =	simm.s32 @!p2 $0x0  }
0x16: {  	s3 =	sld [smem:$0x3FDB];
	s0 =	simm.s32 @p2 $0x1  }
0x17: {  	s4 =	simm.s32 $0x1BF5;
	[smem:$0x3FB9] =	sst s0  }
0x18: {  	s0 =	sld [smem:$0x3F9C];
	_ =	swait.ge [sflag:s4], $0x0  }
0x19: {  	s7 =	sld [smem:$0x3F9D]  }
0x1a: {  	s8 =	sadd.s32 $0xFFFFE003, lr  }
0x1b: {  	s9 =	sadd.s32 $0xFFFFFEF7, lr;
	s5 =	simm.s32 $0xFFFFFFFF;
	p2 =	slt.u32 s8, $0xFFFFF086  }
0x1c: {  	p1 =	slt.u32 s9, $0xF7A;
	s5 =	simm.s32 @!p2 $0x0  }
0x1d: {  	s5 =	simm.s32 @p1 $0x1;
	p0 =	seq.s32 s7, s2  }
0x1e: {  	s7 =	smul.u32 @!p0 $0xF7A, s2;
	p2 =	seq.s32 @!p0 s5, $0x0  }
0x1f: {  	s9 =	smul.u32 $0xF7A, s1;
	s8 =	simm.s32 @!p0 $0x1BF5;
	p2 =	por !p2, p0  }
0x20: {  	[sflag:s8] =	ssyncset.s32 @!p0 $0xFFFFF086;
	s6 =	sadd.s32 @!p0 s3, s7;
	s7 =	simm.s32 @!p0 $0x108  }
0x21: {  	s3 =	sadd.s32 s3, s9;
	s6 =	sadd.s32 @!p0 $0x88, s6;
	s7 =	simm.s32 @p2 $0x1082  }
0x22: {  	[simem:s7], [sflag:s8] =	dma.local @!p0 [hbm:s6], $0xF7A  }
0x23: {  	s9 =	sor.u32 $0xD0000000, s2;
	s6 =	simm.s32 $0x108;
	_ =	swait.ge @!p0 [sflag:s8], $0x0  }
0x24: {  	s3 =	sadd.s32 $0x88, s3;
	s6 =	simm.s32 @!p1 $0x1082;
	[sflag:s4] =	ssyncset.s32 $0xFFFFF086  }
0x25: {  	[simem:s6], [sflag:s4] =	dma.local [hbm:s3], $0xF7A  }
0x26: {  	[smem:$0x3F9D] =	sst s1;
	(tag) =	ssettag s2;
	_ =	strace s9  }
0x27: {  	s1 =	sld [smem:$0x3FAD]  }
0x28: {  	s2 =	sld [smem:$0x3FAE]  }
0x29: {  	s4 =	sld [smem:$0x3FB0]  }
0x2a: {  	p0 =	seq.s32 s5, $0x0;
	s5 =	sld [smem:$0x3FB1]  }
0x2b: {  	s6 =	sld [smem:$0x3FB2]  }
0x2c: {  	s7 =	sld [smem:$0x3FB3]  }
0x2d: {  	s3 =	simm.s32 $0x108;
	s8 =	sld [smem:$0x3FB4]  }
0x2e: {  	s3 =	simm.s32 @!p0 $0x1082;
	s9 =	sld [smem:$0x3FB5]  }
0x2f: {  	lr =	sadd.s32 s0, s3;
	s0 =	sld [smem:$0x3FAC]  }
0x30: {  	s3 =	sld [smem:$0x3FAF]  }
0x31: {  	[smem:$0x3FB8] =	sst s10  }
0x32: {  	s10 =	sld [smem:$0x3FB6];
	_ =	sdelay $0x3  }
0x33: {  	p0 =	seq.s32 s10, $0x1;
	s10 =	sld [smem:$0x3FB8];
	_ =	sdelay $0x3  }
0x34: {  	[smem:$0x3FB8] =	sst s10  }
0x35: {  	s10 =	sld [smem:$0x3FB7];
	_ =	sdelay $0x3  }
0x36: {  	p1 =	seq.s32 s10, $0x1;
	s10 =	sld [smem:$0x3FB8];
	_ =	sdelay $0x3  }
0x37: {  	[smem:$0x3FB8] =	sst s10  }
0x38: {  	s10 =	sld [smem:$0x3FB9]  }
0x39: {  	_ = 	snop;
	(pc) =	sbr.ind lr, $3  }
0x3a: {  	_ = 	snop  }
0x3b: {  	_ = 	snop  }
0x3c: {  	p2 =	seq.s32 s10, $0x1;
	s10 =	sld [smem:$0x3FB8]  }
0x3d: {  	_ =	shalt  }
0x3e: {  	_ =	shalt  }
0x3f: {  	_ =	shalt  }
0x40: {  	_ =	shalt  }
0x41: {  	_ =	shalt  }
0x42: {  	_ =	shalt  }
0x43: {  	_ =	shalt  }
0x44: {  	_ =	shalt  }
0x45: {  	_ =	shalt  }
0x46: {  	_ =	shalt  }
0x47: {  	_ =	shalt  }
0x48: {  	_ =	shalt  }
0x49: {  	_ =	shalt  }
0x4a: {  	_ =	shalt  }
0x4b: {  	_ =	shalt  }
0x4c: {  	_ =	shalt  }
0x4d: {  	_ =	shalt  }
0x4e: {  	_ =	shalt  }
0x4f: {  	_ =	shalt  }
0x50: {  	_ =	shalt  }
0x51: {  	_ =	shalt  }
0x52: {  	_ =	shalt  }
0x53: {  	_ =	shalt  }
0x54: {  	_ =	shalt  }
0x55: {  	_ =	shalt  }
0x56: {  	_ =	shalt  }
0x57: {  	_ =	shalt  }
0x58: {  	_ =	shalt  }
0x59: {  	_ =	shalt  }
0x5a: {  	_ =	shalt  }
0x5b: {  	_ =	shalt  }
0x5c: {  	_ =	shalt  }
0x5d: {  	_ =	shalt  }
0x5e: {  	_ =	shalt  }
0x5f: {  	_ =	shalt  }
0x60: {  	_ =	shalt  }
0x61: {  	_ =	shalt  }
0x62: {  	_ =	shalt  }
0x63: {  	_ =	shalt  }
0x64: {  	_ =	shalt  }
0x65: {  	_ =	shalt  }
0x66: {  	_ =	shalt  }
0x67: {  	_ =	shalt  }
0x68: {  	_ =	shalt  }
0x69: {  	_ =	shalt  }
0x6a: {  	_ =	shalt  }
0x6b: {  	_ =	shalt  }
0x6c: {  	_ =	shalt  }
0x6d: {  	_ =	shalt  }
0x6e: {  	_ =	shalt  }
0x6f: {  	_ =	shalt  }
0x70: {  	_ =	shalt  }
0x71: {  	_ =	shalt  }
0x72: {  	_ =	shalt  }
0x73: {  	_ =	shalt  }
0x74: {  	_ =	shalt  }
0x75: {  	_ =	shalt  }
0x76: {  	_ =	shalt  }
0x77: {  	_ =	shalt  }
0x78: {  	_ =	shalt  }
0x79: {  	_ =	shalt  }
0x7a: {  	_ =	shalt  }
0x7b: {  	_ =	shalt  }
0x7c: {  	_ =	shalt  }
0x7d: {  	_ =	shalt  }
0x7e: {  	_ =	shalt  }
0x7f: {  	_ =	shalt  }
0x80: {  	_ =	shalt  }
0x81: {  	_ =	shalt  }
0x82: {  	_ =	shalt  }
0x83: {  	_ =	shalt  }
0x84: {  	_ =	shalt  }
0x85: {  	_ =	shalt  }
0x86: {  	_ =	shalt  }
0x87: {  	_ =	shalt  }
.Lfunc_end0:
.L_simem_size_0:
called_computation_lowered:
.L_overlay_start_0:
0x88: {  	s2 =	sld [smem:$0x3FD9]  }
0x89: {  	s3 =	sld [smem:$0x3FFE];
	_ =	sdelay $0x1  }
0x8a: {  	s1 =	srdreg.scid  }
0x8b: {  	s0 =	sand.u32 $0x1, s1  }
0x8c: {  	s17 =	sshll.u32 s0, $0xA;
	s2 =	sadd.s32 s3, s2  }
0x8d: {  	s2 =	sadd.s32 s2, s17  }
0x8e: {  	[smem:$0x3FC4] =	sst s2  }
0x8f: {  	_ = 	snop  }
0x90: {  	s2 =	sld [smem:$0x3FC9]  }
0x91: {  	s18 =	sld [smem:$0x3FD0];
	(tm) =	ssettm $0x1  }
0x92: {  	s4 =	sld [smem:$0x3FFB];
	_ =	sdelay $0x3  }
0x93: {  	_ =	strace s4  }
0x94: {  	s4 =	sld [smem:$0x3FFC];
	_ =	sdelay $0x3  }
0x95: {  	_ =	strace s4  }
0x96: {  	s4 =	sld [smem:$0x3FFD];
	_ =	sdelay $0x3  }
0x97: {  	_ =	strace s4  }
0x98: {  	_ =	strace $0x8FFFFFFF  }
0x99: {  	s19 =	sld [smem:$0x3FDB];
	_ =	sdelay $0x1  }
0x9a: {  	s5 =	simm.s32 $_scs_section_size  }
0x9b: {  	s6 =	simm.s32 $_size__tile_overlayer_lowered;
	s7 =	simm.s32 $_tile_overlayer_lowered  }
0x9c: {  	s22 =	simm.s32 $0x1BFF;
	s21 =	sshll.u32 s7, $0x1;
	s4 =	sadd.s32 s5, s19  }
0x9d: {  	s8 =	simm.s32 $0x0;
	s20 =	sshll.u32 s6, $0x1;
	s6 =	sadd.s32 s21, s4  }
0x9e: {  	[timem:s8], [sflag:s22] =	dma.local [hbm:s6], s20  }
0x9f: {  	_ =	swait.ge [sflag:s22], s20  }
0xa0: {  	s5 =	ssub.s32 $0x0, s20;
	[sflag:s22] =	ssyncset.done $0x0  }
0xa1: {  	[sflag:s22] =	ssyncadd.s32 s5;
	_ =	sdelay $0x1  }
0xa2: {  	s23 =	simm.s32 $0x1B8B  }
0xa3: {  	_ =	swait.ge [sflag:s23], $0x1  }
0xa4: {  	[sflag:s23] =	ssyncset.done $0x0  }
0xa5: {  	s25 =	simm.s32 $0x1B8E;
	s24 =	sld [smem:$0x3FFE];
	[sflag:s23] =	ssyncadd.s32 $0xFFFFFFFF  }
0xa6: {  	s26 =	simm.s32 $execute0_lowered;
	[smem:$0x3FD2] =	sst s25  }
0xa7: {  	s6 =	sshll.u32 s26, $0x1;
	_ =	strace $0x80000046;
	[dreg:$0x1] =	wrdreg $0xFFFFFFFF  }
0xa8: {  	s28 =	simm.s32 $_size_execute0_lowered;
	s4 =	sadd.s32 s4, s6;
	[dreg:$0x0] =	wrdreg $0x0  }
0xa9: {  	s6 =	sshll.u32 s28, $0x1;
	[dreg:$0x2] =	wrdreg s4  }
0xaa: {  	[dreg:$0x3] =	wrdreg s6  }
0xab: {  	[dreg:$0x4] =	wrdreg $0xC0  }
0xac: {  	_ =	task [dreg:s8], $0x5FFFF  }
0xad: {  	[dreg:$0x1] =	wrdreg $0xFFFFFFFF  }
0xae: {  	[dreg:$0x0] =	wrdreg $0x60  }
0xaf: {  	[dreg:$0x2] =	wrdreg s2  }
0xb0: {  	[dreg:$0x3] =	wrdreg s24  }
0xb1: {  	[dreg:$0x4] =	wrdreg s18  }
0xb2: {  	[dreg:$0x5] =	wrdreg $0x0  }
0xb3: {  	[dreg:$0x6] =	wrdreg $0x9  }
0xb4: {  	_ =	task.clear_ibuf [dreg:s8], $0x7FFFF;
	_ =	strace $0x90000046  }
0xb5: {  	s29 =	simm.s32 $0x9;
	_ =	strace $0x80000048  }
0xb6: {  	_ =	swait.ge [sflag:s29], $0x1  }
0xb7: {  	[sflag:s29] =	ssyncadd.s32 $0xFFFFFFFF  }
0xb8: {  	_ =	strace $0x90000048  }
0xb9: {  	_ =	sfence  }
0xba: {  	s30 =	sld [smem:$0x0];
	_ =	sdelay $0x2  }
0xbb: {  	s31 =	sshll.u32 s1, $0xD;
	s1 =	sshrl.u32 s1, $0x2  }
0xbc: {  	s3 =	sand.u32 $0x4000, s31;
	s1 =	sadd.s32 s1, s30  }
0xbd: {  	s0 =	sor.u32 s3, s0;
	s1 =	sshll.u32 s1, $0x11  }
0xbe: {  	s0 =	sor.u32 s1, s0  }
0xbf: {  	s0 =	sadd.s32 $0x8F2B, s0  }
0xc0: {  	[sflag:s0] =	ssyncadd.remote.s32 $0x1  }
0xc1: {  	_ =	sfence.sel $0xFFFF  }
0xc2: {  	[dreg:$0x0] =	wrdreg $0xFFFFFFFF;
	(pc) =	sbr.abs _section_cstart, $3  }
0xc3: {  	[dreg:$0x1] =	wrdreg $0xFFFFFFFF  }
0xc4: {  	_ =	task.clear_ibuf [dreg:s8], $0x2FFFF;
	_ =	strace $0x9FFFFFFF  }
0xc5: {  	(tm) =	ssettm $0x7FFFFFFF  }
tec
execute0_lowered:
.L_overlay_start_1:
0x0: {  	(tag) =	ssettag $0x1  }
0x1: {  	s1 =	rddreg [dreg:$0x0]  }
0x2: {  	s0 =	rddreg [dreg:$0x1]  }
0x3: {  	s2 =	rddreg [dreg:$0x2]  }
0x4: {  	s4 =	rddreg [dreg:$0x3];
	s5 =	simm.s32 $0x0  }
0x5: {  	s14 =	stileid.u32;
	s3 =	srdreg.scid;
	s28 =	simm.s32 $0x500  }
0x6: {  	s29 =	simm.s32 $0x3;
	s30 =	simm.s32 $0x4;
	s6 =	smul.u32 $0x280, s14  }
0x7: {  	[smem:$0x7FF] =	sst s5;
	s8 =	sadd.s32 $0xAA00, s0;
	s13 =	smul.u32 $0x4E20, s14  }
0x8: {  	s9 =	sadd.s32 $0xC00, s0;
	s7 =	sand.u32 $0x1, s3;
	s18 =	smul.u32 $0x2800, s14  }
0x9: {  	s14 =	smul.u32 $0x9C4, s14;
	s3 =	simm.s32 $0x0;
	_ =	strace $0x80000047  }
0xa: {  	s10 =	ssub.s32 $0x2, s7;
	p0 =	seq.s32 s7, $0x0;
	s31 =	sshrl.u32 s6, $0x3  }
0xb: {  	s11 =	ssub.s32 $0x2710, s6;
	s12 =	sshrl.u32 s10, $0x1;
	s17 =	sshrl.u32 s13, $0x3  }
0xc: {  	s23 =	sadd.s32 s6, s4;
	s13 =	smov.u32 s9;
	s22 =	sadd.s32 s14, s9  }
0xd: {  	s25 =	sadd.s32 s14, s8;
	s11 =	smin.u32 s11, $0x280;
	s0 =	sadd.s32 s31, s0  }
0xe: {  	s15 =	ssub.s32 s10, s12;
	s13 =	smov.u32 @p0 s8;
	s31 =	sadd.s32 $0x50, s25  }
0xf: {  	s25 =	simm.s32 $0x1;
	[dreg:$0x7] =	wrdreg s23;
	s16 =	smul.u32 $0x334, s11  }
0x10: {  	s0 =	sadd.s32 $0x14800, s0;
	s11 =	sadd.s32 s13, s17;
	[dreg:$0x6] =	wrdreg s31  }
0x11: {  	s20 =	smax.u32 s15, $0x1;
	s15 =	simm.s32 $0xA;
	[dreg:$0x8] =	wrdreg s0  }
0x12: {  	s0 =	sadd.s32 s1, s18;
	[dreg:$0xb] =	wrdreg s20;
	s21 =	sadd.s32 $0x10, s11  }
0x13: {  	s24 =	sadd.s32 $0x20, s11;
	[dreg:$0xa] =	wrdreg s11;
	s26 =	sadd.s32 $0x9C0, s11  }
0x14: {  	s18 =	sadd.s32 s14, s13;
	s11 =	simm.s32 $0xA80;
	[dreg:$0x9] =	wrdreg s0  }
.Ltmp0:
0x15: {  	s14 =	simm.s32 $0x800;
	[dreg:$0xc] =	wrdreg s21;
	(pc) =	sbr.rel .LBB2_1-.Ltmp0, $4  }
0x16: {  	s10 =	sshrl.u32 s16, $0x10;
	[dreg:$0xd] =	wrdreg s24;
	s0 =	sadd.s32 $0x50, s22  }
0x17: {  	[dreg:$0xe] =	wrdreg s26;
	s21 =	simm.s32 $0x380;
	s24 =	simm.s32 $0x400  }
0x18: {  	s26 =	simm.s32 $0x80;
	s22 =	simm.s32 $0x9;
	s19 =	sadd.s32 $0x1, s10  }
0x19: {  	v0 =	vimm.f32 $1.000000000e+00;
	v1 =	vimm.f32 $0.0e+00;
	[dreg:$0x5] =	wrdreg s0;
	s12 =	sshrl.u32 s19, $0x1;
	s19 =	simm.s32 $0x280  }
.LBB2_15:
0x1a: {  	s0 =	simm.s32 $0xC  }
0x1b: {  	_ =	swait.ge [sflag:s0], $0x2800  }
0x1c: {  	[sflag:s0] =	ssyncset.done $0x0  }
0x1d: {  	s31 =	simm.s32 $0xB;
	[sflag:s0] =	ssyncadd.s32 $0xFFFFD800  }
0x1e: {  	_ =	swait.ge [sflag:s31], $0x2800  }
0x1f: {  	[sflag:s31] =	ssyncset.done $0x0  }
0x20: {  	s3 =	rddreg [dreg:$0xf];
	[sflag:s31] =	ssyncadd.s32 $0xFFFFD800  }
.LBB2_16:
0x21: {  	s3 =	sadd.s32 $0x1, s3;
	s0 =	rddreg [dreg:$0xb]  }
0x22: {  	p1 =	sne.s32 s3, s0  }
.Ltmp1:
0x23: {  	_ = 	snop;
	(pc) =	sbr.rel @!p1 .LBB2_17-.Ltmp1, $1  }
0x24: {  	_ =	sdelay $0x3  }
.LBB2_1:
0x25: {  	s0 =	rddreg [dreg:$0xa]  }
0x26: {  	[tilespmem:s19], [sflag:$0x1] =	stream.linear.gather [hbm4b:s0+s5], $0x80, $0x38;
	[tilespmem:$0x5A80] =	vst v63  }
0x27: {  	s13 =	rddreg [dreg:$0xc];
	s16 =	simm.s32 $0x300  }
0x28: {  	[tilespmem:s16], [sflag:$0x2] =	stream.linear.gather [hbm4b:s13+s5], $0x80, $0x38;
	[tilespmem:$0x5A80] =	vst v63  }
0x29: {  	s17 =	rddreg [dreg:$0xd]  }
0x2a: {  	[tilespmem:s21], [sflag:$0x3] =	stream.linear.gather [hbm4b:s17+s5], $0x80, $0x38;
	[tilespmem:$0x5A80] =	vst v63  }
0x2b: {  	[tilespmem:$0x500] =	vst v0  }
0x2c: {  	[tilespmem:$0x510] =	vst v0  }
0x2d: {  	[tilespmem:$0x520] =	vst v0  }
0x2e: {  	[tilespmem:$0x530] =	vst v0  }
0x2f: {  	[tilespmem:$0x540] =	vst v0  }
0x30: {  	[tilespmem:$0x550] =	vst v0  }
0x31: {  	[tilespmem:$0x560] =	vst v0  }
0x32: {  	[tilespmem:$0x570] =	vst v0  }
0x33: {  	[tilespmem:$0x580] =	vst v1  }
0x34: {  	[tilespmem:$0x590] =	vst v1  }
0x35: {  	[tilespmem:$0x5A0] =	vst v1  }
0x36: {  	[tilespmem:$0x5B0] =	vst v1  }
0x37: {  	[tilespmem:$0x5C0] =	vst v1  }
0x38: {  	[tilespmem:$0x5D0] =	vst v1  }
0x39: {  	[tilespmem:$0x5E0] =	vst v1  }
0x3a: {  	[tilespmem:$0x5F0] =	vst v1  }
0x3b: {  	[tilespmem:$0x600] =	vst v1  }
0x3c: {  	[tilespmem:$0x610] =	vst v1  }
0x3d: {  	[tilespmem:$0x620] =	vst v1  }
0x3e: {  	[tilespmem:$0x630] =	vst v1  }
0x3f: {  	[tilespmem:$0x640] =	vst v1  }
0x40: {  	[tilespmem:$0x650] =	vst v1  }
0x41: {  	[tilespmem:$0x660] =	vst v1  }
0x42: {  	[tilespmem:$0x670] =	vst v1  }
0x43: {  	[tilespmem:$0x680] =	vst v1  }
0x44: {  	[tilespmem:$0x690] =	vst v1  }
0x45: {  	[tilespmem:$0x6A0] =	vst v1  }
0x46: {  	[tilespmem:$0x6B0] =	vst v1  }
0x47: {  	[tilespmem:$0x6C0] =	vst v1  }
0x48: {  	[tilespmem:$0x6D0] =	vst v1  }
0x49: {  	[tilespmem:$0x6E0] =	vst v1  }
0x4a: {  	[tilespmem:$0x6F0] =	vst v1  }
0x4b: {  	[tilespmem:$0x700] =	vst v1  }
0x4c: {  	[tilespmem:$0x710] =	vst v1  }
0x4d: {  	[tilespmem:$0x720] =	vst v1  }
0x4e: {  	[tilespmem:$0x730] =	vst v1  }
0x4f: {  	[tilespmem:$0x740] =	vst v1  }
0x50: {  	[tilespmem:$0x750] =	vst v1  }
0x51: {  	[tilespmem:$0x760] =	vst v1  }
0x52: {  	[tilespmem:$0x770] =	vst v1  }
0x53: {  	[tilespmem:$0x780] =	vst v1  }
0x54: {  	[tilespmem:$0x790] =	vst v1  }
0x55: {  	[tilespmem:$0x7A0] =	vst v1  }
0x56: {  	[tilespmem:$0x7B0] =	vst v1  }
0x57: {  	[tilespmem:$0x7C0] =	vst v1  }
0x58: {  	[tilespmem:$0x7D0] =	vst v1  }
0x59: {  	[tilespmem:$0x7E0] =	vst v1  }
0x5a: {  	s20 =	simm.s32 $0x580;
	[tilespmem:$0x7F0] =	vst v1  }
0x5b: {  	[spmem:s23] =	stream.linear.scatter [tilespmem:s20], [sflag:$0xD], $0x280, $0x38;
	[tilespmem:$0x5A80] =	vst v63  }
0x5c: {  	[dreg:$0xf] =	wrdreg s3;
	s23 =	simm.s32 $0xD  }
0x5d: {  	_ =	swait.ge [sflag:s23], $0x280  }
0x5e: {  	[sflag:s23] =	ssyncset.done $0x0  }
0x5f: {  	p1 =	por $0x1, $0x1;
	[sflag:s23] =	ssyncadd.s32 $0xFFFFFD80  }
0x60: {  	s0 =	simm.s32 @!p1 $0x8;
	[bflag:$0x0] =	sbarrier.arrive $0xFFFF  }
0x61: {  	_ =	swait.ge @!p1 [sflag:s0], $0x80  }
0x62: {  	s31 =	sadd.s32 $0x0, s18;
	[sflag:s0] =	ssyncset.done @!p1 $0x0  }
0x63: {  	s3 =	sadd.s32 $0x30, s31;
	[sflag:s0] =	ssyncadd.s32 @!p1 $0xFFFFFF80  }
0x64: {  	[tilespmem:s24], [sflag:$0x4] =	stream.linear.gather [hbm4b:s3+s5], $0x80, $0x38;
	[tilespmem:$0x5A80] =	vst v63  }
0x65: {  	_ =	swait.ge [sflag:s25], $0x80  }
0x66: {  	p1 =	por $0x0, $0x0;
	[sflag:s25] =	ssyncset.done $0x0  }
0x67: {  	s0 =	simm.s32 @p1 $0x2;
	[sflag:s25] =	ssyncadd.s32 $0xFFFFFF80  }
0x68: {  	[spmem:s4] =	stream.indirect.scatter.add.f32 [tilespmem:s28], [sflag:$0x5], $0x1, s19, s26, $0xb8;
	[tilespmem:$0x5A80] =	vst v63  }
0x69: {  	_ =	swait.ge @p1 [sflag:s0], $0x80  }
0x6a: {  	s3 =	simm.s32 @p1 $0x500;
	s8 =	simm.s32 @p1 $0x80;
	[sflag:s0] =	ssyncset.done @p1 $0x0  }
0x6b: {  	s9 =	simm.s32 @p1 $0x300;
	[sflag:s0] =	ssyncadd.s32 @p1 $0xFFFFFF80;
	s0 =	simm.s32 @!p1 $0x5  }
0x6c: {  	[spmem:s4] =	stream.indirect.scatter.add.f32 @p1 [tilespmem:s3], [sflag:$0x6], $0x1, s9, s8, $0xb8;
	[tilespmem:$0x5A80] =	vst v63  }
0x6d: {  	s13 =	simm.s32 @!p1 $0x2;
	_ =	swait.ge @!p1 [sflag:s0], $0x80  }
0x6e: {  	s3 =	sadd.s32 @!p1 $0x0, s18;
	s9 =	simm.s32 @!p1 $0x280;
	[sflag:s0] =	ssyncset.done @!p1 $0x0  }
0x6f: {  	s8 =	sadd.s32 @!p1 $0x40, s3;
	[sflag:s0] =	ssyncadd.s32 @!p1 $0xFFFFFF80;
	s0 =	simm.s32 @!p1 $0x0  }
0x70: {  	[tilespmem:s9], [sflag:$0x1] =	stream.linear.gather @!p1 [hbm4b:s8+s0], $0x80, $0x38;
	[tilespmem:$0x5A80] =	vst v63  }
0x71: {  	_ =	swait.ge @!p1 [sflag:s13], $0x80  }
0x72: {  	s16 =	simm.s32 @!p1 $0x300;
	s8 =	simm.s32 @!p1 $0x500;
	[sflag:s13] =	ssyncset.done @!p1 $0x0  }
0x73: {  	s9 =	simm.s32 @!p1 $0x80;
	[sflag:s13] =	ssyncadd.s32 @!p1 $0xFFFFFF80;
	s13 =	simm.s32 @!p1 $0x6  }
0x74: {  	[spmem:s4] =	stream.indirect.scatter.add.f32 @!p1 [tilespmem:s8], [sflag:$0x6], $0x1, s16, s9, $0xb8;
	[tilespmem:$0x5A80] =	vst v63  }
0x75: {  	p2 =	sne.s32 @!p1 s7, $0x0;
	_ =	swait.ge @!p1 [sflag:s13], $0x80  }
0x76: {  	p3 =	por !p2, p1;
	p2 =	por p2, p1;
	s8 =	rddreg [dreg:$0x5]  }
0x77: {  	s16 =	simm.s32 @!p3 $0x300;
	[sflag:s13] =	ssyncset.done @!p1 $0x0;
	s9 =	rddreg [dreg:$0x6]  }
0x78: {  	[sflag:s13] =	ssyncadd.s32 @!p1 $0xFFFFFF80;
	s8 =	sadd.s32 @!p3 $0x0, s8;
	s13 =	simm.s32 @!p3 $0x0  }
0x79: {  	[tilespmem:s16], [sflag:$0x2] =	stream.linear.gather @!p3 [hbm4b:s8+s13], $0x80, $0x38;
	[tilespmem:$0x5A80] =	vst v63  }
0x7a: {  	s8 =	sadd.s32 @!p2 $0x0, s9;
	s9 =	simm.s32 @!p2 $0x0;
	s13 =	simm.s32 @!p2 $0x300  }
0x7b: {  	[tilespmem:s13], [sflag:$0x2] =	stream.linear.gather @!p2 [hbm4b:s8+s9], $0x80, $0x38;
	[tilespmem:$0x5A80] =	vst v63  }
0x7c: {  	_ =	swait.ge [sflag:s29], $0x80  }
0x7d: {  	[sflag:s29] =	ssyncset.done $0x0  }
0x7e: {  	s8 =	simm.s32 @!p1 $0x7;
	[sflag:s29] =	ssyncadd.s32 $0xFFFFFF80  }
0x7f: {  	[spmem:s4] =	stream.indirect.scatter.add.f32 [tilespmem:s28], [sflag:$0x7], $0x1, s21, s26, $0xb8;
	[tilespmem:$0x5A80] =	vst v63  }
0x80: {  	_ =	swait.ge @!p1 [sflag:s8], $0x80  }
0x81: {  	s3 =	sadd.s32 @!p1 $0x60, s3;
	[sflag:s8] =	ssyncset.done @!p1 $0x0  }
0x82: {  	s9 =	simm.s32 $0x40;
	[sflag:s8] =	ssyncadd.s32 @!p1 $0xFFFFFF80;
	s8 =	simm.s32 @!p1 $0x380  }
0x83: {  	[tilespmem:s8], [sflag:$0x3] =	stream.linear.gather @!p1 [hbm4b:s3+s0], $0x80, $0x38;
	[tilespmem:$0x5A80] =	vst v63  }
0x84: {  	p2 =	por $0x0, $0x0;
	s0 =	simm.s32 $0x80;
	_ =	swait.ge [sflag:s30], $0x80  }
.LBB2_2:
0x85: {  	[sflag:s30] =	ssyncset.done $0x0  }
0x86: {  	s8 =	simm.s32 @!p2 $0x8;
	[sflag:s30] =	ssyncadd.s32 $0xFFFFFF80  }
0x87: {  	[spmem:s4] =	stream.indirect.scatter.add.f32 [tilespmem:s28], [sflag:$0x8], $0x1, s24, s26, $0xb8;
	[tilespmem:$0x5A80] =	vst v63  }
0x88: {  	_ =	swait.ge @!p2 [sflag:s8], $0x80  }
0x89: {  	s13 =	sadd.s32 s9, s18;
	[sflag:s8] =	ssyncset.done @!p2 $0x0  }
0x8a: {  	s13 =	sadd.s32 $0x30, s13;
	[sflag:s8] =	ssyncadd.s32 @!p2 $0xFFFFFF80  }
0x8b: {  	[tilespmem:s24], [sflag:$0x4] =	stream.linear.gather [hbm4b:s13+s5], $0x80, $0x38;
	[tilespmem:$0x5A80] =	vst v63  }
0x8c: {  	_ =	swait.ge [sflag:s25], $0x80  }
0x8d: {  	p2 =	seq.s32 s9, $0x980;
	[sflag:s25] =	ssyncset.done $0x0  }
0x8e: {  	s8 =	simm.s32 @p2 $0x2;
	[sflag:s25] =	ssyncadd.s32 $0xFFFFFF80  }
0x8f: {  	[spmem:s4] =	stream.indirect.scatter.add.f32 [tilespmem:s28], [sflag:$0x5], $0x1, s19, s26, $0xb8;
	[tilespmem:$0x5A80] =	vst v63  }
0x90: {  	s13 =	sadd.s32 @!p2 s9, s18;
	_ =	swait.ge @p2 [sflag:s8], $0x80  }
0x91: {  	s16 =	simm.s32 @p2 $0x500;
	s31 =	simm.s32 @p2 $0x80;
	[sflag:s8] =	ssyncset.done @p2 $0x0  }
0x92: {  	s23 =	simm.s32 @p2 $0x300;
	s17 =	simm.s32 @!p2 $0x5;
	[sflag:s8] =	ssyncadd.s32 @p2 $0xFFFFFF80  }
0x93: {  	[spmem:s4] =	stream.indirect.scatter.add.f32 @p2 [tilespmem:s16], [sflag:$0x6], $0x1, s23, s31, $0xb8;
	[tilespmem:$0x5A80] =	vst v63  }
0x94: {  	p3 =	sne.s32 @!p2 s7, $0x0;
	s20 =	sadd.s32 @!p2 $0x40, s13;
	_ =	swait.ge @!p2 [sflag:s17], $0x80  }
0x95: {  	s8 =	sadd.s32 @!p2 $0x60, s13;
	s13 =	simm.s32 @!p2 $0x280;
	[sflag:s17] =	ssyncset.done @!p2 $0x0  }
0x96: {  	s16 =	simm.s32 @!p2 $0x0;
	[sflag:s17] =	ssyncadd.s32 @!p2 $0xFFFFFF80;
	s17 =	simm.s32 @!p2 $0x2  }
0x97: {  	[tilespmem:s13], [sflag:$0x1] =	stream.linear.gather @!p2 [hbm4b:s20+s16], $0x80, $0x38;
	[tilespmem:$0x5A80] =	vst v63  }
0x98: {  	p4 =	por !p3, p2;
	_ =	swait.ge @!p2 [sflag:s17], $0x80  }
0x99: {  	s23 =	simm.s32 @!p2 $0x300;
	s13 =	simm.s32 @!p2 $0x500;
	[sflag:s17] =	ssyncset.done @!p2 $0x0  }
0x9a: {  	s20 =	simm.s32 @!p2 $0x80;
	[sflag:s17] =	ssyncadd.s32 @!p2 $0xFFFFFF80;
	s17 =	simm.s32 @!p2 $0x6  }
0x9b: {  	[spmem:s4] =	stream.indirect.scatter.add.f32 @!p2 [tilespmem:s13], [sflag:$0x6], $0x1, s23, s20, $0xb8;
	[tilespmem:$0x5A80] =	vst v63  }
0x9c: {  	p3 =	por p3, p2;
	s20 =	simm.s32 @!p4 $0x0;
	_ =	swait.ge @!p2 [sflag:s17], $0x80  }
0x9d: {  	s23 =	simm.s32 @!p4 $0x300;
	[sflag:s17] =	ssyncset.done @!p2 $0x0;
	s13 =	rddreg [dreg:$0x5]  }
0x9e: {  	[sflag:s17] =	ssyncadd.s32 @!p2 $0xFFFFFF80;
	s17 =	rddreg [dreg:$0x6];
	s13 =	sadd.s32 @!p4 s9, s13  }
0x9f: {  	[tilespmem:s23], [sflag:$0x2] =	stream.linear.gather @!p4 [hbm4b:s13+s20], $0x80, $0x38;
	[tilespmem:$0x5A80] =	vst v63  }
0xa0: {  	s9 =	sadd.s32 @!p3 s9, s17;
	s13 =	simm.s32 @!p3 $0x0;
	s17 =	simm.s32 @!p3 $0x300  }
0xa1: {  	[tilespmem:s17], [sflag:$0x2] =	stream.linear.gather @!p3 [hbm4b:s9+s13], $0x80, $0x38;
	[tilespmem:$0x5A80] =	vst v63  }
0xa2: {  	s3 =	smov.u32 s0;
	s0 =	sadd.s32 $0x40, s0;
	_ =	swait.ge [sflag:s29], $0x80  }
0xa3: {  	p1 =	sne.s32 s0, $0x9C0;
	[sflag:s29] =	ssyncset.done $0x0  }
0xa4: {  	s9 =	smov.u32 s3;
	s3 =	simm.s32 @!p2 $0x7;
	[sflag:s29] =	ssyncadd.s32 $0xFFFFFF80  }
0xa5: {  	[spmem:s4] =	stream.indirect.scatter.add.f32 [tilespmem:s28], [sflag:$0x7], $0x1, s21, s26, $0xb8;
	[tilespmem:$0x5A80] =	vst v63  }
.Ltmp2:
0xa6: {  	_ =	swait.ge @!p2 [sflag:s3], $0x80;
	(pc) =	sbr.rel @p1 .LBB2_2-.Ltmp2, $4  }
0xa7: {  	[sflag:s3] =	ssyncset.done @!p2 $0x0  }
0xa8: {  	[sflag:s3] =	ssyncadd.s32 @!p2 $0xFFFFFF80;
	s3 =	simm.s32 @!p2 $0x380  }
0xa9: {  	[tilespmem:s3], [sflag:$0x3] =	stream.linear.gather @!p2 [hbm4b:s8+s16], $0x80, $0x38;
	[tilespmem:$0x5A80] =	vst v63  }
0xaa: {  	p2 =	seq.s32 s9, $0x0;
	_ =	swait.ge [sflag:s30], $0x80  }
0xab: {  	[sflag:s30] =	ssyncset.done $0x0  }
0xac: {  	s0 =	simm.s32 @!p2 $0x8;
	[sflag:s30] =	ssyncadd.s32 $0xFFFFFF80  }
0xad: {  	[spmem:s4] =	stream.indirect.scatter.add.f32 [tilespmem:s28], [sflag:$0x8], $0x1, s24, s26, $0xb8;
	[tilespmem:$0x5A80] =	vst v63  }
0xae: {  	_ =	swait.ge @!p2 [sflag:s0], $0x80  }
0xaf: {  	s3 =	sadd.s32 s9, s18;
	[sflag:s0] =	ssyncset.done @!p2 $0x0  }
0xb0: {  	s3 =	sadd.s32 $0x30, s3;
	[sflag:s0] =	ssyncadd.s32 @!p2 $0xFFFFFF80  }
0xb1: {  	[tilespmem:s24], [sflag:$0x4] =	stream.linear.gather [hbm4b:s3+s5], $0x80, $0x38;
	[tilespmem:$0x5A80] =	vst v63  }
0xb2: {  	_ =	swait.ge [sflag:s25], $0x80  }
0xb3: {  	p1 =	seq.s32 s9, $0x980;
	[sflag:s25] =	ssyncset.done $0x0  }
0xb4: {  	s0 =	simm.s32 @p1 $0x2;
	[sflag:s25] =	ssyncadd.s32 $0xFFFFFF80  }
0xb5: {  	[spmem:s4] =	stream.indirect.scatter.add.f32 [tilespmem:s28], [sflag:$0x5], $0x1, s19, s26, $0xb8;
	[tilespmem:$0x5A80] =	vst v63  }
0xb6: {  	_ =	swait.ge @p1 [sflag:s0], $0x80  }
0xb7: {  	s8 =	simm.s32 @p1 $0x80;
	s13 =	simm.s32 @p1 $0x300;
	[sflag:s0] =	ssyncset.done @p1 $0x0  }
0xb8: {  	s3 =	simm.s32 @p1 $0x500;
	[sflag:s0] =	ssyncadd.s32 @p1 $0xFFFFFF80;
	s0 =	simm.s32 @!p1 $0x5  }
0xb9: {  	[spmem:s4] =	stream.indirect.scatter.add.f32 @p1 [tilespmem:s3], [sflag:$0x6], $0x1, s13, s8, $0xb8;
	[tilespmem:$0x5A80] =	vst v63  }
0xba: {  	s16 =	simm.s32 @!p1 $0x2;
	_ =	swait.ge @!p1 [sflag:s0], $0x80  }
0xbb: {  	s3 =	sadd.s32 @!p1 s9, s18;
	s13 =	simm.s32 @!p1 $0x280;
	[sflag:s0] =	ssyncset.done @!p1 $0x0  }
0xbc: {  	s8 =	sadd.s32 @!p1 $0x40, s3;
	[sflag:s0] =	ssyncadd.s32 @!p1 $0xFFFFFF80;
	s0 =	simm.s32 @!p1 $0x0  }
0xbd: {  	[tilespmem:s13], [sflag:$0x1] =	stream.linear.gather @!p1 [hbm4b:s8+s0], $0x80, $0x38;
	[tilespmem:$0x5A80] =	vst v63  }
0xbe: {  	_ =	swait.ge @!p1 [sflag:s16], $0x80  }
0xbf: {  	s17 =	simm.s32 @!p1 $0x300;
	s8 =	simm.s32 @!p1 $0x500;
	[sflag:s16] =	ssyncset.done @!p1 $0x0  }
0xc0: {  	s13 =	simm.s32 @!p1 $0x80;
	[sflag:s16] =	ssyncadd.s32 @!p1 $0xFFFFFF80;
	s16 =	simm.s32 @!p1 $0x6  }
0xc1: {  	[spmem:s4] =	stream.indirect.scatter.add.f32 @!p1 [tilespmem:s8], [sflag:$0x6], $0x1, s17, s13, $0xb8;
	[tilespmem:$0x5A80] =	vst v63  }
0xc2: {  	p2 =	sne.s32 @!p1 s7, $0x0;
	_ =	swait.ge @!p1 [sflag:s16], $0x80  }
0xc3: {  	p3 =	por !p2, p1;
	p2 =	por p2, p1;
	s8 =	rddreg [dreg:$0x5]  }
0xc4: {  	s17 =	simm.s32 @!p3 $0x300;
	[sflag:s16] =	ssyncset.done @!p1 $0x0;
	s13 =	rddreg [dreg:$0x6]  }
0xc5: {  	[sflag:s16] =	ssyncadd.s32 @!p1 $0xFFFFFF80;
	s8 =	sadd.s32 @!p3 s9, s8;
	s16 =	simm.s32 @!p3 $0x0  }
0xc6: {  	[tilespmem:s17], [sflag:$0x2] =	stream.linear.gather @!p3 [hbm4b:s8+s16], $0x80, $0x38;
	[tilespmem:$0x5A80] =	vst v63  }
0xc7: {  	s8 =	sadd.s32 @!p2 s9, s13;
	s9 =	simm.s32 @!p2 $0x0;
	s13 =	simm.s32 @!p2 $0x300  }
0xc8: {  	[tilespmem:s13], [sflag:$0x2] =	stream.linear.gather @!p2 [hbm4b:s8+s9], $0x80, $0x38;
	[tilespmem:$0x5A80] =	vst v63  }
0xc9: {  	_ =	swait.ge [sflag:s29], $0x80  }
0xca: {  	[sflag:s29] =	ssyncset.done $0x0  }
0xcb: {  	s8 =	simm.s32 @!p1 $0x7;
	[sflag:s29] =	ssyncadd.s32 $0xFFFFFF80  }
0xcc: {  	[spmem:s4] =	stream.indirect.scatter.add.f32 [tilespmem:s28], [sflag:$0x7], $0x1, s21, s26, $0xb8;
	[tilespmem:$0x5A80] =	vst v63  }
0xcd: {  	_ =	swait.ge @!p1 [sflag:s8], $0x80  }
0xce: {  	[sflag:s8] =	ssyncset.done @!p1 $0x0  }
0xcf: {  	s3 =	sadd.s32 @!p1 $0x60, s3;
	[sflag:s8] =	ssyncadd.s32 @!p1 $0xFFFFFF80;
	s8 =	simm.s32 @!p1 $0x380  }
0xd0: {  	[tilespmem:s8], [sflag:$0x3] =	stream.linear.gather @!p1 [hbm4b:s3+s0], $0x80, $0x38;
	[tilespmem:$0x5A80] =	vst v63  }
0xd1: {  	_ =	swait.ge [sflag:s30], $0x80  }
0xd2: {  	[sflag:s30] =	ssyncset.done $0x0  }
0xd3: {  	s23 =	simm.s32 $0x5;
	[sflag:s30] =	ssyncadd.s32 $0xFFFFFF80  }
0xd4: {  	[spmem:s4] =	stream.indirect.scatter.add.f32 [tilespmem:s28], [sflag:$0x8], $0x1, s24, s26, $0xb8;
	[tilespmem:$0x5A80] =	vst v63  }
0xd5: {  	_ =	swait.ge [sflag:s23], $0x80  }
0xd6: {  	[sflag:s23] =	ssyncset.done $0x0  }
0xd7: {  	s31 =	simm.s32 $0x6;
	[sflag:s23] =	ssyncadd.s32 $0xFFFFFF80  }
0xd8: {  	_ =	swait.ge [sflag:s31], $0x80  }
0xd9: {  	[sflag:s31] =	ssyncset.done $0x0  }
0xda: {  	s3 =	simm.s32 $0x7;
	[sflag:s31] =	ssyncadd.s32 $0xFFFFFF80  }
0xdb: {  	_ =	swait.ge [sflag:s3], $0x80  }
0xdc: {  	[sflag:s3] =	ssyncset.done $0x0  }
0xdd: {  	s8 =	simm.s32 $0x8;
	[sflag:s3] =	ssyncadd.s32 $0xFFFFFF80  }
0xde: {  	_ =	swait.ge [sflag:s8], $0x80  }
0xdf: {  	s16 =	simm.s32 $0x480;
	[sflag:s8] =	ssyncset.done $0x0  }
0xe0: {  	s9 =	simm.s32 $0x0;
	s13 =	rddreg [dreg:$0xe];
	[sflag:s8] =	ssyncadd.s32 $0xFFFFFF80  }
0xe1: {  	[tilespmem:s16], [sflag:$0x1] =	stream.linear.gather [hbm4b:s13+s9], $0x20, $0x38;
	[tilespmem:$0x5A80] =	vst v63  }
0xe2: {  	_ =	swait.ge [sflag:s25], $0x20  }
0xe3: {  	[sflag:s25] =	ssyncset.done $0x0  }
0xe4: {  	s20 =	simm.s32 $0xD;
	s17 =	simm.s32 $0x20;
	[sflag:s25] =	ssyncadd.s32 $0xFFFFFFE0  }
0xe5: {  	[spmem:s4] =	stream.indirect.scatter.add.f32 [tilespmem:s28], [sflag:$0xD], $0x1, s16, s17, $0xb8;
	[tilespmem:$0x5A80] =	vst v63  }
0xe6: {  	_ =	swait.ge [sflag:s20], $0x20  }
0xe7: {  	[sflag:s20] =	ssyncset.done $0x0  }
0xe8: {  	[sflag:s20] =	ssyncadd.s32 $0xFFFFFFE0  }
0xe9: {  	[bflag:$0x0] =	sbarrier.arrive $0xFFFF  }
0xea: {  	s31 =	simm.s32 $0x580;
	s23 =	rddreg [dreg:$0x7]  }
0xeb: {  	[tilespmem:s31], [sflag:$0xD] =	stream.linear.gather [spmem:s23], $0x280, $0x38;
	[tilespmem:$0x5A80] =	vst v63  }
0xec: {  	_ =	swait.ge [sflag:s20], $0x280  }
0xed: {  	[sflag:s20] =	ssyncset.done $0x0  }
0xee: {  	s3 =	simm.s32 $0x0;
	[sflag:s20] =	ssyncadd.s32 $0xFFFFFD80  }
0xef: {  	v2 =	vld [tilespmem:s3+$0x580];
	_ =	sdelay $0x4  }
0xf0: {  	s0 =	simm.s32 $0x10;
	v2 =	vmax.f32 v2, $1.000000000e+00  }
0xf1: {  	v3 =	vld [tilespmem:s0+$0x580];
	v4 =	vshra.s32 v2, $0x1;
	v8 =	vmul.f32 $5.000000000e-01, v2  }
0xf2: {  	v4 =	vsub.s32 $0x5F3759DF, v4  }
0xf3: {  	v2 =	vmul.f32 v4, v8;
	_ =	sdelay $0x1  }
0xf4: {  	s9 =	simm.s32 $0x20;
	v5 =	vmul.f32 v4, v2  }
0xf5: {  	v2 =	vmax.f32 v3, $1.000000000e+00;
	v3 =	vld [tilespmem:s9+$0x580]  }
0xf6: {  	v6 =	vshra.s32 v2, $0x1;
	v2 =	vmul.f32 $5.000000000e-01, v2;
	v5 =	vsub.f32 $1.500000000e+00, v5  }
0xf7: {  	v6 =	vsub.s32 $0x5F3759DF, v6  }
0xf8: {  	v7 =	vmul.f32 v6, v2;
	v5 =	vmul.f32 v4, v5;
	_ =	sdelay $0x1  }
0xf9: {  	s13 =	simm.s32 $0x30;
	v3 =	vmax.f32 v3, $1.000000000e+00;
	v7 =	vmul.f32 v6, v7;
	v9 =	vmul.f32 v5, v8  }
0xfa: {  	v10 =	vld [tilespmem:s13+$0x580];
	v11 =	vshra.s32 v3, $0x1;
	v4 =	vmul.f32 $5.000000000e-01, v3  }
0xfb: {  	v3 =	vsub.f32 $1.500000000e+00, v7;
	v7 =	vmul.f32 v9, v5;
	v9 =	vsub.s32 $0x5F3759DF, v11  }
0xfc: {  	v11 =	vmul.f32 v9, v4  }
0xfd: {  	v6 =	vmul.f32 v6, v3;
	v3 =	vsub.f32 $1.500000000e+00, v7  }
0xfe: {  	v7 =	vmul.f32 v9, v11  }
0xff: {  	s8 =	simm.s32 $0x40;
	v10 =	vmax.f32 v10, $1.000000000e+00;
	v11 =	vmul.f32 v6, v2;
	v3 =	vmul.f32 v3, v5  }
0x100: {  	v12 =	vshra.s32 v10, $0x1;
	v5 =	vmul.f32 $5.000000000e-01, v10;
	v10 =	vld [tilespmem:s8+$0x580];
	v13 =	vsub.f32 $1.500000000e+00, v7  }
0x101: {  	v11 =	vmul.f32 v11, v6;
	v7 =	vsub.s32 $0x5F3759DF, v12;
	v14 =	vmul.f32 v3, v8  }
0x102: {  	v12 =	vmul.f32 v7, v5  }
0x103: {  	s16 =	simm.s32 $0x140;
	v8 =	vmul.f32 v9, v13;
	v11 =	vsub.f32 $1.500000000e+00, v11;
	v9 =	vmul.f32 v14, v3  }
.LBB2_4:
0x104: {  	s17 =	smov.u32 s13  }
0x105: {  	v13 =	vmax.f32 v10, $1.000000000e+00;
	v12 =	vmul.f32 v7, v12;
	v14 =	vmul.f32 v8, v4;
	s13 =	smov.u32 s8;
	s8 =	sshra.s32 s16, $0x2;
	p1 =	sne.s32 s16, $0x9C0  }
.Ltmp3:
0x106: {  	v10 =	vld [tilespmem:s8+$0x580];
	v15 =	vshra.s32 v13, $0x1;
	v11 =	vmul.f32 v11, v6;
	v9 =	vsub.f32 $1.500000000e+00, v9;
	v6 =	vmovc v8;
	(pc) =	sbr.rel @p1 .LBB2_4-.Ltmp3, $4  }
0x107: {  	s16 =	sadd.s32 $0x40, s16;
	v13 =	vmul.f32 $5.000000000e-01, v13;
	v8 =	vsub.f32 $1.500000000e+00, v12;
	v14 =	vmul.f32 v14, v6  }
0x108: {  	v15 =	vsub.s32 $0x5F3759DF, v15;
	v16 =	vmul.f32 v11, v2;
	v17 =	vmul.f32 v9, v3;
	v3 =	vmovc v11;
	v2 =	vmovc v4  }
0x109: {  	v12 =	vmul.f32 v15, v13;
	v4 =	vmovc v5;
	v5 =	vmovc v13;
	v8 =	vmul.f32 v7, v8;
	v7 =	vmov v15  }
0x10a: {  	v11 =	vsub.f32 $1.500000000e+00, v14;
	v9 =	vmul.f32 v16, v3;
	[tilespmem:s3+$0x800] =	vst v17;
	s3 =	smov.u32 s0;
	s0 =	smov.u32 s9;
	s9 =	smov.u32 s17  }
0x10b: {  	v10 =	vmax.f32 v10, $1.000000000e+00  }
0x10c: {  	v13 =	vshra.s32 v10, $0x1;
	v10 =	vmul.f32 $5.000000000e-01, v10  }
0x10d: {  	v13 =	vsub.s32 $0x5F3759DF, v13  }
0x10e: {  	v14 =	vmul.f32 v13, v10  }
0x10f: {  	v12 =	vmul.f32 v7, v12  }
0x110: {  	v14 =	vmul.f32 v13, v14  }
0x111: {  	v12 =	vsub.f32 $1.500000000e+00, v12  }
0x112: {  	v14 =	vsub.f32 $1.500000000e+00, v14  }
0x113: {  	v53 =	vmul.f32 v7, v12  }
0x114: {  	v54 =	vmul.f32 v8, v4;
	v13 =	vmul.f32 v13, v14  }
0x115: {  	v55 =	vmul.f32 v53, v5  }
0x116: {  	v12 =	vmul.f32 v54, v8;
	v15 =	vmul.f32 v13, v10  }
0x117: {  	v14 =	vmul.f32 v55, v53  }
0x118: {  	v12 =	vsub.f32 $1.500000000e+00, v12;
	v15 =	vmul.f32 v15, v13  }
0x119: {  	v6 =	vmul.f32 v11, v6;
	v56 =	vsub.f32 $1.500000000e+00, v14  }
0x11a: {  	v57 =	vmul.f32 v12, v8;
	v58 =	vsub.f32 $1.500000000e+00, v15  }
0x11b: {  	v2 =	vmul.f32 v6, v2;
	v7 =	vmul.f32 v56, v53  }
0x11c: {  	v59 =	vmul.f32 v57, v4;
	v60 =	vmul.f32 v58, v13  }
0x11d: {  	v2 =	vmul.f32 v2, v6;
	v61 =	vmul.f32 v7, v5  }
0x11e: {  	v9 =	vsub.f32 $1.500000000e+00, v9;
	v4 =	vmul.f32 v59, v57;
	v10 =	vmul.f32 v60, v10  }
0x11f: {  	v2 =	vsub.f32 $1.500000000e+00, v2;
	v5 =	vmul.f32 v61, v7  }
0x120: {  	v3 =	vmul.f32 v9, v3;
	v4 =	vsub.f32 $1.500000000e+00, v4;
	v62 =	vmul.f32 v10, v60  }
0x121: {  	v2 =	vmul.f32 v2, v6;
	v5 =	vsub.f32 $1.500000000e+00, v5  }
.Ltmp4:
0x122: {  	[tilespmem:s3+$0x800] =	vst v3;
	v3 =	vmul.f32 v4, v57;
	v63 =	vsub.f32 $1.500000000e+00, v62;
	(pc) =	sbr.rel @!p0 .LBB2_6-.Ltmp4, $4  }
0x123: {  	[tilespmem:s0+$0x800] =	vst v2;
	v2 =	vmul.f32 v5, v7  }
0x124: {  	[tilespmem:s9+$0x800] =	vst v3;
	v3 =	vmul.f32 v63, v60  }
0x125: {  	[tilespmem:s13+$0x800] =	vst v2  }
0x126: {  	[tilespmem:s8+$0x800] =	vst v3  }
.Ltmp5:
0x127: {  	(pc) =	sbr.rel .LBB2_8-.Ltmp5, $3  }
0x128: {  	_ =	sdelay $0x1  }
0x129: {  	s9 =	simm.s32 $0x0;
	s0 =	rddreg [dreg:$0x9];
	s13 =	simm.s32 $0x0  }
0x12a: {  	[tilespmem:s11], [sflag:$0x9] =	stream.linear.gather [hbm4b:s0+s9], $0x2800, $0x38;
	[tilespmem:$0x5A80] =	vst v63  }
.LBB2_14:
0x12b: {  	s13 =	sadd.s32 $0x1, s13  }
0x12c: {  	p1 =	sne.s32 s13, s12  }
.Ltmp6:
0x12d: {  	_ = 	snop;
	(pc) =	sbr.rel @!p1 .LBB2_15-.Ltmp6, $2  }
0x12e: {  	_ =	sdelay $0x2  }
0x12f: {  	s9 =	sadd.s32 $0xA0, s9  }
.LBB2_8:
0x130: {  	s31 =	sshllo.u32 s13, $0x1  }
0x131: {  	p1 =	sge.u32 s31, s10  }
0x132: {  	p2 =	seq.s32 @!p1 s13, $0x0  }
0x133: {  	s0 =	smul.u32 @!p1 $0x50, s31;
	p2 =	por p2, p1  }
0x134: {  	s16 =	sadd.s32 $0x0, s9;
	s3 =	simm.s32 @!p2 $0xC  }
0x135: {  	v2 =	vmov s16;
	s0 =	sadd.s32 @!p1 s6, s0;
	_ =	swait.ge @!p2 [sflag:s3], $0x2800  }
0x136: {  	s8 =	simm.s32 @!p1 $0x3280;
	v2 =	vand.u32 $0xFFFFFFFE, v2;
	s0 =	sshll.u32 @!p1 s0, $0x4;
	[sflag:s3] =	ssyncset.done @!p2 $0x0  }
0x137: {  	v3 =	vbroadcast v2, $0x0;
	s0 =	sadd.s32 @!p1 s1, s0;
	[sflag:s3] =	ssyncadd.s32 @!p2 $0xFFFFD800;
	s3 =	simm.s32 @!p1 $0x0  }
0x138: {  	[tilespmem:s8], [sflag:$0xA] =	stream.linear.gather @!p1 [hbm4b:s0+s3], $0x2800, $0x38;
	[tilespmem:$0x5A80] =	vst v63  }
0x139: {  	_ =	swait.ge [sflag:s22], $0x2800  }
0x13a: {  	[sflag:s22] =	ssyncset.done $0x0  }
0x13b: {  	s0 =	simm.s32 $0xB00;
	[sflag:s22] =	ssyncadd.s32 $0xFFFFD800  }
0x13c: {  	v6 =	vld [tilespmem:s0+$0xFFFFFFF0]  }
0x13d: {  	v7 =	vld.idx.msk [tilespmem:v3+s14+$0x0], $0xffff  }
0x13e: {  	v8 =	vld [tilespmem:s0+$0xFFFFFF80]  }
0x13f: {  	v9 =	vld [tilespmem:s0+$0xFFFFFFA0]  }
0x140: {  	v5 =	vld [tilespmem:s0+$0xFFFFFFB0]  }
0x141: {  	v4 =	vld [tilespmem:s0+$0xFFFFFFD0]  }
0x142: {  	v11 =	vld [tilespmem:s0+$0xFFFFFF90];
	v6 =	vmul.f32 v6, v7  }
0x143: {  	v10 =	vld [tilespmem:s0+$0xFFFFFFE0];
	v8 =	vmul.f32 v8, v7  }
0x144: {  	v12 =	vld [tilespmem:s0+$0xFFFFFFC0];
	v9 =	vmul.f32 v9, v7;
	[tilespmem:s0+$0xFFFFFFF0] =	vst v6  }
0x145: {  	v5 =	vmul.f32 v5, v7;
	[tilespmem:s0+$0xFFFFFF80] =	vst v8  }
0x146: {  	s20 =	sadd.s32 $0x1, s16;
	v4 =	vmul.f32 v4, v7;
	[tilespmem:s0+$0xFFFFFFA0] =	vst v9  }
0x147: {  	v6 =	vmul.f32 v11, v7;
	[tilespmem:s0+$0xFFFFFFB0] =	vst v5;
	v8 =	vmov s20  }
0x148: {  	v2 =	vld [tilespmem:s0+$0x0];
	v5 =	vmul.f32 v10, v7;
	[tilespmem:s0+$0xFFFFFFD0] =	vst v4  }
0x149: {  	v3 =	vld [tilespmem:s0+$0x10];
	v4 =	vmul.f32 v12, v7;
	[tilespmem:s0+$0xFFFFFF90] =	vst v6  }
0x14a: {  	[tilespmem:s0+$0xFFFFFFE0] =	vst v5;
	v6 =	vld [tilespmem:s0+$0x30]  }
0x14b: {  	s16 =	simm.s32 $0xB00;
	[tilespmem:s0+$0xFFFFFFC0] =	vst v4;
	v5 =	vld [tilespmem:s0+$0x70]  }
0x14c: {  	s3 =	sshll.u32 s13, $0x1;
	s8 =	simm.s32 $0x2;
	s20 =	smul.u32 $0xA0, s13;
	v4 =	vld.idx.msk [tilespmem:v8+s14+$0x0], $0xffff  }
.LBB2_9:
0x14d: {  	p2 =	sne.s32 s8, $0x4E  }
0x14e: {  	v7 =	vld [tilespmem:s0+$0x20];
	s16 =	sadd.s32 $0x100, s16;
	s17 =	smov.u32 s8;
	s8 =	sadd.s32 $0x2, s8  }
0x14f: {  	v8 =	vld [tilespmem:s0+$0x40]  }
0x150: {  	v9 =	vld [tilespmem:s0+$0x50]  }
0x151: {  	v10 =	vld [tilespmem:s0+$0x60];
	_ =	sdelay $0x1  }
0x152: {  	v2 =	vmul.f32 v2, v4;
	v3 =	vmul.f32 v3, v4  }
0x153: {  	s17 =	sadd.s32 s17, s9;
	v6 =	vmul.f32 v6, v4;
	v7 =	vmul.f32 v7, v4  }
0x154: {  	v11 =	vmov s17;
	s17 =	sadd.s32 $0x1, s17;
	v8 =	vmul.f32 v8, v4;
	[tilespmem:s0+$0x0] =	vst v2;
	v9 =	vmul.f32 v9, v4  }
0x155: {  	v11 =	vand.u32 $0xFFFFFFFE, v11;
	v2 =	vld [tilespmem:s16+$0x0];
	[tilespmem:s0+$0x30] =	vst v6;
	v6 =	vmul.f32 v10, v4;
	v4 =	vmul.f32 v5, v4  }
0x156: {  	v5 =	vbroadcast v11, $0x0;
	[tilespmem:s0+$0x10] =	vst v3  }
0x157: {  	[tilespmem:s0+$0x70] =	vst v4  }
0x158: {  	v4 =	vld [tilespmem:s16+$0xFFFFFFD0];
	[tilespmem:s0+$0x20] =	vst v7  }
0x159: {  	v7 =	vld [tilespmem:s16+$0xFFFFFFB0];
	[tilespmem:s0+$0x60] =	vst v6  }
0x15a: {  	v6 =	vld [tilespmem:s16+$0xFFFFFFE0];
	[tilespmem:s0+$0x40] =	vst v8  }
0x15b: {  	v8 =	vld [tilespmem:s16+$0xFFFFFFF0];
	[tilespmem:s0+$0x50] =	vst v9;
	s0 =	smov.u32 s16  }
0x15c: {  	v5 =	vld.idx.msk [tilespmem:v5+s14+$0x0], $0xffff  }
0x15d: {  	v9 =	vld [tilespmem:s16+$0xFFFFFF80]  }
0x15e: {  	v10 =	vld [tilespmem:s16+$0xFFFFFFA0]  }
0x15f: {  	v11 =	vld [tilespmem:s16+$0xFFFFFF90]  }
0x160: {  	v12 =	vld [tilespmem:s16+$0xFFFFFFC0]  }
0x161: {  	v3 =	vld [tilespmem:s16+$0x10]  }
0x162: {  	v8 =	vmul.f32 v8, v5;
	v9 =	vmul.f32 v9, v5  }
0x163: {  	v6 =	vmul.f32 v6, v5;
	v10 =	vmul.f32 v10, v5  }
0x164: {  	v7 =	vmul.f32 v7, v5;
	v11 =	vmul.f32 v11, v5;
	[tilespmem:s16+$0xFFFFFFF0] =	vst v8  }
0x165: {  	v4 =	vmul.f32 v4, v5;
	[tilespmem:s16+$0xFFFFFF80] =	vst v9;
	v8 =	vmul.f32 v12, v5  }
0x166: {  	[tilespmem:s16+$0xFFFFFFA0] =	vst v10  }
0x167: {  	[tilespmem:s16+$0xFFFFFFB0] =	vst v7;
	v7 =	vmov s17  }
.Ltmp7:
0x168: {  	[tilespmem:s16+$0xFFFFFFD0] =	vst v4;
	(pc) =	sbr.rel @p2 .LBB2_9-.Ltmp7, $4  }
0x169: {  	[tilespmem:s16+$0xFFFFFF90] =	vst v11  }
0x16a: {  	[tilespmem:s16+$0xFFFFFFE0] =	vst v6;
	v6 =	vld [tilespmem:s16+$0x30]  }
0x16b: {  	[tilespmem:s16+$0xFFFFFFC0] =	vst v8;
	v5 =	vld [tilespmem:s16+$0x70]  }
0x16c: {  	v4 =	vld.idx.msk [tilespmem:v7+s14+$0x0], $0xffff  }
0x16d: {  	_ =	sdelay $0x1  }
0x16e: {  	v7 =	vld [tilespmem:s0+$0x20]  }
0x16f: {  	v10 =	vld [tilespmem:s0+$0x50]  }
0x170: {  	v2 =	vmul.f32 v2, v4  }
0x171: {  	v8 =	vld [tilespmem:s0+$0x60];
	v6 =	vmul.f32 v6, v4  }
0x172: {  	v9 =	vld [tilespmem:s0+$0x40];
	v3 =	vmul.f32 v3, v4;
	[tilespmem:s0+$0x0] =	vst v2  }
0x173: {  	v62 =	vmul.f32 v7, v4;
	[tilespmem:s0+$0x30] =	vst v6  }
0x174: {  	v63 =	vmul.f32 v10, v4;
	[tilespmem:s0+$0x10] =	vst v3  }
0x175: {  	v2 =	vmul.f32 v5, v4;
	[tilespmem:s0+$0x20] =	vst v62  }
.Ltmp8:
0x176: {  	v3 =	vmul.f32 v8, v4;
	[tilespmem:s0+$0x50] =	vst v63;
	(pc) =	sbr.rel @p1 .LBB2_14-.Ltmp8, $4  }
0x177: {  	s8 =	sadd.s32 s6, s20;
	[tilespmem:s0+$0x70] =	vst v2;
	v2 =	vmul.f32 v9, v4  }
0x178: {  	s8 =	sshll.u32 s8, $0x4;
	[tilespmem:s0+$0x60] =	vst v3  }
0x179: {  	s20 =	sadd.s32 s2, s8;
	[tilespmem:s0+$0x40] =	vst v2  }
0x17a: {  	[hbm4b:s20+s5] =	stream.linear.scatter [tilespmem:s11], [sflag:$0xB], $0x2800, $0x38;
	[tilespmem:$0x5A80] =	vst v63  }
0x17b: {  	s0 =	sadd.s32 $0x2, s3  }
0x17c: {  	p1 =	sge.u32 s0, s10  }
0x17d: {  	s20 =	sadd.s32 $0xFFFFFFB0, s9;
	s0 =	smul.u32 @!p1 $0x50, s0  }
0x17e: {  	s17 =	sadd.s32 $0xA0, s20;
	s3 =	simm.s32 @!p1 $0xB  }
0x17f: {  	v2 =	vmov s17;
	_ =	swait.ge @!p1 [sflag:s3], $0x2800;
	s0 =	sadd.s32 @!p1 s6, s0  }
0x180: {  	s8 =	simm.s32 @!p1 $0x0;
	v2 =	vand.u32 $0xFFFFFFFE, v2;
	[sflag:s3] =	ssyncset.done @!p1 $0x0;
	s0 =	sshll.u32 @!p1 s0, $0x4  }
0x181: {  	s16 =	simm.s32 @!p1 $0xA80;
	v3 =	vbroadcast v2, $0x0;
	[sflag:s3] =	ssyncadd.s32 @!p1 $0xFFFFD800;
	s0 =	sadd.s32 @!p1 s1, s0  }
0x182: {  	[tilespmem:s16], [sflag:$0x9] =	stream.linear.gather @!p1 [hbm4b:s0+s8], $0x2800, $0x38;
	[tilespmem:$0x5A80] =	vst v63  }
0x183: {  	_ =	swait.ge [sflag:s15], $0x2800  }
0x184: {  	[sflag:s15] =	ssyncset.done $0x0  }
0x185: {  	s0 =	simm.s32 $0x3300;
	[sflag:s15] =	ssyncadd.s32 $0xFFFFD800  }
0x186: {  	v6 =	vld [tilespmem:s0+$0xFFFFFFF0]  }
0x187: {  	v7 =	vld.idx.msk [tilespmem:v3+s14+$0x0], $0xffff  }
0x188: {  	v8 =	vld [tilespmem:s0+$0xFFFFFF80]  }
0x189: {  	v9 =	vld [tilespmem:s0+$0xFFFFFFA0]  }
0x18a: {  	v5 =	vld [tilespmem:s0+$0xFFFFFFB0]  }
0x18b: {  	v4 =	vld [tilespmem:s0+$0xFFFFFFD0]  }
0x18c: {  	v11 =	vld [tilespmem:s0+$0xFFFFFF90];
	v6 =	vmul.f32 v6, v7  }
0x18d: {  	v10 =	vld [tilespmem:s0+$0xFFFFFFE0];
	v8 =	vmul.f32 v8, v7  }
0x18e: {  	v12 =	vld [tilespmem:s0+$0xFFFFFFC0];
	v9 =	vmul.f32 v9, v7;
	[tilespmem:s0+$0xFFFFFFF0] =	vst v6  }
0x18f: {  	v5 =	vmul.f32 v5, v7;
	[tilespmem:s0+$0xFFFFFF80] =	vst v8  }
0x190: {  	s3 =	sadd.s32 $0xA1, s20;
	v4 =	vmul.f32 v4, v7;
	[tilespmem:s0+$0xFFFFFFA0] =	vst v9  }
0x191: {  	v6 =	vmul.f32 v11, v7;
	[tilespmem:s0+$0xFFFFFFB0] =	vst v5;
	v8 =	vmov s3  }
0x192: {  	v2 =	vld [tilespmem:s0+$0x0];
	v5 =	vmul.f32 v10, v7;
	[tilespmem:s0+$0xFFFFFFD0] =	vst v4  }
0x193: {  	v3 =	vld [tilespmem:s0+$0x10];
	v4 =	vmul.f32 v12, v7;
	[tilespmem:s0+$0xFFFFFF90] =	vst v6  }
0x194: {  	[tilespmem:s0+$0xFFFFFFE0] =	vst v5;
	v6 =	vld [tilespmem:s0+$0x30]  }
0x195: {  	[tilespmem:s0+$0xFFFFFFC0] =	vst v4;
	v5 =	vld [tilespmem:s0+$0x70]  }
0x196: {  	s20 =	simm.s32 $0xFFFFFFB2;
	s8 =	simm.s32 $0x3300;
	s3 =	smul.u32 $0x50, s31;
	v4 =	vld.idx.msk [tilespmem:v8+s14+$0x0], $0xffff  }
.LBB2_12:
0x197: {  	p1 =	sne.s32 s20, $0xFFFFFFFE  }
0x198: {  	v7 =	vld [tilespmem:s0+$0x20];
	s8 =	sadd.s32 $0x100, s8;
	s16 =	smov.u32 s20;
	s20 =	sadd.s32 $0x2, s20  }
0x199: {  	v8 =	vld [tilespmem:s0+$0x40]  }
0x19a: {  	v9 =	vld [tilespmem:s0+$0x50]  }
0x19b: {  	v10 =	vld [tilespmem:s0+$0x60];
	_ =	sdelay $0x1  }
0x19c: {  	s16 =	sadd.s32 s16, s9;
	v2 =	vmul.f32 v2, v4;
	v3 =	vmul.f32 v3, v4  }
0x19d: {  	s17 =	sadd.s32 $0xA0, s16;
	s16 =	sadd.s32 $0xA1, s16;
	v6 =	vmul.f32 v6, v4;
	v7 =	vmul.f32 v7, v4  }
0x19e: {  	v11 =	vmov s17;
	v8 =	vmul.f32 v8, v4;
	[tilespmem:s0+$0x0] =	vst v2;
	v9 =	vmul.f32 v9, v4  }
0x19f: {  	v11 =	vand.u32 $0xFFFFFFFE, v11;
	v2 =	vld [tilespmem:s8+$0x0];
	[tilespmem:s0+$0x30] =	vst v6;
	v6 =	vmul.f32 v10, v4;
	v4 =	vmul.f32 v5, v4  }
0x1a0: {  	v5 =	vbroadcast v11, $0x0;
	[tilespmem:s0+$0x10] =	vst v3  }
0x1a1: {  	[tilespmem:s0+$0x70] =	vst v4  }
0x1a2: {  	v4 =	vld [tilespmem:s8+$0xFFFFFFD0];
	[tilespmem:s0+$0x20] =	vst v7  }
0x1a3: {  	v7 =	vld [tilespmem:s8+$0xFFFFFFB0];
	[tilespmem:s0+$0x60] =	vst v6  }
0x1a4: {  	v6 =	vld [tilespmem:s8+$0xFFFFFFE0];
	[tilespmem:s0+$0x40] =	vst v8  }
0x1a5: {  	v8 =	vld [tilespmem:s8+$0xFFFFFFF0];
	[tilespmem:s0+$0x50] =	vst v9;
	s0 =	smov.u32 s8  }
0x1a6: {  	v5 =	vld.idx.msk [tilespmem:v5+s14+$0x0], $0xffff  }
0x1a7: {  	v9 =	vld [tilespmem:s8+$0xFFFFFF80]  }
0x1a8: {  	v10 =	vld [tilespmem:s8+$0xFFFFFFA0]  }
0x1a9: {  	v11 =	vld [tilespmem:s8+$0xFFFFFF90]  }
0x1aa: {  	v12 =	vld [tilespmem:s8+$0xFFFFFFC0]  }
0x1ab: {  	v3 =	vld [tilespmem:s8+$0x10]  }
0x1ac: {  	v8 =	vmul.f32 v8, v5;
	v9 =	vmul.f32 v9, v5  }
0x1ad: {  	v6 =	vmul.f32 v6, v5;
	v10 =	vmul.f32 v10, v5  }
0x1ae: {  	v7 =	vmul.f32 v7, v5;
	v11 =	vmul.f32 v11, v5;
	[tilespmem:s8+$0xFFFFFFF0] =	vst v8  }
0x1af: {  	v4 =	vmul.f32 v4, v5;
	[tilespmem:s8+$0xFFFFFF80] =	vst v9;
	v8 =	vmul.f32 v12, v5  }
0x1b0: {  	[tilespmem:s8+$0xFFFFFFA0] =	vst v10  }
0x1b1: {  	[tilespmem:s8+$0xFFFFFFB0] =	vst v7;
	v7 =	vmov s16  }
.Ltmp9:
0x1b2: {  	[tilespmem:s8+$0xFFFFFFD0] =	vst v4;
	(pc) =	sbr.rel @p1 .LBB2_12-.Ltmp9, $4  }
0x1b3: {  	[tilespmem:s8+$0xFFFFFF90] =	vst v11  }
0x1b4: {  	[tilespmem:s8+$0xFFFFFFE0] =	vst v6;
	v6 =	vld [tilespmem:s8+$0x30]  }
0x1b5: {  	[tilespmem:s8+$0xFFFFFFC0] =	vst v8;
	v5 =	vld [tilespmem:s8+$0x70]  }
0x1b6: {  	v4 =	vld.idx.msk [tilespmem:v7+s14+$0x0], $0xffff  }
0x1b7: {  	_ =	sdelay $0x1  }
0x1b8: {  	v7 =	vld [tilespmem:s0+$0x20]  }
0x1b9: {  	v10 =	vld [tilespmem:s0+$0x50]  }
0x1ba: {  	v2 =	vmul.f32 v2, v4  }
0x1bb: {  	v8 =	vld [tilespmem:s0+$0x60];
	v6 =	vmul.f32 v6, v4  }
0x1bc: {  	v9 =	vld [tilespmem:s0+$0x40];
	v3 =	vmul.f32 v3, v4;
	[tilespmem:s0+$0x0] =	vst v2  }
0x1bd: {  	v62 =	vmul.f32 v7, v4;
	[tilespmem:s0+$0x30] =	vst v6  }
0x1be: {  	v63 =	vmul.f32 v10, v4;
	[tilespmem:s0+$0x10] =	vst v3  }
0x1bf: {  	v2 =	vmul.f32 v5, v4;
	[tilespmem:s0+$0x20] =	vst v62  }
.Ltmp10:
0x1c0: {  	v3 =	vmul.f32 v8, v4;
	[tilespmem:s0+$0x50] =	vst v63;
	(pc) =	sbr.rel .LBB2_14-.Ltmp10, $4  }
0x1c1: {  	s3 =	sadd.s32 s6, s3;
	[tilespmem:s0+$0x70] =	vst v2;
	v2 =	vmul.f32 v9, v4  }
0x1c2: {  	s3 =	sshll.u32 s3, $0x4;
	[tilespmem:s0+$0x60] =	vst v3  }
0x1c3: {  	s31 =	simm.s32 $0x3280;
	s20 =	sadd.s32 s2, s3;
	[tilespmem:s0+$0x40] =	vst v2  }
0x1c4: {  	[hbm4b:s20+s5] =	stream.linear.scatter [tilespmem:s31], [sflag:$0xC], $0x2800, $0x38;
	[tilespmem:$0x5A80] =	vst v63  }
.LBB2_6:
.Ltmp11:
0x1c5: {  	s0 =	rddreg [dreg:$0x8];
	s31 =	simm.s32 $0xD;
	(pc) =	sbr.rel .LBB2_16-.Ltmp11, $4  }
0x1c6: {  	[hbm4b:s0+s5] =	stream.linear.scatter [tilespmem:s14], [sflag:$0xD], $0x280, $0x38;
	[tilespmem:$0x5A80] =	vst v63  }
0x1c7: {  	_ =	swait.ge [sflag:s31], $0x280  }
0x1c8: {  	[sflag:s31] =	ssyncset.done $0x0  }
0x1c9: {  	s3 =	rddreg [dreg:$0xf];
	[sflag:s31] =	ssyncadd.s32 $0xFFFFFD80  }
.LBB2_17:
0x1ca: {  	_ =	sfence.sel $0x180000  }
0x1cb: {  	[bflag:$0x0] =	sbarrier.arrive $0xFFFF  }
0x1cc: {  	_ =	strace $0x90000047  }
0x1cd: {  	s0 =	stileid.u32;
	[bflag:$0x2] =	sbarrier.arrive $0xFFFF  }
0x1ce: {  	p0 =	sne.s32 s0, $0x0;
	s0 =	rddreg [dreg:$0x4]  }
0x1cf: {  	s0 =	sadd.s32 @!p0 $0x100000, s0  }
0x1d0: {  	[sflag:s0] =	ssyncadd.tile.s32 @!p0 $0x1;
	_ =	shalt  }
.Lfunc_end2:
_tile_overlayer_lowered:
.L_overlay_start_2:
0x1d1: {  	(tag) =	ssettag $0x2  }
0x1d2: {  	s0 =	rddreg [dreg:$0x0];
	s2 =	stileid.u32  }
0x1d3: {  	s1 =	rddreg [dreg:$0x1];
	p0 =	sne.s32 s2, $0x0  }
0x1d4: {  	s3 =	rddreg [dreg:$0x2];
	[bflag:$0x3] =	sbarrier.arrive $0xFFFF;
	s2 =	simm.s32 @!p0 $0x1C0D  }
0x1d5: {  	[timem:s3], [sflag:s2] =	dma.local @!p0 [hbm:s0], s1  }
0x1d6: {  	s0 =	simm.s32 @!p0 $0xD  }
0x1d7: {  	_ =	swait.ge @!p0 [sflag:s0], s1  }
0x1d8: {  	s1 =	ssub.s32 @!p0 $0x0, s1;
	[sflag:s0] =	ssyncset.done @!p0 $0x0  }
0x1d9: {  	[sflag:s0] =	ssyncadd.s32 @!p0 s1  }
0x1da: {  	[bflag:$0x3] =	sbarrier.arrive $0xFFFF  }
0x1db: {  	_ =	shalt  }

// kernel: kernel.8.cloned.1.call-start
scs
__scs_entry_jumppad:
0x0: {  	(pc) =	sbr.rel $0x88, $3  }
0x1: {  	(tag) =	ssettag $0x0;
	lr =	simm.s32 $0x1  }
0x2: {  	[smem:$0x3F9D] =	sst lr;
	_ =	strace $0xD0000000  }
0x3: {  	_ = 	snop  }
0x4: {  	_ = 	snop  }
0x5: {  	_ = 	snop  }
0x6: {  	_ = 	snop  }
0x7: {  	_ = 	snop  }
__scs_overlays_trampoline_lowered:
0x8: {  	[smem:$0x3FAC] =	sst s0  }
0x9: {  	[smem:$0x3FAD] =	sst s1  }
0xa: {  	[smem:$0x3FAE] =	sst s2  }
0xb: {  	[smem:$0x3FAF] =	sst s3  }
0xc: {  	[smem:$0x3FB0] =	sst s4  }
0xd: {  	[smem:$0x3FB1] =	sst s5  }
0xe: {  	[smem:$0x3FB2] =	sst s6  }
0xf: {  	[smem:$0x3FB3] =	sst s7  }
0x10: {  	[smem:$0x3FB4] =	sst s8  }
0x11: {  	[smem:$0x3FB5] =	sst s9;
	s0 =	simm.s32 @!p0 $0x0  }
0x12: {  	s1 =	sld [smem:$0x3F9B];
	s0 =	simm.s32 @p0 $0x1  }
0x13: {  	[smem:$0x3FB6] =	sst s0;
	s0 =	simm.s32 @!p1 $0x0  }
0x14: {  	s2 =	sld [smem:$0x3F9A];
	s0 =	simm.s32 @p1 $0x1  }
0x15: {  	[smem:$0x3FB7] =	sst s0;
	s0 =	simm.s32 @!p2 $0x0  }
0x16: {  	s3 =	sld [smem:$0x3FDB];
	s0 =	simm.s32 @p2 $0x1  }
0x17: {  	s4 =	simm.s32 $0x1BF5;
	[smem:$0x3FB9] =	sst s0  }
0x18: {  	s0 =	sld [smem:$0x3F9C];
	_ =	swait.ge [sflag:s4], $0x0  }
0x19: {  	s7 =	sld [smem:$0x3F9D]  }
0x1a: {  	s8 =	sadd.s32 $0xFFFFE003, lr  }
0x1b: {  	s9 =	sadd.s32 $0xFFFFFEF7, lr;
	s5 =	simm.s32 $0xFFFFFFFF;
	p2 =	slt.u32 s8, $0xFFFFF086  }
0x1c: {  	p1 =	slt.u32 s9, $0xF7A;
	s5 =	simm.s32 @!p2 $0x0  }
0x1d: {  	s5 =	simm.s32 @p1 $0x1;
	p0 =	seq.s32 s7, s2  }
0x1e: {  	s7 =	smul.u32 @!p0 $0xF7A, s2;
	p2 =	seq.s32 @!p0 s5, $0x0  }
0x1f: {  	s9 =	smul.u32 $0xF7A, s1;
	s8 =	simm.s32 @!p0 $0x1BF5;
	p2 =	por !p2, p0  }
0x20: {  	[sflag:s8] =	ssyncset.s32 @!p0 $0xFFFFF086;
	s6 =	sadd.s32 @!p0 s3, s7;
	s7 =	simm.s32 @!p0 $0x108  }
0x21: {  	s3 =	sadd.s32 s3, s9;
	s6 =	sadd.s32 @!p0 $0x88, s6;
	s7 =	simm.s32 @p2 $0x1082  }
0x22: {  	[simem:s7], [sflag:s8] =	dma.local @!p0 [hbm:s6], $0xF7A  }
0x23: {  	s9 =	sor.u32 $0xD0000000, s2;
	s6 =	simm.s32 $0x108;
	_ =	swait.ge @!p0 [sflag:s8], $0x0  }
0x24: {  	s3 =	sadd.s32 $0x88, s3;
	s6 =	simm.s32 @!p1 $0x1082;
	[sflag:s4] =	ssyncset.s32 $0xFFFFF086  }
0x25: {  	[simem:s6], [sflag:s4] =	dma.local [hbm:s3], $0xF7A  }
0x26: {  	[smem:$0x3F9D] =	sst s1;
	(tag) =	ssettag s2;
	_ =	strace s9  }
0x27: {  	s1 =	sld [smem:$0x3FAD]  }
0x28: {  	s2 =	sld [smem:$0x3FAE]  }
0x29: {  	s4 =	sld [smem:$0x3FB0]  }
0x2a: {  	p0 =	seq.s32 s5, $0x0;
	s5 =	sld [smem:$0x3FB1]  }
0x2b: {  	s6 =	sld [smem:$0x3FB2]  }
0x2c: {  	s7 =	sld [smem:$0x3FB3]  }
0x2d: {  	s3 =	simm.s32 $0x108;
	s8 =	sld [smem:$0x3FB4]  }
0x2e: {  	s3 =	simm.s32 @!p0 $0x1082;
	s9 =	sld [smem:$0x3FB5]  }
0x2f: {  	lr =	sadd.s32 s0, s3;
	s0 =	sld [smem:$0x3FAC]  }
0x30: {  	s3 =	sld [smem:$0x3FAF]  }
0x31: {  	[smem:$0x3FB8] =	sst s10  }
0x32: {  	s10 =	sld [smem:$0x3FB6];
	_ =	sdelay $0x3  }
0x33: {  	p0 =	seq.s32 s10, $0x1;
	s10 =	sld [smem:$0x3FB8];
	_ =	sdelay $0x3  }
0x34: {  	[smem:$0x3FB8] =	sst s10  }
0x35: {  	s10 =	sld [smem:$0x3FB7];
	_ =	sdelay $0x3  }
0x36: {  	p1 =	seq.s32 s10, $0x1;
	s10 =	sld [smem:$0x3FB8];
	_ =	sdelay $0x3  }
0x37: {  	[smem:$0x3FB8] =	sst s10  }
0x38: {  	s10 =	sld [smem:$0x3FB9]  }
0x39: {  	_ = 	snop;
	(pc) =	sbr.ind lr, $3  }
0x3a: {  	_ = 	snop  }
0x3b: {  	_ = 	snop  }
0x3c: {  	p2 =	seq.s32 s10, $0x1;
	s10 =	sld [smem:$0x3FB8]  }
0x3d: {  	_ =	shalt  }
0x3e: {  	_ =	shalt  }
0x3f: {  	_ =	shalt  }
0x40: {  	_ =	shalt  }
0x41: {  	_ =	shalt  }
0x42: {  	_ =	shalt  }
0x43: {  	_ =	shalt  }
0x44: {  	_ =	shalt  }
0x45: {  	_ =	shalt  }
0x46: {  	_ =	shalt  }
0x47: {  	_ =	shalt  }
0x48: {  	_ =	shalt  }
0x49: {  	_ =	shalt  }
0x4a: {  	_ =	shalt  }
0x4b: {  	_ =	shalt  }
0x4c: {  	_ =	shalt  }
0x4d: {  	_ =	shalt  }
0x4e: {  	_ =	shalt  }
0x4f: {  	_ =	shalt  }
0x50: {  	_ =	shalt  }
0x51: {  	_ =	shalt  }
0x52: {  	_ =	shalt  }
0x53: {  	_ =	shalt  }
0x54: {  	_ =	shalt  }
0x55: {  	_ =	shalt  }
0x56: {  	_ =	shalt  }
0x57: {  	_ =	shalt  }
0x58: {  	_ =	shalt  }
0x59: {  	_ =	shalt  }
0x5a: {  	_ =	shalt  }
0x5b: {  	_ =	shalt  }
0x5c: {  	_ =	shalt  }
0x5d: {  	_ =	shalt  }
0x5e: {  	_ =	shalt  }
0x5f: {  	_ =	shalt  }
0x60: {  	_ =	shalt  }
0x61: {  	_ =	shalt  }
0x62: {  	_ =	shalt  }
0x63: {  	_ =	shalt  }
0x64: {  	_ =	shalt  }
0x65: {  	_ =	shalt  }
0x66: {  	_ =	shalt  }
0x67: {  	_ =	shalt  }
0x68: {  	_ =	shalt  }
0x69: {  	_ =	shalt  }
0x6a: {  	_ =	shalt  }
0x6b: {  	_ =	shalt  }
0x6c: {  	_ =	shalt  }
0x6d: {  	_ =	shalt  }
0x6e: {  	_ =	shalt  }
0x6f: {  	_ =	shalt  }
0x70: {  	_ =	shalt  }
0x71: {  	_ =	shalt  }
0x72: {  	_ =	shalt  }
0x73: {  	_ =	shalt  }
0x74: {  	_ =	shalt  }
0x75: {  	_ =	shalt  }
0x76: {  	_ =	shalt  }
0x77: {  	_ =	shalt  }
0x78: {  	_ =	shalt  }
0x79: {  	_ =	shalt  }
0x7a: {  	_ =	shalt  }
0x7b: {  	_ =	shalt  }
0x7c: {  	_ =	shalt  }
0x7d: {  	_ =	shalt  }
0x7e: {  	_ =	shalt  }
0x7f: {  	_ =	shalt  }
0x80: {  	_ =	shalt  }
0x81: {  	_ =	shalt  }
0x82: {  	_ =	shalt  }
0x83: {  	_ =	shalt  }
0x84: {  	_ =	shalt  }
0x85: {  	_ =	shalt  }
0x86: {  	_ =	shalt  }
0x87: {  	_ =	shalt  }
.Lfunc_end0:
.L_simem_size_0:
called_computation.1_lowered:
.L_overlay_start_0:
0x88: {  	s2 =	sld [smem:$0x3FD9]  }
0x89: {  	s3 =	sld [smem:$0x3FFE];
	_ =	sdelay $0x1  }
0x8a: {  	s1 =	srdreg.scid  }
0x8b: {  	s0 =	sand.u32 $0x1, s1  }
0x8c: {  	s17 =	sshll.u32 s0, $0xA;
	s2 =	sadd.s32 s3, s2  }
0x8d: {  	s2 =	sadd.s32 s2, s17  }
0x8e: {  	[smem:$0x3FC4] =	sst s2  }
0x8f: {  	_ = 	snop  }
0x90: {  	s2 =	sld [smem:$0x3FD0];
	(tm) =	ssettm $0x1  }
0x91: {  	s18 =	sld [smem:$0x3FFB];
	_ =	sdelay $0x3  }
0x92: {  	_ =	strace s18  }
0x93: {  	s3 =	sld [smem:$0x3FFC];
	_ =	sdelay $0x3  }
0x94: {  	_ =	strace s3  }
0x95: {  	s3 =	sld [smem:$0x3FFD];
	_ =	sdelay $0x3  }
0x96: {  	_ =	strace s3  }
0x97: {  	_ =	strace $0x8FFFFFFF  }
0x98: {  	s19 =	sld [smem:$0x3FDB];
	_ =	sdelay $0x1  }
0x99: {  	s4 =	simm.s32 $_scs_section_size  }
0x9a: {  	s5 =	simm.s32 $_size__tile_overlayer_lowered;
	s6 =	simm.s32 $_tile_overlayer_lowered  }
0x9b: {  	s22 =	simm.s32 $0x1BFF;
	s21 =	sshll.u32 s6, $0x1;
	s3 =	sadd.s32 s4, s19  }
0x9c: {  	s7 =	simm.s32 $0x0;
	s20 =	sshll.u32 s5, $0x1;
	s5 =	sadd.s32 s21, s3  }
0x9d: {  	[timem:s7], [sflag:s22] =	dma.local [hbm:s5], s20  }
0x9e: {  	_ =	swait.ge [sflag:s22], s20  }
0x9f: {  	s4 =	ssub.s32 $0x0, s20;
	[sflag:s22] =	ssyncset.done $0x0  }
0xa0: {  	[sflag:s22] =	ssyncadd.s32 s4;
	_ =	sdelay $0x1  }
0xa1: {  	s23 =	simm.s32 $0x1B8B  }
0xa2: {  	_ =	swait.ge [sflag:s23], $0x1  }
0xa3: {  	[sflag:s23] =	ssyncset.done $0x0  }
0xa4: {  	s25 =	simm.s32 $0x1B8E;
	s24 =	sld [smem:$0x3FFE];
	[sflag:s23] =	ssyncadd.s32 $0xFFFFFFFF  }
0xa5: {  	s26 =	simm.s32 $execute0_lowered;
	[smem:$0x3FD2] =	sst s25  }
0xa6: {  	s5 =	sshll.u32 s26, $0x1;
	_ =	strace $0x80000049;
	[dreg:$0x1] =	wrdreg $0xFFFFFFFF  }
0xa7: {  	s28 =	simm.s32 $_size_execute0_lowered;
	s3 =	sadd.s32 s3, s5;
	[dreg:$0x0] =	wrdreg $0x0  }
0xa8: {  	s5 =	sshll.u32 s28, $0x1;
	[dreg:$0x2] =	wrdreg s3  }
0xa9: {  	[dreg:$0x3] =	wrdreg s5  }
0xaa: {  	[dreg:$0x4] =	wrdreg $0xC0  }
0xab: {  	_ =	task [dreg:s7], $0x5FFFF  }
0xac: {  	[dreg:$0x1] =	wrdreg $0xFFFFFFFF  }
0xad: {  	[dreg:$0x0] =	wrdreg $0x60  }
0xae: {  	[dreg:$0x2] =	wrdreg s2  }
0xaf: {  	[dreg:$0x3] =	wrdreg s24  }
0xb0: {  	[dreg:$0x4] =	wrdreg $0x0  }
0xb1: {  	[dreg:$0x5] =	wrdreg $0x9  }
0xb2: {  	_ =	task.clear_ibuf [dreg:s7], $0x6FFFF;
	_ =	strace $0x90000049  }
0xb3: {  	s29 =	simm.s32 $0x9;
	_ =	strace $0x8000004B  }
0xb4: {  	_ =	swait.ge [sflag:s29], $0x1  }
0xb5: {  	[sflag:s29] =	ssyncadd.s32 $0xFFFFFFFF  }
0xb6: {  	_ =	strace $0x9000004B  }
0xb7: {  	_ =	sfence  }
0xb8: {  	s30 =	sld [smem:$0x0];
	_ =	sdelay $0x2  }
0xb9: {  	s31 =	sshll.u32 s1, $0xD;
	s1 =	sshrl.u32 s1, $0x2  }
0xba: {  	s3 =	sand.u32 $0x4000, s31;
	s1 =	sadd.s32 s1, s30  }
0xbb: {  	s0 =	sor.u32 s3, s0;
	s1 =	sshll.u32 s1, $0x11  }
0xbc: {  	s0 =	sor.u32 s1, s0  }
0xbd: {  	s0 =	sadd.s32 $0x8F2B, s0  }
0xbe: {  	[sflag:s0] =	ssyncadd.remote.s32 $0x1  }
0xbf: {  	_ =	sfence.sel $0xFFFF  }
0xc0: {  	[dreg:$0x0] =	wrdreg $0xFFFFFFFF;
	(pc) =	sbr.abs _section_cstart, $3  }
0xc1: {  	[dreg:$0x1] =	wrdreg $0xFFFFFFFF  }
0xc2: {  	_ =	task.clear_ibuf [dreg:s7], $0x2FFFF;
	_ =	strace $0x9FFFFFFF  }
0xc3: {  	(tm) =	ssettm $0x7FFFFFFF  }
tec
execute0_lowered:
.L_overlay_start_1:
0x0: {  	(tag) =	ssettag $0x1  }
0x1: {  	s3 =	srdreg.scid  }
0x2: {  	s3 =	sand.u32 $0x1, s3  }
0x3: {  	s2 =	rddreg [dreg:$0x0];
	s12 =	stileid.u32;
	s5 =	sshll.u32 s3, $0x4  }
0x4: {  	s0 =	rddreg [dreg:$0x1];
	s5 =	sor.u32 s12, s5  }
0x5: {  	s19 =	rddreg [dreg:$0x2];
	s4 =	simm.s32 $0x0;
	s31 =	smul.u32 $0x2710, s5  }
0x6: {  	[smem:$0x7FF] =	sst s4  }
0x7: {  	s6 =	sadd.s32 $0xAA00, s0;
	_ =	strace $0x8000004A;
	s14 =	sadd.s32 $0x280, s31  }
0x8: {  	s8 =	ssub.s32 $0x2, s3;
	s16 =	sadd.s32 $0x2D0, s31;
	[dreg:$0x4] =	wrdreg s14  }
0x9: {  	s21 =	sshrl.u32 s8, $0x1;
	s17 =	sadd.s32 $0x320, s31;
	[dreg:$0x5] =	wrdreg s16  }
0xa: {  	s5 =	ssub.s32 s8, s21;
	s18 =	sadd.s32 $0x370, s31;
	[dreg:$0x6] =	wrdreg s17  }
0xb: {  	s8 =	sshrl.u32 s31, $0x3;
	s20 =	sadd.s32 $0x3C0, s31;
	[dreg:$0x7] =	wrdreg s18  }
0xc: {  	s7 =	sadd.s32 $0xC00, s0;
	s9 =	sadd.s32 s6, s8;
	[dreg:$0x8] =	wrdreg s20  }
0xd: {  	s22 =	sadd.s32 s7, s8;
	[dreg:$0xb] =	wrdreg s9  }
0xe: {  	s20 =	sadd.s32 $0x127000, s19;
	[dreg:$0xc] =	wrdreg s22  }
0xf: {  	s23 =	sadd.s32 $0xA, s8;
	s18 =	sadd.s32 $0x124800, s19;
	[smem:$0x7F7] =	sst s20  }
0x10: {  	s10 =	sadd.s32 s6, s23;
	[dreg:$0x1e] =	wrdreg s18  }
0x11: {  	s24 =	sadd.s32 $0x14, s8;
	s9 =	sadd.s32 s7, s23;
	[dreg:$0xd] =	wrdreg s10  }
0x12: {  	s26 =	sadd.s32 $0x1E, s8;
	s25 =	sadd.s32 s6, s24;
	[dreg:$0xe] =	wrdreg s9  }
0x13: {  	s11 =	sadd.s32 $0x28, s8;
	s1 =	sadd.s32 s6, s26;
	[dreg:$0xf] =	wrdreg s25  }
0x14: {  	s13 =	sadd.s32 s6, s11;
	[dreg:$0x11] =	wrdreg s1  }
0x15: {  	s3 =	smul.u32 $0x138800, s3;
	s22 =	sadd.s32 $0x410, s31;
	[dreg:$0x13] =	wrdreg s13  }
0x16: {  	s21 =	smul.u32 $0x13800, s12;
	s23 =	sadd.s32 $0x460, s31;
	[dreg:$0x9] =	wrdreg s22  }
0x17: {  	s15 =	sadd.s32 $0x32, s8;
	s9 =	sadd.s32 s7, s24;
	[dreg:$0xa] =	wrdreg s23  }
0x18: {  	s29 =	simm.s32 $0x13C80;
	s10 =	sadd.s32 s7, s15;
	[dreg:$0x10] =	wrdreg s9  }
0x19: {  	s24 =	sadd.s32 s21, s3;
	s21 =	sadd.s32 $0x129800, s19;
	[dreg:$0x16] =	wrdreg s10  }
0x1a: {  	s30 =	simm.s32 $0x13E80;
	s22 =	sadd.s32 $0x12C000, s19;
	[smem:$0x7F8] =	sst s21  }
0x1b: {  	s28 =	simm.s32 $0x16880;
	s23 =	sadd.s32 $0x12E800, s19;
	[smem:$0x7F9] =	sst s22  }
0x1c: {  	s8 =	sadd.s32 $0x3C, s8;
	s9 =	sadd.s32 s7, s26;
	[smem:$0x7FA] =	sst s23  }
0x1d: {  	s0 =	sadd.s32 $0x14E00, s0;
	s26 =	sadd.s32 s6, s8;
	[dreg:$0x12] =	wrdreg s9  }
0x1e: {  	p0 =	seq.s32 s12, $0xF;
	s8 =	sadd.s32 s7, s8;
	[dreg:$0x18] =	wrdreg s26  }
0x1f: {  	s10 =	sshrl.u32 s24, $0x3;
	s24 =	sadd.s32 $0x131000, s19;
	[dreg:$0x19] =	wrdreg s8  }
0x20: {  	s20 =	simm.s32 $0x13880;
	s9 =	sadd.s32 s7, s11;
	[smem:$0x7FB] =	sst s24  }
0x21: {  	s25 =	smul.u32 $0x4E000, s12;
	s11 =	sadd.s32 s6, s15;
	[dreg:$0x14] =	wrdreg s9  }
0x22: {  	s3 =	sshrl.u32 s3, $0x3;
	s10 =	sadd.s32 s0, s10;
	[dreg:$0x15] =	wrdreg s11  }
0x23: {  	s1 =	sshrl.u32 s25, $0x2;
	s25 =	sadd.s32 $0x133800, s19;
	[dreg:$0x17] =	wrdreg s10  }
0x24: {  	s0 =	sadd.s32 s0, s3;
	s26 =	sadd.s32 $0x136000, s19;
	[smem:$0x7FC] =	sst s25  }
0x25: {  	s23 =	simm.s32 $0x13D00;
	s0 =	sadd.s32 $0x24900, s0;
	[smem:$0x7FD] =	sst s26  }
0x26: {  	s21 =	simm.s32 $0x13F80;
	s9 =	smax.u32 s5, $0x1;
	[dreg:$0x1b] =	wrdreg s0  }
0x27: {  	s3 =	simm.s32 $0x13980;
	s17 =	sadd.s32 s1, s19;
	[dreg:$0x1c] =	wrdreg s9  }
0x28: {  	s24 =	simm.s32 $0x13A00;
	s10 =	sadd.s32 $0x11800, s17;
	[dreg:$0x1a] =	wrdreg s17  }
0x29: {  	s8 =	simm.s32 $0x0;
	s11 =	sadd.s32 $0x2800, s17;
	[dreg:$0x1d] =	wrdreg s10  }
0x2a: {  	s25 =	simm.s32 $0x13D80;
	s12 =	sadd.s32 $0x5000, s17;
	[dreg:$0x1f] =	wrdreg s11  }
0x2b: {  	s1 =	simm.s32 $0x13E00;
	s13 =	sadd.s32 $0x7800, s17;
	[smem:$0x7F2] =	sst s12  }
0x2c: {  	s5 =	simm.s32 $0x11;
	s14 =	sadd.s32 $0xA000, s17;
	[smem:$0x7F3] =	sst s13  }
0x2d: {  	s15 =	sadd.s32 $0xC800, s17;
	s16 =	sadd.s32 $0xF000, s17;
	[smem:$0x7F4] =	sst s14  }
0x2e: {  	s9 =	simm.s32 $0x50;
	s0 =	simm.s32 $0x19080;
	[smem:$0x7F5] =	sst s15  }
0x2f: {  	[smem:$0x7F6] =	sst s16;
	s10 =	simm.s32 $0x13900;
	s11 =	simm.s32 $0x13A80  }
0x30: {  	v0 =	vimm.f32 $0.0e+00;
	s14 =	simm.s32 $0x13F00;
	s15 =	simm.s32 $0x13B80;
	s13 =	simm.s32 $0x14080  }
.LBB2_1:
0x31: {  	[smem:$0x7F1] =	sst s8  }
0x32: {  	s12 =	rddreg [dreg:$0xb]  }
0x33: {  	[tilespmem:s20], [sflag:$0x1] =	stream.linear.gather [hbm4b:s12+s4], $0x50, $0x38;
	[tilespmem:$0x1E080] =	vst v63  }
0x34: {  	s26 =	rddreg [dreg:$0xc]  }
0x35: {  	[tilespmem:s29], [sflag:$0x9] =	stream.linear.gather [hbm4b:s26+s4], $0x50, $0x38;
	[tilespmem:$0x1E080] =	vst v63  }
0x36: {  	s8 =	rddreg [dreg:$0xd]  }
0x37: {  	[tilespmem:s10], [sflag:$0x2] =	stream.linear.gather [hbm4b:s8+s4], $0x50, $0x38;
	[tilespmem:$0x1E080] =	vst v63  }
0x38: {  	s16 =	rddreg [dreg:$0xe]  }
0x39: {  	[tilespmem:s23], [sflag:$0xA] =	stream.linear.gather [hbm4b:s16+s4], $0x50, $0x38;
	[tilespmem:$0x1E080] =	vst v63  }
0x3a: {  	s22 =	rddreg [dreg:$0xf]  }
0x3b: {  	[tilespmem:s3], [sflag:$0x3] =	stream.linear.gather [hbm4b:s22+s4], $0x50, $0x38;
	[tilespmem:$0x1E080] =	vst v63  }
0x3c: {  	s26 =	rddreg [dreg:$0x10]  }
0x3d: {  	[tilespmem:s25], [sflag:$0xB] =	stream.linear.gather [hbm4b:s26+s4], $0x50, $0x38;
	[tilespmem:$0x1E080] =	vst v63  }
0x3e: {  	s8 =	rddreg [dreg:$0x11]  }
0x3f: {  	[tilespmem:s24], [sflag:$0x4] =	stream.linear.gather [hbm4b:s8+s4], $0x50, $0x38;
	[tilespmem:$0x1E080] =	vst v63  }
0x40: {  	s16 =	rddreg [dreg:$0x12]  }
0x41: {  	[tilespmem:s1], [sflag:$0xC] =	stream.linear.gather [hbm4b:s16+s4], $0x50, $0x38;
	[tilespmem:$0x1E080] =	vst v63  }
0x42: {  	s22 =	rddreg [dreg:$0x13]  }
0x43: {  	[tilespmem:s11], [sflag:$0x5] =	stream.linear.gather [hbm4b:s22+s4], $0x50, $0x38;
	[tilespmem:$0x1E080] =	vst v63  }
0x44: {  	s26 =	rddreg [dreg:$0x14]  }
0x45: {  	[tilespmem:s30], [sflag:$0xD] =	stream.linear.gather [hbm4b:s26+s4], $0x50, $0x38;
	[tilespmem:$0x1E080] =	vst v63  }
0x46: {  	s1 =	simm.s32 $0x13B00;
	s30 =	rddreg [dreg:$0x15]  }
0x47: {  	[tilespmem:s1], [sflag:$0x6] =	stream.linear.gather [hbm4b:s30+s4], $0x50, $0x38;
	[tilespmem:$0x1E080] =	vst v63  }
0x48: {  	s11 =	rddreg [dreg:$0x16]  }
0x49: {  	[tilespmem:s14], [sflag:$0xE] =	stream.linear.gather [hbm4b:s11+s4], $0x50, $0x38;
	[tilespmem:$0x1E080] =	vst v63  }
0x4a: {  	s14 =	rddreg [dreg:$0x18]  }
0x4b: {  	[tilespmem:s15], [sflag:$0x7] =	stream.linear.gather [hbm4b:s14+s4], $0x50, $0x38;
	[tilespmem:$0x1E080] =	vst v63  }
0x4c: {  	s16 =	simm.s32 $0x1;
	s15 =	rddreg [dreg:$0x19]  }
0x4d: {  	[tilespmem:s21], [sflag:$0xF] =	stream.linear.gather [hbm4b:s15+s4], $0x50, $0x38;
	[tilespmem:$0x1E080] =	vst v63  }
0x4e: {  	_ =	swait.ge [sflag:s16], $0x50  }
0x4f: {  	[sflag:s16] =	ssyncset.done $0x0  }
0x50: {  	s21 =	simm.s32 $0x9;
	[sflag:s16] =	ssyncadd.s32 $0xFFFFFFB0  }
0x51: {  	_ =	swait.ge [sflag:s21], $0x50  }
0x52: {  	[sflag:s21] =	ssyncset.done $0x0  }
0x53: {  	s22 =	simm.s32 $0x2;
	[sflag:s21] =	ssyncadd.s32 $0xFFFFFFB0  }
0x54: {  	[tilespmem:s13], [sflag:$0x11] =	stream.indirect.gather [hbm4b:s2+s9], $0x80, s20, s9, $0xb8;
	[tilespmem:$0x1E080] =	vst v63  }
0x55: {  	_ =	swait.ge [sflag:s22], $0x50  }
0x56: {  	[sflag:s22] =	ssyncset.done $0x0  }
0x57: {  	s26 =	simm.s32 $0xA;
	[sflag:s22] =	ssyncadd.s32 $0xFFFFFFB0  }
0x58: {  	_ =	swait.ge [sflag:s26], $0x50  }
0x59: {  	[sflag:s26] =	ssyncset.done $0x0  }
0x5a: {  	[sflag:s26] =	ssyncadd.s32 $0xFFFFFFB0  }
0x5b: {  	[tilespmem:s28], [sflag:$0x12] =	stream.indirect.gather [hbm4b:s2+s9], $0x80, s10, s9, $0xb8;
	[tilespmem:$0x1E080] =	vst v63  }
0x5c: {  	s28 =	simm.s32 $0x3  }
0x5d: {  	_ =	swait.ge [sflag:s28], $0x50  }
0x5e: {  	[sflag:s28] =	ssyncset.done $0x0  }
0x5f: {  	s30 =	simm.s32 $0xB;
	[sflag:s28] =	ssyncadd.s32 $0xFFFFFFB0  }
0x60: {  	_ =	swait.ge [sflag:s30], $0x50  }
0x61: {  	s12 =	simm.s32 $0x70;
	s11 =	simm.s32 $0x1;
	[sflag:s30] =	ssyncset.done $0x0  }
0x62: {  	s14 =	simm.s32 $0x3C0;
	s21 =	simm.s32 $0x13B00;
	[sflag:s30] =	ssyncadd.s32 $0xFFFFFFB0  }
0x63: {  	[tilespmem:s0], [sflag:$0x13] =	stream.indirect.gather [hbm4b:s2+s9], $0x80, s3, s9, $0xb8;
	[tilespmem:$0x1E080] =	vst v63  }
0x64: {  	s26 =	simm.s32 $0x2;
	s3 =	simm.s32 $0x9;
	s0 =	simm.s32 $0x19080  }
.LBB2_2:
0x65: {  	p1 =	sne.s32 s14, $0x9FC0;
	[tilespmem:s12+$0x1B880] =	vst v0  }
0x66: {  	[tilespmem:s12+$0x1B810] =	vst v0  }
0x67: {  	[tilespmem:s12+$0x1B820] =	vst v0  }
.Ltmp0:
0x68: {  	[tilespmem:s12+$0x1B830] =	vst v0;
	(pc) =	sbr.rel @p1 .LBB2_2-.Ltmp0, $4  }
0x69: {  	[tilespmem:s12+$0x1B840] =	vst v0  }
0x6a: {  	[tilespmem:s12+$0x1B850] =	vst v0  }
0x6b: {  	[tilespmem:s12+$0x1B860] =	vst v0  }
0x6c: {  	[tilespmem:s12+$0x1B870] =	vst v0;
	s12 =	sshra.s32 s14, $0x2;
	s14 =	sadd.s32 $0x200, s14  }
0x6d: {  	[tilespmem:s12+$0x1B880] =	vst v0  }
0x6e: {  	[tilespmem:s12+$0x1B810] =	vst v0  }
0x6f: {  	[tilespmem:s12+$0x1B820] =	vst v0  }
0x70: {  	[tilespmem:s12+$0x1B830] =	vst v0  }
0x71: {  	[tilespmem:s12+$0x1B840] =	vst v0  }
0x72: {  	[tilespmem:s12+$0x1B850] =	vst v0  }
0x73: {  	[tilespmem:s12+$0x1B860] =	vst v0  }
0x74: {  	[tilespmem:s12+$0x1B870] =	vst v0;
	s12 =	simm.s32 @p0 $0x1B880;
	s14 =	simm.s32 @p0 $0x19  }
0x75: {  	[spmem:s18] =	stream.linear.scatter @p0 [tilespmem:s12], [sflag:$0x19], $0x2800, $0x38;
	[tilespmem:$0x1E080] =	vst v63  }
0x76: {  	_ =	swait.ge @p0 [sflag:s14], $0x2800  }
0x77: {  	s15 =	sld [smem:$0x7F7]  }
0x78: {  	[sflag:s14] =	ssyncset.done @p0 $0x0  }
0x79: {  	[sflag:s14] =	ssyncadd.s32 @p0 $0xFFFFD800  }
0x7a: {  	[spmem:s15] =	stream.linear.scatter @p0 [tilespmem:s12], [sflag:$0x19], $0x2800, $0x38;
	[tilespmem:$0x1E080] =	vst v63  }
0x7b: {  	_ =	swait.ge @p0 [sflag:s14], $0x2800  }
0x7c: {  	s15 =	sld [smem:$0x7F8]  }
0x7d: {  	[sflag:s14] =	ssyncset.done @p0 $0x0  }
0x7e: {  	[sflag:s14] =	ssyncadd.s32 @p0 $0xFFFFD800  }
0x7f: {  	[spmem:s15] =	stream.linear.scatter @p0 [tilespmem:s12], [sflag:$0x19], $0x2800, $0x38;
	[tilespmem:$0x1E080] =	vst v63  }
0x80: {  	_ =	swait.ge @p0 [sflag:s14], $0x2800  }
0x81: {  	s15 =	sld [smem:$0x7F9]  }
0x82: {  	[sflag:s14] =	ssyncset.done @p0 $0x0  }
0x83: {  	[sflag:s14] =	ssyncadd.s32 @p0 $0xFFFFD800  }
0x84: {  	[spmem:s15] =	stream.linear.scatter @p0 [tilespmem:s12], [sflag:$0x19], $0x2800, $0x38;
	[tilespmem:$0x1E080] =	vst v63  }
0x85: {  	_ =	swait.ge @p0 [sflag:s14], $0x2800  }
0x86: {  	s15 =	sld [smem:$0x7FA]  }
0x87: {  	[sflag:s14] =	ssyncset.done @p0 $0x0  }
0x88: {  	[sflag:s14] =	ssyncadd.s32 @p0 $0xFFFFD800  }
0x89: {  	[spmem:s15] =	stream.linear.scatter @p0 [tilespmem:s12], [sflag:$0x19], $0x2800, $0x38;
	[tilespmem:$0x1E080] =	vst v63  }
0x8a: {  	_ =	swait.ge @p0 [sflag:s14], $0x2800  }
0x8b: {  	s15 =	sld [smem:$0x7FB]  }
0x8c: {  	[sflag:s14] =	ssyncset.done @p0 $0x0  }
0x8d: {  	[sflag:s14] =	ssyncadd.s32 @p0 $0xFFFFD800  }
0x8e: {  	[spmem:s15] =	stream.linear.scatter @p0 [tilespmem:s12], [sflag:$0x19], $0x2800, $0x38;
	[tilespmem:$0x1E080] =	vst v63  }
0x8f: {  	_ =	swait.ge @p0 [sflag:s14], $0x2800  }
0x90: {  	s15 =	sld [smem:$0x7FC]  }
0x91: {  	[sflag:s14] =	ssyncset.done @p0 $0x0  }
0x92: {  	[sflag:s14] =	ssyncadd.s32 @p0 $0xFFFFD800  }
0x93: {  	[spmem:s15] =	stream.linear.scatter @p0 [tilespmem:s12], [sflag:$0x19], $0x2800, $0x38;
	[tilespmem:$0x1E080] =	vst v63  }
0x94: {  	_ =	swait.ge @p0 [sflag:s14], $0x2800  }
0x95: {  	s15 =	sld [smem:$0x7FD]  }
0x96: {  	[sflag:s14] =	ssyncset.done @p0 $0x0  }
0x97: {  	[sflag:s14] =	ssyncadd.s32 @p0 $0xFFFFD800  }
0x98: {  	[spmem:s15] =	stream.linear.scatter @p0 [tilespmem:s12], [sflag:$0x19], $0x2800, $0x38;
	[tilespmem:$0x1E080] =	vst v63  }
0x99: {  	_ =	swait.ge @p0 [sflag:s14], $0x2800  }
0x9a: {  	[sflag:s14] =	ssyncset.done @p0 $0x0  }
0x9b: {  	s12 =	simm.s32 @!p0 $0x1B880;
	[sflag:s14] =	ssyncadd.s32 @p0 $0xFFFFD800;
	s14 =	simm.s32 @!p0 $0x19  }
0x9c: {  	[spmem:s17] =	stream.linear.scatter @!p0 [tilespmem:s12], [sflag:$0x19], $0x2800, $0x38;
	[tilespmem:$0x1E080] =	vst v63  }
0x9d: {  	_ =	swait.ge @!p0 [sflag:s14], $0x2800  }
0x9e: {  	[sflag:s14] =	ssyncset.done @!p0 $0x0  }
0x9f: {  	s15 =	rddreg [dreg:$0x1f];
	[sflag:s14] =	ssyncadd.s32 @!p0 $0xFFFFD800  }
0xa0: {  	[spmem:s15] =	stream.linear.scatter @!p0 [tilespmem:s12], [sflag:$0x19], $0x2800, $0x38;
	[tilespmem:$0x1E080] =	vst v63  }
0xa1: {  	_ =	swait.ge @!p0 [sflag:s14], $0x2800  }
0xa2: {  	s15 =	sld [smem:$0x7F2]  }
0xa3: {  	[sflag:s14] =	ssyncset.done @!p0 $0x0  }
0xa4: {  	[sflag:s14] =	ssyncadd.s32 @!p0 $0xFFFFD800  }
0xa5: {  	[spmem:s15] =	stream.linear.scatter @!p0 [tilespmem:s12], [sflag:$0x19], $0x2800, $0x38;
	[tilespmem:$0x1E080] =	vst v63  }
0xa6: {  	_ =	swait.ge @!p0 [sflag:s14], $0x2800  }
0xa7: {  	s15 =	sld [smem:$0x7F3]  }
0xa8: {  	[sflag:s14] =	ssyncset.done @!p0 $0x0  }
0xa9: {  	[sflag:s14] =	ssyncadd.s32 @!p0 $0xFFFFD800  }
0xaa: {  	[spmem:s15] =	stream.linear.scatter @!p0 [tilespmem:s12], [sflag:$0x19], $0x2800, $0x38;
	[tilespmem:$0x1E080] =	vst v63  }
0xab: {  	_ =	swait.ge @!p0 [sflag:s14], $0x2800  }
0xac: {  	s15 =	sld [smem:$0x7F4]  }
0xad: {  	[sflag:s14] =	ssyncset.done @!p0 $0x0  }
0xae: {  	[sflag:s14] =	ssyncadd.s32 @!p0 $0xFFFFD800  }
0xaf: {  	[spmem:s15] =	stream.linear.scatter @!p0 [tilespmem:s12], [sflag:$0x19], $0x2800, $0x38;
	[tilespmem:$0x1E080] =	vst v63  }
0xb0: {  	_ =	swait.ge @!p0 [sflag:s14], $0x2800  }
0xb1: {  	s15 =	sld [smem:$0x7F5]  }
0xb2: {  	[sflag:s14] =	ssyncset.done @!p0 $0x0  }
0xb3: {  	[sflag:s14] =	ssyncadd.s32 @!p0 $0xFFFFD800  }
0xb4: {  	[spmem:s15] =	stream.linear.scatter @!p0 [tilespmem:s12], [sflag:$0x19], $0x2800, $0x38;
	[tilespmem:$0x1E080] =	vst v63  }
0xb5: {  	_ =	swait.ge @!p0 [sflag:s14], $0x2800  }
0xb6: {  	s15 =	sld [smem:$0x7F6]  }
0xb7: {  	[sflag:s14] =	ssyncset.done @!p0 $0x0  }
0xb8: {  	[sflag:s14] =	ssyncadd.s32 @!p0 $0xFFFFD800  }
0xb9: {  	[spmem:s15] =	stream.linear.scatter @!p0 [tilespmem:s12], [sflag:$0x19], $0x2800, $0x38;
	[tilespmem:$0x1E080] =	vst v63  }
0xba: {  	_ =	swait.ge @!p0 [sflag:s14], $0x2800  }
0xbb: {  	[sflag:s14] =	ssyncset.done @!p0 $0x0  }
0xbc: {  	s15 =	rddreg [dreg:$0x1d];
	[sflag:s14] =	ssyncadd.s32 @!p0 $0xFFFFD800  }
0xbd: {  	[spmem:s15] =	stream.linear.scatter @!p0 [tilespmem:s12], [sflag:$0x19], $0x2000, $0x38;
	[tilespmem:$0x1E080] =	vst v63  }
0xbe: {  	_ =	swait.ge @!p0 [sflag:s14], $0x2000  }
0xbf: {  	p1 =	por $0x1, $0x1;
	[sflag:s14] =	ssyncset.done @!p0 $0x0  }
0xc0: {  	s12 =	simm.s32 @!p1 $0x230;
	[sflag:s14] =	ssyncadd.s32 @!p0 $0xFFFFE000  }
0xc1: {  	s12 =	simm.s32 @p1 $0x230;
	s14 =	simm.s32 @!p1 $0x18;
	[bflag:$0x0] =	sbarrier.arrive $0xFFFF  }
0xc2: {  	s12 =	sadd.s32 s31, s12;
	_ =	swait.ge @!p1 [sflag:s14], $0x2800  }
0xc3: {  	s12 =	sshrl.u32 s12, $0x3;
	[sflag:s14] =	ssyncset.done @!p1 $0x0  }
0xc4: {  	s16 =	simm.s32 $0x13C00;
	s8 =	sadd.s32 s6, s12;
	[sflag:s14] =	ssyncadd.s32 @!p1 $0xFFFFD800  }
0xc5: {  	[tilespmem:s16], [sflag:$0x8] =	stream.linear.gather [hbm4b:s8+s4], $0x50, $0x38;
	[tilespmem:$0x1E080] =	vst v63  }
0xc6: {  	s13 =	simm.s32 $0x4;
	s17 =	simm.s32 $0x14000;
	s12 =	sadd.s32 s7, s12  }
0xc7: {  	[tilespmem:s17], [sflag:$0x10] =	stream.linear.gather [hbm4b:s12+s4], $0x50, $0x38;
	[tilespmem:$0x1E080] =	vst v63  }
0xc8: {  	_ =	swait.ge [sflag:s13], $0x50  }
0xc9: {  	[sflag:s13] =	ssyncset.done $0x0  }
0xca: {  	s14 =	simm.s32 $0xC;
	[sflag:s13] =	ssyncadd.s32 $0xFFFFFFB0  }
0xcb: {  	_ =	swait.ge [sflag:s14], $0x50  }
0xcc: {  	[sflag:s14] =	ssyncset.done $0x0  }
0xcd: {  	s22 =	simm.s32 $0x1B880;
	[sflag:s14] =	ssyncadd.s32 $0xFFFFFFB0  }
0xce: {  	[tilespmem:s22], [sflag:$0x14] =	stream.indirect.gather [hbm4b:s2+s9], $0x80, s24, s9, $0xb8;
	[tilespmem:$0x1E080] =	vst v63  }
0xcf: {  	_ =	swait.ge [sflag:s5], $0x2800  }
0xd0: {  	[sflag:s5] =	ssyncset.done $0x0  }
0xd1: {  	s13 =	simm.s32 $0x14080;
	s24 =	simm.s32 $0x15;
	[sflag:s5] =	ssyncadd.s32 $0xFFFFD800  }
0xd2: {  	[spmem:s19] =	stream.indirect.scatter.add.f32 [tilespmem:s13], [sflag:$0x15], $0x80, s29, s9, $0xb8;
	[tilespmem:$0x1E080] =	vst v63  }
0xd3: {  	s12 =	simm.s32 $0x0;
	_ =	swait.ge [sflag:s24], $0x2800  }
0xd4: {  	s12 =	simm.s32 @p1 $0x0;
	s15 =	rddreg [dreg:$0x4]  }
0xd5: {  	s14 =	sadd.s32 s12, s15  }
0xd6: {  	[sflag:s24] =	ssyncset.done $0x0;
	s14 =	sshrl.u32 s14, $0x3  }
0xd7: {  	[sflag:s24] =	ssyncadd.s32 $0xFFFFD800;
	s18 =	sadd.s32 s6, s14  }
0xd8: {  	[tilespmem:s20], [sflag:$0x1] =	stream.linear.gather [hbm4b:s18+s4], $0x50, $0x38;
	[tilespmem:$0x1E080] =	vst v63  }
0xd9: {  	s14 =	sadd.s32 s7, s14  }
0xda: {  	[tilespmem:s29], [sflag:$0x9] =	stream.linear.gather [hbm4b:s14+s4], $0x50, $0x38;
	[tilespmem:$0x1E080] =	vst v63  }
0xdb: {  	s29 =	simm.s32 $0x5  }
0xdc: {  	_ =	swait.ge [sflag:s29], $0x50  }
0xdd: {  	[sflag:s29] =	ssyncset.done $0x0  }
0xde: {  	s1 =	simm.s32 $0xD;
	[sflag:s29] =	ssyncadd.s32 $0xFFFFFFB0  }
0xdf: {  	_ =	swait.ge [sflag:s1], $0x50  }
0xe0: {  	[sflag:s1] =	ssyncset.done $0x0  }
0xe1: {  	s18 =	simm.s32 $0x13A80;
	s29 =	simm.s32 $0x12;
	[sflag:s1] =	ssyncadd.s32 $0xFFFFFFB0  }
0xe2: {  	[tilespmem:s13], [sflag:$0x11] =	stream.indirect.gather [hbm4b:s2+s9], $0x80, s18, s9, $0xb8;
	[tilespmem:$0x1E080] =	vst v63  }
0xe3: {  	_ =	swait.ge [sflag:s29], $0x2800  }
0xe4: {  	[sflag:s29] =	ssyncset.done $0x0  }
0xe5: {  	s28 =	simm.s32 $0x16880;
	s20 =	simm.s32 $0x16;
	[sflag:s29] =	ssyncadd.s32 $0xFFFFD800  }
0xe6: {  	[spmem:s19] =	stream.indirect.scatter.add.f32 [tilespmem:s28], [sflag:$0x16], $0x80, s23, s9, $0xb8;
	[tilespmem:$0x1E080] =	vst v63  }
0xe7: {  	_ =	swait.ge [sflag:s20], $0x2800  }
0xe8: {  	s15 =	rddreg [dreg:$0x5]  }
0xe9: {  	s14 =	sadd.s32 s12, s15  }
0xea: {  	[sflag:s20] =	ssyncset.done $0x0;
	s14 =	sshrl.u32 s14, $0x3  }
0xeb: {  	[sflag:s20] =	ssyncadd.s32 $0xFFFFD800;
	s1 =	sadd.s32 s6, s14  }
0xec: {  	[tilespmem:s10], [sflag:$0x2] =	stream.linear.gather [hbm4b:s1+s4], $0x50, $0x38;
	[tilespmem:$0x1E080] =	vst v63  }
0xed: {  	s14 =	sadd.s32 s7, s14;
	s1 =	simm.s32 $0x6  }
0xee: {  	[tilespmem:s23], [sflag:$0xA] =	stream.linear.gather [hbm4b:s14+s4], $0x50, $0x38;
	[tilespmem:$0x1E080] =	vst v63  }
0xef: {  	_ =	swait.ge [sflag:s1], $0x50  }
0xf0: {  	[sflag:s1] =	ssyncset.done $0x0  }
0xf1: {  	s23 =	simm.s32 $0xE;
	[sflag:s1] =	ssyncadd.s32 $0xFFFFFFB0  }
0xf2: {  	_ =	swait.ge [sflag:s23], $0x50  }
0xf3: {  	[sflag:s23] =	ssyncset.done $0x0  }
0xf4: {  	s10 =	simm.s32 $0x13;
	[sflag:s23] =	ssyncadd.s32 $0xFFFFFFB0  }
0xf5: {  	[tilespmem:s28], [sflag:$0x12] =	stream.indirect.gather [hbm4b:s2+s9], $0x80, s21, s9, $0xb8;
	[tilespmem:$0x1E080] =	vst v63  }
0xf6: {  	_ =	swait.ge [sflag:s10], $0x2800  }
0xf7: {  	[sflag:s10] =	ssyncset.done $0x0  }
0xf8: {  	[sflag:s10] =	ssyncadd.s32 $0xFFFFD800  }
0xf9: {  	[spmem:s19] =	stream.indirect.scatter.add.f32 [tilespmem:s0], [sflag:$0x17], $0x80, s25, s9, $0xb8;
	[tilespmem:$0x1E080] =	vst v63  }
0xfa: {  	s25 =	simm.s32 $0x17  }
0xfb: {  	_ =	swait.ge [sflag:s25], $0x2800  }
0xfc: {  	s0 =	rddreg [dreg:$0x6]  }
0xfd: {  	s14 =	sadd.s32 s12, s0  }
0xfe: {  	[sflag:s25] =	ssyncset.done $0x0;
	s14 =	sshrl.u32 s14, $0x3  }
0xff: {  	[sflag:s25] =	ssyncadd.s32 $0xFFFFD800;
	s0 =	simm.s32 $0x13980;
	s15 =	sadd.s32 s6, s14  }
0x100: {  	[tilespmem:s0], [sflag:$0x3] =	stream.linear.gather [hbm4b:s15+s4], $0x50, $0x38;
	[tilespmem:$0x1E080] =	vst v63  }
0x101: {  	s1 =	simm.s32 $0x13D80;
	s14 =	sadd.s32 s7, s14;
	s15 =	simm.s32 $0x7  }
0x102: {  	[tilespmem:s1], [sflag:$0xB] =	stream.linear.gather [hbm4b:s14+s4], $0x50, $0x38;
	[tilespmem:$0x1E080] =	vst v63  }
0x103: {  	_ =	swait.ge [sflag:s15], $0x50  }
0x104: {  	[sflag:s15] =	ssyncset.done $0x0  }
0x105: {  	s0 =	simm.s32 $0xF;
	[sflag:s15] =	ssyncadd.s32 $0xFFFFFFB0  }
0x106: {  	_ =	swait.ge [sflag:s0], $0x50  }
0x107: {  	s23 =	simm.s32 $0x19080;
	[sflag:s0] =	ssyncset.done $0x0  }
0x108: {  	s14 =	simm.s32 $0x13B80;
	s15 =	simm.s32 $0x14;
	[sflag:s0] =	ssyncadd.s32 $0xFFFFFFB0  }
0x109: {  	[tilespmem:s23], [sflag:$0x13] =	stream.indirect.gather [hbm4b:s2+s9], $0x80, s14, s9, $0xb8;
	[tilespmem:$0x1E080] =	vst v63  }
0x10a: {  	_ =	swait.ge [sflag:s15], $0x2800  }
0x10b: {  	[sflag:s15] =	ssyncset.done $0x0  }
0x10c: {  	s1 =	simm.s32 $0x13E00;
	[sflag:s15] =	ssyncadd.s32 $0xFFFFD800;
	s15 =	simm.s32 $0x18  }
0x10d: {  	[spmem:s19] =	stream.indirect.scatter.add.f32 [tilespmem:s22], [sflag:$0x18], $0x80, s1, s9, $0xb8;
	[tilespmem:$0x1E080] =	vst v63  }
0x10e: {  	_ =	swait.ge [sflag:s15], $0x2800  }
0x10f: {  	s0 =	rddreg [dreg:$0x7]  }
0x110: {  	s14 =	sadd.s32 s12, s0  }
0x111: {  	[sflag:s15] =	ssyncset.done $0x0;
	s14 =	sshrl.u32 s14, $0x3  }
0x112: {  	s8 =	simm.s32 $0x13A00;
	[sflag:s15] =	ssyncadd.s32 $0xFFFFD800;
	s0 =	sadd.s32 s6, s14  }
0x113: {  	[tilespmem:s8], [sflag:$0x4] =	stream.linear.gather [hbm4b:s0+s4], $0x50, $0x38;
	[tilespmem:$0x1E080] =	vst v63  }
0x114: {  	s14 =	sadd.s32 s7, s14  }
0x115: {  	[tilespmem:s1], [sflag:$0xC] =	stream.linear.gather [hbm4b:s14+s4], $0x50, $0x38;
	[tilespmem:$0x1E080] =	vst v63  }
0x116: {  	s14 =	simm.s32 $0x8  }
0x117: {  	_ =	swait.ge [sflag:s14], $0x50  }
0x118: {  	[sflag:s14] =	ssyncset.done $0x0  }
0x119: {  	s15 =	simm.s32 $0x10;
	[sflag:s14] =	ssyncadd.s32 $0xFFFFFFB0  }
0x11a: {  	_ =	swait.ge [sflag:s15], $0x50  }
0x11b: {  	[sflag:s15] =	ssyncset.done $0x0  }
0x11c: {  	[sflag:s15] =	ssyncadd.s32 $0xFFFFFFB0  }
0x11d: {  	[tilespmem:s22], [sflag:$0x14] =	stream.indirect.gather [hbm4b:s2+s9], $0x80, s16, s9, $0xb8;
	[tilespmem:$0x1E080] =	vst v63  }
0x11e: {  	_ =	swait.ge [sflag:s5], $0x2800  }
0x11f: {  	[sflag:s5] =	ssyncset.done $0x0  }
0x120: {  	s22 =	simm.s32 $0x13E80;
	[sflag:s5] =	ssyncadd.s32 $0xFFFFD800  }
0x121: {  	[spmem:s19] =	stream.indirect.scatter.add.f32 [tilespmem:s13], [sflag:$0x15], $0x80, s22, s9, $0xb8;
	[tilespmem:$0x1E080] =	vst v63  }
0x122: {  	_ =	swait.ge [sflag:s24], $0x2800  }
0x123: {  	s1 =	rddreg [dreg:$0x8]  }
0x124: {  	s14 =	sadd.s32 s12, s1  }
0x125: {  	[sflag:s24] =	ssyncset.done $0x0;
	s14 =	sshrl.u32 s14, $0x3  }
0x126: {  	[sflag:s24] =	ssyncadd.s32 $0xFFFFD800;
	s8 =	sadd.s32 s6, s14  }
0x127: {  	[tilespmem:s18], [sflag:$0x5] =	stream.linear.gather [hbm4b:s8+s4], $0x50, $0x38;
	[tilespmem:$0x1E080] =	vst v63  }
0x128: {  	s14 =	sadd.s32 s7, s14  }
0x129: {  	[tilespmem:s22], [sflag:$0xD] =	stream.linear.gather [hbm4b:s14+s4], $0x50, $0x38;
	[tilespmem:$0x1E080] =	vst v63  }
0x12a: {  	_ =	swait.ge [sflag:s11], $0x50  }
0x12b: {  	[sflag:s11] =	ssyncset.done $0x0  }
0x12c: {  	[sflag:s11] =	ssyncadd.s32 $0xFFFFFFB0  }
0x12d: {  	_ =	swait.ge [sflag:s3], $0x50  }
0x12e: {  	[sflag:s3] =	ssyncset.done $0x0  }
0x12f: {  	s30 =	simm.s32 $0x13880;
	[sflag:s3] =	ssyncadd.s32 $0xFFFFFFB0  }
0x130: {  	[tilespmem:s13], [sflag:$0x11] =	stream.indirect.gather [hbm4b:s2+s9], $0x80, s30, s9, $0xb8;
	[tilespmem:$0x1E080] =	vst v63  }
0x131: {  	_ =	swait.ge [sflag:s29], $0x2800  }
0x132: {  	[sflag:s29] =	ssyncset.done $0x0  }
0x133: {  	s16 =	simm.s32 $0x13F00;
	[sflag:s29] =	ssyncadd.s32 $0xFFFFD800  }
0x134: {  	[spmem:s19] =	stream.indirect.scatter.add.f32 [tilespmem:s28], [sflag:$0x16], $0x80, s16, s9, $0xb8;
	[tilespmem:$0x1E080] =	vst v63  }
0x135: {  	_ =	swait.ge [sflag:s20], $0x2800  }
0x136: {  	p1 =	por $0x0, $0x0;
	s14 =	rddreg [dreg:$0x9]  }
0x137: {  	s14 =	sadd.s32 @!p1 s12, s14  }
0x138: {  	s0 =	simm.s32 @!p1 $0x13B00;
	[sflag:s20] =	ssyncset.done $0x0;
	s14 =	sshrl.u32 @!p1 s14, $0x3  }
0x139: {  	s15 =	simm.s32 @!p1 $0x0;
	[sflag:s20] =	ssyncadd.s32 $0xFFFFD800;
	s30 =	sadd.s32 @!p1 s6, s14  }
0x13a: {  	[tilespmem:s0], [sflag:$0x6] =	stream.linear.gather @!p1 [hbm4b:s30+s15], $0x50, $0x38;
	[tilespmem:$0x1E080] =	vst v63  }
0x13b: {  	s14 =	sadd.s32 @!p1 s7, s14;
	s30 =	simm.s32 @!p1 $0x13F00  }
0x13c: {  	[tilespmem:s30], [sflag:$0xE] =	stream.linear.gather @!p1 [hbm4b:s14+s15], $0x50, $0x38;
	[tilespmem:$0x1E080] =	vst v63  }
0x13d: {  	_ =	swait.ge [sflag:s26], $0x50  }
0x13e: {  	[sflag:s26] =	ssyncset.done $0x0  }
0x13f: {  	s22 =	simm.s32 $0xA;
	[sflag:s26] =	ssyncadd.s32 $0xFFFFFFB0  }
0x140: {  	_ =	swait.ge [sflag:s22], $0x50  }
0x141: {  	[sflag:s22] =	ssyncset.done $0x0  }
0x142: {  	s21 =	simm.s32 $0x13900;
	[sflag:s22] =	ssyncadd.s32 $0xFFFFFFB0  }
0x143: {  	[tilespmem:s28], [sflag:$0x12] =	stream.indirect.gather [hbm4b:s2+s9], $0x80, s21, s9, $0xb8;
	[tilespmem:$0x1E080] =	vst v63  }
0x144: {  	_ =	swait.ge [sflag:s10], $0x2800  }
0x145: {  	[sflag:s10] =	ssyncset.done $0x0  }
0x146: {  	s24 =	simm.s32 $0x13F80;
	[sflag:s10] =	ssyncadd.s32 $0xFFFFD800  }
0x147: {  	[spmem:s19] =	stream.indirect.scatter.add.f32 [tilespmem:s23], [sflag:$0x17], $0x80, s24, s9, $0xb8;
	[tilespmem:$0x1E080] =	vst v63  }
0x148: {  	_ =	swait.ge [sflag:s25], $0x2800  }
0x149: {  	s14 =	rddreg [dreg:$0xa]  }
0x14a: {  	s12 =	sadd.s32 @!p1 s12, s14  }
0x14b: {  	[sflag:s25] =	ssyncset.done $0x0;
	s12 =	sshrl.u32 @!p1 s12, $0x3  }
0x14c: {  	s30 =	simm.s32 @!p1 $0x13B80;
	[sflag:s25] =	ssyncadd.s32 $0xFFFFD800;
	s14 =	sadd.s32 @!p1 s6, s12  }
0x14d: {  	[tilespmem:s30], [sflag:$0x7] =	stream.linear.gather @!p1 [hbm4b:s14+s15], $0x50, $0x38;
	[tilespmem:$0x1E080] =	vst v63  }
0x14e: {  	s26 =	simm.s32 $0x3;
	s12 =	sadd.s32 @!p1 s7, s12;
	s14 =	simm.s32 @!p1 $0x13F80  }
0x14f: {  	[tilespmem:s14], [sflag:$0xF] =	stream.linear.gather @!p1 [hbm4b:s12+s15], $0x50, $0x38;
	[tilespmem:$0x1E080] =	vst v63  }
0x150: {  	_ =	swait.ge [sflag:s26], $0x50  }
0x151: {  	[sflag:s26] =	ssyncset.done $0x0  }
0x152: {  	s29 =	simm.s32 $0xB;
	[sflag:s26] =	ssyncadd.s32 $0xFFFFFFB0  }
0x153: {  	p2 =	por $0x0, $0x0;
	s8 =	simm.s32 $0x1B880;
	_ =	swait.ge [sflag:s29], $0x50  }
0x154: {  	s0 =	simm.s32 $0x19080;
	s30 =	simm.s32 $0x280;
	[sflag:s29] =	ssyncset.done $0x0  }
0x155: {  	s14 =	simm.s32 $0x500;
	s12 =	simm.s32 @!p2 $0x4B0;
	[sflag:s29] =	ssyncadd.s32 $0xFFFFFFB0  }
.LBB2_4:
0x156: {  	s23 =	simm.s32 $0x13980;
	s26 =	simm.s32 $0x14  }
0x157: {  	[tilespmem:s0], [sflag:$0x13] =	stream.indirect.gather [hbm4b:s2+s9], $0x80, s23, s9, $0xb8;
	[tilespmem:$0x1E080] =	vst v63  }
0x158: {  	_ =	swait.ge [sflag:s26], $0x2800  }
0x159: {  	s12 =	simm.s32 @p2 $0x230;
	s21 =	smov.u32 s31;
	[sflag:s26] =	ssyncset.done $0x0  }
0x15a: {  	s12 =	sadd.s32 s31, s12;
	s31 =	simm.s32 @!p2 $0x18;
	[sflag:s26] =	ssyncadd.s32 $0xFFFFD800  }
0x15b: {  	[spmem:s19] =	stream.indirect.scatter.add.f32 [tilespmem:s8], [sflag:$0x18], $0x80, s17, s9, $0xb8;
	[tilespmem:$0x1E080] =	vst v63  }
0x15c: {  	_ =	swait.ge @!p2 [sflag:s31], $0x2800  }
0x15d: {  	s12 =	sshrl.u32 s12, $0x3;
	[sflag:s31] =	ssyncset.done @!p2 $0x0  }
0x15e: {  	s16 =	simm.s32 $0x13C00;
	s25 =	sadd.s32 s6, s12;
	[sflag:s31] =	ssyncadd.s32 @!p2 $0xFFFFD800  }
0x15f: {  	[tilespmem:s16], [sflag:$0x8] =	stream.linear.gather [hbm4b:s25+s4], $0x50, $0x38;
	[tilespmem:$0x1E080] =	vst v63  }
0x160: {  	s24 =	simm.s32 $0x14000;
	s29 =	simm.s32 $0x4;
	s12 =	sadd.s32 s7, s12  }
0x161: {  	[tilespmem:s24], [sflag:$0x10] =	stream.linear.gather [hbm4b:s12+s4], $0x50, $0x38;
	[tilespmem:$0x1E080] =	vst v63  }
0x162: {  	_ =	swait.ge [sflag:s29], $0x50  }
0x163: {  	[sflag:s29] =	ssyncset.done $0x0  }
0x164: {  	s1 =	simm.s32 $0xC;
	[sflag:s29] =	ssyncadd.s32 $0xFFFFFFB0  }
0x165: {  	_ =	swait.ge [sflag:s1], $0x50  }
0x166: {  	[sflag:s1] =	ssyncset.done $0x0  }
0x167: {  	s22 =	simm.s32 $0x13A00;
	s8 =	simm.s32 $0x1B880;
	[sflag:s1] =	ssyncadd.s32 $0xFFFFFFB0  }
0x168: {  	[tilespmem:s8], [sflag:$0x14] =	stream.indirect.gather [hbm4b:s2+s9], $0x80, s22, s9, $0xb8;
	[tilespmem:$0x1E080] =	vst v63  }
0x169: {  	_ =	swait.ge [sflag:s5], $0x2800  }
0x16a: {  	[sflag:s5] =	ssyncset.done $0x0  }
0x16b: {  	s24 =	simm.s32 $0x15;
	s1 =	simm.s32 $0x13C80;
	[sflag:s5] =	ssyncadd.s32 $0xFFFFD800  }
0x16c: {  	[spmem:s19] =	stream.indirect.scatter.add.f32 [tilespmem:s13], [sflag:$0x15], $0x80, s1, s9, $0xb8;
	[tilespmem:$0x1E080] =	vst v63  }
0x16d: {  	s12 =	smov.u32 s30;
	_ =	swait.ge [sflag:s24], $0x2800  }
0x16e: {  	s12 =	simm.s32 @p2 $0x0;
	s3 =	rddreg [dreg:$0x4]  }
0x16f: {  	s17 =	sadd.s32 s12, s3  }
0x170: {  	[sflag:s24] =	ssyncset.done $0x0;
	s17 =	sshrl.u32 s17, $0x3  }
0x171: {  	s11 =	simm.s32 $0x13880;
	[sflag:s24] =	ssyncadd.s32 $0xFFFFD800;
	s31 =	sadd.s32 s6, s17  }
0x172: {  	[tilespmem:s11], [sflag:$0x1] =	stream.linear.gather [hbm4b:s31+s4], $0x50, $0x38;
	[tilespmem:$0x1E080] =	vst v63  }
0x173: {  	s10 =	simm.s32 $0x5;
	s17 =	sadd.s32 s7, s17  }
0x174: {  	[tilespmem:s1], [sflag:$0x9] =	stream.linear.gather [hbm4b:s17+s4], $0x50, $0x38;
	[tilespmem:$0x1E080] =	vst v63  }
0x175: {  	_ =	swait.ge [sflag:s10], $0x50  }
0x176: {  	[sflag:s10] =	ssyncset.done $0x0  }
0x177: {  	s20 =	simm.s32 $0xD;
	[sflag:s10] =	ssyncadd.s32 $0xFFFFFFB0  }
0x178: {  	_ =	swait.ge [sflag:s20], $0x50  }
0x179: {  	[sflag:s20] =	ssyncset.done $0x0  }
0x17a: {  	s29 =	simm.s32 $0x12;
	[sflag:s20] =	ssyncadd.s32 $0xFFFFFFB0  }
0x17b: {  	[tilespmem:s13], [sflag:$0x11] =	stream.indirect.gather [hbm4b:s2+s9], $0x80, s18, s9, $0xb8;
	[tilespmem:$0x1E080] =	vst v63  }
0x17c: {  	_ =	swait.ge [sflag:s29], $0x2800  }
0x17d: {  	[sflag:s29] =	ssyncset.done $0x0  }
0x17e: {  	s25 =	simm.s32 $0x13D00;
	s20 =	simm.s32 $0x16;
	[sflag:s29] =	ssyncadd.s32 $0xFFFFD800  }
0x17f: {  	[spmem:s19] =	stream.indirect.scatter.add.f32 [tilespmem:s28], [sflag:$0x16], $0x80, s25, s9, $0xb8;
	[tilespmem:$0x1E080] =	vst v63  }
0x180: {  	_ =	swait.ge [sflag:s20], $0x2800  }
0x181: {  	s10 =	rddreg [dreg:$0x5]  }
0x182: {  	s17 =	sadd.s32 s12, s10  }
0x183: {  	[sflag:s20] =	ssyncset.done $0x0;
	s17 =	sshrl.u32 s17, $0x3  }
0x184: {  	s3 =	simm.s32 $0x13900;
	[sflag:s20] =	ssyncadd.s32 $0xFFFFD800;
	s31 =	sadd.s32 s6, s17  }
0x185: {  	[tilespmem:s3], [sflag:$0x2] =	stream.linear.gather [hbm4b:s31+s4], $0x50, $0x38;
	[tilespmem:$0x1E080] =	vst v63  }
0x186: {  	s17 =	sadd.s32 s7, s17  }
0x187: {  	[tilespmem:s25], [sflag:$0xA] =	stream.linear.gather [hbm4b:s17+s4], $0x50, $0x38;
	[tilespmem:$0x1E080] =	vst v63  }
0x188: {  	s17 =	simm.s32 $0x6  }
0x189: {  	_ =	swait.ge [sflag:s17], $0x50  }
0x18a: {  	[sflag:s17] =	ssyncset.done $0x0  }
0x18b: {  	s25 =	simm.s32 $0xE;
	[sflag:s17] =	ssyncadd.s32 $0xFFFFFFB0  }
0x18c: {  	_ =	swait.ge [sflag:s25], $0x50  }
0x18d: {  	[sflag:s25] =	ssyncset.done $0x0  }
0x18e: {  	s10 =	simm.s32 $0x13B00;
	[sflag:s25] =	ssyncadd.s32 $0xFFFFFFB0  }
0x18f: {  	[tilespmem:s28], [sflag:$0x12] =	stream.indirect.gather [hbm4b:s2+s9], $0x80, s10, s9, $0xb8;
	[tilespmem:$0x1E080] =	vst v63  }
0x190: {  	s10 =	simm.s32 $0x13  }
0x191: {  	_ =	swait.ge [sflag:s10], $0x2800  }
0x192: {  	[sflag:s10] =	ssyncset.done $0x0  }
0x193: {  	s1 =	simm.s32 $0x13D80;
	s25 =	simm.s32 $0x17;
	[sflag:s10] =	ssyncadd.s32 $0xFFFFD800  }
0x194: {  	[spmem:s19] =	stream.indirect.scatter.add.f32 [tilespmem:s0], [sflag:$0x17], $0x80, s1, s9, $0xb8;
	[tilespmem:$0x1E080] =	vst v63  }
0x195: {  	_ =	swait.ge [sflag:s25], $0x2800  }
0x196: {  	s17 =	rddreg [dreg:$0x6]  }
0x197: {  	s17 =	sadd.s32 s12, s17  }
0x198: {  	[sflag:s25] =	ssyncset.done $0x0;
	s17 =	sshrl.u32 s17, $0x3  }
0x199: {  	[sflag:s25] =	ssyncadd.s32 $0xFFFFD800;
	s31 =	sadd.s32 s6, s17  }
0x19a: {  	[tilespmem:s23], [sflag:$0x3] =	stream.linear.gather [hbm4b:s31+s4], $0x50, $0x38;
	[tilespmem:$0x1E080] =	vst v63  }
0x19b: {  	s17 =	sadd.s32 s7, s17;
	s23 =	simm.s32 $0x7  }
0x19c: {  	[tilespmem:s1], [sflag:$0xB] =	stream.linear.gather [hbm4b:s17+s4], $0x50, $0x38;
	[tilespmem:$0x1E080] =	vst v63  }
0x19d: {  	_ =	swait.ge [sflag:s23], $0x50  }
0x19e: {  	[sflag:s23] =	ssyncset.done $0x0  }
0x19f: {  	s17 =	simm.s32 $0xF;
	[sflag:s23] =	ssyncadd.s32 $0xFFFFFFB0  }
0x1a0: {  	_ =	swait.ge [sflag:s17], $0x50  }
0x1a1: {  	[sflag:s17] =	ssyncset.done $0x0  }
0x1a2: {  	s23 =	simm.s32 $0x13B80;
	[sflag:s17] =	ssyncadd.s32 $0xFFFFFFB0  }
0x1a3: {  	[tilespmem:s0], [sflag:$0x13] =	stream.indirect.gather [hbm4b:s2+s9], $0x80, s23, s9, $0xb8;
	[tilespmem:$0x1E080] =	vst v63  }
0x1a4: {  	_ =	swait.ge [sflag:s26], $0x2800  }
0x1a5: {  	[sflag:s26] =	ssyncset.done $0x0  }
0x1a6: {  	s31 =	simm.s32 $0x18;
	[sflag:s26] =	ssyncadd.s32 $0xFFFFD800;
	s26 =	simm.s32 $0x13E00  }
0x1a7: {  	[spmem:s19] =	stream.indirect.scatter.add.f32 [tilespmem:s8], [sflag:$0x18], $0x80, s26, s9, $0xb8;
	[tilespmem:$0x1E080] =	vst v63  }
0x1a8: {  	_ =	swait.ge [sflag:s31], $0x2800  }
0x1a9: {  	s1 =	rddreg [dreg:$0x7]  }
0x1aa: {  	s17 =	sadd.s32 s12, s1  }
0x1ab: {  	[sflag:s31] =	ssyncset.done $0x0;
	s17 =	sshrl.u32 s17, $0x3  }
0x1ac: {  	[sflag:s31] =	ssyncadd.s32 $0xFFFFD800;
	s31 =	sadd.s32 s6, s17  }
0x1ad: {  	[tilespmem:s22], [sflag:$0x4] =	stream.linear.gather [hbm4b:s31+s4], $0x50, $0x38;
	[tilespmem:$0x1E080] =	vst v63  }
0x1ae: {  	s23 =	simm.s32 $0x8;
	s17 =	sadd.s32 s7, s17  }
0x1af: {  	[tilespmem:s26], [sflag:$0xC] =	stream.linear.gather [hbm4b:s17+s4], $0x50, $0x38;
	[tilespmem:$0x1E080] =	vst v63  }
0x1b0: {  	_ =	swait.ge [sflag:s23], $0x50  }
0x1b1: {  	[sflag:s23] =	ssyncset.done $0x0  }
0x1b2: {  	s26 =	simm.s32 $0x10;
	[sflag:s23] =	ssyncadd.s32 $0xFFFFFFB0  }
0x1b3: {  	_ =	swait.ge [sflag:s26], $0x50  }
0x1b4: {  	[sflag:s26] =	ssyncset.done $0x0  }
0x1b5: {  	[sflag:s26] =	ssyncadd.s32 $0xFFFFFFB0  }
0x1b6: {  	[tilespmem:s8], [sflag:$0x14] =	stream.indirect.gather [hbm4b:s2+s9], $0x80, s16, s9, $0xb8;
	[tilespmem:$0x1E080] =	vst v63  }
0x1b7: {  	_ =	swait.ge [sflag:s5], $0x2800  }
0x1b8: {  	[sflag:s5] =	ssyncset.done $0x0  }
0x1b9: {  	s1 =	simm.s32 $0x13E80;
	[sflag:s5] =	ssyncadd.s32 $0xFFFFD800  }
0x1ba: {  	[spmem:s19] =	stream.indirect.scatter.add.f32 [tilespmem:s13], [sflag:$0x15], $0x80, s1, s9, $0xb8;
	[tilespmem:$0x1E080] =	vst v63  }
0x1bb: {  	_ =	swait.ge [sflag:s24], $0x2800  }
0x1bc: {  	s16 =	rddreg [dreg:$0x8]  }
0x1bd: {  	s17 =	sadd.s32 s12, s16  }
0x1be: {  	[sflag:s24] =	ssyncset.done $0x0;
	s17 =	sshrl.u32 s17, $0x3  }
0x1bf: {  	[sflag:s24] =	ssyncadd.s32 $0xFFFFD800;
	s31 =	sadd.s32 s6, s17  }
0x1c0: {  	[tilespmem:s18], [sflag:$0x5] =	stream.linear.gather [hbm4b:s31+s4], $0x50, $0x38;
	[tilespmem:$0x1E080] =	vst v63  }
0x1c1: {  	s17 =	sadd.s32 s7, s17  }
0x1c2: {  	[tilespmem:s1], [sflag:$0xD] =	stream.linear.gather [hbm4b:s17+s4], $0x50, $0x38;
	[tilespmem:$0x1E080] =	vst v63  }
0x1c3: {  	s17 =	simm.s32 $0x1  }
0x1c4: {  	_ =	swait.ge [sflag:s17], $0x50  }
0x1c5: {  	[sflag:s17] =	ssyncset.done $0x0  }
0x1c6: {  	s18 =	simm.s32 $0x9;
	[sflag:s17] =	ssyncadd.s32 $0xFFFFFFB0  }
0x1c7: {  	_ =	swait.ge [sflag:s18], $0x50  }
0x1c8: {  	[sflag:s18] =	ssyncset.done $0x0  }
0x1c9: {  	[sflag:s18] =	ssyncadd.s32 $0xFFFFFFB0  }
0x1ca: {  	[tilespmem:s13], [sflag:$0x11] =	stream.indirect.gather [hbm4b:s2+s9], $0x80, s11, s9, $0xb8;
	[tilespmem:$0x1E080] =	vst v63  }
0x1cb: {  	_ =	swait.ge [sflag:s29], $0x2800  }
0x1cc: {  	[sflag:s29] =	ssyncset.done $0x0  }
0x1cd: {  	s22 =	simm.s32 $0x13F00;
	[sflag:s29] =	ssyncadd.s32 $0xFFFFD800  }
0x1ce: {  	[spmem:s19] =	stream.indirect.scatter.add.f32 [tilespmem:s28], [sflag:$0x16], $0x80, s22, s9, $0xb8;
	[tilespmem:$0x1E080] =	vst v63  }
0x1cf: {  	_ =	swait.ge [sflag:s20], $0x2800  }
0x1d0: {  	s15 =	smov.u32 s14;
	p2 =	seq.s32 s30, $0x2300;
	s17 =	rddreg [dreg:$0x9]  }
0x1d1: {  	s30 =	smov.u32 s15;
	s15 =	sadd.s32 @!p2 s12, s17  }
0x1d2: {  	s18 =	simm.s32 @!p2 $0x0;
	[sflag:s20] =	ssyncset.done $0x0;
	s15 =	sshrl.u32 @!p2 s15, $0x3  }
0x1d3: {  	s17 =	simm.s32 @!p2 $0x13B00;
	[sflag:s20] =	ssyncadd.s32 $0xFFFFD800;
	s31 =	sadd.s32 @!p2 s6, s15  }
0x1d4: {  	[tilespmem:s17], [sflag:$0x6] =	stream.linear.gather @!p2 [hbm4b:s31+s18], $0x50, $0x38;
	[tilespmem:$0x1E080] =	vst v63  }
0x1d5: {  	s23 =	simm.s32 $0x2;
	s15 =	sadd.s32 @!p2 s7, s15;
	s17 =	simm.s32 @!p2 $0x13F00  }
0x1d6: {  	[tilespmem:s17], [sflag:$0xE] =	stream.linear.gather @!p2 [hbm4b:s15+s18], $0x50, $0x38;
	[tilespmem:$0x1E080] =	vst v63  }
0x1d7: {  	_ =	swait.ge [sflag:s23], $0x50  }
0x1d8: {  	[sflag:s23] =	ssyncset.done $0x0  }
0x1d9: {  	s24 =	simm.s32 $0xA;
	[sflag:s23] =	ssyncadd.s32 $0xFFFFFFB0  }
0x1da: {  	_ =	swait.ge [sflag:s24], $0x50  }
0x1db: {  	[sflag:s24] =	ssyncset.done $0x0  }
0x1dc: {  	[sflag:s24] =	ssyncadd.s32 $0xFFFFFFB0  }
0x1dd: {  	[tilespmem:s28], [sflag:$0x12] =	stream.indirect.gather [hbm4b:s2+s9], $0x80, s3, s9, $0xb8;
	[tilespmem:$0x1E080] =	vst v63  }
0x1de: {  	_ =	swait.ge [sflag:s10], $0x2800  }
0x1df: {  	[sflag:s10] =	ssyncset.done $0x0  }
0x1e0: {  	s31 =	smov.u32 s21;
	s21 =	simm.s32 $0x13F80;
	[sflag:s10] =	ssyncadd.s32 $0xFFFFD800  }
0x1e1: {  	[spmem:s19] =	stream.indirect.scatter.add.f32 [tilespmem:s0], [sflag:$0x17], $0x80, s21, s9, $0xb8;
	[tilespmem:$0x1E080] =	vst v63  }
0x1e2: {  	_ =	swait.ge [sflag:s25], $0x2800  }
0x1e3: {  	s15 =	rddreg [dreg:$0xa]  }
0x1e4: {  	s12 =	sadd.s32 @!p2 s12, s15  }
0x1e5: {  	s14 =	sadd.s32 $0x280, s14;
	[sflag:s25] =	ssyncset.done $0x0;
	s12 =	sshrl.u32 @!p2 s12, $0x3  }
0x1e6: {  	s17 =	simm.s32 @!p2 $0x13B80;
	[sflag:s25] =	ssyncadd.s32 $0xFFFFD800;
	s15 =	sadd.s32 @!p2 s6, s12  }
0x1e7: {  	[tilespmem:s17], [sflag:$0x7] =	stream.linear.gather @!p2 [hbm4b:s15+s18], $0x50, $0x38;
	[tilespmem:$0x1E080] =	vst v63  }
0x1e8: {  	s26 =	simm.s32 $0x3;
	s12 =	sadd.s32 @!p2 s7, s12;
	s15 =	simm.s32 @!p2 $0x13F80  }
0x1e9: {  	[tilespmem:s15], [sflag:$0xF] =	stream.linear.gather @!p2 [hbm4b:s12+s18], $0x50, $0x38;
	[tilespmem:$0x1E080] =	vst v63  }
0x1ea: {  	p1 =	sne.s32 s14, $0x2580;
	_ =	swait.ge [sflag:s26], $0x50  }
.Ltmp1:
0x1eb: {  	[sflag:s26] =	ssyncset.done $0x0;
	(pc) =	sbr.rel @p1 .LBB2_4-.Ltmp1, $4  }
0x1ec: {  	s29 =	simm.s32 $0xB;
	[sflag:s26] =	ssyncadd.s32 $0xFFFFFFB0  }
0x1ed: {  	s5 =	simm.s32 $0x11;
	_ =	swait.ge [sflag:s29], $0x50  }
0x1ee: {  	s17 =	simm.s32 $0x14000;
	p2 =	seq.s32 s30, $0x0;
	[sflag:s29] =	ssyncset.done $0x0  }
0x1ef: {  	s18 =	simm.s32 $0x13A80;
	s12 =	sadd.s32 @!p2 $0x230, s30;
	[sflag:s29] =	ssyncadd.s32 $0xFFFFFFB0  }
0x1f0: {  	s1 =	simm.s32 $0x13980  }
0x1f1: {  	[tilespmem:s0], [sflag:$0x13] =	stream.indirect.gather [hbm4b:s2+s9], $0x80, s1, s9, $0xb8;
	[tilespmem:$0x1E080] =	vst v63  }
0x1f2: {  	s1 =	simm.s32 $0x14  }
0x1f3: {  	_ =	swait.ge [sflag:s1], $0x2800  }
0x1f4: {  	[sflag:s1] =	ssyncset.done $0x0  }
0x1f5: {  	s12 =	simm.s32 @p2 $0x230;
	s14 =	simm.s32 @!p2 $0x18;
	[sflag:s1] =	ssyncadd.s32 $0xFFFFD800  }
0x1f6: {  	[spmem:s19] =	stream.indirect.scatter.add.f32 [tilespmem:s8], [sflag:$0x18], $0x80, s17, s9, $0xb8;
	[tilespmem:$0x1E080] =	vst v63  }
0x1f7: {  	s12 =	sadd.s32 s31, s12;
	_ =	swait.ge @!p2 [sflag:s14], $0x2800  }
0x1f8: {  	s12 =	sshrl.u32 s12, $0x3;
	[sflag:s14] =	ssyncset.done @!p2 $0x0  }
0x1f9: {  	s23 =	simm.s32 $0x13C00;
	s15 =	sadd.s32 s6, s12;
	[sflag:s14] =	ssyncadd.s32 @!p2 $0xFFFFD800  }
0x1fa: {  	[tilespmem:s23], [sflag:$0x8] =	stream.linear.gather [hbm4b:s15+s4], $0x50, $0x38;
	[tilespmem:$0x1E080] =	vst v63  }
0x1fb: {  	s3 =	simm.s32 $0x4;
	s12 =	sadd.s32 s7, s12  }
0x1fc: {  	[tilespmem:s17], [sflag:$0x10] =	stream.linear.gather [hbm4b:s12+s4], $0x50, $0x38;
	[tilespmem:$0x1E080] =	vst v63  }
0x1fd: {  	_ =	swait.ge [sflag:s3], $0x50  }
0x1fe: {  	[sflag:s3] =	ssyncset.done $0x0  }
0x1ff: {  	s17 =	simm.s32 $0xC;
	[sflag:s3] =	ssyncadd.s32 $0xFFFFFFB0  }
0x200: {  	_ =	swait.ge [sflag:s17], $0x50  }
0x201: {  	[sflag:s17] =	ssyncset.done $0x0  }
0x202: {  	s20 =	simm.s32 $0x13A00;
	[sflag:s17] =	ssyncadd.s32 $0xFFFFFFB0  }
0x203: {  	[tilespmem:s8], [sflag:$0x14] =	stream.indirect.gather [hbm4b:s2+s9], $0x80, s20, s9, $0xb8;
	[tilespmem:$0x1E080] =	vst v63  }
0x204: {  	_ =	swait.ge [sflag:s5], $0x2800  }
0x205: {  	[sflag:s5] =	ssyncset.done $0x0  }
0x206: {  	s22 =	simm.s32 $0x13C80;
	s16 =	simm.s32 $0x15;
	[sflag:s5] =	ssyncadd.s32 $0xFFFFD800  }
0x207: {  	[spmem:s19] =	stream.indirect.scatter.add.f32 [tilespmem:s13], [sflag:$0x15], $0x80, s22, s9, $0xb8;
	[tilespmem:$0x1E080] =	vst v63  }
0x208: {  	s12 =	smov.u32 s30;
	_ =	swait.ge [sflag:s16], $0x2800  }
0x209: {  	s12 =	simm.s32 @p2 $0x0;
	s26 =	rddreg [dreg:$0x4]  }
0x20a: {  	s14 =	sadd.s32 s12, s26  }
0x20b: {  	[sflag:s16] =	ssyncset.done $0x0;
	s14 =	sshrl.u32 s14, $0x3  }
0x20c: {  	s11 =	simm.s32 $0x13880;
	[sflag:s16] =	ssyncadd.s32 $0xFFFFD800;
	s10 =	sadd.s32 s6, s14  }
0x20d: {  	[tilespmem:s11], [sflag:$0x1] =	stream.linear.gather [hbm4b:s10+s4], $0x50, $0x38;
	[tilespmem:$0x1E080] =	vst v63  }
0x20e: {  	s25 =	simm.s32 $0x13C80;
	s14 =	sadd.s32 s7, s14  }
0x20f: {  	[tilespmem:s25], [sflag:$0x9] =	stream.linear.gather [hbm4b:s14+s4], $0x50, $0x38;
	[tilespmem:$0x1E080] =	vst v63  }
0x210: {  	s14 =	simm.s32 $0x5  }
0x211: {  	_ =	swait.ge [sflag:s14], $0x50  }
0x212: {  	[sflag:s14] =	ssyncset.done $0x0  }
0x213: {  	s15 =	simm.s32 $0xD;
	[sflag:s14] =	ssyncadd.s32 $0xFFFFFFB0  }
0x214: {  	_ =	swait.ge [sflag:s15], $0x50  }
0x215: {  	[sflag:s15] =	ssyncset.done $0x0  }
0x216: {  	s29 =	simm.s32 $0x12;
	[sflag:s15] =	ssyncadd.s32 $0xFFFFFFB0  }
0x217: {  	[tilespmem:s13], [sflag:$0x11] =	stream.indirect.gather [hbm4b:s2+s9], $0x80, s18, s9, $0xb8;
	[tilespmem:$0x1E080] =	vst v63  }
0x218: {  	_ =	swait.ge [sflag:s29], $0x2800  }
0x219: {  	[sflag:s29] =	ssyncset.done $0x0  }
0x21a: {  	s20 =	simm.s32 $0x13D00;
	[sflag:s29] =	ssyncadd.s32 $0xFFFFD800  }
0x21b: {  	[spmem:s19] =	stream.indirect.scatter.add.f32 [tilespmem:s28], [sflag:$0x16], $0x80, s20, s9, $0xb8;
	[tilespmem:$0x1E080] =	vst v63  }
0x21c: {  	s20 =	simm.s32 $0x16  }
0x21d: {  	_ =	swait.ge [sflag:s20], $0x2800  }
0x21e: {  	s22 =	rddreg [dreg:$0x5]  }
0x21f: {  	s14 =	sadd.s32 s12, s22  }
0x220: {  	[sflag:s20] =	ssyncset.done $0x0;
	s14 =	sshrl.u32 s14, $0x3  }
0x221: {  	s3 =	simm.s32 $0x13900;
	[sflag:s20] =	ssyncadd.s32 $0xFFFFD800;
	s25 =	sadd.s32 s6, s14  }
0x222: {  	[tilespmem:s3], [sflag:$0x2] =	stream.linear.gather [hbm4b:s25+s4], $0x50, $0x38;
	[tilespmem:$0x1E080] =	vst v63  }
0x223: {  	s10 =	simm.s32 $0x13D00;
	s22 =	simm.s32 $0x6;
	s14 =	sadd.s32 s7, s14  }
0x224: {  	[tilespmem:s10], [sflag:$0xA] =	stream.linear.gather [hbm4b:s14+s4], $0x50, $0x38;
	[tilespmem:$0x1E080] =	vst v63  }
0x225: {  	_ =	swait.ge [sflag:s22], $0x50  }
0x226: {  	[sflag:s22] =	ssyncset.done $0x0  }
0x227: {  	s25 =	simm.s32 $0xE;
	[sflag:s22] =	ssyncadd.s32 $0xFFFFFFB0  }
0x228: {  	_ =	swait.ge [sflag:s25], $0x50  }
0x229: {  	[sflag:s25] =	ssyncset.done $0x0  }
0x22a: {  	s10 =	simm.s32 $0x13B00;
	[sflag:s25] =	ssyncadd.s32 $0xFFFFFFB0  }
0x22b: {  	[tilespmem:s28], [sflag:$0x12] =	stream.indirect.gather [hbm4b:s2+s9], $0x80, s10, s9, $0xb8;
	[tilespmem:$0x1E080] =	vst v63  }
0x22c: {  	s10 =	simm.s32 $0x13  }
0x22d: {  	_ =	swait.ge [sflag:s10], $0x2800  }
0x22e: {  	[sflag:s10] =	ssyncset.done $0x0  }
0x22f: {  	s22 =	simm.s32 $0x13D80;
	s25 =	simm.s32 $0x17;
	[sflag:s10] =	ssyncadd.s32 $0xFFFFD800  }
0x230: {  	[spmem:s19] =	stream.indirect.scatter.add.f32 [tilespmem:s0], [sflag:$0x17], $0x80, s22, s9, $0xb8;
	[tilespmem:$0x1E080] =	vst v63  }
0x231: {  	_ =	swait.ge [sflag:s25], $0x2800  }
0x232: {  	s15 =	rddreg [dreg:$0x6]  }
0x233: {  	s14 =	sadd.s32 s12, s15  }
0x234: {  	[sflag:s25] =	ssyncset.done $0x0;
	s14 =	sshrl.u32 s14, $0x3  }
0x235: {  	s24 =	simm.s32 $0x13980;
	[sflag:s25] =	ssyncadd.s32 $0xFFFFD800;
	s15 =	sadd.s32 s6, s14  }
0x236: {  	[tilespmem:s24], [sflag:$0x3] =	stream.linear.gather [hbm4b:s15+s4], $0x50, $0x38;
	[tilespmem:$0x1E080] =	vst v63  }
0x237: {  	s14 =	sadd.s32 s7, s14;
	s24 =	simm.s32 $0x7  }
0x238: {  	[tilespmem:s22], [sflag:$0xB] =	stream.linear.gather [hbm4b:s14+s4], $0x50, $0x38;
	[tilespmem:$0x1E080] =	vst v63  }
0x239: {  	_ =	swait.ge [sflag:s24], $0x50  }
0x23a: {  	[sflag:s24] =	ssyncset.done $0x0  }
0x23b: {  	s15 =	simm.s32 $0xF;
	[sflag:s24] =	ssyncadd.s32 $0xFFFFFFB0  }
0x23c: {  	_ =	swait.ge [sflag:s15], $0x50  }
0x23d: {  	[sflag:s15] =	ssyncset.done $0x0  }
0x23e: {  	s24 =	simm.s32 $0x13B80;
	[sflag:s15] =	ssyncadd.s32 $0xFFFFFFB0  }
0x23f: {  	[tilespmem:s0], [sflag:$0x13] =	stream.indirect.gather [hbm4b:s2+s9], $0x80, s24, s9, $0xb8;
	[tilespmem:$0x1E080] =	vst v63  }
0x240: {  	_ =	swait.ge [sflag:s1], $0x2800  }
0x241: {  	[sflag:s1] =	ssyncset.done $0x0  }
0x242: {  	s15 =	simm.s32 $0x18;
	s24 =	simm.s32 $0x13E00;
	[sflag:s1] =	ssyncadd.s32 $0xFFFFD800  }
0x243: {  	[spmem:s19] =	stream.indirect.scatter.add.f32 [tilespmem:s8], [sflag:$0x18], $0x80, s24, s9, $0xb8;
	[tilespmem:$0x1E080] =	vst v63  }
0x244: {  	_ =	swait.ge [sflag:s15], $0x2800  }
0x245: {  	s14 =	rddreg [dreg:$0x7]  }
0x246: {  	s14 =	sadd.s32 s12, s14  }
0x247: {  	[sflag:s15] =	ssyncset.done $0x0;
	s14 =	sshrl.u32 s14, $0x3  }
0x248: {  	s17 =	simm.s32 $0x13A00;
	[sflag:s15] =	ssyncadd.s32 $0xFFFFD800;
	s15 =	sadd.s32 s6, s14  }
0x249: {  	[tilespmem:s17], [sflag:$0x4] =	stream.linear.gather [hbm4b:s15+s4], $0x50, $0x38;
	[tilespmem:$0x1E080] =	vst v63  }
0x24a: {  	s14 =	sadd.s32 s7, s14;
	s15 =	simm.s32 $0x8  }
0x24b: {  	[tilespmem:s24], [sflag:$0xC] =	stream.linear.gather [hbm4b:s14+s4], $0x50, $0x38;
	[tilespmem:$0x1E080] =	vst v63  }
0x24c: {  	_ =	swait.ge [sflag:s15], $0x50  }
0x24d: {  	[sflag:s15] =	ssyncset.done $0x0  }
0x24e: {  	s17 =	simm.s32 $0x10;
	[sflag:s15] =	ssyncadd.s32 $0xFFFFFFB0  }
0x24f: {  	_ =	swait.ge [sflag:s17], $0x50  }
0x250: {  	[sflag:s17] =	ssyncset.done $0x0  }
0x251: {  	[sflag:s17] =	ssyncadd.s32 $0xFFFFFFB0  }
0x252: {  	[tilespmem:s8], [sflag:$0x14] =	stream.indirect.gather [hbm4b:s2+s9], $0x80, s23, s9, $0xb8;
	[tilespmem:$0x1E080] =	vst v63  }
0x253: {  	_ =	swait.ge [sflag:s5], $0x2800  }
0x254: {  	[sflag:s5] =	ssyncset.done $0x0  }
0x255: {  	s15 =	simm.s32 $0x13E80;
	[sflag:s5] =	ssyncadd.s32 $0xFFFFD800  }
0x256: {  	[spmem:s19] =	stream.indirect.scatter.add.f32 [tilespmem:s13], [sflag:$0x15], $0x80, s15, s9, $0xb8;
	[tilespmem:$0x1E080] =	vst v63  }
0x257: {  	_ =	swait.ge [sflag:s16], $0x2800  }
0x258: {  	s17 =	rddreg [dreg:$0x8]  }
0x259: {  	s14 =	sadd.s32 s12, s17  }
0x25a: {  	[sflag:s16] =	ssyncset.done $0x0;
	s14 =	sshrl.u32 s14, $0x3  }
0x25b: {  	[sflag:s16] =	ssyncadd.s32 $0xFFFFD800;
	s8 =	sadd.s32 s6, s14  }
0x25c: {  	[tilespmem:s18], [sflag:$0x5] =	stream.linear.gather [hbm4b:s8+s4], $0x50, $0x38;
	[tilespmem:$0x1E080] =	vst v63  }
0x25d: {  	s23 =	simm.s32 $0x13E80;
	s17 =	simm.s32 $0x1;
	s14 =	sadd.s32 s7, s14  }
0x25e: {  	[tilespmem:s23], [sflag:$0xD] =	stream.linear.gather [hbm4b:s14+s4], $0x50, $0x38;
	[tilespmem:$0x1E080] =	vst v63  }
0x25f: {  	_ =	swait.ge [sflag:s17], $0x50  }
0x260: {  	[sflag:s17] =	ssyncset.done $0x0  }
0x261: {  	s18 =	simm.s32 $0x9;
	[sflag:s17] =	ssyncadd.s32 $0xFFFFFFB0  }
0x262: {  	_ =	swait.ge [sflag:s18], $0x50  }
0x263: {  	[sflag:s18] =	ssyncset.done $0x0  }
0x264: {  	[sflag:s18] =	ssyncadd.s32 $0xFFFFFFB0  }
0x265: {  	[tilespmem:s13], [sflag:$0x11] =	stream.indirect.gather [hbm4b:s2+s9], $0x80, s11, s9, $0xb8;
	[tilespmem:$0x1E080] =	vst v63  }
0x266: {  	_ =	swait.ge [sflag:s29], $0x2800  }
0x267: {  	[sflag:s29] =	ssyncset.done $0x0  }
0x268: {  	s14 =	simm.s32 $0x13F00;
	[sflag:s29] =	ssyncadd.s32 $0xFFFFD800  }
0x269: {  	[spmem:s19] =	stream.indirect.scatter.add.f32 [tilespmem:s28], [sflag:$0x16], $0x80, s14, s9, $0xb8;
	[tilespmem:$0x1E080] =	vst v63  }
0x26a: {  	_ =	swait.ge [sflag:s20], $0x2800  }
0x26b: {  	p1 =	seq.s32 s30, $0x2300;
	s14 =	rddreg [dreg:$0x9]  }
0x26c: {  	s14 =	sadd.s32 @!p1 s12, s14  }
0x26d: {  	s15 =	simm.s32 @!p1 $0x13B00;
	[sflag:s20] =	ssyncset.done $0x0;
	s14 =	sshrl.u32 @!p1 s14, $0x3  }
0x26e: {  	s18 =	simm.s32 @!p1 $0x0;
	[sflag:s20] =	ssyncadd.s32 $0xFFFFD800;
	s17 =	sadd.s32 @!p1 s6, s14  }
0x26f: {  	[tilespmem:s15], [sflag:$0x6] =	stream.linear.gather @!p1 [hbm4b:s17+s18], $0x50, $0x38;
	[tilespmem:$0x1E080] =	vst v63  }
0x270: {  	s14 =	sadd.s32 @!p1 s7, s14;
	s15 =	simm.s32 @!p1 $0x13F00  }
0x271: {  	[tilespmem:s15], [sflag:$0xE] =	stream.linear.gather @!p1 [hbm4b:s14+s18], $0x50, $0x38;
	[tilespmem:$0x1E080] =	vst v63  }
0x272: {  	s15 =	simm.s32 $0x2  }
0x273: {  	_ =	swait.ge [sflag:s15], $0x50  }
0x274: {  	[sflag:s15] =	ssyncset.done $0x0  }
0x275: {  	s17 =	simm.s32 $0xA;
	[sflag:s15] =	ssyncadd.s32 $0xFFFFFFB0  }
0x276: {  	_ =	swait.ge [sflag:s17], $0x50  }
0x277: {  	[sflag:s17] =	ssyncset.done $0x0  }
0x278: {  	[sflag:s17] =	ssyncadd.s32 $0xFFFFFFB0  }
0x279: {  	[tilespmem:s28], [sflag:$0x12] =	stream.indirect.gather [hbm4b:s2+s9], $0x80, s3, s9, $0xb8;
	[tilespmem:$0x1E080] =	vst v63  }
0x27a: {  	_ =	swait.ge [sflag:s10], $0x2800  }
0x27b: {  	[sflag:s10] =	ssyncset.done $0x0  }
0x27c: {  	[sflag:s10] =	ssyncadd.s32 $0xFFFFD800  }
0x27d: {  	[spmem:s19] =	stream.indirect.scatter.add.f32 [tilespmem:s0], [sflag:$0x17], $0x80, s21, s9, $0xb8;
	[tilespmem:$0x1E080] =	vst v63  }
0x27e: {  	_ =	swait.ge [sflag:s25], $0x2800  }
0x27f: {  	s14 =	rddreg [dreg:$0xa]  }
0x280: {  	s12 =	sadd.s32 @!p1 s12, s14  }
0x281: {  	[sflag:s25] =	ssyncset.done $0x0;
	s12 =	sshrl.u32 @!p1 s12, $0x3  }
0x282: {  	s15 =	simm.s32 @!p1 $0x13B80;
	[sflag:s25] =	ssyncadd.s32 $0xFFFFD800;
	s14 =	sadd.s32 @!p1 s6, s12  }
0x283: {  	[tilespmem:s15], [sflag:$0x7] =	stream.linear.gather @!p1 [hbm4b:s14+s18], $0x50, $0x38;
	[tilespmem:$0x1E080] =	vst v63  }
0x284: {  	s3 =	simm.s32 $0x3;
	s12 =	sadd.s32 @!p1 s7, s12;
	s14 =	simm.s32 @!p1 $0x13F80  }
0x285: {  	[tilespmem:s14], [sflag:$0xF] =	stream.linear.gather @!p1 [hbm4b:s12+s18], $0x50, $0x38;
	[tilespmem:$0x1E080] =	vst v63  }
0x286: {  	_ =	swait.ge [sflag:s3], $0x50  }
0x287: {  	[sflag:s3] =	ssyncset.done $0x0  }
0x288: {  	s14 =	simm.s32 $0xB;
	[sflag:s3] =	ssyncadd.s32 $0xFFFFFFB0  }
0x289: {  	_ =	swait.ge [sflag:s14], $0x50  }
0x28a: {  	[sflag:s14] =	ssyncset.done $0x0  }
0x28b: {  	s15 =	simm.s32 $0x13980;
	[sflag:s14] =	ssyncadd.s32 $0xFFFFFFB0  }
0x28c: {  	[tilespmem:s0], [sflag:$0x13] =	stream.indirect.gather [hbm4b:s2+s9], $0x80, s15, s9, $0xb8;
	[tilespmem:$0x1E080] =	vst v63  }
0x28d: {  	_ =	swait.ge [sflag:s1], $0x2800  }
0x28e: {  	s8 =	simm.s32 $0x14000;
	[sflag:s1] =	ssyncset.done $0x0  }
0x28f: {  	s17 =	simm.s32 $0x1B880;
	s18 =	simm.s32 $0x18;
	[sflag:s1] =	ssyncadd.s32 $0xFFFFD800  }
0x290: {  	[spmem:s19] =	stream.indirect.scatter.add.f32 [tilespmem:s17], [sflag:$0x18], $0x80, s8, s9, $0xb8;
	[tilespmem:$0x1E080] =	vst v63  }
0x291: {  	_ =	swait.ge [sflag:s18], $0x2800  }
0x292: {  	[sflag:s18] =	ssyncset.done $0x0  }
0x293: {  	s21 =	simm.s32 $0x4;
	[sflag:s18] =	ssyncadd.s32 $0xFFFFD800  }
0x294: {  	_ =	swait.ge [sflag:s21], $0x50  }
0x295: {  	[sflag:s21] =	ssyncset.done $0x0  }
0x296: {  	s14 =	simm.s32 $0xC;
	[sflag:s21] =	ssyncadd.s32 $0xFFFFFFB0  }
0x297: {  	_ =	swait.ge [sflag:s14], $0x50  }
0x298: {  	[sflag:s14] =	ssyncset.done $0x0  }
0x299: {  	s15 =	simm.s32 $0x13A00;
	s8 =	simm.s32 $0x1B880;
	[sflag:s14] =	ssyncadd.s32 $0xFFFFFFB0  }
0x29a: {  	[tilespmem:s8], [sflag:$0x14] =	stream.indirect.gather [hbm4b:s2+s9], $0x80, s15, s9, $0xb8;
	[tilespmem:$0x1E080] =	vst v63  }
0x29b: {  	_ =	swait.ge [sflag:s5], $0x2800  }
0x29c: {  	[sflag:s5] =	ssyncset.done $0x0  }
0x29d: {  	s17 =	simm.s32 $0x13C80;
	[sflag:s5] =	ssyncadd.s32 $0xFFFFD800  }
0x29e: {  	[spmem:s19] =	stream.indirect.scatter.add.f32 [tilespmem:s13], [sflag:$0x15], $0x80, s17, s9, $0xb8;
	[tilespmem:$0x1E080] =	vst v63  }
0x29f: {  	_ =	swait.ge [sflag:s16], $0x2800  }
0x2a0: {  	[sflag:s16] =	ssyncset.done $0x0  }
0x2a1: {  	s18 =	simm.s32 $0x5;
	[sflag:s16] =	ssyncadd.s32 $0xFFFFD800  }
0x2a2: {  	_ =	swait.ge [sflag:s18], $0x50  }
0x2a3: {  	[sflag:s18] =	ssyncset.done $0x0  }
0x2a4: {  	s26 =	simm.s32 $0xD;
	[sflag:s18] =	ssyncadd.s32 $0xFFFFFFB0  }
0x2a5: {  	_ =	swait.ge [sflag:s26], $0x50  }
0x2a6: {  	[sflag:s26] =	ssyncset.done $0x0  }
0x2a7: {  	s11 =	simm.s32 $0x13A80;
	[sflag:s26] =	ssyncadd.s32 $0xFFFFFFB0  }
0x2a8: {  	[tilespmem:s13], [sflag:$0x11] =	stream.indirect.gather [hbm4b:s2+s9], $0x80, s11, s9, $0xb8;
	[tilespmem:$0x1E080] =	vst v63  }
0x2a9: {  	_ =	swait.ge [sflag:s29], $0x2800  }
0x2aa: {  	[sflag:s29] =	ssyncset.done $0x0  }
0x2ab: {  	s21 =	simm.s32 $0x13D00;
	[sflag:s29] =	ssyncadd.s32 $0xFFFFD800  }
0x2ac: {  	[spmem:s19] =	stream.indirect.scatter.add.f32 [tilespmem:s28], [sflag:$0x16], $0x80, s21, s9, $0xb8;
	[tilespmem:$0x1E080] =	vst v63  }
0x2ad: {  	_ =	swait.ge [sflag:s10], $0x2800  }
0x2ae: {  	[sflag:s10] =	ssyncset.done $0x0  }
0x2af: {  	[sflag:s10] =	ssyncadd.s32 $0xFFFFD800  }
0x2b0: {  	[spmem:s19] =	stream.indirect.scatter.add.f32 [tilespmem:s0], [sflag:$0x17], $0x80, s22, s9, $0xb8;
	[tilespmem:$0x1E080] =	vst v63  }
0x2b1: {  	_ =	swait.ge [sflag:s1], $0x2800  }
0x2b2: {  	[sflag:s1] =	ssyncset.done $0x0  }
0x2b3: {  	[sflag:s1] =	ssyncadd.s32 $0xFFFFD800  }
0x2b4: {  	[spmem:s19] =	stream.indirect.scatter.add.f32 [tilespmem:s8], [sflag:$0x18], $0x80, s24, s9, $0xb8;
	[tilespmem:$0x1E080] =	vst v63  }
0x2b5: {  	_ =	swait.ge [sflag:s5], $0x2800  }
0x2b6: {  	[sflag:s5] =	ssyncset.done $0x0  }
0x2b7: {  	[sflag:s5] =	ssyncadd.s32 $0xFFFFD800  }
0x2b8: {  	[spmem:s19] =	stream.indirect.scatter.add.f32 [tilespmem:s13], [sflag:$0x15], $0x80, s23, s9, $0xb8;
	[tilespmem:$0x1E080] =	vst v63  }
0x2b9: {  	_ =	swait.ge [sflag:s20], $0x2800  }
0x2ba: {  	[sflag:s20] =	ssyncset.done $0x0  }
0x2bb: {  	[sflag:s20] =	ssyncadd.s32 $0xFFFFD800  }
0x2bc: {  	_ =	swait.ge [sflag:s25], $0x2800  }
0x2bd: {  	[sflag:s25] =	ssyncset.done $0x0  }
0x2be: {  	s12 =	simm.s32 $0x18;
	[sflag:s25] =	ssyncadd.s32 $0xFFFFD800  }
0x2bf: {  	_ =	swait.ge [sflag:s12], $0x2800  }
0x2c0: {  	[sflag:s12] =	ssyncset.done $0x0  }
0x2c1: {  	[sflag:s12] =	ssyncadd.s32 $0xFFFFD800  }
0x2c2: {  	_ =	swait.ge [sflag:s16], $0x2800  }
0x2c3: {  	[sflag:s16] =	ssyncset.done $0x0  }
0x2c4: {  	[sflag:s16] =	ssyncadd.s32 $0xFFFFD800  }
0x2c5: {  	[bflag:$0x0] =	sbarrier.arrive $0xFFFF  }
0x2c6: {  	s18 =	rddreg [dreg:$0x1e]  }
0x2c7: {  	s14 =	simm.s32 @p0 $0x1FD9;
	s15 =	rddreg [dreg:$0x1b];
	s12 =	sshrl.u32 @p0 s18, $0x3  }
0x2c8: {  	[hbm:s15], [sflag:s14] =	dma.local @p0 [spmem:s12], $0x2800  }
0x2c9: {  	s12 =	simm.s32 @p0 $0x19  }
0x2ca: {  	_ =	swait.ge @p0 [sflag:s12], $0x2800  }
0x2cb: {  	s14 =	stileid.u32;
	s17 =	rddreg [dreg:$0x1a]  }
0x2cc: {  	s14 =	sshll.u32 @!p0 s14, $0x6;
	[sflag:s12] =	ssyncset.done @p0 $0x0;
	s15 =	rddreg [dreg:$0x17]  }
0x2cd: {  	[sflag:s12] =	ssyncadd.s32 @p0 $0xFFFFD800;
	s12 =	sor.u32 @!p0 $0x1C19, s14;
	s14 =	sshrl.u32 @!p0 s17, $0x3  }
0x2ce: {  	[hbm:s15], [sflag:s12] =	dma.local @!p0 [spmem:s14], $0x2700  }
0x2cf: {  	s12 =	simm.s32 @!p0 $0x19  }
0x2d0: {  	_ =	swait.ge @!p0 [sflag:s12], $0x2700  }
0x2d1: {  	s25 =	sld [smem:$0x7F1];
	_ =	sdelay $0x2  }
0x2d2: {  	s26 =	rddreg [dreg:$0x1c];
	s8 =	sadd.s32 $0x1, s25  }
0x2d3: {  	p1 =	sne.s32 s8, s26  }
.Ltmp2:
0x2d4: {  	s30 =	simm.s32 $0x13E80;
	s3 =	simm.s32 $0x13980;
	(pc) =	sbr.rel @p1 .LBB2_1-.Ltmp2, $4  }
0x2d5: {  	s29 =	simm.s32 $0x13C80;
	s21 =	simm.s32 $0x13F80;
	s10 =	simm.s32 $0x13900  }
0x2d6: {  	s1 =	simm.s32 $0x13E00;
	s24 =	simm.s32 $0x13A00;
	s23 =	simm.s32 $0x13D00  }
0x2d7: {  	s20 =	simm.s32 $0x13880;
	s14 =	simm.s32 $0x13F00;
	[sflag:s12] =	ssyncset.done @!p0 $0x0  }
0x2d8: {  	s15 =	simm.s32 $0x13B80;
	[sflag:s12] =	ssyncadd.s32 @!p0 $0xFFFFD900;
	s25 =	simm.s32 $0x13D80  }
0x2d9: {  	_ =	sfence.sel $0x180000  }
0x2da: {  	[bflag:$0x0] =	sbarrier.arrive $0xFFFF  }
0x2db: {  	_ =	strace $0x9000004A  }
0x2dc: {  	s0 =	stileid.u32;
	[bflag:$0x2] =	sbarrier.arrive $0xFFFF  }
0x2dd: {  	p0 =	sne.s32 s0, $0x0;
	s0 =	rddreg [dreg:$0x3]  }
0x2de: {  	s0 =	sadd.s32 @!p0 $0x100000, s0  }
0x2df: {  	[sflag:s0] =	ssyncadd.tile.s32 @!p0 $0x1;
	_ =	shalt  }
.Lfunc_end2:
_tile_overlayer_lowered:
.L_overlay_start_2:
0x2e0: {  	(tag) =	ssettag $0x2  }
0x2e1: {  	s0 =	rddreg [dreg:$0x0];
	s2 =	stileid.u32  }
0x2e2: {  	s1 =	rddreg [dreg:$0x1];
	p0 =	sne.s32 s2, $0x0  }
0x2e3: {  	s3 =	rddreg [dreg:$0x2];
	[bflag:$0x3] =	sbarrier.arrive $0xFFFF;
	s2 =	simm.s32 @!p0 $0x1C19  }
0x2e4: {  	[timem:s3], [sflag:s2] =	dma.local @!p0 [hbm:s0], s1  }
0x2e5: {  	s0 =	simm.s32 @!p0 $0x19  }
0x2e6: {  	_ =	swait.ge @!p0 [sflag:s0], s1  }
0x2e7: {  	s1 =	ssub.s32 @!p0 $0x0, s1;
	[sflag:s0] =	ssyncset.done @!p0 $0x0  }
0x2e8: {  	[sflag:s0] =	ssyncadd.s32 @!p0 s1  }
0x2e9: {  	[bflag:$0x3] =	sbarrier.arrive $0xFFFF  }
0x2ea: {  	_ =	shalt  }

</sc_bundles>
